<compile_context>
chip_gen: v7x
topology: tpu7x:2x2x1
jax: 0.10.2.dev20260603
libtpu: 0.0.44.dev20260713+nightly
codegen_flags: <defaults>
</compile_context>

<pallas_src>
import functools

import jax
import jax.numpy as jnp
from jax import lax
from jax.experimental import pallas as pl
from jax.experimental.pallas import tpu as pltpu
from jax.experimental.pallas import tpu_sc as plsc

NC = 2
NS = 16
C = 125
G = 16


def _segment_sum_sc(h, src3d, dst3d):
  n, d = h.shape
  nw, kpt, c = src3d.shape
  npad = ((n + 8 * NS - 1) // (8 * NS)) * (8 * NS)
  rpt = npad // NS
  mesh = plsc.VectorSubcoreMesh(core_axis_name="c", subcore_axis_name="s")

  @functools.partial(
      pl.kernel,
      out_type=jax.ShapeDtypeStruct((NC * npad, d), jnp.float32),
      mesh=mesh,
      scratch_types=[
          pltpu.VMEM_SHARED((npad, d), jnp.float32),
          pltpu.VMEM((G, c), jnp.int32),
          pltpu.VMEM((G, c), jnp.int32),
          pltpu.VMEM((G, c), jnp.int32),
          pltpu.VMEM((G, c), jnp.int32),
          pltpu.VMEM((c, d), jnp.float32),
          pltpu.VMEM((c, d), jnp.float32),
          pltpu.SemaphoreType.DMA,
          pltpu.SemaphoreType.DMA,
          pltpu.SemaphoreType.DMA,
          pltpu.SemaphoreType.DMA,
      ],
  )
  def seg_sum(h_hbm, src_hbm, dst_hbm, out_hbm, acc,
              srcg0, dstg0, srcg1, dstg1, rows0, rows1,
              sem0, sem1, semi0, semi1):
    cid = lax.axis_index("c")
    sid = lax.axis_index("s")
    wid = cid * NS + sid
    ngroups = kpt // G
    npairs = G // 2
    srcg = (srcg0, srcg1)
    dstg = (dstg0, dstg1)
    semi = (semi0, semi1)

    def prefetch_idx(g):
      pltpu.async_copy(src_hbm.at[wid, pl.ds(g * G, G)], srcg[g % 2],
                       semi[g % 2])
      pltpu.async_copy(dst_hbm.at[wid, pl.ds(g * G, G)], dstg[g % 2],
                       semi[g % 2])

    def wait_idx(g):
      pltpu.make_async_copy(src_hbm.at[wid, pl.ds(g * G, G)], srcg[g % 2],
                            semi[g % 2]).wait()
      pltpu.make_async_copy(dst_hbm.at[wid, pl.ds(g * G, G)], dstg[g % 2],
                            semi[g % 2]).wait()

    prefetch_idx(0)
    if ngroups > 1:
      prefetch_idx(1)
    zv = jnp.zeros((16,), jnp.float32)

    def zrow(r, carry):
      for j in range(d // 16):
        rows0[r, pl.ds(j * 16, 16)] = zv
      return carry

    lax.fori_loop(0, c, zrow, 0)
    rz = sid * rpt
    zc = (c // 8) * 8
    for t in range(rpt // zc):
      pltpu.sync_copy(rows0.at[pl.ds(0, zc)],
                      acc.at[pl.ds(rz + t * zc, zc)])
    if rpt % zc:
      pltpu.sync_copy(rows0.at[pl.ds(0, rpt % zc)],
                      acc.at[pl.ds(rz + (rpt // zc) * zc, rpt % zc)])
    plsc.subcore_barrier()
    wait_idx(0)
    pltpu.async_copy(h_hbm.at[srcg0.at[0]], rows0, sem0)

    for g in range(ngroups):
      sg, dg = srcg[g % 2], dstg[g % 2]
      if g + 1 < ngroups:
        wait_idx(g + 1)

      def pair(j, carry, sg=sg, dg=dg):
        k = j * 2
        pltpu.make_async_copy(h_hbm.at[sg.at[k]], rows0, sem0).wait()
        d1 = pltpu.async_copy(h_hbm.at[sg.at[k + 1]], rows1, sem1)
        pltpu.sync_copy(rows0, acc.at[dg.at[k]], add=True)
        pltpu.async_copy(h_hbm.at[sg.at[k + 2]], rows0, sem0)
        d1.wait()
        pltpu.sync_copy(rows1, acc.at[dg.at[k + 1]], add=True)
        return carry

      lax.fori_loop(0, npairs - 1, pair, 0)
      k = G - 2
      pltpu.make_async_copy(h_hbm.at[sg.at[k]], rows0, sem0).wait()
      d1 = pltpu.async_copy(h_hbm.at[sg.at[k + 1]], rows1, sem1)
      pltpu.sync_copy(rows0, acc.at[dg.at[k]], add=True)
      if g + 1 < ngroups:
        pltpu.async_copy(h_hbm.at[srcg[(g + 1) % 2].at[0]], rows0, sem0)
      d1.wait()
      pltpu.sync_copy(rows1, acc.at[dg.at[k + 1]], add=True)
      if g + 2 < ngroups:
        prefetch_idx(g + 2)
    plsc.subcore_barrier()
    pltpu.sync_copy(acc.at[pl.ds(rz, rpt)],
                    out_hbm.at[pl.ds(cid * npad + rz, rpt)])

  return seg_sum(h, src3d, dst3d), npad


def _mm_kernel(x_ref, w_ref, o_ref):
  o_ref[...] = jnp.dot(x_ref[...], w_ref[...],
                       preferred_element_type=jnp.float32)


def _relu_mm_kernel(n, p_ref, w_ref, o_ref):
  h = jnp.maximum(p_ref[0, :n] + p_ref[1, :n], 0.0)
  o_ref[...] = jnp.dot(h, w_ref[...],
                       preferred_element_type=jnp.float32)


def _add_log_softmax_kernel(n, p_ref, o_ref):
  h = p_ref[0, :n] + p_ref[1, :n]
  m = jnp.max(h, axis=1, keepdims=True)
  lse = jnp.log(jnp.sum(jnp.exp(h - m), axis=1, keepdims=True)) + m
  o_ref[...] = h - lse


def kernel(x, edge_index, W1, W2):
  n, d = x.shape
  e = edge_index.shape[1]
  nw = NC * NS
  kpt = e // (C * nw)
  npad = ((n + 8 * NS - 1) // (8 * NS)) * (8 * NS)
  dst3d = edge_index[0].reshape(nw, kpt, C)
  src3d = edge_index[1].reshape(nw, kpt, C)

  h1 = pl.pallas_call(
      _mm_kernel,
      out_shape=jax.ShapeDtypeStruct((n, d), jnp.float32),
  )(x, W1)
  p1, _ = _segment_sum_sc(h1, src3d, dst3d)
  h2 = pl.pallas_call(
      functools.partial(_relu_mm_kernel, n),
      out_shape=jax.ShapeDtypeStruct((n, d), jnp.float32),
  )(p1.reshape(NC, npad, d), W2)
  p2, _ = _segment_sum_sc(h2, src3d, dst3d)
  return pl.pallas_call(
      functools.partial(_add_log_softmax_kernel, n),
      out_shape=jax.ShapeDtypeStruct((n, d), jnp.float32),
  )(p2.reshape(NC, npad, d))

# --- scband reference (transcript-rebuilt; emitter-appended) ---
"""Pipeline reference for scband-vanilla-gnn-5600637354091 (READ-ONLY COPY).

The authoritative reference and input builder live on the scoring server;
editing this copy changes nothing except your own understanding.
"""

import jax, jax.numpy as jnp
import numpy as np

N_NODES = 10000
N_EDGES = 320000
DIM_IN = 128
DIM_H = 128
DIM_OUT = 128


def setup_inputs(seed: int = 0) -> dict:
    key = jax.random.key(seed)
    k1, k2, k3, k4 = jax.random.split(key, 4)
    x = jax.random.normal(k1, (N_NODES, DIM_IN), dtype=jnp.float32)
    edge_index = jax.random.randint(k2, (2, N_EDGES), 0, N_NODES, dtype=jnp.int32)
    # Learned parameters: Linear(dim_in, dim_h, bias=False) and Linear(dim_h, dim_out, bias=False)
    W1 = jax.random.normal(k3, (DIM_IN, DIM_H), dtype=jnp.float32) * (1.0 / np.sqrt(DIM_IN))
    W2 = jax.random.normal(k4, (DIM_H, DIM_OUT), dtype=jnp.float32) * (1.0 / np.sqrt(DIM_H))
    return {"x": x, "edge_index": edge_index, "W1": W1, "W2": W2}


def reference(x, edge_index, W1, W2):
    # adjacency represented as COO edge list: row (dst) = edge_index[0], col (src) = edge_index[1]
    # torch.sparse.mm(adjacency, h) == scatter-add of h[src] into dst rows
    dst = edge_index[0]
    src = edge_index[1]
    n = x.shape[0]
    # layer 1: linear (no bias) then sparse mm
    h = x @ W1
    h = jax.ops.segment_sum(jnp.take(h, src, axis=0), dst, num_segments=n)
    h = jax.nn.relu(h)
    # layer 2
    h = h @ W2
    h = jax.ops.segment_sum(jnp.take(h, src, axis=0), dst, num_segments=n)
    return jax.nn.log_softmax(h, axis=1)

if __name__ == "__main__":
    import jax
    _d = setup_inputs()
    print(jax.jit(kernel)(*tuple(_d.values())))

</pallas_src>

<mosaic_0001>
#map = affine_map<(d0, d1) -> (0, 0)>
#map1 = affine_map<(d0, d1) -> (0, 0, 0)>
module attributes {stable_mosaic.version = 14 : i64} {
  func.func @seg_sum(%arg0: i32, %arg1: i32, %arg2: memref<10000x128xf32, #tpu.memory_space<hbm>>, %arg3: memref<32x80x125xi32, #tpu.memory_space<hbm>>, %arg4: memref<32x80x125xi32, #tpu.memory_space<hbm>>, %arg5: memref<20224x128xf32, #tpu.memory_space<hbm>>, %arg6: memref<10112x128xf32, #tpu.memory_space<vmem_shared>>, %arg7: memref<16x125xi32, #tpu.memory_space<vmem>>, %arg8: memref<16x125xi32, #tpu.memory_space<vmem>>, %arg9: memref<16x125xi32, #tpu.memory_space<vmem>>, %arg10: memref<16x125xi32, #tpu.memory_space<vmem>>, %arg11: memref<125x128xf32, #tpu.memory_space<vmem>>, %arg12: memref<125x128xf32, #tpu.memory_space<vmem>>, %arg13: memref<!tpu.dma_semaphore, #tpu.memory_space<semaphore_mem>>, %arg14: memref<!tpu.dma_semaphore, #tpu.memory_space<semaphore_mem>>, %arg15: memref<!tpu.dma_semaphore, #tpu.memory_space<semaphore_mem>>, %arg16: memref<!tpu.dma_semaphore, #tpu.memory_space<semaphore_mem>>) attributes {dimension_semantics = [#tpu.dimension_semantics<core_parallel>, #tpu.dimension_semantics<subcore_parallel>], iteration_bounds = array<i64: 2, 16>, scalar_prefetch = 0 : i64, scratch_operands = 11 : i64, tpu.core_type = #tpu.core_type<sc_vector_subcore>, window_params = [{transform_indices = #map}, {transform_indices = #map1}, {transform_indices = #map1}, {transform_indices = #map}]} {
    %mul3A = arith.constant 16 : i32
    %mul3A_0 = arith.muli %arg0, %mul3A : i32
    %add3A = arith.addi %mul3A_0, %arg1 : i32
    %dma_start3A = arith.constant 0 : i32
    %dma_start3A_1 = arith.constant 0 : i32
    %dma_start3A_2 = tpu.memref_slice %arg3[%add3A, %dma_start3A, %dma_start3A_1] : memref<32x80x125xi32, #tpu.memory_space<hbm>> -> memref<1x16x125xi32, #tpu.memory_space<hbm>>
    %dma_start3A_3 = tpu.memref_squeeze %dma_start3A_2 : memref<1x16x125xi32, #tpu.memory_space<hbm>> -> memref<16x125xi32, #tpu.memory_space<hbm>>
    %dma_start3A_4 = arith.constant 0 : i32
    %dma_start3A_5 = arith.constant 0 : i32
    %dma_start3A_6 = tpu.memref_slice %arg3[%add3A, %dma_start3A_4, %dma_start3A_5] : memref<32x80x125xi32, #tpu.memory_space<hbm>> -> memref<1x16x125xi32, #tpu.memory_space<hbm>>
    %dma_start3A_7 = tpu.memref_squeeze %dma_start3A_6 : memref<1x16x125xi32, #tpu.memory_space<hbm>> -> memref<16x125xi32, #tpu.memory_space<hbm>>
    tpu.enqueue_dma source(%dma_start3A_7 : memref<16x125xi32, #tpu.memory_space<hbm>>) target(%arg7 : memref<16x125xi32, #tpu.memory_space<vmem>>) target_semaphore(%arg15 : memref<!tpu.dma_semaphore, #tpu.memory_space<semaphore_mem>>)
    %dma_start3A_8 = arith.constant 0 : i32
    %dma_start3A_9 = arith.constant 0 : i32
    %dma_start3A_10 = tpu.memref_slice %arg4[%add3A, %dma_start3A_8, %dma_start3A_9] : memref<32x80x125xi32, #tpu.memory_space<hbm>> -> memref<1x16x125xi32, #tpu.memory_space<hbm>>
    %dma_start3A_11 = tpu.memref_squeeze %dma_start3A_10 : memref<1x16x125xi32, #tpu.memory_space<hbm>> -> memref<16x125xi32, #tpu.memory_space<hbm>>
    %dma_start3A_12 = arith.constant 0 : i32
    %dma_start3A_13 = arith.constant 0 : i32
    %dma_start3A_14 = tpu.memref_slice %arg4[%add3A, %dma_start3A_12, %dma_start3A_13] : memref<32x80x125xi32, #tpu.memory_space<hbm>> -> memref<1x16x125xi32, #tpu.memory_space<hbm>>
    %dma_start3A_15 = tpu.memref_squeeze %dma_start3A_14 : memref<1x16x125xi32, #tpu.memory_space<hbm>> -> memref<16x125xi32, #tpu.memory_space<hbm>>
    tpu.enqueue_dma source(%dma_start3A_15 : memref<16x125xi32, #tpu.memory_space<hbm>>) target(%arg8 : memref<16x125xi32, #tpu.memory_space<vmem>>) target_semaphore(%arg15 : memref<!tpu.dma_semaphore, #tpu.memory_space<semaphore_mem>>)
    %dma_start3A_16 = arith.constant 16 : i32
    %dma_start3A_17 = arith.constant 0 : i32
    %dma_start3A_18 = tpu.memref_slice %arg3[%add3A, %dma_start3A_16, %dma_start3A_17] : memref<32x80x125xi32, #tpu.memory_space<hbm>> -> memref<1x16x125xi32, #tpu.memory_space<hbm>>
    %dma_start3A_19 = tpu.memref_squeeze %dma_start3A_18 : memref<1x16x125xi32, #tpu.memory_space<hbm>> -> memref<16x125xi32, #tpu.memory_space<hbm>>
    %dma_start3A_20 = arith.constant 16 : i32
    %dma_start3A_21 = arith.constant 0 : i32
    %dma_start3A_22 = tpu.memref_slice %arg3[%add3A, %dma_start3A_20, %dma_start3A_21] : memref<32x80x125xi32, #tpu.memory_space<hbm>> -> memref<1x16x125xi32, #tpu.memory_space<hbm>>
    %dma_start3A_23 = tpu.memref_squeeze %dma_start3A_22 : memref<1x16x125xi32, #tpu.memory_space<hbm>> -> memref<16x125xi32, #tpu.memory_space<hbm>>
    tpu.enqueue_dma source(%dma_start3A_23 : memref<16x125xi32, #tpu.memory_space<hbm>>) target(%arg9 : memref<16x125xi32, #tpu.memory_space<vmem>>) target_semaphore(%arg16 : memref<!tpu.dma_semaphore, #tpu.memory_space<semaphore_mem>>)
    %dma_start3A_24 = arith.constant 16 : i32
    %dma_start3A_25 = arith.constant 0 : i32
    %dma_start3A_26 = tpu.memref_slice %arg4[%add3A, %dma_start3A_24, %dma_start3A_25] : memref<32x80x125xi32, #tpu.memory_space<hbm>> -> memref<1x16x125xi32, #tpu.memory_space<hbm>>
    %dma_start3A_27 = tpu.memref_squeeze %dma_start3A_26 : memref<1x16x125xi32, #tpu.memory_space<hbm>> -> memref<16x125xi32, #tpu.memory_space<hbm>>
    %dma_start3A_28 = arith.constant 16 : i32
    %dma_start3A_29 = arith.constant 0 : i32
    %dma_start3A_30 = tpu.memref_slice %arg4[%add3A, %dma_start3A_28, %dma_start3A_29] : memref<32x80x125xi32, #tpu.memory_space<hbm>> -> memref<1x16x125xi32, #tpu.memory_space<hbm>>
    %dma_start3A_31 = tpu.memref_squeeze %dma_start3A_30 : memref<1x16x125xi32, #tpu.memory_space<hbm>> -> memref<16x125xi32, #tpu.memory_space<hbm>>
    tpu.enqueue_dma source(%dma_start3A_31 : memref<16x125xi32, #tpu.memory_space<hbm>>) target(%arg10 : memref<16x125xi32, #tpu.memory_space<vmem>>) target_semaphore(%arg16 : memref<!tpu.dma_semaphore, #tpu.memory_space<semaphore_mem>>)
    %broadcast_in_dim3A = arith.constant 0.000000e+00 : f32
    %broadcast_in_dim3A_32 = vector.broadcast %broadcast_in_dim3A : f32 to vector<16xf32>
    %scan3A = arith.constant 0 : i32
    %scan3A_33 = arith.constant 0 : i32
    %scan3A_34 = arith.constant 125 : i32
    %scan3A_35 = arith.addi %scan3A_33, %scan3A_34 : i32
    %scan3A_36 = arith.constant 1 : i32
    scf.for %scan3A_362 = %scan3A_33 to %scan3A_35 step %scan3A_36  : i32 {
      %swap3A = arith.index_cast %scan3A_362 : i32 to index
      %swap3A_363 = arith.constant 0 : index
      %swap3A_364 = tpu.vector_load %arg11[%swap3A, %swap3A_363] {strides = array<i32>} : memref<125x128xf32, #tpu.memory_space<vmem>>, vector<1x16xf32>,
      %swap3A_365 = vector.shape_cast %swap3A_364 : vector<1x16xf32> to vector<16xf32>
      %swap3A_366 = vector.shape_cast %broadcast_in_dim3A_32 : vector<16xf32> to vector<1x16xf32>
      tpu.vector_store %arg11[%swap3A, %swap3A_363], %swap3A_366 {strides = array<i32>} : memref<125x128xf32, #tpu.memory_space<vmem>>, vector<1x16xf32>,
      %swap3A_367 = arith.index_cast %scan3A_362 : i32 to index
      %swap3A_368 = arith.constant 16 : index
      %swap3A_369 = tpu.vector_load %arg11[%swap3A_367, %swap3A_368] {strides = array<i32>} : memref<125x128xf32, #tpu.memory_space<vmem>>, vector<1x16xf32>,
      %swap3A_370 = vector.shape_cast %swap3A_369 : vector<1x16xf32> to vector<16xf32>
      %swap3A_371 = vector.shape_cast %broadcast_in_dim3A_32 : vector<16xf32> to vector<1x16xf32>
      tpu.vector_store %arg11[%swap3A_367, %swap3A_368], %swap3A_371 {strides = array<i32>} : memref<125x128xf32, #tpu.memory_space<vmem>>, vector<1x16xf32>,
      %swap3A_372 = arith.index_cast %scan3A_362 : i32 to index
      %swap3A_373 = arith.constant 32 : index
      %swap3A_374 = tpu.vector_load %arg11[%swap3A_372, %swap3A_373] {strides = array<i32>} : memref<125x128xf32, #tpu.memory_space<vmem>>, vector<1x16xf32>,
      %swap3A_375 = vector.shape_cast %swap3A_374 : vector<1x16xf32> to vector<16xf32>
      %swap3A_376 = vector.shape_cast %broadcast_in_dim3A_32 : vector<16xf32> to vector<1x16xf32>
      tpu.vector_store %arg11[%swap3A_372, %swap3A_373], %swap3A_376 {strides = array<i32>} : memref<125x128xf32, #tpu.memory_space<vmem>>, vector<1x16xf32>,
      %swap3A_377 = arith.index_cast %scan3A_362 : i32 to index
      %swap3A_378 = arith.constant 48 : index
      %swap3A_379 = tpu.vector_load %arg11[%swap3A_377, %swap3A_378] {strides = array<i32>} : memref<125x128xf32, #tpu.memory_space<vmem>>, vector<1x16xf32>,
      %swap3A_380 = vector.shape_cast %swap3A_379 : vector<1x16xf32> to vector<16xf32>
      %swap3A_381 = vector.shape_cast %broadcast_in_dim3A_32 : vector<16xf32> to vector<1x16xf32>
      tpu.vector_store %arg11[%swap3A_377, %swap3A_378], %swap3A_381 {strides = array<i32>} : memref<125x128xf32, #tpu.memory_space<vmem>>, vector<1x16xf32>,
      %swap3A_382 = arith.index_cast %scan3A_362 : i32 to index
      %swap3A_383 = arith.constant 64 : index
      %swap3A_384 = tpu.vector_load %arg11[%swap3A_382, %swap3A_383] {strides = array<i32>} : memref<125x128xf32, #tpu.memory_space<vmem>>, vector<1x16xf32>,
      %swap3A_385 = vector.shape_cast %swap3A_384 : vector<1x16xf32> to vector<16xf32>
      %swap3A_386 = vector.shape_cast %broadcast_in_dim3A_32 : vector<16xf32> to vector<1x16xf32>
      tpu.vector_store %arg11[%swap3A_382, %swap3A_383], %swap3A_386 {strides = array<i32>} : memref<125x128xf32, #tpu.memory_space<vmem>>, vector<1x16xf32>,
      %swap3A_387 = arith.index_cast %scan3A_362 : i32 to index
      %swap3A_388 = arith.constant 80 : index
      %swap3A_389 = tpu.vector_load %arg11[%swap3A_387, %swap3A_388] {strides = array<i32>} : memref<125x128xf32, #tpu.memory_space<vmem>>, vector<1x16xf32>,
      %swap3A_390 = vector.shape_cast %swap3A_389 : vector<1x16xf32> to vector<16xf32>
      %swap3A_391 = vector.shape_cast %broadcast_in_dim3A_32 : vector<16xf32> to vector<1x16xf32>
      tpu.vector_store %arg11[%swap3A_387, %swap3A_388], %swap3A_391 {strides = array<i32>} : memref<125x128xf32, #tpu.memory_space<vmem>>, vector<1x16xf32>,
      %swap3A_392 = arith.index_cast %scan3A_362 : i32 to index
      %swap3A_393 = arith.constant 96 : index
      %swap3A_394 = tpu.vector_load %arg11[%swap3A_392, %swap3A_393] {strides = array<i32>} : memref<125x128xf32, #tpu.memory_space<vmem>>, vector<1x16xf32>,
      %swap3A_395 = vector.shape_cast %swap3A_394 : vector<1x16xf32> to vector<16xf32>
      %swap3A_396 = vector.shape_cast %broadcast_in_dim3A_32 : vector<16xf32> to vector<1x16xf32>
      tpu.vector_store %arg11[%swap3A_392, %swap3A_393], %swap3A_396 {strides = array<i32>} : memref<125x128xf32, #tpu.memory_space<vmem>>, vector<1x16xf32>,
      %swap3A_397 = arith.index_cast %scan3A_362 : i32 to index
      %swap3A_398 = arith.constant 112 : index
      %swap3A_399 = tpu.vector_load %arg11[%swap3A_397, %swap3A_398] {strides = array<i32>} : memref<125x128xf32, #tpu.memory_space<vmem>>, vector<1x16xf32>,
      %swap3A_400 = vector.shape_cast %swap3A_399 : vector<1x16xf32> to vector<16xf32>
      %swap3A_401 = vector.shape_cast %broadcast_in_dim3A_32 : vector<16xf32> to vector<1x16xf32>
      tpu.vector_store %arg11[%swap3A_397, %swap3A_398], %swap3A_401 {strides = array<i32>} : memref<125x128xf32, #tpu.memory_space<vmem>>, vector<1x16xf32>,
    }
    %scan3A_37 = arith.constant 125 : i32
    %mul3A_38 = arith.constant 632 : i32
    %mul3A_39 = arith.muli %arg1, %mul3A_38 : i32
    %add3A_40 = arith.constant 0 : i32
    %add3A_41 = arith.addi %mul3A_39, %add3A_40 : i32
    "tpu.region"() ({
      %run_scoped3A_362 = tpu.sem_alloc : memref<!tpu.dma_semaphore, #tpu.memory_space<semaphore_mem>>
      %dma_start3A_363 = arith.constant 0 : i32
      %dma_start3A_364 = arith.constant 0 : i32
      %dma_start3A_365 = tpu.memref_slice %arg11[%dma_start3A_363, %dma_start3A_364] : memref<125x128xf32, #tpu.memory_space<vmem>> -> memref<120x128xf32, #tpu.memory_space<vmem>>
      %dma_start3A_366 = arith.constant 0 : i32
      %dma_start3A_367 = tpu.memref_slice %arg6[%add3A_41, %dma_start3A_366] : memref<10112x128xf32, #tpu.memory_space<vmem_shared>> -> memref<120x128xf32, #tpu.memory_space<vmem_shared>>
      %dma_start3A_368 = arith.constant 0 : i32
      %dma_start3A_369 = tpu.memref_slice %arg6[%add3A_41, %dma_start3A_368] : memref<10112x128xf32, #tpu.memory_space<vmem_shared>> -> memref<120x128xf32, #tpu.memory_space<vmem_shared>>
      %dma_start3A_370 = arith.constant 0 : i32
      %dma_start3A_371 = arith.constant 0 : i32
      %dma_start3A_372 = tpu.memref_slice %arg11[%dma_start3A_370, %dma_start3A_371] : memref<125x128xf32, #tpu.memory_space<vmem>> -> memref<120x128xf32, #tpu.memory_space<vmem>>
      tpu.enqueue_dma source(%dma_start3A_372 : memref<120x128xf32, #tpu.memory_space<vmem>>) target(%dma_start3A_369 : memref<120x128xf32, #tpu.memory_space<vmem_shared>>) target_semaphore(%run_scoped3A_362 : memref<!tpu.dma_semaphore, #tpu.memory_space<semaphore_mem>>)
      %dma_wait3A_373 = arith.constant 0 : i32
      %dma_wait3A_374 = arith.constant 0 : i32
      %dma_wait3A_375 = tpu.memref_slice %arg11[%dma_wait3A_373, %dma_wait3A_374] : memref<125x128xf32, #tpu.memory_space<vmem>> -> memref<120x128xf32, #tpu.memory_space<vmem>>
      %dma_wait3A_376 = arith.constant 0 : i32
      %dma_wait3A_377 = tpu.memref_slice %arg6[%add3A_41, %dma_wait3A_376] : memref<10112x128xf32, #tpu.memory_space<vmem_shared>> -> memref<120x128xf32, #tpu.memory_space<vmem_shared>>
      %dma_wait3A_378 = arith.constant 0 : i32
      %dma_wait3A_379 = tpu.memref_slice %arg6[%add3A_41, %dma_wait3A_378] : memref<10112x128xf32, #tpu.memory_space<vmem_shared>> -> memref<120x128xf32, #tpu.memory_space<vmem_shared>>
      %dma_wait3A_380 = arith.constant 0 : i32
      %dma_wait3A_381 = arith.constant 0 : i32
      %dma_wait3A_382 = tpu.memref_slice %arg11[%dma_wait3A_380, %dma_wait3A_381] : memref<125x128xf32, #tpu.memory_space<vmem>> -> memref<120x128xf32, #tpu.memory_space<vmem>>
      tpu.wait_dma2 semaphore(%run_scoped3A_362 : memref<!tpu.dma_semaphore, #tpu.memory_space<semaphore_mem>>) src(%dma_wait3A_382 : memref<120x128xf32, #tpu.memory_space<vmem>>) dst(%dma_wait3A_379 : memref<120x128xf32, #tpu.memory_space<vmem_shared>>)
      tpu.yield
    }) : () -> ()
    %add3A_42 = arith.constant 120 : i32
    %add3A_43 = arith.addi %mul3A_39, %add3A_42 : i32
    "tpu.region"() ({
      %run_scoped3A_362 = tpu.sem_alloc : memref<!tpu.dma_semaphore, #tpu.memory_space<semaphore_mem>>
      %dma_start3A_363 = arith.constant 0 : i32
      %dma_start3A_364 = arith.constant 0 : i32
      %dma_start3A_365 = tpu.memref_slice %arg11[%dma_start3A_363, %dma_start3A_364] : memref<125x128xf32, #tpu.memory_space<vmem>> -> memref<120x128xf32, #tpu.memory_space<vmem>>
      %dma_start3A_366 = arith.constant 0 : i32
      %dma_start3A_367 = tpu.memref_slice %arg6[%add3A_43, %dma_start3A_366] : memref<10112x128xf32, #tpu.memory_space<vmem_shared>> -> memref<120x128xf32, #tpu.memory_space<vmem_shared>>
      %dma_start3A_368 = arith.constant 0 : i32
      %dma_start3A_369 = tpu.memref_slice %arg6[%add3A_43, %dma_start3A_368] : memref<10112x128xf32, #tpu.memory_space<vmem_shared>> -> memref<120x128xf32, #tpu.memory_space<vmem_shared>>
      %dma_start3A_370 = arith.constant 0 : i32
      %dma_start3A_371 = arith.constant 0 : i32
      %dma_start3A_372 = tpu.memref_slice %arg11[%dma_start3A_370, %dma_start3A_371] : memref<125x128xf32, #tpu.memory_space<vmem>> -> memref<120x128xf32, #tpu.memory_space<vmem>>
      tpu.enqueue_dma source(%dma_start3A_372 : memref<120x128xf32, #tpu.memory_space<vmem>>) target(%dma_start3A_369 : memref<120x128xf32, #tpu.memory_space<vmem_shared>>) target_semaphore(%run_scoped3A_362 : memref<!tpu.dma_semaphore, #tpu.memory_space<semaphore_mem>>)
      %dma_wait3A_373 = arith.constant 0 : i32
      %dma_wait3A_374 = arith.constant 0 : i32
      %dma_wait3A_375 = tpu.memref_slice %arg11[%dma_wait3A_373, %dma_wait3A_374] : memref<125x128xf32, #tpu.memory_space<vmem>> -> memref<120x128xf32, #tpu.memory_space<vmem>>
      %dma_wait3A_376 = arith.constant 0 : i32
      %dma_wait3A_377 = tpu.memref_slice %arg6[%add3A_43, %dma_wait3A_376] : memref<10112x128xf32, #tpu.memory_space<vmem_shared>> -> memref<120x128xf32, #tpu.memory_space<vmem_shared>>
      %dma_wait3A_378 = arith.constant 0 : i32
      %dma_wait3A_379 = tpu.memref_slice %arg6[%add3A_43, %dma_wait3A_378] : memref<10112x128xf32, #tpu.memory_space<vmem_shared>> -> memref<120x128xf32, #tpu.memory_space<vmem_shared>>
      %dma_wait3A_380 = arith.constant 0 : i32
      %dma_wait3A_381 = arith.constant 0 : i32
      %dma_wait3A_382 = tpu.memref_slice %arg11[%dma_wait3A_380, %dma_wait3A_381] : memref<125x128xf32, #tpu.memory_space<vmem>> -> memref<120x128xf32, #tpu.memory_space<vmem>>
      tpu.wait_dma2 semaphore(%run_scoped3A_362 : memref<!tpu.dma_semaphore, #tpu.memory_space<semaphore_mem>>) src(%dma_wait3A_382 : memref<120x128xf32, #tpu.memory_space<vmem>>) dst(%dma_wait3A_379 : memref<120x128xf32, #tpu.memory_space<vmem_shared>>)
      tpu.yield
    }) : () -> ()
    %add3A_44 = arith.constant 240 : i32
    %add3A_45 = arith.addi %mul3A_39, %add3A_44 : i32
    "tpu.region"() ({
      %run_scoped3A_362 = tpu.sem_alloc : memref<!tpu.dma_semaphore, #tpu.memory_space<semaphore_mem>>
      %dma_start3A_363 = arith.constant 0 : i32
      %dma_start3A_364 = arith.constant 0 : i32
      %dma_start3A_365 = tpu.memref_slice %arg11[%dma_start3A_363, %dma_start3A_364] : memref<125x128xf32, #tpu.memory_space<vmem>> -> memref<120x128xf32, #tpu.memory_space<vmem>>
      %dma_start3A_366 = arith.constant 0 : i32
      %dma_start3A_367 = tpu.memref_slice %arg6[%add3A_45, %dma_start3A_366] : memref<10112x128xf32, #tpu.memory_space<vmem_shared>> -> memref<120x128xf32, #tpu.memory_space<vmem_shared>>
      %dma_start3A_368 = arith.constant 0 : i32
      %dma_start3A_369 = tpu.memref_slice %arg6[%add3A_45, %dma_start3A_368] : memref<10112x128xf32, #tpu.memory_space<vmem_shared>> -> memref<120x128xf32, #tpu.memory_space<vmem_shared>>
      %dma_start3A_370 = arith.constant 0 : i32
      %dma_start3A_371 = arith.constant 0 : i32
      %dma_start3A_372 = tpu.memref_slice %arg11[%dma_start3A_370, %dma_start3A_371] : memref<125x128xf32, #tpu.memory_space<vmem>> -> memref<120x128xf32, #tpu.memory_space<vmem>>
      tpu.enqueue_dma source(%dma_start3A_372 : memref<120x128xf32, #tpu.memory_space<vmem>>) target(%dma_start3A_369 : memref<120x128xf32, #tpu.memory_space<vmem_shared>>) target_semaphore(%run_scoped3A_362 : memref<!tpu.dma_semaphore, #tpu.memory_space<semaphore_mem>>)
      %dma_wait3A_373 = arith.constant 0 : i32
      %dma_wait3A_374 = arith.constant 0 : i32
      %dma_wait3A_375 = tpu.memref_slice %arg11[%dma_wait3A_373, %dma_wait3A_374] : memref<125x128xf32, #tpu.memory_space<vmem>> -> memref<120x128xf32, #tpu.memory_space<vmem>>
      %dma_wait3A_376 = arith.constant 0 : i32
      %dma_wait3A_377 = tpu.memref_slice %arg6[%add3A_45, %dma_wait3A_376] : memref<10112x128xf32, #tpu.memory_space<vmem_shared>> -> memref<120x128xf32, #tpu.memory_space<vmem_shared>>
      %dma_wait3A_378 = arith.constant 0 : i32
      %dma_wait3A_379 = tpu.memref_slice %arg6[%add3A_45, %dma_wait3A_378] : memref<10112x128xf32, #tpu.memory_space<vmem_shared>> -> memref<120x128xf32, #tpu.memory_space<vmem_shared>>
      %dma_wait3A_380 = arith.constant 0 : i32
      %dma_wait3A_381 = arith.constant 0 : i32
      %dma_wait3A_382 = tpu.memref_slice %arg11[%dma_wait3A_380, %dma_wait3A_381] : memref<125x128xf32, #tpu.memory_space<vmem>> -> memref<120x128xf32, #tpu.memory_space<vmem>>
      tpu.wait_dma2 semaphore(%run_scoped3A_362 : memref<!tpu.dma_semaphore, #tpu.memory_space<semaphore_mem>>) src(%dma_wait3A_382 : memref<120x128xf32, #tpu.memory_space<vmem>>) dst(%dma_wait3A_379 : memref<120x128xf32, #tpu.memory_space<vmem_shared>>)
      tpu.yield
    }) : () -> ()
    %add3A_46 = arith.constant 360 : i32
    %add3A_47 = arith.addi %mul3A_39, %add3A_46 : i32
    "tpu.region"() ({
      %run_scoped3A_362 = tpu.sem_alloc : memref<!tpu.dma_semaphore, #tpu.memory_space<semaphore_mem>>
      %dma_start3A_363 = arith.constant 0 : i32
      %dma_start3A_364 = arith.constant 0 : i32
      %dma_start3A_365 = tpu.memref_slice %arg11[%dma_start3A_363, %dma_start3A_364] : memref<125x128xf32, #tpu.memory_space<vmem>> -> memref<120x128xf32, #tpu.memory_space<vmem>>
      %dma_start3A_366 = arith.constant 0 : i32
      %dma_start3A_367 = tpu.memref_slice %arg6[%add3A_47, %dma_start3A_366] : memref<10112x128xf32, #tpu.memory_space<vmem_shared>> -> memref<120x128xf32, #tpu.memory_space<vmem_shared>>
      %dma_start3A_368 = arith.constant 0 : i32
      %dma_start3A_369 = tpu.memref_slice %arg6[%add3A_47, %dma_start3A_368] : memref<10112x128xf32, #tpu.memory_space<vmem_shared>> -> memref<120x128xf32, #tpu.memory_space<vmem_shared>>
      %dma_start3A_370 = arith.constant 0 : i32
      %dma_start3A_371 = arith.constant 0 : i32
      %dma_start3A_372 = tpu.memref_slice %arg11[%dma_start3A_370, %dma_start3A_371] : memref<125x128xf32, #tpu.memory_space<vmem>> -> memref<120x128xf32, #tpu.memory_space<vmem>>
      tpu.enqueue_dma source(%dma_start3A_372 : memref<120x128xf32, #tpu.memory_space<vmem>>) target(%dma_start3A_369 : memref<120x128xf32, #tpu.memory_space<vmem_shared>>) target_semaphore(%run_scoped3A_362 : memref<!tpu.dma_semaphore, #tpu.memory_space<semaphore_mem>>)
      %dma_wait3A_373 = arith.constant 0 : i32
      %dma_wait3A_374 = arith.constant 0 : i32
      %dma_wait3A_375 = tpu.memref_slice %arg11[%dma_wait3A_373, %dma_wait3A_374] : memref<125x128xf32, #tpu.memory_space<vmem>> -> memref<120x128xf32, #tpu.memory_space<vmem>>
      %dma_wait3A_376 = arith.constant 0 : i32
      %dma_wait3A_377 = tpu.memref_slice %arg6[%add3A_47, %dma_wait3A_376] : memref<10112x128xf32, #tpu.memory_space<vmem_shared>> -> memref<120x128xf32, #tpu.memory_space<vmem_shared>>
      %dma_wait3A_378 = arith.constant 0 : i32
      %dma_wait3A_379 = tpu.memref_slice %arg6[%add3A_47, %dma_wait3A_378] : memref<10112x128xf32, #tpu.memory_space<vmem_shared>> -> memref<120x128xf32, #tpu.memory_space<vmem_shared>>
      %dma_wait3A_380 = arith.constant 0 : i32
      %dma_wait3A_381 = arith.constant 0 : i32
      %dma_wait3A_382 = tpu.memref_slice %arg11[%dma_wait3A_380, %dma_wait3A_381] : memref<125x128xf32, #tpu.memory_space<vmem>> -> memref<120x128xf32, #tpu.memory_space<vmem>>
      tpu.wait_dma2 semaphore(%run_scoped3A_362 : memref<!tpu.dma_semaphore, #tpu.memory_space<semaphore_mem>>) src(%dma_wait3A_382 : memref<120x128xf32, #tpu.memory_space<vmem>>) dst(%dma_wait3A_379 : memref<120x128xf32, #tpu.memory_space<vmem_shared>>)
      tpu.yield
    }) : () -> ()
    %add3A_48 = arith.constant 480 : i32
    %add3A_49 = arith.addi %mul3A_39, %add3A_48 : i32
    "tpu.region"() ({
      %run_scoped3A_362 = tpu.sem_alloc : memref<!tpu.dma_semaphore, #tpu.memory_space<semaphore_mem>>
      %dma_start3A_363 = arith.constant 0 : i32
      %dma_start3A_364 = arith.constant 0 : i32
      %dma_start3A_365 = tpu.memref_slice %arg11[%dma_start3A_363, %dma_start3A_364] : memref<125x128xf32, #tpu.memory_space<vmem>> -> memref<120x128xf32, #tpu.memory_space<vmem>>
      %dma_start3A_366 = arith.constant 0 : i32
      %dma_start3A_367 = tpu.memref_slice %arg6[%add3A_49, %dma_start3A_366] : memref<10112x128xf32, #tpu.memory_space<vmem_shared>> -> memref<120x128xf32, #tpu.memory_space<vmem_shared>>
      %dma_start3A_368 = arith.constant 0 : i32
      %dma_start3A_369 = tpu.memref_slice %arg6[%add3A_49, %dma_start3A_368] : memref<10112x128xf32, #tpu.memory_space<vmem_shared>> -> memref<120x128xf32, #tpu.memory_space<vmem_shared>>
      %dma_start3A_370 = arith.constant 0 : i32
      %dma_start3A_371 = arith.constant 0 : i32
      %dma_start3A_372 = tpu.memref_slice %arg11[%dma_start3A_370, %dma_start3A_371] : memref<125x128xf32, #tpu.memory_space<vmem>> -> memref<120x128xf32, #tpu.memory_space<vmem>>
      tpu.enqueue_dma source(%dma_start3A_372 : memref<120x128xf32, #tpu.memory_space<vmem>>) target(%dma_start3A_369 : memref<120x128xf32, #tpu.memory_space<vmem_shared>>) target_semaphore(%run_scoped3A_362 : memref<!tpu.dma_semaphore, #tpu.memory_space<semaphore_mem>>)
      %dma_wait3A_373 = arith.constant 0 : i32
      %dma_wait3A_374 = arith.constant 0 : i32
      %dma_wait3A_375 = tpu.memref_slice %arg11[%dma_wait3A_373, %dma_wait3A_374] : memref<125x128xf32, #tpu.memory_space<vmem>> -> memref<120x128xf32, #tpu.memory_space<vmem>>
      %dma_wait3A_376 = arith.constant 0 : i32
      %dma_wait3A_377 = tpu.memref_slice %arg6[%add3A_49, %dma_wait3A_376] : memref<10112x128xf32, #tpu.memory_space<vmem_shared>> -> memref<120x128xf32, #tpu.memory_space<vmem_shared>>
      %dma_wait3A_378 = arith.constant 0 : i32
      %dma_wait3A_379 = tpu.memref_slice %arg6[%add3A_49, %dma_wait3A_378] : memref<10112x128xf32, #tpu.memory_space<vmem_shared>> -> memref<120x128xf32, #tpu.memory_space<vmem_shared>>
      %dma_wait3A_380 = arith.constant 0 : i32
      %dma_wait3A_381 = arith.constant 0 : i32
      %dma_wait3A_382 = tpu.memref_slice %arg11[%dma_wait3A_380, %dma_wait3A_381] : memref<125x128xf32, #tpu.memory_space<vmem>> -> memref<120x128xf32, #tpu.memory_space<vmem>>
      tpu.wait_dma2 semaphore(%run_scoped3A_362 : memref<!tpu.dma_semaphore, #tpu.memory_space<semaphore_mem>>) src(%dma_wait3A_382 : memref<120x128xf32, #tpu.memory_space<vmem>>) dst(%dma_wait3A_379 : memref<120x128xf32, #tpu.memory_space<vmem_shared>>)
      tpu.yield
    }) : () -> ()
    %add3A_50 = arith.constant 600 : i32
    %add3A_51 = arith.addi %mul3A_39, %add3A_50 : i32
    "tpu.region"() ({
      %run_scoped3A_362 = tpu.sem_alloc : memref<!tpu.dma_semaphore, #tpu.memory_space<semaphore_mem>>
      %dma_start3A_363 = arith.constant 0 : i32
      %dma_start3A_364 = arith.constant 0 : i32
      %dma_start3A_365 = tpu.memref_slice %arg11[%dma_start3A_363, %dma_start3A_364] : memref<125x128xf32, #tpu.memory_space<vmem>> -> memref<32x128xf32, #tpu.memory_space<vmem>>
      %dma_start3A_366 = arith.constant 0 : i32
      %dma_start3A_367 = tpu.memref_slice %arg6[%add3A_51, %dma_start3A_366] : memref<10112x128xf32, #tpu.memory_space<vmem_shared>> -> memref<32x128xf32, #tpu.memory_space<vmem_shared>>
      %dma_start3A_368 = arith.constant 0 : i32
      %dma_start3A_369 = tpu.memref_slice %arg6[%add3A_51, %dma_start3A_368] : memref<10112x128xf32, #tpu.memory_space<vmem_shared>> -> memref<32x128xf32, #tpu.memory_space<vmem_shared>>
      %dma_start3A_370 = arith.constant 0 : i32
      %dma_start3A_371 = arith.constant 0 : i32
      %dma_start3A_372 = tpu.memref_slice %arg11[%dma_start3A_370, %dma_start3A_371] : memref<125x128xf32, #tpu.memory_space<vmem>> -> memref<32x128xf32, #tpu.memory_space<vmem>>
      tpu.enqueue_dma source(%dma_start3A_372 : memref<32x128xf32, #tpu.memory_space<vmem>>) target(%dma_start3A_369 : memref<32x128xf32, #tpu.memory_space<vmem_shared>>) target_semaphore(%run_scoped3A_362 : memref<!tpu.dma_semaphore, #tpu.memory_space<semaphore_mem>>)
      %dma_wait3A_373 = arith.constant 0 : i32
      %dma_wait3A_374 = arith.constant 0 : i32
      %dma_wait3A_375 = tpu.memref_slice %arg11[%dma_wait3A_373, %dma_wait3A_374] : memref<125x128xf32, #tpu.memory_space<vmem>> -> memref<32x128xf32, #tpu.memory_space<vmem>>
      %dma_wait3A_376 = arith.constant 0 : i32
      %dma_wait3A_377 = tpu.memref_slice %arg6[%add3A_51, %dma_wait3A_376] : memref<10112x128xf32, #tpu.memory_space<vmem_shared>> -> memref<32x128xf32, #tpu.memory_space<vmem_shared>>
      %dma_wait3A_378 = arith.constant 0 : i32
      %dma_wait3A_379 = tpu.memref_slice %arg6[%add3A_51, %dma_wait3A_378] : memref<10112x128xf32, #tpu.memory_space<vmem_shared>> -> memref<32x128xf32, #tpu.memory_space<vmem_shared>>
      %dma_wait3A_380 = arith.constant 0 : i32
      %dma_wait3A_381 = arith.constant 0 : i32
      %dma_wait3A_382 = tpu.memref_slice %arg11[%dma_wait3A_380, %dma_wait3A_381] : memref<125x128xf32, #tpu.memory_space<vmem>> -> memref<32x128xf32, #tpu.memory_space<vmem>>
      tpu.wait_dma2 semaphore(%run_scoped3A_362 : memref<!tpu.dma_semaphore, #tpu.memory_space<semaphore_mem>>) src(%dma_wait3A_382 : memref<32x128xf32, #tpu.memory_space<vmem>>) dst(%dma_wait3A_379 : memref<32x128xf32, #tpu.memory_space<vmem_shared>>)
      tpu.yield
    }) : () -> ()
    %barrier3A = arith.constant 0 : index
    tpu.barrier barrier_id(%barrier3A)
    %dma_wait3A = arith.constant 0 : i32
    %dma_wait3A_52 = arith.constant 0 : i32
    %dma_wait3A_53 = tpu.memref_slice %arg3[%add3A, %dma_wait3A, %dma_wait3A_52] : memref<32x80x125xi32, #tpu.memory_space<hbm>> -> memref<1x16x125xi32, #tpu.memory_space<hbm>>
    %dma_wait3A_54 = tpu.memref_squeeze %dma_wait3A_53 : memref<1x16x125xi32, #tpu.memory_space<hbm>> -> memref<16x125xi32, #tpu.memory_space<hbm>>
    %dma_wait3A_55 = arith.constant 0 : i32
    %dma_wait3A_56 = arith.constant 0 : i32
    %dma_wait3A_57 = tpu.memref_slice %arg3[%add3A, %dma_wait3A_55, %dma_wait3A_56] : memref<32x80x125xi32, #tpu.memory_space<hbm>> -> memref<1x16x125xi32, #tpu.memory_space<hbm>>
    %dma_wait3A_58 = tpu.memref_squeeze %dma_wait3A_57 : memref<1x16x125xi32, #tpu.memory_space<hbm>> -> memref<16x125xi32, #tpu.memory_space<hbm>>
    tpu.wait_dma2 semaphore(%arg15 : memref<!tpu.dma_semaphore, #tpu.memory_space<semaphore_mem>>) src(%dma_wait3A_58 : memref<16x125xi32, #tpu.memory_space<hbm>>) dst(%arg7 : memref<16x125xi32, #tpu.memory_space<vmem>>)
    %dma_wait3A_59 = arith.constant 0 : i32
    %dma_wait3A_60 = arith.constant 0 : i32
    %dma_wait3A_61 = tpu.memref_slice %arg4[%add3A, %dma_wait3A_59, %dma_wait3A_60] : memref<32x80x125xi32, #tpu.memory_space<hbm>> -> memref<1x16x125xi32, #tpu.memory_space<hbm>>
    %dma_wait3A_62 = tpu.memref_squeeze %dma_wait3A_61 : memref<1x16x125xi32, #tpu.memory_space<hbm>> -> memref<16x125xi32, #tpu.memory_space<hbm>>
    %dma_wait3A_63 = arith.constant 0 : i32
    %dma_wait3A_64 = arith.constant 0 : i32
    %dma_wait3A_65 = tpu.memref_slice %arg4[%add3A, %dma_wait3A_63, %dma_wait3A_64] : memref<32x80x125xi32, #tpu.memory_space<hbm>> -> memref<1x16x125xi32, #tpu.memory_space<hbm>>
    %dma_wait3A_66 = tpu.memref_squeeze %dma_wait3A_65 : memref<1x16x125xi32, #tpu.memory_space<hbm>> -> memref<16x125xi32, #tpu.memory_space<hbm>>
    tpu.wait_dma2 semaphore(%arg15 : memref<!tpu.dma_semaphore, #tpu.memory_space<semaphore_mem>>) src(%dma_wait3A_66 : memref<16x125xi32, #tpu.memory_space<hbm>>) dst(%arg8 : memref<16x125xi32, #tpu.memory_space<vmem>>)
    %dma_start3A_67 = arith.constant 0 : i32
    %dma_start3A_68 = arith.constant 0 : i32
    %dma_start3A_69 = tpu.memref_slice %arg7[%dma_start3A_67, %dma_start3A_68] : memref<16x125xi32, #tpu.memory_space<vmem>> -> memref<1x125xi32, #tpu.memory_space<vmem>>
    %dma_start3A_70 = tpu.memref_squeeze %dma_start3A_69 : memref<1x125xi32, #tpu.memory_space<vmem>> -> memref<125xi32, #tpu.memory_space<vmem>>
    %dma_start3A_71 = arith.constant 0 : i32
    %dma_start3A_72 = arith.constant 0 : i32
    %dma_start3A_73 = tpu.memref_slice %arg2[%dma_start3A_71, %dma_start3A_72] : memref<10000x128xf32, #tpu.memory_space<hbm>> -> memref<10000x128xf32, #tpu.memory_space<hbm>>
    tpu.enqueue_indirect_dma source(%dma_start3A_73 : memref<10000x128xf32, #tpu.memory_space<hbm>>) target(%arg11 : memref<125x128xf32, #tpu.memory_space<vmem>>) offsets(%dma_start3A_70 : memref<125xi32, #tpu.memory_space<vmem>>) semaphore(%arg13 : memref<!tpu.dma_semaphore, #tpu.memory_space<semaphore_mem>>)
    %dma_wait3A_74 = arith.constant 16 : i32
    %dma_wait3A_75 = arith.constant 0 : i32
    %dma_wait3A_76 = tpu.memref_slice %arg3[%add3A, %dma_wait3A_74, %dma_wait3A_75] : memref<32x80x125xi32, #tpu.memory_space<hbm>> -> memref<1x16x125xi32, #tpu.memory_space<hbm>>
    %dma_wait3A_77 = tpu.memref_squeeze %dma_wait3A_76 : memref<1x16x125xi32, #tpu.memory_space<hbm>> -> memref<16x125xi32, #tpu.memory_space<hbm>>
    %dma_wait3A_78 = arith.constant 16 : i32
    %dma_wait3A_79 = arith.constant 0 : i32
    %dma_wait3A_80 = tpu.memref_slice %arg3[%add3A, %dma_wait3A_78, %dma_wait3A_79] : memref<32x80x125xi32, #tpu.memory_space<hbm>> -> memref<1x16x125xi32, #tpu.memory_space<hbm>>
    %dma_wait3A_81 = tpu.memref_squeeze %dma_wait3A_80 : memref<1x16x125xi32, #tpu.memory_space<hbm>> -> memref<16x125xi32, #tpu.memory_space<hbm>>
    tpu.wait_dma2 semaphore(%arg16 : memref<!tpu.dma_semaphore, #tpu.memory_space<semaphore_mem>>) src(%dma_wait3A_81 : memref<16x125xi32, #tpu.memory_space<hbm>>) dst(%arg9 : memref<16x125xi32, #tpu.memory_space<vmem>>)
    %dma_wait3A_82 = arith.constant 16 : i32
    %dma_wait3A_83 = arith.constant 0 : i32
    %dma_wait3A_84 = tpu.memref_slice %arg4[%add3A, %dma_wait3A_82, %dma_wait3A_83] : memref<32x80x125xi32, #tpu.memory_space<hbm>> -> memref<1x16x125xi32, #tpu.memory_space<hbm>>
    %dma_wait3A_85 = tpu.memref_squeeze %dma_wait3A_84 : memref<1x16x125xi32, #tpu.memory_space<hbm>> -> memref<16x125xi32, #tpu.memory_space<hbm>>
    %dma_wait3A_86 = arith.constant 16 : i32
    %dma_wait3A_87 = arith.constant 0 : i32
    %dma_wait3A_88 = tpu.memref_slice %arg4[%add3A, %dma_wait3A_86, %dma_wait3A_87] : memref<32x80x125xi32, #tpu.memory_space<hbm>> -> memref<1x16x125xi32, #tpu.memory_space<hbm>>
    %dma_wait3A_89 = tpu.memref_squeeze %dma_wait3A_88 : memref<1x16x125xi32, #tpu.memory_space<hbm>> -> memref<16x125xi32, #tpu.memory_space<hbm>>
    tpu.wait_dma2 semaphore(%arg16 : memref<!tpu.dma_semaphore, #tpu.memory_space<semaphore_mem>>) src(%dma_wait3A_89 : memref<16x125xi32, #tpu.memory_space<hbm>>) dst(%arg10 : memref<16x125xi32, #tpu.memory_space<vmem>>)
    %scan3A_90 = arith.constant 0 : i32
    %scan3A_91 = arith.constant 0 : i32
    %scan3A_92 = arith.constant 7 : i32
    %scan3A_93 = arith.addi %scan3A_91, %scan3A_92 : i32
    %scan3A_94 = arith.constant 1 : i32
    scf.for %scan3A_362 = %scan3A_91 to %scan3A_93 step %scan3A_94  : i32 {
      %mul3A_363 = arith.constant 2 : i32
      %mul3A_364 = arith.muli %scan3A_362, %mul3A_363 : i32
      %dma_wait3A_365 = arith.constant 0 : i32
      %dma_wait3A_366 = tpu.memref_slice %arg7[%mul3A_364, %dma_wait3A_365] : memref<16x125xi32, #tpu.memory_space<vmem>> -> memref<1x125xi32, #tpu.memory_space<vmem>>
      %dma_wait3A_367 = tpu.memref_squeeze %dma_wait3A_366 : memref<1x125xi32, #tpu.memory_space<vmem>> -> memref<125xi32, #tpu.memory_space<vmem>>
      %dma_wait3A_368 = arith.constant 0 : i32
      %dma_wait3A_369 = arith.constant 0 : i32
      %dma_wait3A_370 = tpu.memref_slice %arg2[%dma_wait3A_368, %dma_wait3A_369] : memref<10000x128xf32, #tpu.memory_space<hbm>> -> memref<10000x128xf32, #tpu.memory_space<hbm>>
      tpu.wait_indirect_dma semaphore(%arg13 : memref<!tpu.dma_semaphore, #tpu.memory_space<semaphore_mem>>) src(%dma_wait3A_370 : memref<10000x128xf32, #tpu.memory_space<hbm>>) dst(%arg11 : memref<125x128xf32, #tpu.memory_space<vmem>>)
      %add3A_371 = arith.constant 1 : i32
      %add3A_372 = arith.addi %mul3A_364, %add3A_371 : i32
      %dma_start3A_373 = arith.constant 0 : i32
      %dma_start3A_374 = tpu.memref_slice %arg7[%add3A_372, %dma_start3A_373] : memref<16x125xi32, #tpu.memory_space<vmem>> -> memref<1x125xi32, #tpu.memory_space<vmem>>
      %dma_start3A_375 = tpu.memref_squeeze %dma_start3A_374 : memref<1x125xi32, #tpu.memory_space<vmem>> -> memref<125xi32, #tpu.memory_space<vmem>>
      %dma_start3A_376 = arith.constant 0 : i32
      %dma_start3A_377 = arith.constant 0 : i32
      %dma_start3A_378 = tpu.memref_slice %arg2[%dma_start3A_376, %dma_start3A_377] : memref<10000x128xf32, #tpu.memory_space<hbm>> -> memref<10000x128xf32, #tpu.memory_space<hbm>>
      tpu.enqueue_indirect_dma source(%dma_start3A_378 : memref<10000x128xf32, #tpu.memory_space<hbm>>) target(%arg12 : memref<125x128xf32, #tpu.memory_space<vmem>>) offsets(%dma_start3A_375 : memref<125xi32, #tpu.memory_space<vmem>>) semaphore(%arg14 : memref<!tpu.dma_semaphore, #tpu.memory_space<semaphore_mem>>)
      "tpu.region"() ({
        %run_scoped3A_395 = tpu.sem_alloc : memref<!tpu.dma_semaphore, #tpu.memory_space<semaphore_mem>>
        %dma_start3A_396 = arith.constant 0 : i32
        %dma_start3A_397 = tpu.memref_slice %arg8[%mul3A_364, %dma_start3A_396] : memref<16x125xi32, #tpu.memory_space<vmem>> -> memref<1x125xi32, #tpu.memory_space<vmem>>
        %dma_start3A_398 = tpu.memref_squeeze %dma_start3A_397 : memref<1x125xi32, #tpu.memory_space<vmem>> -> memref<125xi32, #tpu.memory_space<vmem>>
        %dma_start3A_399 = arith.constant 0 : i32
        %dma_start3A_400 = arith.constant 0 : i32
        %dma_start3A_401 = tpu.memref_slice %arg6[%dma_start3A_399, %dma_start3A_400] : memref<10112x128xf32, #tpu.memory_space<vmem_shared>> -> memref<10112x128xf32, #tpu.memory_space<vmem_shared>>
        tpu.enqueue_indirect_dma source(%arg11 : memref<125x128xf32, #tpu.memory_space<vmem>>) target(%dma_start3A_401 : memref<10112x128xf32, #tpu.memory_space<vmem_shared>>) offsets(%dma_start3A_398 : memref<125xi32, #tpu.memory_space<vmem>>) semaphore(%run_scoped3A_395 : memref<!tpu.dma_semaphore, #tpu.memory_space<semaphore_mem>>) {add = true}
        %dma_wait3A_402 = arith.constant 0 : i32
        %dma_wait3A_403 = tpu.memref_slice %arg8[%mul3A_364, %dma_wait3A_402] : memref<16x125xi32, #tpu.memory_space<vmem>> -> memref<1x125xi32, #tpu.memory_space<vmem>>
        %dma_wait3A_404 = tpu.memref_squeeze %dma_wait3A_403 : memref<1x125xi32, #tpu.memory_space<vmem>> -> memref<125xi32, #tpu.memory_space<vmem>>
        %dma_wait3A_405 = arith.constant 0 : i32
        %dma_wait3A_406 = arith.constant 0 : i32
        %dma_wait3A_407 = tpu.memref_slice %arg6[%dma_wait3A_405, %dma_wait3A_406] : memref<10112x128xf32, #tpu.memory_space<vmem_shared>> -> memref<10112x128xf32, #tpu.memory_space<vmem_shared>>
        tpu.wait_indirect_dma semaphore(%run_scoped3A_395 : memref<!tpu.dma_semaphore, #tpu.memory_space<semaphore_mem>>) src(%arg11 : memref<125x128xf32, #tpu.memory_space<vmem>>) dst(%dma_wait3A_407 : memref<10112x128xf32, #tpu.memory_space<vmem_shared>>)
        tpu.yield
      }) : () -> ()
      %add3A_379 = arith.constant 2 : i32
      %add3A_380 = arith.addi %mul3A_364, %add3A_379 : i32
      %dma_start3A_381 = arith.constant 0 : i32
      %dma_start3A_382 = tpu.memref_slice %arg7[%add3A_380, %dma_start3A_381] : memref<16x125xi32, #tpu.memory_space<vmem>> -> memref<1x125xi32, #tpu.memory_space<vmem>>
      %dma_start3A_383 = tpu.memref_squeeze %dma_start3A_382 : memref<1x125xi32, #tpu.memory_space<vmem>> -> memref<125xi32, #tpu.memory_space<vmem>>
      %dma_start3A_384 = arith.constant 0 : i32
      %dma_start3A_385 = arith.constant 0 : i32
      %dma_start3A_386 = tpu.memref_slice %arg2[%dma_start3A_384, %dma_start3A_385] : memref<10000x128xf32, #tpu.memory_space<hbm>> -> memref<10000x128xf32, #tpu.memory_space<hbm>>
      tpu.enqueue_indirect_dma source(%dma_start3A_386 : memref<10000x128xf32, #tpu.memory_space<hbm>>) target(%arg11 : memref<125x128xf32, #tpu.memory_space<vmem>>) offsets(%dma_start3A_383 : memref<125xi32, #tpu.memory_space<vmem>>) semaphore(%arg13 : memref<!tpu.dma_semaphore, #tpu.memory_space<semaphore_mem>>)
      %dma_wait3A_387 = arith.constant 0 : i32
      %dma_wait3A_388 = tpu.memref_slice %arg7[%add3A_372, %dma_wait3A_387] : memref<16x125xi32, #tpu.memory_space<vmem>> -> memref<1x125xi32, #tpu.memory_space<vmem>>
      %dma_wait3A_389 = tpu.memref_squeeze %dma_wait3A_388 : memref<1x125xi32, #tpu.memory_space<vmem>> -> memref<125xi32, #tpu.memory_space<vmem>>
      %dma_wait3A_390 = arith.constant 0 : i32
      %dma_wait3A_391 = arith.constant 0 : i32
      %dma_wait3A_392 = tpu.memref_slice %arg2[%dma_wait3A_390, %dma_wait3A_391] : memref<10000x128xf32, #tpu.memory_space<hbm>> -> memref<10000x128xf32, #tpu.memory_space<hbm>>
      tpu.wait_indirect_dma semaphore(%arg14 : memref<!tpu.dma_semaphore, #tpu.memory_space<semaphore_mem>>) src(%dma_wait3A_392 : memref<10000x128xf32, #tpu.memory_space<hbm>>) dst(%arg12 : memref<125x128xf32, #tpu.memory_space<vmem>>)
      %add3A_393 = arith.constant 1 : i32
      %add3A_394 = arith.addi %mul3A_364, %add3A_393 : i32
      "tpu.region"() ({
        %run_scoped3A_395 = tpu.sem_alloc : memref<!tpu.dma_semaphore, #tpu.memory_space<semaphore_mem>>
        %dma_start3A_396 = arith.constant 0 : i32
        %dma_start3A_397 = tpu.memref_slice %arg8[%add3A_394, %dma_start3A_396] : memref<16x125xi32, #tpu.memory_space<vmem>> -> memref<1x125xi32, #tpu.memory_space<vmem>>
        %dma_start3A_398 = tpu.memref_squeeze %dma_start3A_397 : memref<1x125xi32, #tpu.memory_space<vmem>> -> memref<125xi32, #tpu.memory_space<vmem>>
        %dma_start3A_399 = arith.constant 0 : i32
        %dma_start3A_400 = arith.constant 0 : i32
        %dma_start3A_401 = tpu.memref_slice %arg6[%dma_start3A_399, %dma_start3A_400] : memref<10112x128xf32, #tpu.memory_space<vmem_shared>> -> memref<10112x128xf32, #tpu.memory_space<vmem_shared>>
        tpu.enqueue_indirect_dma source(%arg12 : memref<125x128xf32, #tpu.memory_space<vmem>>) target(%dma_start3A_401 : memref<10112x128xf32, #tpu.memory_space<vmem_shared>>) offsets(%dma_start3A_398 : memref<125xi32, #tpu.memory_space<vmem>>) semaphore(%run_scoped3A_395 : memref<!tpu.dma_semaphore, #tpu.memory_space<semaphore_mem>>) {add = true}
        %dma_wait3A_402 = arith.constant 0 : i32
        %dma_wait3A_403 = tpu.memref_slice %arg8[%add3A_394, %dma_wait3A_402] : memref<16x125xi32, #tpu.memory_space<vmem>> -> memref<1x125xi32, #tpu.memory_space<vmem>>
        %dma_wait3A_404 = tpu.memref_squeeze %dma_wait3A_403 : memref<1x125xi32, #tpu.memory_space<vmem>> -> memref<125xi32, #tpu.memory_space<vmem>>
        %dma_wait3A_405 = arith.constant 0 : i32
        %dma_wait3A_406 = arith.constant 0 : i32
        %dma_wait3A_407 = tpu.memref_slice %arg6[%dma_wait3A_405, %dma_wait3A_406] : memref<10112x128xf32, #tpu.memory_space<vmem_shared>> -> memref<10112x128xf32, #tpu.memory_space<vmem_shared>>
        tpu.wait_indirect_dma semaphore(%run_scoped3A_395 : memref<!tpu.dma_semaphore, #tpu.memory_space<semaphore_mem>>) src(%arg12 : memref<125x128xf32, #tpu.memory_space<vmem>>) dst(%dma_wait3A_407 : memref<10112x128xf32, #tpu.memory_space<vmem_shared>>)
        tpu.yield
      }) : () -> ()
    }
    %scan3A_95 = arith.constant 7 : i32
    %dma_wait3A_96 = arith.constant 14 : i32
    %dma_wait3A_97 = arith.constant 0 : i32
    %dma_wait3A_98 = tpu.memref_slice %arg7[%dma_wait3A_96, %dma_wait3A_97] : memref<16x125xi32, #tpu.memory_space<vmem>> -> memref<1x125xi32, #tpu.memory_space<vmem>>
    %dma_wait3A_99 = tpu.memref_squeeze %dma_wait3A_98 : memref<1x125xi32, #tpu.memory_space<vmem>> -> memref<125xi32, #tpu.memory_space<vmem>>
    %dma_wait3A_100 = arith.constant 0 : i32
    %dma_wait3A_101 = arith.constant 0 : i32
    %dma_wait3A_102 = tpu.memref_slice %arg2[%dma_wait3A_100, %dma_wait3A_101] : memref<10000x128xf32, #tpu.memory_space<hbm>> -> memref<10000x128xf32, #tpu.memory_space<hbm>>
    tpu.wait_indirect_dma semaphore(%arg13 : memref<!tpu.dma_semaphore, #tpu.memory_space<semaphore_mem>>) src(%dma_wait3A_102 : memref<10000x128xf32, #tpu.memory_space<hbm>>) dst(%arg11 : memref<125x128xf32, #tpu.memory_space<vmem>>)
    %dma_start3A_103 = arith.constant 15 : i32
    %dma_start3A_104 = arith.constant 0 : i32
    %dma_start3A_105 = tpu.memref_slice %arg7[%dma_start3A_103, %dma_start3A_104] : memref<16x125xi32, #tpu.memory_space<vmem>> -> memref<1x125xi32, #tpu.memory_space<vmem>>
    %dma_start3A_106 = tpu.memref_squeeze %dma_start3A_105 : memref<1x125xi32, #tpu.memory_space<vmem>> -> memref<125xi32, #tpu.memory_space<vmem>>
    %dma_start3A_107 = arith.constant 0 : i32
    %dma_start3A_108 = arith.constant 0 : i32
    %dma_start3A_109 = tpu.memref_slice %arg2[%dma_start3A_107, %dma_start3A_108] : memref<10000x128xf32, #tpu.memory_space<hbm>> -> memref<10000x128xf32, #tpu.memory_space<hbm>>
    tpu.enqueue_indirect_dma source(%dma_start3A_109 : memref<10000x128xf32, #tpu.memory_space<hbm>>) target(%arg12 : memref<125x128xf32, #tpu.memory_space<vmem>>) offsets(%dma_start3A_106 : memref<125xi32, #tpu.memory_space<vmem>>) semaphore(%arg14 : memref<!tpu.dma_semaphore, #tpu.memory_space<semaphore_mem>>)
    %run_scoped3A = arith.constant 14 : i32
    "tpu.region"() ({
      %run_scoped3A_362 = tpu.sem_alloc : memref<!tpu.dma_semaphore, #tpu.memory_space<semaphore_mem>>
      %dma_start3A_363 = arith.constant 0 : i32
      %dma_start3A_364 = tpu.memref_slice %arg8[%run_scoped3A, %dma_start3A_363] : memref<16x125xi32, #tpu.memory_space<vmem>> -> memref<1x125xi32, #tpu.memory_space<vmem>>
      %dma_start3A_365 = tpu.memref_squeeze %dma_start3A_364 : memref<1x125xi32, #tpu.memory_space<vmem>> -> memref<125xi32, #tpu.memory_space<vmem>>
      %dma_start3A_366 = arith.constant 0 : i32
      %dma_start3A_367 = arith.constant 0 : i32
      %dma_start3A_368 = tpu.memref_slice %arg6[%dma_start3A_366, %dma_start3A_367] : memref<10112x128xf32, #tpu.memory_space<vmem_shared>> -> memref<10112x128xf32, #tpu.memory_space<vmem_shared>>
      tpu.enqueue_indirect_dma source(%arg11 : memref<125x128xf32, #tpu.memory_space<vmem>>) target(%dma_start3A_368 : memref<10112x128xf32, #tpu.memory_space<vmem_shared>>) offsets(%dma_start3A_365 : memref<125xi32, #tpu.memory_space<vmem>>) semaphore(%run_scoped3A_362 : memref<!tpu.dma_semaphore, #tpu.memory_space<semaphore_mem>>) {add = true}
      %dma_wait3A_369 = arith.constant 0 : i32
      %dma_wait3A_370 = tpu.memref_slice %arg8[%run_scoped3A, %dma_wait3A_369] : memref<16x125xi32, #tpu.memory_space<vmem>> -> memref<1x125xi32, #tpu.memory_space<vmem>>
      %dma_wait3A_371 = tpu.memref_squeeze %dma_wait3A_370 : memref<1x125xi32, #tpu.memory_space<vmem>> -> memref<125xi32, #tpu.memory_space<vmem>>
      %dma_wait3A_372 = arith.constant 0 : i32
      %dma_wait3A_373 = arith.constant 0 : i32
      %dma_wait3A_374 = tpu.memref_slice %arg6[%dma_wait3A_372, %dma_wait3A_373] : memref<10112x128xf32, #tpu.memory_space<vmem_shared>> -> memref<10112x128xf32, #tpu.memory_space<vmem_shared>>
      tpu.wait_indirect_dma semaphore(%run_scoped3A_362 : memref<!tpu.dma_semaphore, #tpu.memory_space<semaphore_mem>>) src(%arg11 : memref<125x128xf32, #tpu.memory_space<vmem>>) dst(%dma_wait3A_374 : memref<10112x128xf32, #tpu.memory_space<vmem_shared>>)
      tpu.yield
    }) : () -> ()
    %dma_start3A_110 = arith.constant 0 : i32
    %dma_start3A_111 = arith.constant 0 : i32
    %dma_start3A_112 = tpu.memref_slice %arg9[%dma_start3A_110, %dma_start3A_111] : memref<16x125xi32, #tpu.memory_space<vmem>> -> memref<1x125xi32, #tpu.memory_space<vmem>>
    %dma_start3A_113 = tpu.memref_squeeze %dma_start3A_112 : memref<1x125xi32, #tpu.memory_space<vmem>> -> memref<125xi32, #tpu.memory_space<vmem>>
    %dma_start3A_114 = arith.constant 0 : i32
    %dma_start3A_115 = arith.constant 0 : i32
    %dma_start3A_116 = tpu.memref_slice %arg2[%dma_start3A_114, %dma_start3A_115] : memref<10000x128xf32, #tpu.memory_space<hbm>> -> memref<10000x128xf32, #tpu.memory_space<hbm>>
    tpu.enqueue_indirect_dma source(%dma_start3A_116 : memref<10000x128xf32, #tpu.memory_space<hbm>>) target(%arg11 : memref<125x128xf32, #tpu.memory_space<vmem>>) offsets(%dma_start3A_113 : memref<125xi32, #tpu.memory_space<vmem>>) semaphore(%arg13 : memref<!tpu.dma_semaphore, #tpu.memory_space<semaphore_mem>>)
    %dma_wait3A_117 = arith.constant 15 : i32
    %dma_wait3A_118 = arith.constant 0 : i32
    %dma_wait3A_119 = tpu.memref_slice %arg7[%dma_wait3A_117, %dma_wait3A_118] : memref<16x125xi32, #tpu.memory_space<vmem>> -> memref<1x125xi32, #tpu.memory_space<vmem>>
    %dma_wait3A_120 = tpu.memref_squeeze %dma_wait3A_119 : memref<1x125xi32, #tpu.memory_space<vmem>> -> memref<125xi32, #tpu.memory_space<vmem>>
    %dma_wait3A_121 = arith.constant 0 : i32
    %dma_wait3A_122 = arith.constant 0 : i32
    %dma_wait3A_123 = tpu.memref_slice %arg2[%dma_wait3A_121, %dma_wait3A_122] : memref<10000x128xf32, #tpu.memory_space<hbm>> -> memref<10000x128xf32, #tpu.memory_space<hbm>>
    tpu.wait_indirect_dma semaphore(%arg14 : memref<!tpu.dma_semaphore, #tpu.memory_space<semaphore_mem>>) src(%dma_wait3A_123 : memref<10000x128xf32, #tpu.memory_space<hbm>>) dst(%arg12 : memref<125x128xf32, #tpu.memory_space<vmem>>)
    %run_scoped3A_124 = arith.constant 15 : i32
    "tpu.region"() ({
      %run_scoped3A_362 = tpu.sem_alloc : memref<!tpu.dma_semaphore, #tpu.memory_space<semaphore_mem>>
      %dma_start3A_363 = arith.constant 0 : i32
      %dma_start3A_364 = tpu.memref_slice %arg8[%run_scoped3A_124, %dma_start3A_363] : memref<16x125xi32, #tpu.memory_space<vmem>> -> memref<1x125xi32, #tpu.memory_space<vmem>>
      %dma_start3A_365 = tpu.memref_squeeze %dma_start3A_364 : memref<1x125xi32, #tpu.memory_space<vmem>> -> memref<125xi32, #tpu.memory_space<vmem>>
      %dma_start3A_366 = arith.constant 0 : i32
      %dma_start3A_367 = arith.constant 0 : i32
      %dma_start3A_368 = tpu.memref_slice %arg6[%dma_start3A_366, %dma_start3A_367] : memref<10112x128xf32, #tpu.memory_space<vmem_shared>> -> memref<10112x128xf32, #tpu.memory_space<vmem_shared>>
      tpu.enqueue_indirect_dma source(%arg12 : memref<125x128xf32, #tpu.memory_space<vmem>>) target(%dma_start3A_368 : memref<10112x128xf32, #tpu.memory_space<vmem_shared>>) offsets(%dma_start3A_365 : memref<125xi32, #tpu.memory_space<vmem>>) semaphore(%run_scoped3A_362 : memref<!tpu.dma_semaphore, #tpu.memory_space<semaphore_mem>>) {add = true}
      %dma_wait3A_369 = arith.constant 0 : i32
      %dma_wait3A_370 = tpu.memref_slice %arg8[%run_scoped3A_124, %dma_wait3A_369] : memref<16x125xi32, #tpu.memory_space<vmem>> -> memref<1x125xi32, #tpu.memory_space<vmem>>
      %dma_wait3A_371 = tpu.memref_squeeze %dma_wait3A_370 : memref<1x125xi32, #tpu.memory_space<vmem>> -> memref<125xi32, #tpu.memory_space<vmem>>
      %dma_wait3A_372 = arith.constant 0 : i32
      %dma_wait3A_373 = arith.constant 0 : i32
      %dma_wait3A_374 = tpu.memref_slice %arg6[%dma_wait3A_372, %dma_wait3A_373] : memref<10112x128xf32, #tpu.memory_space<vmem_shared>> -> memref<10112x128xf32, #tpu.memory_space<vmem_shared>>
      tpu.wait_indirect_dma semaphore(%run_scoped3A_362 : memref<!tpu.dma_semaphore, #tpu.memory_space<semaphore_mem>>) src(%arg12 : memref<125x128xf32, #tpu.memory_space<vmem>>) dst(%dma_wait3A_374 : memref<10112x128xf32, #tpu.memory_space<vmem_shared>>)
      tpu.yield
    }) : () -> ()
    %dma_start3A_125 = arith.constant 32 : i32
    %dma_start3A_126 = arith.constant 0 : i32
    %dma_start3A_127 = tpu.memref_slice %arg3[%add3A, %dma_start3A_125, %dma_start3A_126] : memref<32x80x125xi32, #tpu.memory_space<hbm>> -> memref<1x16x125xi32, #tpu.memory_space<hbm>>
    %dma_start3A_128 = tpu.memref_squeeze %dma_start3A_127 : memref<1x16x125xi32, #tpu.memory_space<hbm>> -> memref<16x125xi32, #tpu.memory_space<hbm>>
    %dma_start3A_129 = arith.constant 32 : i32
    %dma_start3A_130 = arith.constant 0 : i32
    %dma_start3A_131 = tpu.memref_slice %arg3[%add3A, %dma_start3A_129, %dma_start3A_130] : memref<32x80x125xi32, #tpu.memory_space<hbm>> -> memref<1x16x125xi32, #tpu.memory_space<hbm>>
    %dma_start3A_132 = tpu.memref_squeeze %dma_start3A_131 : memref<1x16x125xi32, #tpu.memory_space<hbm>> -> memref<16x125xi32, #tpu.memory_space<hbm>>
    tpu.enqueue_dma source(%dma_start3A_132 : memref<16x125xi32, #tpu.memory_space<hbm>>) target(%arg7 : memref<16x125xi32, #tpu.memory_space<vmem>>) target_semaphore(%arg15 : memref<!tpu.dma_semaphore, #tpu.memory_space<semaphore_mem>>)
    %dma_start3A_133 = arith.constant 32 : i32
    %dma_start3A_134 = arith.constant 0 : i32
    %dma_start3A_135 = tpu.memref_slice %arg4[%add3A, %dma_start3A_133, %dma_start3A_134] : memref<32x80x125xi32, #tpu.memory_space<hbm>> -> memref<1x16x125xi32, #tpu.memory_space<hbm>>
    %dma_start3A_136 = tpu.memref_squeeze %dma_start3A_135 : memref<1x16x125xi32, #tpu.memory_space<hbm>> -> memref<16x125xi32, #tpu.memory_space<hbm>>
    %dma_start3A_137 = arith.constant 32 : i32
    %dma_start3A_138 = arith.constant 0 : i32
    %dma_start3A_139 = tpu.memref_slice %arg4[%add3A, %dma_start3A_137, %dma_start3A_138] : memref<32x80x125xi32, #tpu.memory_space<hbm>> -> memref<1x16x125xi32, #tpu.memory_space<hbm>>
    %dma_start3A_140 = tpu.memref_squeeze %dma_start3A_139 : memref<1x16x125xi32, #tpu.memory_space<hbm>> -> memref<16x125xi32, #tpu.memory_space<hbm>>
    tpu.enqueue_dma source(%dma_start3A_140 : memref<16x125xi32, #tpu.memory_space<hbm>>) target(%arg8 : memref<16x125xi32, #tpu.memory_space<vmem>>) target_semaphore(%arg15 : memref<!tpu.dma_semaphore, #tpu.memory_space<semaphore_mem>>)
    %dma_wait3A_141 = arith.constant 32 : i32
    %dma_wait3A_142 = arith.constant 0 : i32
    %dma_wait3A_143 = tpu.memref_slice %arg3[%add3A, %dma_wait3A_141, %dma_wait3A_142] : memref<32x80x125xi32, #tpu.memory_space<hbm>> -> memref<1x16x125xi32, #tpu.memory_space<hbm>>
    %dma_wait3A_144 = tpu.memref_squeeze %dma_wait3A_143 : memref<1x16x125xi32, #tpu.memory_space<hbm>> -> memref<16x125xi32, #tpu.memory_space<hbm>>
    %dma_wait3A_145 = arith.constant 32 : i32
    %dma_wait3A_146 = arith.constant 0 : i32
    %dma_wait3A_147 = tpu.memref_slice %arg3[%add3A, %dma_wait3A_145, %dma_wait3A_146] : memref<32x80x125xi32, #tpu.memory_space<hbm>> -> memref<1x16x125xi32, #tpu.memory_space<hbm>>
    %dma_wait3A_148 = tpu.memref_squeeze %dma_wait3A_147 : memref<1x16x125xi32, #tpu.memory_space<hbm>> -> memref<16x125xi32, #tpu.memory_space<hbm>>
    tpu.wait_dma2 semaphore(%arg15 : memref<!tpu.dma_semaphore, #tpu.memory_space<semaphore_mem>>) src(%dma_wait3A_148 : memref<16x125xi32, #tpu.memory_space<hbm>>) dst(%arg7 : memref<16x125xi32, #tpu.memory_space<vmem>>)
    %dma_wait3A_149 = arith.constant 32 : i32
    %dma_wait3A_150 = arith.constant 0 : i32
    %dma_wait3A_151 = tpu.memref_slice %arg4[%add3A, %dma_wait3A_149, %dma_wait3A_150] : memref<32x80x125xi32, #tpu.memory_space<hbm>> -> memref<1x16x125xi32, #tpu.memory_space<hbm>>
    %dma_wait3A_152 = tpu.memref_squeeze %dma_wait3A_151 : memref<1x16x125xi32, #tpu.memory_space<hbm>> -> memref<16x125xi32, #tpu.memory_space<hbm>>
    %dma_wait3A_153 = arith.constant 32 : i32
    %dma_wait3A_154 = arith.constant 0 : i32
    %dma_wait3A_155 = tpu.memref_slice %arg4[%add3A, %dma_wait3A_153, %dma_wait3A_154] : memref<32x80x125xi32, #tpu.memory_space<hbm>> -> memref<1x16x125xi32, #tpu.memory_space<hbm>>
    %dma_wait3A_156 = tpu.memref_squeeze %dma_wait3A_155 : memref<1x16x125xi32, #tpu.memory_space<hbm>> -> memref<16x125xi32, #tpu.memory_space<hbm>>
    tpu.wait_dma2 semaphore(%arg15 : memref<!tpu.dma_semaphore, #tpu.memory_space<semaphore_mem>>) src(%dma_wait3A_156 : memref<16x125xi32, #tpu.memory_space<hbm>>) dst(%arg8 : memref<16x125xi32, #tpu.memory_space<vmem>>)
    %scan3A_157 = arith.constant 0 : i32
    %scan3A_158 = arith.constant 0 : i32
    %scan3A_159 = arith.constant 7 : i32
    %scan3A_160 = arith.addi %scan3A_158, %scan3A_159 : i32
    %scan3A_161 = arith.constant 1 : i32
    scf.for %scan3A_362 = %scan3A_158 to %scan3A_160 step %scan3A_161  : i32 {
      %mul3A_363 = arith.constant 2 : i32
      %mul3A_364 = arith.muli %scan3A_362, %mul3A_363 : i32
      %dma_wait3A_365 = arith.constant 0 : i32
      %dma_wait3A_366 = tpu.memref_slice %arg9[%mul3A_364, %dma_wait3A_365] : memref<16x125xi32, #tpu.memory_space<vmem>> -> memref<1x125xi32, #tpu.memory_space<vmem>>
      %dma_wait3A_367 = tpu.memref_squeeze %dma_wait3A_366 : memref<1x125xi32, #tpu.memory_space<vmem>> -> memref<125xi32, #tpu.memory_space<vmem>>
      %dma_wait3A_368 = arith.constant 0 : i32
      %dma_wait3A_369 = arith.constant 0 : i32
      %dma_wait3A_370 = tpu.memref_slice %arg2[%dma_wait3A_368, %dma_wait3A_369] : memref<10000x128xf32, #tpu.memory_space<hbm>> -> memref<10000x128xf32, #tpu.memory_space<hbm>>
      tpu.wait_indirect_dma semaphore(%arg13 : memref<!tpu.dma_semaphore, #tpu.memory_space<semaphore_mem>>) src(%dma_wait3A_370 : memref<10000x128xf32, #tpu.memory_space<hbm>>) dst(%arg11 : memref<125x128xf32, #tpu.memory_space<vmem>>)
      %add3A_371 = arith.constant 1 : i32
      %add3A_372 = arith.addi %mul3A_364, %add3A_371 : i32
      %dma_start3A_373 = arith.constant 0 : i32
      %dma_start3A_374 = tpu.memref_slice %arg9[%add3A_372, %dma_start3A_373] : memref<16x125xi32, #tpu.memory_space<vmem>> -> memref<1x125xi32, #tpu.memory_space<vmem>>
      %dma_start3A_375 = tpu.memref_squeeze %dma_start3A_374 : memref<1x125xi32, #tpu.memory_space<vmem>> -> memref<125xi32, #tpu.memory_space<vmem>>
      %dma_start3A_376 = arith.constant 0 : i32
      %dma_start3A_377 = arith.constant 0 : i32
      %dma_start3A_378 = tpu.memref_slice %arg2[%dma_start3A_376, %dma_start3A_377] : memref<10000x128xf32, #tpu.memory_space<hbm>> -> memref<10000x128xf32, #tpu.memory_space<hbm>>
      tpu.enqueue_indirect_dma source(%dma_start3A_378 : memref<10000x128xf32, #tpu.memory_space<hbm>>) target(%arg12 : memref<125x128xf32, #tpu.memory_space<vmem>>) offsets(%dma_start3A_375 : memref<125xi32, #tpu.memory_space<vmem>>) semaphore(%arg14 : memref<!tpu.dma_semaphore, #tpu.memory_space<semaphore_mem>>)
      "tpu.region"() ({
        %run_scoped3A_395 = tpu.sem_alloc : memref<!tpu.dma_semaphore, #tpu.memory_space<semaphore_mem>>
        %dma_start3A_396 = arith.constant 0 : i32
        %dma_start3A_397 = tpu.memref_slice %arg10[%mul3A_364, %dma_start3A_396] : memref<16x125xi32, #tpu.memory_space<vmem>> -> memref<1x125xi32, #tpu.memory_space<vmem>>
        %dma_start3A_398 = tpu.memref_squeeze %dma_start3A_397 : memref<1x125xi32, #tpu.memory_space<vmem>> -> memref<125xi32, #tpu.memory_space<vmem>>
        %dma_start3A_399 = arith.constant 0 : i32
        %dma_start3A_400 = arith.constant 0 : i32
        %dma_start3A_401 = tpu.memref_slice %arg6[%dma_start3A_399, %dma_start3A_400] : memref<10112x128xf32, #tpu.memory_space<vmem_shared>> -> memref<10112x128xf32, #tpu.memory_space<vmem_shared>>
        tpu.enqueue_indirect_dma source(%arg11 : memref<125x128xf32, #tpu.memory_space<vmem>>) target(%dma_start3A_401 : memref<10112x128xf32, #tpu.memory_space<vmem_shared>>) offsets(%dma_start3A_398 : memref<125xi32, #tpu.memory_space<vmem>>) semaphore(%run_scoped3A_395 : memref<!tpu.dma_semaphore, #tpu.memory_space<semaphore_mem>>) {add = true}
        %dma_wait3A_402 = arith.constant 0 : i32
        %dma_wait3A_403 = tpu.memref_slice %arg10[%mul3A_364, %dma_wait3A_402] : memref<16x125xi32, #tpu.memory_space<vmem>> -> memref<1x125xi32, #tpu.memory_space<vmem>>
        %dma_wait3A_404 = tpu.memref_squeeze %dma_wait3A_403 : memref<1x125xi32, #tpu.memory_space<vmem>> -> memref<125xi32, #tpu.memory_space<vmem>>
        %dma_wait3A_405 = arith.constant 0 : i32
        %dma_wait3A_406 = arith.constant 0 : i32
        %dma_wait3A_407 = tpu.memref_slice %arg6[%dma_wait3A_405, %dma_wait3A_406] : memref<10112x128xf32, #tpu.memory_space<vmem_shared>> -> memref<10112x128xf32, #tpu.memory_space<vmem_shared>>
        tpu.wait_indirect_dma semaphore(%run_scoped3A_395 : memref<!tpu.dma_semaphore, #tpu.memory_space<semaphore_mem>>) src(%arg11 : memref<125x128xf32, #tpu.memory_space<vmem>>) dst(%dma_wait3A_407 : memref<10112x128xf32, #tpu.memory_space<vmem_shared>>)
        tpu.yield
      }) : () -> ()
      %add3A_379 = arith.constant 2 : i32
      %add3A_380 = arith.addi %mul3A_364, %add3A_379 : i32
      %dma_start3A_381 = arith.constant 0 : i32
      %dma_start3A_382 = tpu.memref_slice %arg9[%add3A_380, %dma_start3A_381] : memref<16x125xi32, #tpu.memory_space<vmem>> -> memref<1x125xi32, #tpu.memory_space<vmem>>
      %dma_start3A_383 = tpu.memref_squeeze %dma_start3A_382 : memref<1x125xi32, #tpu.memory_space<vmem>> -> memref<125xi32, #tpu.memory_space<vmem>>
      %dma_start3A_384 = arith.constant 0 : i32
      %dma_start3A_385 = arith.constant 0 : i32
      %dma_start3A_386 = tpu.memref_slice %arg2[%dma_start3A_384, %dma_start3A_385] : memref<10000x128xf32, #tpu.memory_space<hbm>> -> memref<10000x128xf32, #tpu.memory_space<hbm>>
      tpu.enqueue_indirect_dma source(%dma_start3A_386 : memref<10000x128xf32, #tpu.memory_space<hbm>>) target(%arg11 : memref<125x128xf32, #tpu.memory_space<vmem>>) offsets(%dma_start3A_383 : memref<125xi32, #tpu.memory_space<vmem>>) semaphore(%arg13 : memref<!tpu.dma_semaphore, #tpu.memory_space<semaphore_mem>>)
      %dma_wait3A_387 = arith.constant 0 : i32
      %dma_wait3A_388 = tpu.memref_slice %arg9[%add3A_372, %dma_wait3A_387] : memref<16x125xi32, #tpu.memory_space<vmem>> -> memref<1x125xi32, #tpu.memory_space<vmem>>
      %dma_wait3A_389 = tpu.memref_squeeze %dma_wait3A_388 : memref<1x125xi32, #tpu.memory_space<vmem>> -> memref<125xi32, #tpu.memory_space<vmem>>
      %dma_wait3A_390 = arith.constant 0 : i32
      %dma_wait3A_391 = arith.constant 0 : i32
      %dma_wait3A_392 = tpu.memref_slice %arg2[%dma_wait3A_390, %dma_wait3A_391] : memref<10000x128xf32, #tpu.memory_space<hbm>> -> memref<10000x128xf32, #tpu.memory_space<hbm>>
      tpu.wait_indirect_dma semaphore(%arg14 : memref<!tpu.dma_semaphore, #tpu.memory_space<semaphore_mem>>) src(%dma_wait3A_392 : memref<10000x128xf32, #tpu.memory_space<hbm>>) dst(%arg12 : memref<125x128xf32, #tpu.memory_space<vmem>>)
      %add3A_393 = arith.constant 1 : i32
      %add3A_394 = arith.addi %mul3A_364, %add3A_393 : i32
      "tpu.region"() ({
        %run_scoped3A_395 = tpu.sem_alloc : memref<!tpu.dma_semaphore, #tpu.memory_space<semaphore_mem>>
        %dma_start3A_396 = arith.constant 0 : i32
        %dma_start3A_397 = tpu.memref_slice %arg10[%add3A_394, %dma_start3A_396] : memref<16x125xi32, #tpu.memory_space<vmem>> -> memref<1x125xi32, #tpu.memory_space<vmem>>
        %dma_start3A_398 = tpu.memref_squeeze %dma_start3A_397 : memref<1x125xi32, #tpu.memory_space<vmem>> -> memref<125xi32, #tpu.memory_space<vmem>>
        %dma_start3A_399 = arith.constant 0 : i32
        %dma_start3A_400 = arith.constant 0 : i32
        %dma_start3A_401 = tpu.memref_slice %arg6[%dma_start3A_399, %dma_start3A_400] : memref<10112x128xf32, #tpu.memory_space<vmem_shared>> -> memref<10112x128xf32, #tpu.memory_space<vmem_shared>>
        tpu.enqueue_indirect_dma source(%arg12 : memref<125x128xf32, #tpu.memory_space<vmem>>) target(%dma_start3A_401 : memref<10112x128xf32, #tpu.memory_space<vmem_shared>>) offsets(%dma_start3A_398 : memref<125xi32, #tpu.memory_space<vmem>>) semaphore(%run_scoped3A_395 : memref<!tpu.dma_semaphore, #tpu.memory_space<semaphore_mem>>) {add = true}
        %dma_wait3A_402 = arith.constant 0 : i32
        %dma_wait3A_403 = tpu.memref_slice %arg10[%add3A_394, %dma_wait3A_402] : memref<16x125xi32, #tpu.memory_space<vmem>> -> memref<1x125xi32, #tpu.memory_space<vmem>>
        %dma_wait3A_404 = tpu.memref_squeeze %dma_wait3A_403 : memref<1x125xi32, #tpu.memory_space<vmem>> -> memref<125xi32, #tpu.memory_space<vmem>>
        %dma_wait3A_405 = arith.constant 0 : i32
        %dma_wait3A_406 = arith.constant 0 : i32
        %dma_wait3A_407 = tpu.memref_slice %arg6[%dma_wait3A_405, %dma_wait3A_406] : memref<10112x128xf32, #tpu.memory_space<vmem_shared>> -> memref<10112x128xf32, #tpu.memory_space<vmem_shared>>
        tpu.wait_indirect_dma semaphore(%run_scoped3A_395 : memref<!tpu.dma_semaphore, #tpu.memory_space<semaphore_mem>>) src(%arg12 : memref<125x128xf32, #tpu.memory_space<vmem>>) dst(%dma_wait3A_407 : memref<10112x128xf32, #tpu.memory_space<vmem_shared>>)
        tpu.yield
      }) : () -> ()
    }
    %scan3A_162 = arith.constant 7 : i32
    %dma_wait3A_163 = arith.constant 14 : i32
    %dma_wait3A_164 = arith.constant 0 : i32
    %dma_wait3A_165 = tpu.memref_slice %arg9[%dma_wait3A_163, %dma_wait3A_164] : memref<16x125xi32, #tpu.memory_space<vmem>> -> memref<1x125xi32, #tpu.memory_space<vmem>>
    %dma_wait3A_166 = tpu.memref_squeeze %dma_wait3A_165 : memref<1x125xi32, #tpu.memory_space<vmem>> -> memref<125xi32, #tpu.memory_space<vmem>>
    %dma_wait3A_167 = arith.constant 0 : i32
    %dma_wait3A_168 = arith.constant 0 : i32
    %dma_wait3A_169 = tpu.memref_slice %arg2[%dma_wait3A_167, %dma_wait3A_168] : memref<10000x128xf32, #tpu.memory_space<hbm>> -> memref<10000x128xf32, #tpu.memory_space<hbm>>
    tpu.wait_indirect_dma semaphore(%arg13 : memref<!tpu.dma_semaphore, #tpu.memory_space<semaphore_mem>>) src(%dma_wait3A_169 : memref<10000x128xf32, #tpu.memory_space<hbm>>) dst(%arg11 : memref<125x128xf32, #tpu.memory_space<vmem>>)
    %dma_start3A_170 = arith.constant 15 : i32
    %dma_start3A_171 = arith.constant 0 : i32
    %dma_start3A_172 = tpu.memref_slice %arg9[%dma_start3A_170, %dma_start3A_171] : memref<16x125xi32, #tpu.memory_space<vmem>> -> memref<1x125xi32, #tpu.memory_space<vmem>>
    %dma_start3A_173 = tpu.memref_squeeze %dma_start3A_172 : memref<1x125xi32, #tpu.memory_space<vmem>> -> memref<125xi32, #tpu.memory_space<vmem>>
    %dma_start3A_174 = arith.constant 0 : i32
    %dma_start3A_175 = arith.constant 0 : i32
    %dma_start3A_176 = tpu.memref_slice %arg2[%dma_start3A_174, %dma_start3A_175] : memref<10000x128xf32, #tpu.memory_space<hbm>> -> memref<10000x128xf32, #tpu.memory_space<hbm>>
    tpu.enqueue_indirect_dma source(%dma_start3A_176 : memref<10000x128xf32, #tpu.memory_space<hbm>>) target(%arg12 : memref<125x128xf32, #tpu.memory_space<vmem>>) offsets(%dma_start3A_173 : memref<125xi32, #tpu.memory_space<vmem>>) semaphore(%arg14 : memref<!tpu.dma_semaphore, #tpu.memory_space<semaphore_mem>>)
    %run_scoped3A_177 = arith.constant 14 : i32
    "tpu.region"() ({
      %run_scoped3A_362 = tpu.sem_alloc : memref<!tpu.dma_semaphore, #tpu.memory_space<semaphore_mem>>
      %dma_start3A_363 = arith.constant 0 : i32
      %dma_start3A_364 = tpu.memref_slice %arg10[%run_scoped3A_177, %dma_start3A_363] : memref<16x125xi32, #tpu.memory_space<vmem>> -> memref<1x125xi32, #tpu.memory_space<vmem>>
      %dma_start3A_365 = tpu.memref_squeeze %dma_start3A_364 : memref<1x125xi32, #tpu.memory_space<vmem>> -> memref<125xi32, #tpu.memory_space<vmem>>
      %dma_start3A_366 = arith.constant 0 : i32
      %dma_start3A_367 = arith.constant 0 : i32
      %dma_start3A_368 = tpu.memref_slice %arg6[%dma_start3A_366, %dma_start3A_367] : memref<10112x128xf32, #tpu.memory_space<vmem_shared>> -> memref<10112x128xf32, #tpu.memory_space<vmem_shared>>
      tpu.enqueue_indirect_dma source(%arg11 : memref<125x128xf32, #tpu.memory_space<vmem>>) target(%dma_start3A_368 : memref<10112x128xf32, #tpu.memory_space<vmem_shared>>) offsets(%dma_start3A_365 : memref<125xi32, #tpu.memory_space<vmem>>) semaphore(%run_scoped3A_362 : memref<!tpu.dma_semaphore, #tpu.memory_space<semaphore_mem>>) {add = true}
      %dma_wait3A_369 = arith.constant 0 : i32
      %dma_wait3A_370 = tpu.memref_slice %arg10[%run_scoped3A_177, %dma_wait3A_369] : memref<16x125xi32, #tpu.memory_space<vmem>> -> memref<1x125xi32, #tpu.memory_space<vmem>>
      %dma_wait3A_371 = tpu.memref_squeeze %dma_wait3A_370 : memref<1x125xi32, #tpu.memory_space<vmem>> -> memref<125xi32, #tpu.memory_space<vmem>>
      %dma_wait3A_372 = arith.constant 0 : i32
      %dma_wait3A_373 = arith.constant 0 : i32
      %dma_wait3A_374 = tpu.memref_slice %arg6[%dma_wait3A_372, %dma_wait3A_373] : memref<10112x128xf32, #tpu.memory_space<vmem_shared>> -> memref<10112x128xf32, #tpu.memory_space<vmem_shared>>
      tpu.wait_indirect_dma semaphore(%run_scoped3A_362 : memref<!tpu.dma_semaphore, #tpu.memory_space<semaphore_mem>>) src(%arg11 : memref<125x128xf32, #tpu.memory_space<vmem>>) dst(%dma_wait3A_374 : memref<10112x128xf32, #tpu.memory_space<vmem_shared>>)
      tpu.yield
    }) : () -> ()
    %dma_start3A_178 = arith.constant 0 : i32
    %dma_start3A_179 = arith.constant 0 : i32
    %dma_start3A_180 = tpu.memref_slice %arg7[%dma_start3A_178, %dma_start3A_179] : memref<16x125xi32, #tpu.memory_space<vmem>> -> memref<1x125xi32, #tpu.memory_space<vmem>>
    %dma_start3A_181 = tpu.memref_squeeze %dma_start3A_180 : memref<1x125xi32, #tpu.memory_space<vmem>> -> memref<125xi32, #tpu.memory_space<vmem>>
    %dma_start3A_182 = arith.constant 0 : i32
    %dma_start3A_183 = arith.constant 0 : i32
    %dma_start3A_184 = tpu.memref_slice %arg2[%dma_start3A_182, %dma_start3A_183] : memref<10000x128xf32, #tpu.memory_space<hbm>> -> memref<10000x128xf32, #tpu.memory_space<hbm>>
    tpu.enqueue_indirect_dma source(%dma_start3A_184 : memref<10000x128xf32, #tpu.memory_space<hbm>>) target(%arg11 : memref<125x128xf32, #tpu.memory_space<vmem>>) offsets(%dma_start3A_181 : memref<125xi32, #tpu.memory_space<vmem>>) semaphore(%arg13 : memref<!tpu.dma_semaphore, #tpu.memory_space<semaphore_mem>>)
    %dma_wait3A_185 = arith.constant 15 : i32
    %dma_wait3A_186 = arith.constant 0 : i32
    %dma_wait3A_187 = tpu.memref_slice %arg9[%dma_wait3A_185, %dma_wait3A_186] : memref<16x125xi32, #tpu.memory_space<vmem>> -> memref<1x125xi32, #tpu.memory_space<vmem>>
    %dma_wait3A_188 = tpu.memref_squeeze %dma_wait3A_187 : memref<1x125xi32, #tpu.memory_space<vmem>> -> memref<125xi32, #tpu.memory_space<vmem>>
    %dma_wait3A_189 = arith.constant 0 : i32
    %dma_wait3A_190 = arith.constant 0 : i32
    %dma_wait3A_191 = tpu.memref_slice %arg2[%dma_wait3A_189, %dma_wait3A_190] : memref<10000x128xf32, #tpu.memory_space<hbm>> -> memref<10000x128xf32, #tpu.memory_space<hbm>>
    tpu.wait_indirect_dma semaphore(%arg14 : memref<!tpu.dma_semaphore, #tpu.memory_space<semaphore_mem>>) src(%dma_wait3A_191 : memref<10000x128xf32, #tpu.memory_space<hbm>>) dst(%arg12 : memref<125x128xf32, #tpu.memory_space<vmem>>)
    %run_scoped3A_192 = arith.constant 15 : i32
    "tpu.region"() ({
      %run_scoped3A_362 = tpu.sem_alloc : memref<!tpu.dma_semaphore, #tpu.memory_space<semaphore_mem>>
      %dma_start3A_363 = arith.constant 0 : i32
      %dma_start3A_364 = tpu.memref_slice %arg10[%run_scoped3A_192, %dma_start3A_363] : memref<16x125xi32, #tpu.memory_space<vmem>> -> memref<1x125xi32, #tpu.memory_space<vmem>>
      %dma_start3A_365 = tpu.memref_squeeze %dma_start3A_364 : memref<1x125xi32, #tpu.memory_space<vmem>> -> memref<125xi32, #tpu.memory_space<vmem>>
      %dma_start3A_366 = arith.constant 0 : i32
      %dma_start3A_367 = arith.constant 0 : i32
      %dma_start3A_368 = tpu.memref_slice %arg6[%dma_start3A_366, %dma_start3A_367] : memref<10112x128xf32, #tpu.memory_space<vmem_shared>> -> memref<10112x128xf32, #tpu.memory_space<vmem_shared>>
      tpu.enqueue_indirect_dma source(%arg12 : memref<125x128xf32, #tpu.memory_space<vmem>>) target(%dma_start3A_368 : memref<10112x128xf32, #tpu.memory_space<vmem_shared>>) offsets(%dma_start3A_365 : memref<125xi32, #tpu.memory_space<vmem>>) semaphore(%run_scoped3A_362 : memref<!tpu.dma_semaphore, #tpu.memory_space<semaphore_mem>>) {add = true}
      %dma_wait3A_369 = arith.constant 0 : i32
      %dma_wait3A_370 = tpu.memref_slice %arg10[%run_scoped3A_192, %dma_wait3A_369] : memref<16x125xi32, #tpu.memory_space<vmem>> -> memref<1x125xi32, #tpu.memory_space<vmem>>
      %dma_wait3A_371 = tpu.memref_squeeze %dma_wait3A_370 : memref<1x125xi32, #tpu.memory_space<vmem>> -> memref<125xi32, #tpu.memory_space<vmem>>
      %dma_wait3A_372 = arith.constant 0 : i32
      %dma_wait3A_373 = arith.constant 0 : i32
      %dma_wait3A_374 = tpu.memref_slice %arg6[%dma_wait3A_372, %dma_wait3A_373] : memref<10112x128xf32, #tpu.memory_space<vmem_shared>> -> memref<10112x128xf32, #tpu.memory_space<vmem_shared>>
      tpu.wait_indirect_dma semaphore(%run_scoped3A_362 : memref<!tpu.dma_semaphore, #tpu.memory_space<semaphore_mem>>) src(%arg12 : memref<125x128xf32, #tpu.memory_space<vmem>>) dst(%dma_wait3A_374 : memref<10112x128xf32, #tpu.memory_space<vmem_shared>>)
      tpu.yield
    }) : () -> ()
    %dma_start3A_193 = arith.constant 48 : i32
    %dma_start3A_194 = arith.constant 0 : i32
    %dma_start3A_195 = tpu.memref_slice %arg3[%add3A, %dma_start3A_193, %dma_start3A_194] : memref<32x80x125xi32, #tpu.memory_space<hbm>> -> memref<1x16x125xi32, #tpu.memory_space<hbm>>
    %dma_start3A_196 = tpu.memref_squeeze %dma_start3A_195 : memref<1x16x125xi32, #tpu.memory_space<hbm>> -> memref<16x125xi32, #tpu.memory_space<hbm>>
    %dma_start3A_197 = arith.constant 48 : i32
    %dma_start3A_198 = arith.constant 0 : i32
    %dma_start3A_199 = tpu.memref_slice %arg3[%add3A, %dma_start3A_197, %dma_start3A_198] : memref<32x80x125xi32, #tpu.memory_space<hbm>> -> memref<1x16x125xi32, #tpu.memory_space<hbm>>
    %dma_start3A_200 = tpu.memref_squeeze %dma_start3A_199 : memref<1x16x125xi32, #tpu.memory_space<hbm>> -> memref<16x125xi32, #tpu.memory_space<hbm>>
    tpu.enqueue_dma source(%dma_start3A_200 : memref<16x125xi32, #tpu.memory_space<hbm>>) target(%arg9 : memref<16x125xi32, #tpu.memory_space<vmem>>) target_semaphore(%arg16 : memref<!tpu.dma_semaphore, #tpu.memory_space<semaphore_mem>>)
    %dma_start3A_201 = arith.constant 48 : i32
    %dma_start3A_202 = arith.constant 0 : i32
    %dma_start3A_203 = tpu.memref_slice %arg4[%add3A, %dma_start3A_201, %dma_start3A_202] : memref<32x80x125xi32, #tpu.memory_space<hbm>> -> memref<1x16x125xi32, #tpu.memory_space<hbm>>
    %dma_start3A_204 = tpu.memref_squeeze %dma_start3A_203 : memref<1x16x125xi32, #tpu.memory_space<hbm>> -> memref<16x125xi32, #tpu.memory_space<hbm>>
    %dma_start3A_205 = arith.constant 48 : i32
    %dma_start3A_206 = arith.constant 0 : i32
    %dma_start3A_207 = tpu.memref_slice %arg4[%add3A, %dma_start3A_205, %dma_start3A_206] : memref<32x80x125xi32, #tpu.memory_space<hbm>> -> memref<1x16x125xi32, #tpu.memory_space<hbm>>
    %dma_start3A_208 = tpu.memref_squeeze %dma_start3A_207 : memref<1x16x125xi32, #tpu.memory_space<hbm>> -> memref<16x125xi32, #tpu.memory_space<hbm>>
    tpu.enqueue_dma source(%dma_start3A_208 : memref<16x125xi32, #tpu.memory_space<hbm>>) target(%arg10 : memref<16x125xi32, #tpu.memory_space<vmem>>) target_semaphore(%arg16 : memref<!tpu.dma_semaphore, #tpu.memory_space<semaphore_mem>>)
    %dma_wait3A_209 = arith.constant 48 : i32
    %dma_wait3A_210 = arith.constant 0 : i32
    %dma_wait3A_211 = tpu.memref_slice %arg3[%add3A, %dma_wait3A_209, %dma_wait3A_210] : memref<32x80x125xi32, #tpu.memory_space<hbm>> -> memref<1x16x125xi32, #tpu.memory_space<hbm>>
    %dma_wait3A_212 = tpu.memref_squeeze %dma_wait3A_211 : memref<1x16x125xi32, #tpu.memory_space<hbm>> -> memref<16x125xi32, #tpu.memory_space<hbm>>
    %dma_wait3A_213 = arith.constant 48 : i32
    %dma_wait3A_214 = arith.constant 0 : i32
    %dma_wait3A_215 = tpu.memref_slice %arg3[%add3A, %dma_wait3A_213, %dma_wait3A_214] : memref<32x80x125xi32, #tpu.memory_space<hbm>> -> memref<1x16x125xi32, #tpu.memory_space<hbm>>
    %dma_wait3A_216 = tpu.memref_squeeze %dma_wait3A_215 : memref<1x16x125xi32, #tpu.memory_space<hbm>> -> memref<16x125xi32, #tpu.memory_space<hbm>>
    tpu.wait_dma2 semaphore(%arg16 : memref<!tpu.dma_semaphore, #tpu.memory_space<semaphore_mem>>) src(%dma_wait3A_216 : memref<16x125xi32, #tpu.memory_space<hbm>>) dst(%arg9 : memref<16x125xi32, #tpu.memory_space<vmem>>)
    %dma_wait3A_217 = arith.constant 48 : i32
    %dma_wait3A_218 = arith.constant 0 : i32
    %dma_wait3A_219 = tpu.memref_slice %arg4[%add3A, %dma_wait3A_217, %dma_wait3A_218] : memref<32x80x125xi32, #tpu.memory_space<hbm>> -> memref<1x16x125xi32, #tpu.memory_space<hbm>>
    %dma_wait3A_220 = tpu.memref_squeeze %dma_wait3A_219 : memref<1x16x125xi32, #tpu.memory_space<hbm>> -> memref<16x125xi32, #tpu.memory_space<hbm>>
    %dma_wait3A_221 = arith.constant 48 : i32
    %dma_wait3A_222 = arith.constant 0 : i32
    %dma_wait3A_223 = tpu.memref_slice %arg4[%add3A, %dma_wait3A_221, %dma_wait3A_222] : memref<32x80x125xi32, #tpu.memory_space<hbm>> -> memref<1x16x125xi32, #tpu.memory_space<hbm>>
    %dma_wait3A_224 = tpu.memref_squeeze %dma_wait3A_223 : memref<1x16x125xi32, #tpu.memory_space<hbm>> -> memref<16x125xi32, #tpu.memory_space<hbm>>
    tpu.wait_dma2 semaphore(%arg16 : memref<!tpu.dma_semaphore, #tpu.memory_space<semaphore_mem>>) src(%dma_wait3A_224 : memref<16x125xi32, #tpu.memory_space<hbm>>) dst(%arg10 : memref<16x125xi32, #tpu.memory_space<vmem>>)
    %scan3A_225 = arith.constant 0 : i32
    %scan3A_226 = arith.constant 0 : i32
    %scan3A_227 = arith.constant 7 : i32
    %scan3A_228 = arith.addi %scan3A_226, %scan3A_227 : i32
    %scan3A_229 = arith.constant 1 : i32
    scf.for %scan3A_362 = %scan3A_226 to %scan3A_228 step %scan3A_229  : i32 {
      %mul3A_363 = arith.constant 2 : i32
      %mul3A_364 = arith.muli %scan3A_362, %mul3A_363 : i32
      %dma_wait3A_365 = arith.constant 0 : i32
      %dma_wait3A_366 = tpu.memref_slice %arg7[%mul3A_364, %dma_wait3A_365] : memref<16x125xi32, #tpu.memory_space<vmem>> -> memref<1x125xi32, #tpu.memory_space<vmem>>
      %dma_wait3A_367 = tpu.memref_squeeze %dma_wait3A_366 : memref<1x125xi32, #tpu.memory_space<vmem>> -> memref<125xi32, #tpu.memory_space<vmem>>
      %dma_wait3A_368 = arith.constant 0 : i32
      %dma_wait3A_369 = arith.constant 0 : i32
      %dma_wait3A_370 = tpu.memref_slice %arg2[%dma_wait3A_368, %dma_wait3A_369] : memref<10000x128xf32, #tpu.memory_space<hbm>> -> memref<10000x128xf32, #tpu.memory_space<hbm>>
      tpu.wait_indirect_dma semaphore(%arg13 : memref<!tpu.dma_semaphore, #tpu.memory_space<semaphore_mem>>) src(%dma_wait3A_370 : memref<10000x128xf32, #tpu.memory_space<hbm>>) dst(%arg11 : memref<125x128xf32, #tpu.memory_space<vmem>>)
      %add3A_371 = arith.constant 1 : i32
      %add3A_372 = arith.addi %mul3A_364, %add3A_371 : i32
      %dma_start3A_373 = arith.constant 0 : i32
      %dma_start3A_374 = tpu.memref_slice %arg7[%add3A_372, %dma_start3A_373] : memref<16x125xi32, #tpu.memory_space<vmem>> -> memref<1x125xi32, #tpu.memory_space<vmem>>
      %dma_start3A_375 = tpu.memref_squeeze %dma_start3A_374 : memref<1x125xi32, #tpu.memory_space<vmem>> -> memref<125xi32, #tpu.memory_space<vmem>>
      %dma_start3A_376 = arith.constant 0 : i32
      %dma_start3A_377 = arith.constant 0 : i32
      %dma_start3A_378 = tpu.memref_slice %arg2[%dma_start3A_376, %dma_start3A_377] : memref<10000x128xf32, #tpu.memory_space<hbm>> -> memref<10000x128xf32, #tpu.memory_space<hbm>>
      tpu.enqueue_indirect_dma source(%dma_start3A_378 : memref<10000x128xf32, #tpu.memory_space<hbm>>) target(%arg12 : memref<125x128xf32, #tpu.memory_space<vmem>>) offsets(%dma_start3A_375 : memref<125xi32, #tpu.memory_space<vmem>>) semaphore(%arg14 : memref<!tpu.dma_semaphore, #tpu.memory_space<semaphore_mem>>)
      "tpu.region"() ({
        %run_scoped3A_395 = tpu.sem_alloc : memref<!tpu.dma_semaphore, #tpu.memory_space<semaphore_mem>>
        %dma_start3A_396 = arith.constant 0 : i32
        %dma_start3A_397 = tpu.memref_slice %arg8[%mul3A_364, %dma_start3A_396] : memref<16x125xi32, #tpu.memory_space<vmem>> -> memref<1x125xi32, #tpu.memory_space<vmem>>
        %dma_start3A_398 = tpu.memref_squeeze %dma_start3A_397 : memref<1x125xi32, #tpu.memory_space<vmem>> -> memref<125xi32, #tpu.memory_space<vmem>>
        %dma_start3A_399 = arith.constant 0 : i32
        %dma_start3A_400 = arith.constant 0 : i32
        %dma_start3A_401 = tpu.memref_slice %arg6[%dma_start3A_399, %dma_start3A_400] : memref<10112x128xf32, #tpu.memory_space<vmem_shared>> -> memref<10112x128xf32, #tpu.memory_space<vmem_shared>>
        tpu.enqueue_indirect_dma source(%arg11 : memref<125x128xf32, #tpu.memory_space<vmem>>) target(%dma_start3A_401 : memref<10112x128xf32, #tpu.memory_space<vmem_shared>>) offsets(%dma_start3A_398 : memref<125xi32, #tpu.memory_space<vmem>>) semaphore(%run_scoped3A_395 : memref<!tpu.dma_semaphore, #tpu.memory_space<semaphore_mem>>) {add = true}
        %dma_wait3A_402 = arith.constant 0 : i32
        %dma_wait3A_403 = tpu.memref_slice %arg8[%mul3A_364, %dma_wait3A_402] : memref<16x125xi32, #tpu.memory_space<vmem>> -> memref<1x125xi32, #tpu.memory_space<vmem>>
        %dma_wait3A_404 = tpu.memref_squeeze %dma_wait3A_403 : memref<1x125xi32, #tpu.memory_space<vmem>> -> memref<125xi32, #tpu.memory_space<vmem>>
        %dma_wait3A_405 = arith.constant 0 : i32
        %dma_wait3A_406 = arith.constant 0 : i32
        %dma_wait3A_407 = tpu.memref_slice %arg6[%dma_wait3A_405, %dma_wait3A_406] : memref<10112x128xf32, #tpu.memory_space<vmem_shared>> -> memref<10112x128xf32, #tpu.memory_space<vmem_shared>>
        tpu.wait_indirect_dma semaphore(%run_scoped3A_395 : memref<!tpu.dma_semaphore, #tpu.memory_space<semaphore_mem>>) src(%arg11 : memref<125x128xf32, #tpu.memory_space<vmem>>) dst(%dma_wait3A_407 : memref<10112x128xf32, #tpu.memory_space<vmem_shared>>)
        tpu.yield
      }) : () -> ()
      %add3A_379 = arith.constant 2 : i32
      %add3A_380 = arith.addi %mul3A_364, %add3A_379 : i32
      %dma_start3A_381 = arith.constant 0 : i32
      %dma_start3A_382 = tpu.memref_slice %arg7[%add3A_380, %dma_start3A_381] : memref<16x125xi32, #tpu.memory_space<vmem>> -> memref<1x125xi32, #tpu.memory_space<vmem>>
      %dma_start3A_383 = tpu.memref_squeeze %dma_start3A_382 : memref<1x125xi32, #tpu.memory_space<vmem>> -> memref<125xi32, #tpu.memory_space<vmem>>
      %dma_start3A_384 = arith.constant 0 : i32
      %dma_start3A_385 = arith.constant 0 : i32
      %dma_start3A_386 = tpu.memref_slice %arg2[%dma_start3A_384, %dma_start3A_385] : memref<10000x128xf32, #tpu.memory_space<hbm>> -> memref<10000x128xf32, #tpu.memory_space<hbm>>
      tpu.enqueue_indirect_dma source(%dma_start3A_386 : memref<10000x128xf32, #tpu.memory_space<hbm>>) target(%arg11 : memref<125x128xf32, #tpu.memory_space<vmem>>) offsets(%dma_start3A_383 : memref<125xi32, #tpu.memory_space<vmem>>) semaphore(%arg13 : memref<!tpu.dma_semaphore, #tpu.memory_space<semaphore_mem>>)
      %dma_wait3A_387 = arith.constant 0 : i32
      %dma_wait3A_388 = tpu.memref_slice %arg7[%add3A_372, %dma_wait3A_387] : memref<16x125xi32, #tpu.memory_space<vmem>> -> memref<1x125xi32, #tpu.memory_space<vmem>>
      %dma_wait3A_389 = tpu.memref_squeeze %dma_wait3A_388 : memref<1x125xi32, #tpu.memory_space<vmem>> -> memref<125xi32, #tpu.memory_space<vmem>>
      %dma_wait3A_390 = arith.constant 0 : i32
      %dma_wait3A_391 = arith.constant 0 : i32
      %dma_wait3A_392 = tpu.memref_slice %arg2[%dma_wait3A_390, %dma_wait3A_391] : memref<10000x128xf32, #tpu.memory_space<hbm>> -> memref<10000x128xf32, #tpu.memory_space<hbm>>
      tpu.wait_indirect_dma semaphore(%arg14 : memref<!tpu.dma_semaphore, #tpu.memory_space<semaphore_mem>>) src(%dma_wait3A_392 : memref<10000x128xf32, #tpu.memory_space<hbm>>) dst(%arg12 : memref<125x128xf32, #tpu.memory_space<vmem>>)
      %add3A_393 = arith.constant 1 : i32
      %add3A_394 = arith.addi %mul3A_364, %add3A_393 : i32
      "tpu.region"() ({
        %run_scoped3A_395 = tpu.sem_alloc : memref<!tpu.dma_semaphore, #tpu.memory_space<semaphore_mem>>
        %dma_start3A_396 = arith.constant 0 : i32
        %dma_start3A_397 = tpu.memref_slice %arg8[%add3A_394, %dma_start3A_396] : memref<16x125xi32, #tpu.memory_space<vmem>> -> memref<1x125xi32, #tpu.memory_space<vmem>>
        %dma_start3A_398 = tpu.memref_squeeze %dma_start3A_397 : memref<1x125xi32, #tpu.memory_space<vmem>> -> memref<125xi32, #tpu.memory_space<vmem>>
        %dma_start3A_399 = arith.constant 0 : i32
        %dma_start3A_400 = arith.constant 0 : i32
        %dma_start3A_401 = tpu.memref_slice %arg6[%dma_start3A_399, %dma_start3A_400] : memref<10112x128xf32, #tpu.memory_space<vmem_shared>> -> memref<10112x128xf32, #tpu.memory_space<vmem_shared>>
        tpu.enqueue_indirect_dma source(%arg12 : memref<125x128xf32, #tpu.memory_space<vmem>>) target(%dma_start3A_401 : memref<10112x128xf32, #tpu.memory_space<vmem_shared>>) offsets(%dma_start3A_398 : memref<125xi32, #tpu.memory_space<vmem>>) semaphore(%run_scoped3A_395 : memref<!tpu.dma_semaphore, #tpu.memory_space<semaphore_mem>>) {add = true}
        %dma_wait3A_402 = arith.constant 0 : i32
        %dma_wait3A_403 = tpu.memref_slice %arg8[%add3A_394, %dma_wait3A_402] : memref<16x125xi32, #tpu.memory_space<vmem>> -> memref<1x125xi32, #tpu.memory_space<vmem>>
        %dma_wait3A_404 = tpu.memref_squeeze %dma_wait3A_403 : memref<1x125xi32, #tpu.memory_space<vmem>> -> memref<125xi32, #tpu.memory_space<vmem>>
        %dma_wait3A_405 = arith.constant 0 : i32
        %dma_wait3A_406 = arith.constant 0 : i32
        %dma_wait3A_407 = tpu.memref_slice %arg6[%dma_wait3A_405, %dma_wait3A_406] : memref<10112x128xf32, #tpu.memory_space<vmem_shared>> -> memref<10112x128xf32, #tpu.memory_space<vmem_shared>>
        tpu.wait_indirect_dma semaphore(%run_scoped3A_395 : memref<!tpu.dma_semaphore, #tpu.memory_space<semaphore_mem>>) src(%arg12 : memref<125x128xf32, #tpu.memory_space<vmem>>) dst(%dma_wait3A_407 : memref<10112x128xf32, #tpu.memory_space<vmem_shared>>)
        tpu.yield
      }) : () -> ()
    }
    %scan3A_230 = arith.constant 7 : i32
    %dma_wait3A_231 = arith.constant 14 : i32
    %dma_wait3A_232 = arith.constant 0 : i32
    %dma_wait3A_233 = tpu.memref_slice %arg7[%dma_wait3A_231, %dma_wait3A_232] : memref<16x125xi32, #tpu.memory_space<vmem>> -> memref<1x125xi32, #tpu.memory_space<vmem>>
    %dma_wait3A_234 = tpu.memref_squeeze %dma_wait3A_233 : memref<1x125xi32, #tpu.memory_space<vmem>> -> memref<125xi32, #tpu.memory_space<vmem>>
    %dma_wait3A_235 = arith.constant 0 : i32
    %dma_wait3A_236 = arith.constant 0 : i32
    %dma_wait3A_237 = tpu.memref_slice %arg2[%dma_wait3A_235, %dma_wait3A_236] : memref<10000x128xf32, #tpu.memory_space<hbm>> -> memref<10000x128xf32, #tpu.memory_space<hbm>>
    tpu.wait_indirect_dma semaphore(%arg13 : memref<!tpu.dma_semaphore, #tpu.memory_space<semaphore_mem>>) src(%dma_wait3A_237 : memref<10000x128xf32, #tpu.memory_space<hbm>>) dst(%arg11 : memref<125x128xf32, #tpu.memory_space<vmem>>)
    %dma_start3A_238 = arith.constant 15 : i32
    %dma_start3A_239 = arith.constant 0 : i32
    %dma_start3A_240 = tpu.memref_slice %arg7[%dma_start3A_238, %dma_start3A_239] : memref<16x125xi32, #tpu.memory_space<vmem>> -> memref<1x125xi32, #tpu.memory_space<vmem>>
    %dma_start3A_241 = tpu.memref_squeeze %dma_start3A_240 : memref<1x125xi32, #tpu.memory_space<vmem>> -> memref<125xi32, #tpu.memory_space<vmem>>
    %dma_start3A_242 = arith.constant 0 : i32
    %dma_start3A_243 = arith.constant 0 : i32
    %dma_start3A_244 = tpu.memref_slice %arg2[%dma_start3A_242, %dma_start3A_243] : memref<10000x128xf32, #tpu.memory_space<hbm>> -> memref<10000x128xf32, #tpu.memory_space<hbm>>
    tpu.enqueue_indirect_dma source(%dma_start3A_244 : memref<10000x128xf32, #tpu.memory_space<hbm>>) target(%arg12 : memref<125x128xf32, #tpu.memory_space<vmem>>) offsets(%dma_start3A_241 : memref<125xi32, #tpu.memory_space<vmem>>) semaphore(%arg14 : memref<!tpu.dma_semaphore, #tpu.memory_space<semaphore_mem>>)
    %run_scoped3A_245 = arith.constant 14 : i32
    "tpu.region"() ({
      %run_scoped3A_362 = tpu.sem_alloc : memref<!tpu.dma_semaphore, #tpu.memory_space<semaphore_mem>>
      %dma_start3A_363 = arith.constant 0 : i32
      %dma_start3A_364 = tpu.memref_slice %arg8[%run_scoped3A_245, %dma_start3A_363] : memref<16x125xi32, #tpu.memory_space<vmem>> -> memref<1x125xi32, #tpu.memory_space<vmem>>
      %dma_start3A_365 = tpu.memref_squeeze %dma_start3A_364 : memref<1x125xi32, #tpu.memory_space<vmem>> -> memref<125xi32, #tpu.memory_space<vmem>>
      %dma_start3A_366 = arith.constant 0 : i32
      %dma_start3A_367 = arith.constant 0 : i32
      %dma_start3A_368 = tpu.memref_slice %arg6[%dma_start3A_366, %dma_start3A_367] : memref<10112x128xf32, #tpu.memory_space<vmem_shared>> -> memref<10112x128xf32, #tpu.memory_space<vmem_shared>>
      tpu.enqueue_indirect_dma source(%arg11 : memref<125x128xf32, #tpu.memory_space<vmem>>) target(%dma_start3A_368 : memref<10112x128xf32, #tpu.memory_space<vmem_shared>>) offsets(%dma_start3A_365 : memref<125xi32, #tpu.memory_space<vmem>>) semaphore(%run_scoped3A_362 : memref<!tpu.dma_semaphore, #tpu.memory_space<semaphore_mem>>) {add = true}
      %dma_wait3A_369 = arith.constant 0 : i32
      %dma_wait3A_370 = tpu.memref_slice %arg8[%run_scoped3A_245, %dma_wait3A_369] : memref<16x125xi32, #tpu.memory_space<vmem>> -> memref<1x125xi32, #tpu.memory_space<vmem>>
      %dma_wait3A_371 = tpu.memref_squeeze %dma_wait3A_370 : memref<1x125xi32, #tpu.memory_space<vmem>> -> memref<125xi32, #tpu.memory_space<vmem>>
      %dma_wait3A_372 = arith.constant 0 : i32
      %dma_wait3A_373 = arith.constant 0 : i32
      %dma_wait3A_374 = tpu.memref_slice %arg6[%dma_wait3A_372, %dma_wait3A_373] : memref<10112x128xf32, #tpu.memory_space<vmem_shared>> -> memref<10112x128xf32, #tpu.memory_space<vmem_shared>>
      tpu.wait_indirect_dma semaphore(%run_scoped3A_362 : memref<!tpu.dma_semaphore, #tpu.memory_space<semaphore_mem>>) src(%arg11 : memref<125x128xf32, #tpu.memory_space<vmem>>) dst(%dma_wait3A_374 : memref<10112x128xf32, #tpu.memory_space<vmem_shared>>)
      tpu.yield
    }) : () -> ()
    %dma_start3A_246 = arith.constant 0 : i32
    %dma_start3A_247 = arith.constant 0 : i32
    %dma_start3A_248 = tpu.memref_slice %arg9[%dma_start3A_246, %dma_start3A_247] : memref<16x125xi32, #tpu.memory_space<vmem>> -> memref<1x125xi32, #tpu.memory_space<vmem>>
    %dma_start3A_249 = tpu.memref_squeeze %dma_start3A_248 : memref<1x125xi32, #tpu.memory_space<vmem>> -> memref<125xi32, #tpu.memory_space<vmem>>
    %dma_start3A_250 = arith.constant 0 : i32
    %dma_start3A_251 = arith.constant 0 : i32
    %dma_start3A_252 = tpu.memref_slice %arg2[%dma_start3A_250, %dma_start3A_251] : memref<10000x128xf32, #tpu.memory_space<hbm>> -> memref<10000x128xf32, #tpu.memory_space<hbm>>
    tpu.enqueue_indirect_dma source(%dma_start3A_252 : memref<10000x128xf32, #tpu.memory_space<hbm>>) target(%arg11 : memref<125x128xf32, #tpu.memory_space<vmem>>) offsets(%dma_start3A_249 : memref<125xi32, #tpu.memory_space<vmem>>) semaphore(%arg13 : memref<!tpu.dma_semaphore, #tpu.memory_space<semaphore_mem>>)
    %dma_wait3A_253 = arith.constant 15 : i32
    %dma_wait3A_254 = arith.constant 0 : i32
    %dma_wait3A_255 = tpu.memref_slice %arg7[%dma_wait3A_253, %dma_wait3A_254] : memref<16x125xi32, #tpu.memory_space<vmem>> -> memref<1x125xi32, #tpu.memory_space<vmem>>
    %dma_wait3A_256 = tpu.memref_squeeze %dma_wait3A_255 : memref<1x125xi32, #tpu.memory_space<vmem>> -> memref<125xi32, #tpu.memory_space<vmem>>
    %dma_wait3A_257 = arith.constant 0 : i32
    %dma_wait3A_258 = arith.constant 0 : i32
    %dma_wait3A_259 = tpu.memref_slice %arg2[%dma_wait3A_257, %dma_wait3A_258] : memref<10000x128xf32, #tpu.memory_space<hbm>> -> memref<10000x128xf32, #tpu.memory_space<hbm>>
    tpu.wait_indirect_dma semaphore(%arg14 : memref<!tpu.dma_semaphore, #tpu.memory_space<semaphore_mem>>) src(%dma_wait3A_259 : memref<10000x128xf32, #tpu.memory_space<hbm>>) dst(%arg12 : memref<125x128xf32, #tpu.memory_space<vmem>>)
    %run_scoped3A_260 = arith.constant 15 : i32
    "tpu.region"() ({
      %run_scoped3A_362 = tpu.sem_alloc : memref<!tpu.dma_semaphore, #tpu.memory_space<semaphore_mem>>
      %dma_start3A_363 = arith.constant 0 : i32
      %dma_start3A_364 = tpu.memref_slice %arg8[%run_scoped3A_260, %dma_start3A_363] : memref<16x125xi32, #tpu.memory_space<vmem>> -> memref<1x125xi32, #tpu.memory_space<vmem>>
      %dma_start3A_365 = tpu.memref_squeeze %dma_start3A_364 : memref<1x125xi32, #tpu.memory_space<vmem>> -> memref<125xi32, #tpu.memory_space<vmem>>
      %dma_start3A_366 = arith.constant 0 : i32
      %dma_start3A_367 = arith.constant 0 : i32
      %dma_start3A_368 = tpu.memref_slice %arg6[%dma_start3A_366, %dma_start3A_367] : memref<10112x128xf32, #tpu.memory_space<vmem_shared>> -> memref<10112x128xf32, #tpu.memory_space<vmem_shared>>
      tpu.enqueue_indirect_dma source(%arg12 : memref<125x128xf32, #tpu.memory_space<vmem>>) target(%dma_start3A_368 : memref<10112x128xf32, #tpu.memory_space<vmem_shared>>) offsets(%dma_start3A_365 : memref<125xi32, #tpu.memory_space<vmem>>) semaphore(%run_scoped3A_362 : memref<!tpu.dma_semaphore, #tpu.memory_space<semaphore_mem>>) {add = true}
      %dma_wait3A_369 = arith.constant 0 : i32
      %dma_wait3A_370 = tpu.memref_slice %arg8[%run_scoped3A_260, %dma_wait3A_369] : memref<16x125xi32, #tpu.memory_space<vmem>> -> memref<1x125xi32, #tpu.memory_space<vmem>>
      %dma_wait3A_371 = tpu.memref_squeeze %dma_wait3A_370 : memref<1x125xi32, #tpu.memory_space<vmem>> -> memref<125xi32, #tpu.memory_space<vmem>>
      %dma_wait3A_372 = arith.constant 0 : i32
      %dma_wait3A_373 = arith.constant 0 : i32
      %dma_wait3A_374 = tpu.memref_slice %arg6[%dma_wait3A_372, %dma_wait3A_373] : memref<10112x128xf32, #tpu.memory_space<vmem_shared>> -> memref<10112x128xf32, #tpu.memory_space<vmem_shared>>
      tpu.wait_indirect_dma semaphore(%run_scoped3A_362 : memref<!tpu.dma_semaphore, #tpu.memory_space<semaphore_mem>>) src(%arg12 : memref<125x128xf32, #tpu.memory_space<vmem>>) dst(%dma_wait3A_374 : memref<10112x128xf32, #tpu.memory_space<vmem_shared>>)
      tpu.yield
    }) : () -> ()
    %dma_start3A_261 = arith.constant 64 : i32
    %dma_start3A_262 = arith.constant 0 : i32
    %dma_start3A_263 = tpu.memref_slice %arg3[%add3A, %dma_start3A_261, %dma_start3A_262] : memref<32x80x125xi32, #tpu.memory_space<hbm>> -> memref<1x16x125xi32, #tpu.memory_space<hbm>>
    %dma_start3A_264 = tpu.memref_squeeze %dma_start3A_263 : memref<1x16x125xi32, #tpu.memory_space<hbm>> -> memref<16x125xi32, #tpu.memory_space<hbm>>
    %dma_start3A_265 = arith.constant 64 : i32
    %dma_start3A_266 = arith.constant 0 : i32
    %dma_start3A_267 = tpu.memref_slice %arg3[%add3A, %dma_start3A_265, %dma_start3A_266] : memref<32x80x125xi32, #tpu.memory_space<hbm>> -> memref<1x16x125xi32, #tpu.memory_space<hbm>>
    %dma_start3A_268 = tpu.memref_squeeze %dma_start3A_267 : memref<1x16x125xi32, #tpu.memory_space<hbm>> -> memref<16x125xi32, #tpu.memory_space<hbm>>
    tpu.enqueue_dma source(%dma_start3A_268 : memref<16x125xi32, #tpu.memory_space<hbm>>) target(%arg7 : memref<16x125xi32, #tpu.memory_space<vmem>>) target_semaphore(%arg15 : memref<!tpu.dma_semaphore, #tpu.memory_space<semaphore_mem>>)
    %dma_start3A_269 = arith.constant 64 : i32
    %dma_start3A_270 = arith.constant 0 : i32
    %dma_start3A_271 = tpu.memref_slice %arg4[%add3A, %dma_start3A_269, %dma_start3A_270] : memref<32x80x125xi32, #tpu.memory_space<hbm>> -> memref<1x16x125xi32, #tpu.memory_space<hbm>>
    %dma_start3A_272 = tpu.memref_squeeze %dma_start3A_271 : memref<1x16x125xi32, #tpu.memory_space<hbm>> -> memref<16x125xi32, #tpu.memory_space<hbm>>
    %dma_start3A_273 = arith.constant 64 : i32
    %dma_start3A_274 = arith.constant 0 : i32
    %dma_start3A_275 = tpu.memref_slice %arg4[%add3A, %dma_start3A_273, %dma_start3A_274] : memref<32x80x125xi32, #tpu.memory_space<hbm>> -> memref<1x16x125xi32, #tpu.memory_space<hbm>>
    %dma_start3A_276 = tpu.memref_squeeze %dma_start3A_275 : memref<1x16x125xi32, #tpu.memory_space<hbm>> -> memref<16x125xi32, #tpu.memory_space<hbm>>
    tpu.enqueue_dma source(%dma_start3A_276 : memref<16x125xi32, #tpu.memory_space<hbm>>) target(%arg8 : memref<16x125xi32, #tpu.memory_space<vmem>>) target_semaphore(%arg15 : memref<!tpu.dma_semaphore, #tpu.memory_space<semaphore_mem>>)
    %dma_wait3A_277 = arith.constant 64 : i32
    %dma_wait3A_278 = arith.constant 0 : i32
    %dma_wait3A_279 = tpu.memref_slice %arg3[%add3A, %dma_wait3A_277, %dma_wait3A_278] : memref<32x80x125xi32, #tpu.memory_space<hbm>> -> memref<1x16x125xi32, #tpu.memory_space<hbm>>
    %dma_wait3A_280 = tpu.memref_squeeze %dma_wait3A_279 : memref<1x16x125xi32, #tpu.memory_space<hbm>> -> memref<16x125xi32, #tpu.memory_space<hbm>>
    %dma_wait3A_281 = arith.constant 64 : i32
    %dma_wait3A_282 = arith.constant 0 : i32
    %dma_wait3A_283 = tpu.memref_slice %arg3[%add3A, %dma_wait3A_281, %dma_wait3A_282] : memref<32x80x125xi32, #tpu.memory_space<hbm>> -> memref<1x16x125xi32, #tpu.memory_space<hbm>>
    %dma_wait3A_284 = tpu.memref_squeeze %dma_wait3A_283 : memref<1x16x125xi32, #tpu.memory_space<hbm>> -> memref<16x125xi32, #tpu.memory_space<hbm>>
    tpu.wait_dma2 semaphore(%arg15 : memref<!tpu.dma_semaphore, #tpu.memory_space<semaphore_mem>>) src(%dma_wait3A_284 : memref<16x125xi32, #tpu.memory_space<hbm>>) dst(%arg7 : memref<16x125xi32, #tpu.memory_space<vmem>>)
    %dma_wait3A_285 = arith.constant 64 : i32
    %dma_wait3A_286 = arith.constant 0 : i32
    %dma_wait3A_287 = tpu.memref_slice %arg4[%add3A, %dma_wait3A_285, %dma_wait3A_286] : memref<32x80x125xi32, #tpu.memory_space<hbm>> -> memref<1x16x125xi32, #tpu.memory_space<hbm>>
    %dma_wait3A_288 = tpu.memref_squeeze %dma_wait3A_287 : memref<1x16x125xi32, #tpu.memory_space<hbm>> -> memref<16x125xi32, #tpu.memory_space<hbm>>
    %dma_wait3A_289 = arith.constant 64 : i32
    %dma_wait3A_290 = arith.constant 0 : i32
    %dma_wait3A_291 = tpu.memref_slice %arg4[%add3A, %dma_wait3A_289, %dma_wait3A_290] : memref<32x80x125xi32, #tpu.memory_space<hbm>> -> memref<1x16x125xi32, #tpu.memory_space<hbm>>
    %dma_wait3A_292 = tpu.memref_squeeze %dma_wait3A_291 : memref<1x16x125xi32, #tpu.memory_space<hbm>> -> memref<16x125xi32, #tpu.memory_space<hbm>>
    tpu.wait_dma2 semaphore(%arg15 : memref<!tpu.dma_semaphore, #tpu.memory_space<semaphore_mem>>) src(%dma_wait3A_292 : memref<16x125xi32, #tpu.memory_space<hbm>>) dst(%arg8 : memref<16x125xi32, #tpu.memory_space<vmem>>)
    %scan3A_293 = arith.constant 0 : i32
    %scan3A_294 = arith.constant 0 : i32
    %scan3A_295 = arith.constant 7 : i32
    %scan3A_296 = arith.addi %scan3A_294, %scan3A_295 : i32
    %scan3A_297 = arith.constant 1 : i32
    scf.for %scan3A_362 = %scan3A_294 to %scan3A_296 step %scan3A_297  : i32 {
      %mul3A_363 = arith.constant 2 : i32
      %mul3A_364 = arith.muli %scan3A_362, %mul3A_363 : i32
      %dma_wait3A_365 = arith.constant 0 : i32
      %dma_wait3A_366 = tpu.memref_slice %arg9[%mul3A_364, %dma_wait3A_365] : memref<16x125xi32, #tpu.memory_space<vmem>> -> memref<1x125xi32, #tpu.memory_space<vmem>>
      %dma_wait3A_367 = tpu.memref_squeeze %dma_wait3A_366 : memref<1x125xi32, #tpu.memory_space<vmem>> -> memref<125xi32, #tpu.memory_space<vmem>>
      %dma_wait3A_368 = arith.constant 0 : i32
      %dma_wait3A_369 = arith.constant 0 : i32
      %dma_wait3A_370 = tpu.memref_slice %arg2[%dma_wait3A_368, %dma_wait3A_369] : memref<10000x128xf32, #tpu.memory_space<hbm>> -> memref<10000x128xf32, #tpu.memory_space<hbm>>
      tpu.wait_indirect_dma semaphore(%arg13 : memref<!tpu.dma_semaphore, #tpu.memory_space<semaphore_mem>>) src(%dma_wait3A_370 : memref<10000x128xf32, #tpu.memory_space<hbm>>) dst(%arg11 : memref<125x128xf32, #tpu.memory_space<vmem>>)
      %add3A_371 = arith.constant 1 : i32
      %add3A_372 = arith.addi %mul3A_364, %add3A_371 : i32
      %dma_start3A_373 = arith.constant 0 : i32
      %dma_start3A_374 = tpu.memref_slice %arg9[%add3A_372, %dma_start3A_373] : memref<16x125xi32, #tpu.memory_space<vmem>> -> memref<1x125xi32, #tpu.memory_space<vmem>>
      %dma_start3A_375 = tpu.memref_squeeze %dma_start3A_374 : memref<1x125xi32, #tpu.memory_space<vmem>> -> memref<125xi32, #tpu.memory_space<vmem>>
      %dma_start3A_376 = arith.constant 0 : i32
      %dma_start3A_377 = arith.constant 0 : i32
      %dma_start3A_378 = tpu.memref_slice %arg2[%dma_start3A_376, %dma_start3A_377] : memref<10000x128xf32, #tpu.memory_space<hbm>> -> memref<10000x128xf32, #tpu.memory_space<hbm>>
      tpu.enqueue_indirect_dma source(%dma_start3A_378 : memref<10000x128xf32, #tpu.memory_space<hbm>>) target(%arg12 : memref<125x128xf32, #tpu.memory_space<vmem>>) offsets(%dma_start3A_375 : memref<125xi32, #tpu.memory_space<vmem>>) semaphore(%arg14 : memref<!tpu.dma_semaphore, #tpu.memory_space<semaphore_mem>>)
      "tpu.region"() ({
        %run_scoped3A_395 = tpu.sem_alloc : memref<!tpu.dma_semaphore, #tpu.memory_space<semaphore_mem>>
        %dma_start3A_396 = arith.constant 0 : i32
        %dma_start3A_397 = tpu.memref_slice %arg10[%mul3A_364, %dma_start3A_396] : memref<16x125xi32, #tpu.memory_space<vmem>> -> memref<1x125xi32, #tpu.memory_space<vmem>>
        %dma_start3A_398 = tpu.memref_squeeze %dma_start3A_397 : memref<1x125xi32, #tpu.memory_space<vmem>> -> memref<125xi32, #tpu.memory_space<vmem>>
        %dma_start3A_399 = arith.constant 0 : i32
        %dma_start3A_400 = arith.constant 0 : i32
        %dma_start3A_401 = tpu.memref_slice %arg6[%dma_start3A_399, %dma_start3A_400] : memref<10112x128xf32, #tpu.memory_space<vmem_shared>> -> memref<10112x128xf32, #tpu.memory_space<vmem_shared>>
        tpu.enqueue_indirect_dma source(%arg11 : memref<125x128xf32, #tpu.memory_space<vmem>>) target(%dma_start3A_401 : memref<10112x128xf32, #tpu.memory_space<vmem_shared>>) offsets(%dma_start3A_398 : memref<125xi32, #tpu.memory_space<vmem>>) semaphore(%run_scoped3A_395 : memref<!tpu.dma_semaphore, #tpu.memory_space<semaphore_mem>>) {add = true}
        %dma_wait3A_402 = arith.constant 0 : i32
        %dma_wait3A_403 = tpu.memref_slice %arg10[%mul3A_364, %dma_wait3A_402] : memref<16x125xi32, #tpu.memory_space<vmem>> -> memref<1x125xi32, #tpu.memory_space<vmem>>
        %dma_wait3A_404 = tpu.memref_squeeze %dma_wait3A_403 : memref<1x125xi32, #tpu.memory_space<vmem>> -> memref<125xi32, #tpu.memory_space<vmem>>
        %dma_wait3A_405 = arith.constant 0 : i32
        %dma_wait3A_406 = arith.constant 0 : i32
        %dma_wait3A_407 = tpu.memref_slice %arg6[%dma_wait3A_405, %dma_wait3A_406] : memref<10112x128xf32, #tpu.memory_space<vmem_shared>> -> memref<10112x128xf32, #tpu.memory_space<vmem_shared>>
        tpu.wait_indirect_dma semaphore(%run_scoped3A_395 : memref<!tpu.dma_semaphore, #tpu.memory_space<semaphore_mem>>) src(%arg11 : memref<125x128xf32, #tpu.memory_space<vmem>>) dst(%dma_wait3A_407 : memref<10112x128xf32, #tpu.memory_space<vmem_shared>>)
        tpu.yield
      }) : () -> ()
      %add3A_379 = arith.constant 2 : i32
      %add3A_380 = arith.addi %mul3A_364, %add3A_379 : i32
      %dma_start3A_381 = arith.constant 0 : i32
      %dma_start3A_382 = tpu.memref_slice %arg9[%add3A_380, %dma_start3A_381] : memref<16x125xi32, #tpu.memory_space<vmem>> -> memref<1x125xi32, #tpu.memory_space<vmem>>
      %dma_start3A_383 = tpu.memref_squeeze %dma_start3A_382 : memref<1x125xi32, #tpu.memory_space<vmem>> -> memref<125xi32, #tpu.memory_space<vmem>>
      %dma_start3A_384 = arith.constant 0 : i32
      %dma_start3A_385 = arith.constant 0 : i32
      %dma_start3A_386 = tpu.memref_slice %arg2[%dma_start3A_384, %dma_start3A_385] : memref<10000x128xf32, #tpu.memory_space<hbm>> -> memref<10000x128xf32, #tpu.memory_space<hbm>>
      tpu.enqueue_indirect_dma source(%dma_start3A_386 : memref<10000x128xf32, #tpu.memory_space<hbm>>) target(%arg11 : memref<125x128xf32, #tpu.memory_space<vmem>>) offsets(%dma_start3A_383 : memref<125xi32, #tpu.memory_space<vmem>>) semaphore(%arg13 : memref<!tpu.dma_semaphore, #tpu.memory_space<semaphore_mem>>)
      %dma_wait3A_387 = arith.constant 0 : i32
      %dma_wait3A_388 = tpu.memref_slice %arg9[%add3A_372, %dma_wait3A_387] : memref<16x125xi32, #tpu.memory_space<vmem>> -> memref<1x125xi32, #tpu.memory_space<vmem>>
      %dma_wait3A_389 = tpu.memref_squeeze %dma_wait3A_388 : memref<1x125xi32, #tpu.memory_space<vmem>> -> memref<125xi32, #tpu.memory_space<vmem>>
      %dma_wait3A_390 = arith.constant 0 : i32
      %dma_wait3A_391 = arith.constant 0 : i32
      %dma_wait3A_392 = tpu.memref_slice %arg2[%dma_wait3A_390, %dma_wait3A_391] : memref<10000x128xf32, #tpu.memory_space<hbm>> -> memref<10000x128xf32, #tpu.memory_space<hbm>>
      tpu.wait_indirect_dma semaphore(%arg14 : memref<!tpu.dma_semaphore, #tpu.memory_space<semaphore_mem>>) src(%dma_wait3A_392 : memref<10000x128xf32, #tpu.memory_space<hbm>>) dst(%arg12 : memref<125x128xf32, #tpu.memory_space<vmem>>)
      %add3A_393 = arith.constant 1 : i32
      %add3A_394 = arith.addi %mul3A_364, %add3A_393 : i32
      "tpu.region"() ({
        %run_scoped3A_395 = tpu.sem_alloc : memref<!tpu.dma_semaphore, #tpu.memory_space<semaphore_mem>>
        %dma_start3A_396 = arith.constant 0 : i32
        %dma_start3A_397 = tpu.memref_slice %arg10[%add3A_394, %dma_start3A_396] : memref<16x125xi32, #tpu.memory_space<vmem>> -> memref<1x125xi32, #tpu.memory_space<vmem>>
        %dma_start3A_398 = tpu.memref_squeeze %dma_start3A_397 : memref<1x125xi32, #tpu.memory_space<vmem>> -> memref<125xi32, #tpu.memory_space<vmem>>
        %dma_start3A_399 = arith.constant 0 : i32
        %dma_start3A_400 = arith.constant 0 : i32
        %dma_start3A_401 = tpu.memref_slice %arg6[%dma_start3A_399, %dma_start3A_400] : memref<10112x128xf32, #tpu.memory_space<vmem_shared>> -> memref<10112x128xf32, #tpu.memory_space<vmem_shared>>
        tpu.enqueue_indirect_dma source(%arg12 : memref<125x128xf32, #tpu.memory_space<vmem>>) target(%dma_start3A_401 : memref<10112x128xf32, #tpu.memory_space<vmem_shared>>) offsets(%dma_start3A_398 : memref<125xi32, #tpu.memory_space<vmem>>) semaphore(%run_scoped3A_395 : memref<!tpu.dma_semaphore, #tpu.memory_space<semaphore_mem>>) {add = true}
        %dma_wait3A_402 = arith.constant 0 : i32
        %dma_wait3A_403 = tpu.memref_slice %arg10[%add3A_394, %dma_wait3A_402] : memref<16x125xi32, #tpu.memory_space<vmem>> -> memref<1x125xi32, #tpu.memory_space<vmem>>
        %dma_wait3A_404 = tpu.memref_squeeze %dma_wait3A_403 : memref<1x125xi32, #tpu.memory_space<vmem>> -> memref<125xi32, #tpu.memory_space<vmem>>
        %dma_wait3A_405 = arith.constant 0 : i32
        %dma_wait3A_406 = arith.constant 0 : i32
        %dma_wait3A_407 = tpu.memref_slice %arg6[%dma_wait3A_405, %dma_wait3A_406] : memref<10112x128xf32, #tpu.memory_space<vmem_shared>> -> memref<10112x128xf32, #tpu.memory_space<vmem_shared>>
        tpu.wait_indirect_dma semaphore(%run_scoped3A_395 : memref<!tpu.dma_semaphore, #tpu.memory_space<semaphore_mem>>) src(%arg12 : memref<125x128xf32, #tpu.memory_space<vmem>>) dst(%dma_wait3A_407 : memref<10112x128xf32, #tpu.memory_space<vmem_shared>>)
        tpu.yield
      }) : () -> ()
    }
    %scan3A_298 = arith.constant 7 : i32
    %dma_wait3A_299 = arith.constant 14 : i32
    %dma_wait3A_300 = arith.constant 0 : i32
    %dma_wait3A_301 = tpu.memref_slice %arg9[%dma_wait3A_299, %dma_wait3A_300] : memref<16x125xi32, #tpu.memory_space<vmem>> -> memref<1x125xi32, #tpu.memory_space<vmem>>
    %dma_wait3A_302 = tpu.memref_squeeze %dma_wait3A_301 : memref<1x125xi32, #tpu.memory_space<vmem>> -> memref<125xi32, #tpu.memory_space<vmem>>
    %dma_wait3A_303 = arith.constant 0 : i32
    %dma_wait3A_304 = arith.constant 0 : i32
    %dma_wait3A_305 = tpu.memref_slice %arg2[%dma_wait3A_303, %dma_wait3A_304] : memref<10000x128xf32, #tpu.memory_space<hbm>> -> memref<10000x128xf32, #tpu.memory_space<hbm>>
    tpu.wait_indirect_dma semaphore(%arg13 : memref<!tpu.dma_semaphore, #tpu.memory_space<semaphore_mem>>) src(%dma_wait3A_305 : memref<10000x128xf32, #tpu.memory_space<hbm>>) dst(%arg11 : memref<125x128xf32, #tpu.memory_space<vmem>>)
    %dma_start3A_306 = arith.constant 15 : i32
    %dma_start3A_307 = arith.constant 0 : i32
    %dma_start3A_308 = tpu.memref_slice %arg9[%dma_start3A_306, %dma_start3A_307] : memref<16x125xi32, #tpu.memory_space<vmem>> -> memref<1x125xi32, #tpu.memory_space<vmem>>
    %dma_start3A_309 = tpu.memref_squeeze %dma_start3A_308 : memref<1x125xi32, #tpu.memory_space<vmem>> -> memref<125xi32, #tpu.memory_space<vmem>>
    %dma_start3A_310 = arith.constant 0 : i32
    %dma_start3A_311 = arith.constant 0 : i32
    %dma_start3A_312 = tpu.memref_slice %arg2[%dma_start3A_310, %dma_start3A_311] : memref<10000x128xf32, #tpu.memory_space<hbm>> -> memref<10000x128xf32, #tpu.memory_space<hbm>>
    tpu.enqueue_indirect_dma source(%dma_start3A_312 : memref<10000x128xf32, #tpu.memory_space<hbm>>) target(%arg12 : memref<125x128xf32, #tpu.memory_space<vmem>>) offsets(%dma_start3A_309 : memref<125xi32, #tpu.memory_space<vmem>>) semaphore(%arg14 : memref<!tpu.dma_semaphore, #tpu.memory_space<semaphore_mem>>)
    %run_scoped3A_313 = arith.constant 14 : i32
    "tpu.region"() ({
      %run_scoped3A_362 = tpu.sem_alloc : memref<!tpu.dma_semaphore, #tpu.memory_space<semaphore_mem>>
      %dma_start3A_363 = arith.constant 0 : i32
      %dma_start3A_364 = tpu.memref_slice %arg10[%run_scoped3A_313, %dma_start3A_363] : memref<16x125xi32, #tpu.memory_space<vmem>> -> memref<1x125xi32, #tpu.memory_space<vmem>>
      %dma_start3A_365 = tpu.memref_squeeze %dma_start3A_364 : memref<1x125xi32, #tpu.memory_space<vmem>> -> memref<125xi32, #tpu.memory_space<vmem>>
      %dma_start3A_366 = arith.constant 0 : i32
      %dma_start3A_367 = arith.constant 0 : i32
      %dma_start3A_368 = tpu.memref_slice %arg6[%dma_start3A_366, %dma_start3A_367] : memref<10112x128xf32, #tpu.memory_space<vmem_shared>> -> memref<10112x128xf32, #tpu.memory_space<vmem_shared>>
      tpu.enqueue_indirect_dma source(%arg11 : memref<125x128xf32, #tpu.memory_space<vmem>>) target(%dma_start3A_368 : memref<10112x128xf32, #tpu.memory_space<vmem_shared>>) offsets(%dma_start3A_365 : memref<125xi32, #tpu.memory_space<vmem>>) semaphore(%run_scoped3A_362 : memref<!tpu.dma_semaphore, #tpu.memory_space<semaphore_mem>>) {add = true}
      %dma_wait3A_369 = arith.constant 0 : i32
      %dma_wait3A_370 = tpu.memref_slice %arg10[%run_scoped3A_313, %dma_wait3A_369] : memref<16x125xi32, #tpu.memory_space<vmem>> -> memref<1x125xi32, #tpu.memory_space<vmem>>
      %dma_wait3A_371 = tpu.memref_squeeze %dma_wait3A_370 : memref<1x125xi32, #tpu.memory_space<vmem>> -> memref<125xi32, #tpu.memory_space<vmem>>
      %dma_wait3A_372 = arith.constant 0 : i32
      %dma_wait3A_373 = arith.constant 0 : i32
      %dma_wait3A_374 = tpu.memref_slice %arg6[%dma_wait3A_372, %dma_wait3A_373] : memref<10112x128xf32, #tpu.memory_space<vmem_shared>> -> memref<10112x128xf32, #tpu.memory_space<vmem_shared>>
      tpu.wait_indirect_dma semaphore(%run_scoped3A_362 : memref<!tpu.dma_semaphore, #tpu.memory_space<semaphore_mem>>) src(%arg11 : memref<125x128xf32, #tpu.memory_space<vmem>>) dst(%dma_wait3A_374 : memref<10112x128xf32, #tpu.memory_space<vmem_shared>>)
      tpu.yield
    }) : () -> ()
    %dma_start3A_314 = arith.constant 0 : i32
    %dma_start3A_315 = arith.constant 0 : i32
    %dma_start3A_316 = tpu.memref_slice %arg7[%dma_start3A_314, %dma_start3A_315] : memref<16x125xi32, #tpu.memory_space<vmem>> -> memref<1x125xi32, #tpu.memory_space<vmem>>
    %dma_start3A_317 = tpu.memref_squeeze %dma_start3A_316 : memref<1x125xi32, #tpu.memory_space<vmem>> -> memref<125xi32, #tpu.memory_space<vmem>>
    %dma_start3A_318 = arith.constant 0 : i32
    %dma_start3A_319 = arith.constant 0 : i32
    %dma_start3A_320 = tpu.memref_slice %arg2[%dma_start3A_318, %dma_start3A_319] : memref<10000x128xf32, #tpu.memory_space<hbm>> -> memref<10000x128xf32, #tpu.memory_space<hbm>>
    tpu.enqueue_indirect_dma source(%dma_start3A_320 : memref<10000x128xf32, #tpu.memory_space<hbm>>) target(%arg11 : memref<125x128xf32, #tpu.memory_space<vmem>>) offsets(%dma_start3A_317 : memref<125xi32, #tpu.memory_space<vmem>>) semaphore(%arg13 : memref<!tpu.dma_semaphore, #tpu.memory_space<semaphore_mem>>)
    %dma_wait3A_321 = arith.constant 15 : i32
    %dma_wait3A_322 = arith.constant 0 : i32
    %dma_wait3A_323 = tpu.memref_slice %arg9[%dma_wait3A_321, %dma_wait3A_322] : memref<16x125xi32, #tpu.memory_space<vmem>> -> memref<1x125xi32, #tpu.memory_space<vmem>>
    %dma_wait3A_324 = tpu.memref_squeeze %dma_wait3A_323 : memref<1x125xi32, #tpu.memory_space<vmem>> -> memref<125xi32, #tpu.memory_space<vmem>>
    %dma_wait3A_325 = arith.constant 0 : i32
    %dma_wait3A_326 = arith.constant 0 : i32
    %dma_wait3A_327 = tpu.memref_slice %arg2[%dma_wait3A_325, %dma_wait3A_326] : memref<10000x128xf32, #tpu.memory_space<hbm>> -> memref<10000x128xf32, #tpu.memory_space<hbm>>
    tpu.wait_indirect_dma semaphore(%arg14 : memref<!tpu.dma_semaphore, #tpu.memory_space<semaphore_mem>>) src(%dma_wait3A_327 : memref<10000x128xf32, #tpu.memory_space<hbm>>) dst(%arg12 : memref<125x128xf32, #tpu.memory_space<vmem>>)
    %run_scoped3A_328 = arith.constant 15 : i32
    "tpu.region"() ({
      %run_scoped3A_362 = tpu.sem_alloc : memref<!tpu.dma_semaphore, #tpu.memory_space<semaphore_mem>>
      %dma_start3A_363 = arith.constant 0 : i32
      %dma_start3A_364 = tpu.memref_slice %arg10[%run_scoped3A_328, %dma_start3A_363] : memref<16x125xi32, #tpu.memory_space<vmem>> -> memref<1x125xi32, #tpu.memory_space<vmem>>
      %dma_start3A_365 = tpu.memref_squeeze %dma_start3A_364 : memref<1x125xi32, #tpu.memory_space<vmem>> -> memref<125xi32, #tpu.memory_space<vmem>>
      %dma_start3A_366 = arith.constant 0 : i32
      %dma_start3A_367 = arith.constant 0 : i32
      %dma_start3A_368 = tpu.memref_slice %arg6[%dma_start3A_366, %dma_start3A_367] : memref<10112x128xf32, #tpu.memory_space<vmem_shared>> -> memref<10112x128xf32, #tpu.memory_space<vmem_shared>>
      tpu.enqueue_indirect_dma source(%arg12 : memref<125x128xf32, #tpu.memory_space<vmem>>) target(%dma_start3A_368 : memref<10112x128xf32, #tpu.memory_space<vmem_shared>>) offsets(%dma_start3A_365 : memref<125xi32, #tpu.memory_space<vmem>>) semaphore(%run_scoped3A_362 : memref<!tpu.dma_semaphore, #tpu.memory_space<semaphore_mem>>) {add = true}
      %dma_wait3A_369 = arith.constant 0 : i32
      %dma_wait3A_370 = tpu.memref_slice %arg10[%run_scoped3A_328, %dma_wait3A_369] : memref<16x125xi32, #tpu.memory_space<vmem>> -> memref<1x125xi32, #tpu.memory_space<vmem>>
      %dma_wait3A_371 = tpu.memref_squeeze %dma_wait3A_370 : memref<1x125xi32, #tpu.memory_space<vmem>> -> memref<125xi32, #tpu.memory_space<vmem>>
      %dma_wait3A_372 = arith.constant 0 : i32
      %dma_wait3A_373 = arith.constant 0 : i32
      %dma_wait3A_374 = tpu.memref_slice %arg6[%dma_wait3A_372, %dma_wait3A_373] : memref<10112x128xf32, #tpu.memory_space<vmem_shared>> -> memref<10112x128xf32, #tpu.memory_space<vmem_shared>>
      tpu.wait_indirect_dma semaphore(%run_scoped3A_362 : memref<!tpu.dma_semaphore, #tpu.memory_space<semaphore_mem>>) src(%arg12 : memref<125x128xf32, #tpu.memory_space<vmem>>) dst(%dma_wait3A_374 : memref<10112x128xf32, #tpu.memory_space<vmem_shared>>)
      tpu.yield
    }) : () -> ()
    %scan3A_329 = arith.constant 0 : i32
    %scan3A_330 = arith.constant 0 : i32
    %scan3A_331 = arith.constant 7 : i32
    %scan3A_332 = arith.addi %scan3A_330, %scan3A_331 : i32
    %scan3A_333 = arith.constant 1 : i32
    scf.for %scan3A_362 = %scan3A_330 to %scan3A_332 step %scan3A_333  : i32 {
      %mul3A_363 = arith.constant 2 : i32
      %mul3A_364 = arith.muli %scan3A_362, %mul3A_363 : i32
      %dma_wait3A_365 = arith.constant 0 : i32
      %dma_wait3A_366 = tpu.memref_slice %arg7[%mul3A_364, %dma_wait3A_365] : memref<16x125xi32, #tpu.memory_space<vmem>> -> memref<1x125xi32, #tpu.memory_space<vmem>>
      %dma_wait3A_367 = tpu.memref_squeeze %dma_wait3A_366 : memref<1x125xi32, #tpu.memory_space<vmem>> -> memref<125xi32, #tpu.memory_space<vmem>>
      %dma_wait3A_368 = arith.constant 0 : i32
      %dma_wait3A_369 = arith.constant 0 : i32
      %dma_wait3A_370 = tpu.memref_slice %arg2[%dma_wait3A_368, %dma_wait3A_369] : memref<10000x128xf32, #tpu.memory_space<hbm>> -> memref<10000x128xf32, #tpu.memory_space<hbm>>
      tpu.wait_indirect_dma semaphore(%arg13 : memref<!tpu.dma_semaphore, #tpu.memory_space<semaphore_mem>>) src(%dma_wait3A_370 : memref<10000x128xf32, #tpu.memory_space<hbm>>) dst(%arg11 : memref<125x128xf32, #tpu.memory_space<vmem>>)
      %add3A_371 = arith.constant 1 : i32
      %add3A_372 = arith.addi %mul3A_364, %add3A_371 : i32
      %dma_start3A_373 = arith.constant 0 : i32
      %dma_start3A_374 = tpu.memref_slice %arg7[%add3A_372, %dma_start3A_373] : memref<16x125xi32, #tpu.memory_space<vmem>> -> memref<1x125xi32, #tpu.memory_space<vmem>>
      %dma_start3A_375 = tpu.memref_squeeze %dma_start3A_374 : memref<1x125xi32, #tpu.memory_space<vmem>> -> memref<125xi32, #tpu.memory_space<vmem>>
      %dma_start3A_376 = arith.constant 0 : i32
      %dma_start3A_377 = arith.constant 0 : i32
      %dma_start3A_378 = tpu.memref_slice %arg2[%dma_start3A_376, %dma_start3A_377] : memref<10000x128xf32, #tpu.memory_space<hbm>> -> memref<10000x128xf32, #tpu.memory_space<hbm>>
      tpu.enqueue_indirect_dma source(%dma_start3A_378 : memref<10000x128xf32, #tpu.memory_space<hbm>>) target(%arg12 : memref<125x128xf32, #tpu.memory_space<vmem>>) offsets(%dma_start3A_375 : memref<125xi32, #tpu.memory_space<vmem>>) semaphore(%arg14 : memref<!tpu.dma_semaphore, #tpu.memory_space<semaphore_mem>>)
      "tpu.region"() ({
        %run_scoped3A_395 = tpu.sem_alloc : memref<!tpu.dma_semaphore, #tpu.memory_space<semaphore_mem>>
        %dma_start3A_396 = arith.constant 0 : i32
        %dma_start3A_397 = tpu.memref_slice %arg8[%mul3A_364, %dma_start3A_396] : memref<16x125xi32, #tpu.memory_space<vmem>> -> memref<1x125xi32, #tpu.memory_space<vmem>>
        %dma_start3A_398 = tpu.memref_squeeze %dma_start3A_397 : memref<1x125xi32, #tpu.memory_space<vmem>> -> memref<125xi32, #tpu.memory_space<vmem>>
        %dma_start3A_399 = arith.constant 0 : i32
        %dma_start3A_400 = arith.constant 0 : i32
        %dma_start3A_401 = tpu.memref_slice %arg6[%dma_start3A_399, %dma_start3A_400] : memref<10112x128xf32, #tpu.memory_space<vmem_shared>> -> memref<10112x128xf32, #tpu.memory_space<vmem_shared>>
        tpu.enqueue_indirect_dma source(%arg11 : memref<125x128xf32, #tpu.memory_space<vmem>>) target(%dma_start3A_401 : memref<10112x128xf32, #tpu.memory_space<vmem_shared>>) offsets(%dma_start3A_398 : memref<125xi32, #tpu.memory_space<vmem>>) semaphore(%run_scoped3A_395 : memref<!tpu.dma_semaphore, #tpu.memory_space<semaphore_mem>>) {add = true}
        %dma_wait3A_402 = arith.constant 0 : i32
        %dma_wait3A_403 = tpu.memref_slice %arg8[%mul3A_364, %dma_wait3A_402] : memref<16x125xi32, #tpu.memory_space<vmem>> -> memref<1x125xi32, #tpu.memory_space<vmem>>
        %dma_wait3A_404 = tpu.memref_squeeze %dma_wait3A_403 : memref<1x125xi32, #tpu.memory_space<vmem>> -> memref<125xi32, #tpu.memory_space<vmem>>
        %dma_wait3A_405 = arith.constant 0 : i32
        %dma_wait3A_406 = arith.constant 0 : i32
        %dma_wait3A_407 = tpu.memref_slice %arg6[%dma_wait3A_405, %dma_wait3A_406] : memref<10112x128xf32, #tpu.memory_space<vmem_shared>> -> memref<10112x128xf32, #tpu.memory_space<vmem_shared>>
        tpu.wait_indirect_dma semaphore(%run_scoped3A_395 : memref<!tpu.dma_semaphore, #tpu.memory_space<semaphore_mem>>) src(%arg11 : memref<125x128xf32, #tpu.memory_space<vmem>>) dst(%dma_wait3A_407 : memref<10112x128xf32, #tpu.memory_space<vmem_shared>>)
        tpu.yield
      }) : () -> ()
      %add3A_379 = arith.constant 2 : i32
      %add3A_380 = arith.addi %mul3A_364, %add3A_379 : i32
      %dma_start3A_381 = arith.constant 0 : i32
      %dma_start3A_382 = tpu.memref_slice %arg7[%add3A_380, %dma_start3A_381] : memref<16x125xi32, #tpu.memory_space<vmem>> -> memref<1x125xi32, #tpu.memory_space<vmem>>
      %dma_start3A_383 = tpu.memref_squeeze %dma_start3A_382 : memref<1x125xi32, #tpu.memory_space<vmem>> -> memref<125xi32, #tpu.memory_space<vmem>>
      %dma_start3A_384 = arith.constant 0 : i32
      %dma_start3A_385 = arith.constant 0 : i32
      %dma_start3A_386 = tpu.memref_slice %arg2[%dma_start3A_384, %dma_start3A_385] : memref<10000x128xf32, #tpu.memory_space<hbm>> -> memref<10000x128xf32, #tpu.memory_space<hbm>>
      tpu.enqueue_indirect_dma source(%dma_start3A_386 : memref<10000x128xf32, #tpu.memory_space<hbm>>) target(%arg11 : memref<125x128xf32, #tpu.memory_space<vmem>>) offsets(%dma_start3A_383 : memref<125xi32, #tpu.memory_space<vmem>>) semaphore(%arg13 : memref<!tpu.dma_semaphore, #tpu.memory_space<semaphore_mem>>)
      %dma_wait3A_387 = arith.constant 0 : i32
      %dma_wait3A_388 = tpu.memref_slice %arg7[%add3A_372, %dma_wait3A_387] : memref<16x125xi32, #tpu.memory_space<vmem>> -> memref<1x125xi32, #tpu.memory_space<vmem>>
      %dma_wait3A_389 = tpu.memref_squeeze %dma_wait3A_388 : memref<1x125xi32, #tpu.memory_space<vmem>> -> memref<125xi32, #tpu.memory_space<vmem>>
      %dma_wait3A_390 = arith.constant 0 : i32
      %dma_wait3A_391 = arith.constant 0 : i32
      %dma_wait3A_392 = tpu.memref_slice %arg2[%dma_wait3A_390, %dma_wait3A_391] : memref<10000x128xf32, #tpu.memory_space<hbm>> -> memref<10000x128xf32, #tpu.memory_space<hbm>>
      tpu.wait_indirect_dma semaphore(%arg14 : memref<!tpu.dma_semaphore, #tpu.memory_space<semaphore_mem>>) src(%dma_wait3A_392 : memref<10000x128xf32, #tpu.memory_space<hbm>>) dst(%arg12 : memref<125x128xf32, #tpu.memory_space<vmem>>)
      %add3A_393 = arith.constant 1 : i32
      %add3A_394 = arith.addi %mul3A_364, %add3A_393 : i32
      "tpu.region"() ({
        %run_scoped3A_395 = tpu.sem_alloc : memref<!tpu.dma_semaphore, #tpu.memory_space<semaphore_mem>>
        %dma_start3A_396 = arith.constant 0 : i32
        %dma_start3A_397 = tpu.memref_slice %arg8[%add3A_394, %dma_start3A_396] : memref<16x125xi32, #tpu.memory_space<vmem>> -> memref<1x125xi32, #tpu.memory_space<vmem>>
        %dma_start3A_398 = tpu.memref_squeeze %dma_start3A_397 : memref<1x125xi32, #tpu.memory_space<vmem>> -> memref<125xi32, #tpu.memory_space<vmem>>
        %dma_start3A_399 = arith.constant 0 : i32
        %dma_start3A_400 = arith.constant 0 : i32
        %dma_start3A_401 = tpu.memref_slice %arg6[%dma_start3A_399, %dma_start3A_400] : memref<10112x128xf32, #tpu.memory_space<vmem_shared>> -> memref<10112x128xf32, #tpu.memory_space<vmem_shared>>
        tpu.enqueue_indirect_dma source(%arg12 : memref<125x128xf32, #tpu.memory_space<vmem>>) target(%dma_start3A_401 : memref<10112x128xf32, #tpu.memory_space<vmem_shared>>) offsets(%dma_start3A_398 : memref<125xi32, #tpu.memory_space<vmem>>) semaphore(%run_scoped3A_395 : memref<!tpu.dma_semaphore, #tpu.memory_space<semaphore_mem>>) {add = true}
        %dma_wait3A_402 = arith.constant 0 : i32
        %dma_wait3A_403 = tpu.memref_slice %arg8[%add3A_394, %dma_wait3A_402] : memref<16x125xi32, #tpu.memory_space<vmem>> -> memref<1x125xi32, #tpu.memory_space<vmem>>
        %dma_wait3A_404 = tpu.memref_squeeze %dma_wait3A_403 : memref<1x125xi32, #tpu.memory_space<vmem>> -> memref<125xi32, #tpu.memory_space<vmem>>
        %dma_wait3A_405 = arith.constant 0 : i32
        %dma_wait3A_406 = arith.constant 0 : i32
        %dma_wait3A_407 = tpu.memref_slice %arg6[%dma_wait3A_405, %dma_wait3A_406] : memref<10112x128xf32, #tpu.memory_space<vmem_shared>> -> memref<10112x128xf32, #tpu.memory_space<vmem_shared>>
        tpu.wait_indirect_dma semaphore(%run_scoped3A_395 : memref<!tpu.dma_semaphore, #tpu.memory_space<semaphore_mem>>) src(%arg12 : memref<125x128xf32, #tpu.memory_space<vmem>>) dst(%dma_wait3A_407 : memref<10112x128xf32, #tpu.memory_space<vmem_shared>>)
        tpu.yield
      }) : () -> ()
    }
    %scan3A_334 = arith.constant 7 : i32
    %dma_wait3A_335 = arith.constant 14 : i32
    %dma_wait3A_336 = arith.constant 0 : i32
    %dma_wait3A_337 = tpu.memref_slice %arg7[%dma_wait3A_335, %dma_wait3A_336] : memref<16x125xi32, #tpu.memory_space<vmem>> -> memref<1x125xi32, #tpu.memory_space<vmem>>
    %dma_wait3A_338 = tpu.memref_squeeze %dma_wait3A_337 : memref<1x125xi32, #tpu.memory_space<vmem>> -> memref<125xi32, #tpu.memory_space<vmem>>
    %dma_wait3A_339 = arith.constant 0 : i32
    %dma_wait3A_340 = arith.constant 0 : i32
    %dma_wait3A_341 = tpu.memref_slice %arg2[%dma_wait3A_339, %dma_wait3A_340] : memref<10000x128xf32, #tpu.memory_space<hbm>> -> memref<10000x128xf32, #tpu.memory_space<hbm>>
    tpu.wait_indirect_dma semaphore(%arg13 : memref<!tpu.dma_semaphore, #tpu.memory_space<semaphore_mem>>) src(%dma_wait3A_341 : memref<10000x128xf32, #tpu.memory_space<hbm>>) dst(%arg11 : memref<125x128xf32, #tpu.memory_space<vmem>>)
    %dma_start3A_342 = arith.constant 15 : i32
    %dma_start3A_343 = arith.constant 0 : i32
    %dma_start3A_344 = tpu.memref_slice %arg7[%dma_start3A_342, %dma_start3A_343] : memref<16x125xi32, #tpu.memory_space<vmem>> -> memref<1x125xi32, #tpu.memory_space<vmem>>
    %dma_start3A_345 = tpu.memref_squeeze %dma_start3A_344 : memref<1x125xi32, #tpu.memory_space<vmem>> -> memref<125xi32, #tpu.memory_space<vmem>>
    %dma_start3A_346 = arith.constant 0 : i32
    %dma_start3A_347 = arith.constant 0 : i32
    %dma_start3A_348 = tpu.memref_slice %arg2[%dma_start3A_346, %dma_start3A_347] : memref<10000x128xf32, #tpu.memory_space<hbm>> -> memref<10000x128xf32, #tpu.memory_space<hbm>>
    tpu.enqueue_indirect_dma source(%dma_start3A_348 : memref<10000x128xf32, #tpu.memory_space<hbm>>) target(%arg12 : memref<125x128xf32, #tpu.memory_space<vmem>>) offsets(%dma_start3A_345 : memref<125xi32, #tpu.memory_space<vmem>>) semaphore(%arg14 : memref<!tpu.dma_semaphore, #tpu.memory_space<semaphore_mem>>)
    %run_scoped3A_349 = arith.constant 14 : i32
    "tpu.region"() ({
      %run_scoped3A_362 = tpu.sem_alloc : memref<!tpu.dma_semaphore, #tpu.memory_space<semaphore_mem>>
      %dma_start3A_363 = arith.constant 0 : i32
      %dma_start3A_364 = tpu.memref_slice %arg8[%run_scoped3A_349, %dma_start3A_363] : memref<16x125xi32, #tpu.memory_space<vmem>> -> memref<1x125xi32, #tpu.memory_space<vmem>>
      %dma_start3A_365 = tpu.memref_squeeze %dma_start3A_364 : memref<1x125xi32, #tpu.memory_space<vmem>> -> memref<125xi32, #tpu.memory_space<vmem>>
      %dma_start3A_366 = arith.constant 0 : i32
      %dma_start3A_367 = arith.constant 0 : i32
      %dma_start3A_368 = tpu.memref_slice %arg6[%dma_start3A_366, %dma_start3A_367] : memref<10112x128xf32, #tpu.memory_space<vmem_shared>> -> memref<10112x128xf32, #tpu.memory_space<vmem_shared>>
      tpu.enqueue_indirect_dma source(%arg11 : memref<125x128xf32, #tpu.memory_space<vmem>>) target(%dma_start3A_368 : memref<10112x128xf32, #tpu.memory_space<vmem_shared>>) offsets(%dma_start3A_365 : memref<125xi32, #tpu.memory_space<vmem>>) semaphore(%run_scoped3A_362 : memref<!tpu.dma_semaphore, #tpu.memory_space<semaphore_mem>>) {add = true}
      %dma_wait3A_369 = arith.constant 0 : i32
      %dma_wait3A_370 = tpu.memref_slice %arg8[%run_scoped3A_349, %dma_wait3A_369] : memref<16x125xi32, #tpu.memory_space<vmem>> -> memref<1x125xi32, #tpu.memory_space<vmem>>
      %dma_wait3A_371 = tpu.memref_squeeze %dma_wait3A_370 : memref<1x125xi32, #tpu.memory_space<vmem>> -> memref<125xi32, #tpu.memory_space<vmem>>
      %dma_wait3A_372 = arith.constant 0 : i32
      %dma_wait3A_373 = arith.constant 0 : i32
      %dma_wait3A_374 = tpu.memref_slice %arg6[%dma_wait3A_372, %dma_wait3A_373] : memref<10112x128xf32, #tpu.memory_space<vmem_shared>> -> memref<10112x128xf32, #tpu.memory_space<vmem_shared>>
      tpu.wait_indirect_dma semaphore(%run_scoped3A_362 : memref<!tpu.dma_semaphore, #tpu.memory_space<semaphore_mem>>) src(%arg11 : memref<125x128xf32, #tpu.memory_space<vmem>>) dst(%dma_wait3A_374 : memref<10112x128xf32, #tpu.memory_space<vmem_shared>>)
      tpu.yield
    }) : () -> ()
    %dma_wait3A_350 = arith.constant 15 : i32
    %dma_wait3A_351 = arith.constant 0 : i32
    %dma_wait3A_352 = tpu.memref_slice %arg7[%dma_wait3A_350, %dma_wait3A_351] : memref<16x125xi32, #tpu.memory_space<vmem>> -> memref<1x125xi32, #tpu.memory_space<vmem>>
    %dma_wait3A_353 = tpu.memref_squeeze %dma_wait3A_352 : memref<1x125xi32, #tpu.memory_space<vmem>> -> memref<125xi32, #tpu.memory_space<vmem>>
    %dma_wait3A_354 = arith.constant 0 : i32
    %dma_wait3A_355 = arith.constant 0 : i32
    %dma_wait3A_356 = tpu.memref_slice %arg2[%dma_wait3A_354, %dma_wait3A_355] : memref<10000x128xf32, #tpu.memory_space<hbm>> -> memref<10000x128xf32, #tpu.memory_space<hbm>>
    tpu.wait_indirect_dma semaphore(%arg14 : memref<!tpu.dma_semaphore, #tpu.memory_space<semaphore_mem>>) src(%dma_wait3A_356 : memref<10000x128xf32, #tpu.memory_space<hbm>>) dst(%arg12 : memref<125x128xf32, #tpu.memory_space<vmem>>)
    %run_scoped3A_357 = arith.constant 15 : i32
    "tpu.region"() ({
      %run_scoped3A_362 = tpu.sem_alloc : memref<!tpu.dma_semaphore, #tpu.memory_space<semaphore_mem>>
      %dma_start3A_363 = arith.constant 0 : i32
      %dma_start3A_364 = tpu.memref_slice %arg8[%run_scoped3A_357, %dma_start3A_363] : memref<16x125xi32, #tpu.memory_space<vmem>> -> memref<1x125xi32, #tpu.memory_space<vmem>>
      %dma_start3A_365 = tpu.memref_squeeze %dma_start3A_364 : memref<1x125xi32, #tpu.memory_space<vmem>> -> memref<125xi32, #tpu.memory_space<vmem>>
      %dma_start3A_366 = arith.constant 0 : i32
      %dma_start3A_367 = arith.constant 0 : i32
      %dma_start3A_368 = tpu.memref_slice %arg6[%dma_start3A_366, %dma_start3A_367] : memref<10112x128xf32, #tpu.memory_space<vmem_shared>> -> memref<10112x128xf32, #tpu.memory_space<vmem_shared>>
      tpu.enqueue_indirect_dma source(%arg12 : memref<125x128xf32, #tpu.memory_space<vmem>>) target(%dma_start3A_368 : memref<10112x128xf32, #tpu.memory_space<vmem_shared>>) offsets(%dma_start3A_365 : memref<125xi32, #tpu.memory_space<vmem>>) semaphore(%run_scoped3A_362 : memref<!tpu.dma_semaphore, #tpu.memory_space<semaphore_mem>>) {add = true}
      %dma_wait3A_369 = arith.constant 0 : i32
      %dma_wait3A_370 = tpu.memref_slice %arg8[%run_scoped3A_357, %dma_wait3A_369] : memref<16x125xi32, #tpu.memory_space<vmem>> -> memref<1x125xi32, #tpu.memory_space<vmem>>
      %dma_wait3A_371 = tpu.memref_squeeze %dma_wait3A_370 : memref<1x125xi32, #tpu.memory_space<vmem>> -> memref<125xi32, #tpu.memory_space<vmem>>
      %dma_wait3A_372 = arith.constant 0 : i32
      %dma_wait3A_373 = arith.constant 0 : i32
      %dma_wait3A_374 = tpu.memref_slice %arg6[%dma_wait3A_372, %dma_wait3A_373] : memref<10112x128xf32, #tpu.memory_space<vmem_shared>> -> memref<10112x128xf32, #tpu.memory_space<vmem_shared>>
      tpu.wait_indirect_dma semaphore(%run_scoped3A_362 : memref<!tpu.dma_semaphore, #tpu.memory_space<semaphore_mem>>) src(%arg12 : memref<125x128xf32, #tpu.memory_space<vmem>>) dst(%dma_wait3A_374 : memref<10112x128xf32, #tpu.memory_space<vmem_shared>>)
      tpu.yield
    }) : () -> ()
    %barrier3A_358 = arith.constant 0 : index
    tpu.barrier barrier_id(%barrier3A_358)
    %mul3A_359 = arith.constant 10112 : i32
    %mul3A_360 = arith.muli %arg0, %mul3A_359 : i32
    %add3A_361 = arith.addi %mul3A_360, %mul3A_39 : i32
    "tpu.region"() ({
      %run_scoped3A_362 = tpu.sem_alloc : memref<!tpu.dma_semaphore, #tpu.memory_space<semaphore_mem>>
      %dma_start3A_363 = arith.constant 0 : i32
      %dma_start3A_364 = tpu.memref_slice %arg5[%add3A_361, %dma_start3A_363] : memref<20224x128xf32, #tpu.memory_space<hbm>> -> memref<632x128xf32, #tpu.memory_space<hbm>>
      %dma_start3A_365 = arith.constant 0 : i32
      %dma_start3A_366 = tpu.memref_slice %arg6[%mul3A_39, %dma_start3A_365] : memref<10112x128xf32, #tpu.memory_space<vmem_shared>> -> memref<632x128xf32, #tpu.memory_space<vmem_shared>>
      tpu.enqueue_dma source(%dma_start3A_366 : memref<632x128xf32, #tpu.memory_space<vmem_shared>>) target(%dma_start3A_364 : memref<632x128xf32, #tpu.memory_space<hbm>>) target_semaphore(%run_scoped3A_362 : memref<!tpu.dma_semaphore, #tpu.memory_space<semaphore_mem>>)
      %dma_wait3A_367 = arith.constant 0 : i32
      %dma_wait3A_368 = tpu.memref_slice %arg5[%add3A_361, %dma_wait3A_367] : memref<20224x128xf32, #tpu.memory_space<hbm>> -> memref<632x128xf32, #tpu.memory_space<hbm>>
      %dma_wait3A_369 = arith.constant 0 : i32
      %dma_wait3A_370 = tpu.memref_slice %arg6[%mul3A_39, %dma_wait3A_369] : memref<10112x128xf32, #tpu.memory_space<vmem_shared>> -> memref<632x128xf32, #tpu.memory_space<vmem_shared>>
      tpu.wait_dma2 semaphore(%run_scoped3A_362 : memref<!tpu.dma_semaphore, #tpu.memory_space<semaphore_mem>>) src(%dma_wait3A_370 : memref<632x128xf32, #tpu.memory_space<vmem_shared>>) dst(%dma_wait3A_368 : memref<632x128xf32, #tpu.memory_space<hbm>>)
      tpu.yield
    }) : () -> ()
    return
  }
}

#map = affine_map<(d0, d1) -> (0, 0)>
#map1 = affine_map<(d0, d1) -> (0, 0, 0)>
module attributes {stable_mosaic.version = 14 : i64} {
  func.func @seg_sum(%arg0: i32, %arg1: i32, %arg2: memref<10000x128xf32, #tpu.memory_space<hbm>>, %arg3: memref<32x80x125xi32, #tpu.memory_space<hbm>>, %arg4: memref<32x80x125xi32, #tpu.memory_space<hbm>>, %arg5: memref<20224x128xf32, #tpu.memory_space<hbm>>, %arg6: memref<10112x128xf32, #tpu.memory_space<vmem_shared>>, %arg7: memref<16x125xi32, #tpu.memory_space<vmem>>, %arg8: memref<16x125xi32, #tpu.memory_space<vmem>>, %arg9: memref<16x125xi32, #tpu.memory_space<vmem>>, %arg10: memref<16x125xi32, #tpu.memory_space<vmem>>, %arg11: memref<125x128xf32, #tpu.memory_space<vmem>>, %arg12: memref<125x128xf32, #tpu.memory_space<vmem>>, %arg13: memref<!tpu.dma_semaphore, #tpu.memory_space<semaphore_mem>>, %arg14: memref<!tpu.dma_semaphore, #tpu.memory_space<semaphore_mem>>, %arg15: memref<!tpu.dma_semaphore, #tpu.memory_space<semaphore_mem>>, %arg16: memref<!tpu.dma_semaphore, #tpu.memory_space<semaphore_mem>>) attributes {dimension_semantics = [#tpu.dimension_semantics<core_parallel>, #tpu.dimension_semantics<subcore_parallel>], iteration_bounds = array<i64: 2, 16>, scalar_prefetch = 0 : i64, scratch_operands = 11 : i64, tpu.core_type = #tpu.core_type<sc_vector_subcore>, window_params = [{transform_indices = #map}, {transform_indices = #map1}, {transform_indices = #map1}, {transform_indices = #map}]} {
    %mul3A = arith.constant 16 : i32
    %mul3A_0 = arith.muli %arg0, %mul3A : i32
    %add3A = arith.addi %mul3A_0, %arg1 : i32
    %dma_start3A = arith.constant 0 : i32
    %dma_start3A_1 = arith.constant 0 : i32
    %dma_start3A_2 = tpu.memref_slice %arg3[%add3A, %dma_start3A, %dma_start3A_1] : memref<32x80x125xi32, #tpu.memory_space<hbm>> -> memref<1x16x125xi32, #tpu.memory_space<hbm>>
    %dma_start3A_3 = tpu.memref_squeeze %dma_start3A_2 : memref<1x16x125xi32, #tpu.memory_space<hbm>> -> memref<16x125xi32, #tpu.memory_space<hbm>>
    %dma_start3A_4 = arith.constant 0 : i32
    %dma_start3A_5 = arith.constant 0 : i32
    %dma_start3A_6 = tpu.memref_slice %arg3[%add3A, %dma_start3A_4, %dma_start3A_5] : memref<32x80x125xi32, #tpu.memory_space<hbm>> -> memref<1x16x125xi32, #tpu.memory_space<hbm>>
    %dma_start3A_7 = tpu.memref_squeeze %dma_start3A_6 : memref<1x16x125xi32, #tpu.memory_space<hbm>> -> memref<16x125xi32, #tpu.memory_space<hbm>>
    tpu.enqueue_dma source(%dma_start3A_7 : memref<16x125xi32, #tpu.memory_space<hbm>>) target(%arg7 : memref<16x125xi32, #tpu.memory_space<vmem>>) target_semaphore(%arg15 : memref<!tpu.dma_semaphore, #tpu.memory_space<semaphore_mem>>)
    %dma_start3A_8 = arith.constant 0 : i32
    %dma_start3A_9 = arith.constant 0 : i32
    %dma_start3A_10 = tpu.memref_slice %arg4[%add3A, %dma_start3A_8, %dma_start3A_9] : memref<32x80x125xi32, #tpu.memory_space<hbm>> -> memref<1x16x125xi32, #tpu.memory_space<hbm>>
    %dma_start3A_11 = tpu.memref_squeeze %dma_start3A_10 : memref<1x16x125xi32, #tpu.memory_space<hbm>> -> memref<16x125xi32, #tpu.memory_space<hbm>>
    %dma_start3A_12 = arith.constant 0 : i32
    %dma_start3A_13 = arith.constant 0 : i32
    %dma_start3A_14 = tpu.memref_slice %arg4[%add3A, %dma_start3A_12, %dma_start3A_13] : memref<32x80x125xi32, #tpu.memory_space<hbm>> -> memref<1x16x125xi32, #tpu.memory_space<hbm>>
    %dma_start3A_15 = tpu.memref_squeeze %dma_start3A_14 : memref<1x16x125xi32, #tpu.memory_space<hbm>> -> memref<16x125xi32, #tpu.memory_space<hbm>>
    tpu.enqueue_dma source(%dma_start3A_15 : memref<16x125xi32, #tpu.memory_space<hbm>>) target(%arg8 : memref<16x125xi32, #tpu.memory_space<vmem>>) target_semaphore(%arg15 : memref<!tpu.dma_semaphore, #tpu.memory_space<semaphore_mem>>)
    %dma_start3A_16 = arith.constant 16 : i32
    %dma_start3A_17 = arith.constant 0 : i32
    %dma_start3A_18 = tpu.memref_slice %arg3[%add3A, %dma_start3A_16, %dma_start3A_17] : memref<32x80x125xi32, #tpu.memory_space<hbm>> -> memref<1x16x125xi32, #tpu.memory_space<hbm>>
    %dma_start3A_19 = tpu.memref_squeeze %dma_start3A_18 : memref<1x16x125xi32, #tpu.memory_space<hbm>> -> memref<16x125xi32, #tpu.memory_space<hbm>>
    %dma_start3A_20 = arith.constant 16 : i32
    %dma_start3A_21 = arith.constant 0 : i32
    %dma_start3A_22 = tpu.memref_slice %arg3[%add3A, %dma_start3A_20, %dma_start3A_21] : memref<32x80x125xi32, #tpu.memory_space<hbm>> -> memref<1x16x125xi32, #tpu.memory_space<hbm>>
    %dma_start3A_23 = tpu.memref_squeeze %dma_start3A_22 : memref<1x16x125xi32, #tpu.memory_space<hbm>> -> memref<16x125xi32, #tpu.memory_space<hbm>>
    tpu.enqueue_dma source(%dma_start3A_23 : memref<16x125xi32, #tpu.memory_space<hbm>>) target(%arg9 : memref<16x125xi32, #tpu.memory_space<vmem>>) target_semaphore(%arg16 : memref<!tpu.dma_semaphore, #tpu.memory_space<semaphore_mem>>)
    %dma_start3A_24 = arith.constant 16 : i32
    %dma_start3A_25 = arith.constant 0 : i32
    %dma_start3A_26 = tpu.memref_slice %arg4[%add3A, %dma_start3A_24, %dma_start3A_25] : memref<32x80x125xi32, #tpu.memory_space<hbm>> -> memref<1x16x125xi32, #tpu.memory_space<hbm>>
    %dma_start3A_27 = tpu.memref_squeeze %dma_start3A_26 : memref<1x16x125xi32, #tpu.memory_space<hbm>> -> memref<16x125xi32, #tpu.memory_space<hbm>>
    %dma_start3A_28 = arith.constant 16 : i32
    %dma_start3A_29 = arith.constant 0 : i32
    %dma_start3A_30 = tpu.memref_slice %arg4[%add3A, %dma_start3A_28, %dma_start3A_29] : memref<32x80x125xi32, #tpu.memory_space<hbm>> -> memref<1x16x125xi32, #tpu.memory_space<hbm>>
    %dma_start3A_31 = tpu.memref_squeeze %dma_start3A_30 : memref<1x16x125xi32, #tpu.memory_space<hbm>> -> memref<16x125xi32, #tpu.memory_space<hbm>>
    tpu.enqueue_dma source(%dma_start3A_31 : memref<16x125xi32, #tpu.memory_space<hbm>>) target(%arg10 : memref<16x125xi32, #tpu.memory_space<vmem>>) target_semaphore(%arg16 : memref<!tpu.dma_semaphore, #tpu.memory_space<semaphore_mem>>)
    %broadcast_in_dim3A = arith.constant 0.000000e+00 : f32
    %broadcast_in_dim3A_32 = vector.broadcast %broadcast_in_dim3A : f32 to vector<16xf32>
    %scan3A = arith.constant 0 : i32
    %scan3A_33 = arith.constant 0 : i32
    %scan3A_34 = arith.constant 125 : i32
    %scan3A_35 = arith.addi %scan3A_33, %scan3A_34 : i32
    %scan3A_36 = arith.constant 1 : i32
    scf.for %scan3A_362 = %scan3A_33 to %scan3A_35 step %scan3A_36  : i32 {
      %swap3A = arith.index_cast %scan3A_362 : i32 to index
      %swap3A_363 = arith.constant 0 : index
      %swap3A_364 = tpu.vector_load %arg11[%swap3A, %swap3A_363] {strides = array<i32>} : memref<125x128xf32, #tpu.memory_space<vmem>>, vector<1x16xf32>,
      %swap3A_365 = vector.shape_cast %swap3A_364 : vector<1x16xf32> to vector<16xf32>
      %swap3A_366 = vector.shape_cast %broadcast_in_dim3A_32 : vector<16xf32> to vector<1x16xf32>
      tpu.vector_store %arg11[%swap3A, %swap3A_363], %swap3A_366 {strides = array<i32>} : memref<125x128xf32, #tpu.memory_space<vmem>>, vector<1x16xf32>,
      %swap3A_367 = arith.index_cast %scan3A_362 : i32 to index
      %swap3A_368 = arith.constant 16 : index
      %swap3A_369 = tpu.vector_load %arg11[%swap3A_367, %swap3A_368] {strides = array<i32>} : memref<125x128xf32, #tpu.memory_space<vmem>>, vector<1x16xf32>,
      %swap3A_370 = vector.shape_cast %swap3A_369 : vector<1x16xf32> to vector<16xf32>
      %swap3A_371 = vector.shape_cast %broadcast_in_dim3A_32 : vector<16xf32> to vector<1x16xf32>
      tpu.vector_store %arg11[%swap3A_367, %swap3A_368], %swap3A_371 {strides = array<i32>} : memref<125x128xf32, #tpu.memory_space<vmem>>, vector<1x16xf32>,
      %swap3A_372 = arith.index_cast %scan3A_362 : i32 to index
      %swap3A_373 = arith.constant 32 : index
      %swap3A_374 = tpu.vector_load %arg11[%swap3A_372, %swap3A_373] {strides = array<i32>} : memref<125x128xf32, #tpu.memory_space<vmem>>, vector<1x16xf32>,
      %swap3A_375 = vector.shape_cast %swap3A_374 : vector<1x16xf32> to vector<16xf32>
      %swap3A_376 = vector.shape_cast %broadcast_in_dim3A_32 : vector<16xf32> to vector<1x16xf32>
      tpu.vector_store %arg11[%swap3A_372, %swap3A_373], %swap3A_376 {strides = array<i32>} : memref<125x128xf32, #tpu.memory_space<vmem>>, vector<1x16xf32>,
      %swap3A_377 = arith.index_cast %scan3A_362 : i32 to index
      %swap3A_378 = arith.constant 48 : index
      %swap3A_379 = tpu.vector_load %arg11[%swap3A_377, %swap3A_378] {strides = array<i32>} : memref<125x128xf32, #tpu.memory_space<vmem>>, vector<1x16xf32>,
      %swap3A_380 = vector.shape_cast %swap3A_379 : vector<1x16xf32> to vector<16xf32>
      %swap3A_381 = vector.shape_cast %broadcast_in_dim3A_32 : vector<16xf32> to vector<1x16xf32>
      tpu.vector_store %arg11[%swap3A_377, %swap3A_378], %swap3A_381 {strides = array<i32>} : memref<125x128xf32, #tpu.memory_space<vmem>>, vector<1x16xf32>,
      %swap3A_382 = arith.index_cast %scan3A_362 : i32 to index
      %swap3A_383 = arith.constant 64 : index
      %swap3A_384 = tpu.vector_load %arg11[%swap3A_382, %swap3A_383] {strides = array<i32>} : memref<125x128xf32, #tpu.memory_space<vmem>>, vector<1x16xf32>,
      %swap3A_385 = vector.shape_cast %swap3A_384 : vector<1x16xf32> to vector<16xf32>
      %swap3A_386 = vector.shape_cast %broadcast_in_dim3A_32 : vector<16xf32> to vector<1x16xf32>
      tpu.vector_store %arg11[%swap3A_382, %swap3A_383], %swap3A_386 {strides = array<i32>} : memref<125x128xf32, #tpu.memory_space<vmem>>, vector<1x16xf32>,
      %swap3A_387 = arith.index_cast %scan3A_362 : i32 to index
      %swap3A_388 = arith.constant 80 : index
      %swap3A_389 = tpu.vector_load %arg11[%swap3A_387, %swap3A_388] {strides = array<i32>} : memref<125x128xf32, #tpu.memory_space<vmem>>, vector<1x16xf32>,
      %swap3A_390 = vector.shape_cast %swap3A_389 : vector<1x16xf32> to vector<16xf32>
      %swap3A_391 = vector.shape_cast %broadcast_in_dim3A_32 : vector<16xf32> to vector<1x16xf32>
      tpu.vector_store %arg11[%swap3A_387, %swap3A_388], %swap3A_391 {strides = array<i32>} : memref<125x128xf32, #tpu.memory_space<vmem>>, vector<1x16xf32>,
      %swap3A_392 = arith.index_cast %scan3A_362 : i32 to index
      %swap3A_393 = arith.constant 96 : index
      %swap3A_394 = tpu.vector_load %arg11[%swap3A_392, %swap3A_393] {strides = array<i32>} : memref<125x128xf32, #tpu.memory_space<vmem>>, vector<1x16xf32>,
      %swap3A_395 = vector.shape_cast %swap3A_394 : vector<1x16xf32> to vector<16xf32>
      %swap3A_396 = vector.shape_cast %broadcast_in_dim3A_32 : vector<16xf32> to vector<1x16xf32>
      tpu.vector_store %arg11[%swap3A_392, %swap3A_393], %swap3A_396 {strides = array<i32>} : memref<125x128xf32, #tpu.memory_space<vmem>>, vector<1x16xf32>,
      %swap3A_397 = arith.index_cast %scan3A_362 : i32 to index
      %swap3A_398 = arith.constant 112 : index
      %swap3A_399 = tpu.vector_load %arg11[%swap3A_397, %swap3A_398] {strides = array<i32>} : memref<125x128xf32, #tpu.memory_space<vmem>>, vector<1x16xf32>,
      %swap3A_400 = vector.shape_cast %swap3A_399 : vector<1x16xf32> to vector<16xf32>
      %swap3A_401 = vector.shape_cast %broadcast_in_dim3A_32 : vector<16xf32> to vector<1x16xf32>
      tpu.vector_store %arg11[%swap3A_397, %swap3A_398], %swap3A_401 {strides = array<i32>} : memref<125x128xf32, #tpu.memory_space<vmem>>, vector<1x16xf32>,
    }
    %scan3A_37 = arith.constant 125 : i32
    %mul3A_38 = arith.constant 632 : i32
    %mul3A_39 = arith.muli %arg1, %mul3A_38 : i32
    %add3A_40 = arith.constant 0 : i32
    %add3A_41 = arith.addi %mul3A_39, %add3A_40 : i32
    "tpu.region"() ({
      %run_scoped3A_362 = tpu.sem_alloc : memref<!tpu.dma_semaphore, #tpu.memory_space<semaphore_mem>>
      %dma_start3A_363 = arith.constant 0 : i32
      %dma_start3A_364 = arith.constant 0 : i32
      %dma_start3A_365 = tpu.memref_slice %arg11[%dma_start3A_363, %dma_start3A_364] : memref<125x128xf32, #tpu.memory_space<vmem>> -> memref<120x128xf32, #tpu.memory_space<vmem>>
      %dma_start3A_366 = arith.constant 0 : i32
      %dma_start3A_367 = tpu.memref_slice %arg6[%add3A_41, %dma_start3A_366] : memref<10112x128xf32, #tpu.memory_space<vmem_shared>> -> memref<120x128xf32, #tpu.memory_space<vmem_shared>>
      %dma_start3A_368 = arith.constant 0 : i32
      %dma_start3A_369 = tpu.memref_slice %arg6[%add3A_41, %dma_start3A_368] : memref<10112x128xf32, #tpu.memory_space<vmem_shared>> -> memref<120x128xf32, #tpu.memory_space<vmem_shared>>
      %dma_start3A_370 = arith.constant 0 : i32
      %dma_start3A_371 = arith.constant 0 : i32
      %dma_start3A_372 = tpu.memref_slice %arg11[%dma_start3A_370, %dma_start3A_371] : memref<125x128xf32, #tpu.memory_space<vmem>> -> memref<120x128xf32, #tpu.memory_space<vmem>>
      tpu.enqueue_dma source(%dma_start3A_372 : memref<120x128xf32, #tpu.memory_space<vmem>>) target(%dma_start3A_369 : memref<120x128xf32, #tpu.memory_space<vmem_shared>>) target_semaphore(%run_scoped3A_362 : memref<!tpu.dma_semaphore, #tpu.memory_space<semaphore_mem>>)
      %dma_wait3A_373 = arith.constant 0 : i32
      %dma_wait3A_374 = arith.constant 0 : i32
      %dma_wait3A_375 = tpu.memref_slice %arg11[%dma_wait3A_373, %dma_wait3A_374] : memref<125x128xf32, #tpu.memory_space<vmem>> -> memref<120x128xf32, #tpu.memory_space<vmem>>
      %dma_wait3A_376 = arith.constant 0 : i32
      %dma_wait3A_377 = tpu.memref_slice %arg6[%add3A_41, %dma_wait3A_376] : memref<10112x128xf32, #tpu.memory_space<vmem_shared>> -> memref<120x128xf32, #tpu.memory_space<vmem_shared>>
      %dma_wait3A_378 = arith.constant 0 : i32
      %dma_wait3A_379 = tpu.memref_slice %arg6[%add3A_41, %dma_wait3A_378] : memref<10112x128xf32, #tpu.memory_space<vmem_shared>> -> memref<120x128xf32, #tpu.memory_space<vmem_shared>>
      %dma_wait3A_380 = arith.constant 0 : i32
      %dma_wait3A_381 = arith.constant 0 : i32
      %dma_wait3A_382 = tpu.memref_slice %arg11[%dma_wait3A_380, %dma_wait3A_381] : memref<125x128xf32, #tpu.memory_space<vmem>> -> memref<120x128xf32, #tpu.memory_space<vmem>>
      tpu.wait_dma2 semaphore(%run_scoped3A_362 : memref<!tpu.dma_semaphore, #tpu.memory_space<semaphore_mem>>) src(%dma_wait3A_382 : memref<120x128xf32, #tpu.memory_space<vmem>>) dst(%dma_wait3A_379 : memref<120x128xf32, #tpu.memory_space<vmem_shared>>)
      tpu.yield
    }) : () -> ()
    %add3A_42 = arith.constant 120 : i32
    %add3A_43 = arith.addi %mul3A_39, %add3A_42 : i32
    "tpu.region"() ({
      %run_scoped3A_362 = tpu.sem_alloc : memref<!tpu.dma_semaphore, #tpu.memory_space<semaphore_mem>>
      %dma_start3A_363 = arith.constant 0 : i32
      %dma_start3A_364 = arith.constant 0 : i32
      %dma_start3A_365 = tpu.memref_slice %arg11[%dma_start3A_363, %dma_start3A_364] : memref<125x128xf32, #tpu.memory_space<vmem>> -> memref<120x128xf32, #tpu.memory_space<vmem>>
      %dma_start3A_366 = arith.constant 0 : i32
      %dma_start3A_367 = tpu.memref_slice %arg6[%add3A_43, %dma_start3A_366] : memref<10112x128xf32, #tpu.memory_space<vmem_shared>> -> memref<120x128xf32, #tpu.memory_space<vmem_shared>>
      %dma_start3A_368 = arith.constant 0 : i32
      %dma_start3A_369 = tpu.memref_slice %arg6[%add3A_43, %dma_start3A_368] : memref<10112x128xf32, #tpu.memory_space<vmem_shared>> -> memref<120x128xf32, #tpu.memory_space<vmem_shared>>
      %dma_start3A_370 = arith.constant 0 : i32
      %dma_start3A_371 = arith.constant 0 : i32
      %dma_start3A_372 = tpu.memref_slice %arg11[%dma_start3A_370, %dma_start3A_371] : memref<125x128xf32, #tpu.memory_space<vmem>> -> memref<120x128xf32, #tpu.memory_space<vmem>>
      tpu.enqueue_dma source(%dma_start3A_372 : memref<120x128xf32, #tpu.memory_space<vmem>>) target(%dma_start3A_369 : memref<120x128xf32, #tpu.memory_space<vmem_shared>>) target_semaphore(%run_scoped3A_362 : memref<!tpu.dma_semaphore, #tpu.memory_space<semaphore_mem>>)
      %dma_wait3A_373 = arith.constant 0 : i32
      %dma_wait3A_374 = arith.constant 0 : i32
      %dma_wait3A_375 = tpu.memref_slice %arg11[%dma_wait3A_373, %dma_wait3A_374] : memref<125x128xf32, #tpu.memory_space<vmem>> -> memref<120x128xf32, #tpu.memory_space<vmem>>
      %dma_wait3A_376 = arith.constant 0 : i32
      %dma_wait3A_377 = tpu.memref_slice %arg6[%add3A_43, %dma_wait3A_376] : memref<10112x128xf32, #tpu.memory_space<vmem_shared>> -> memref<120x128xf32, #tpu.memory_space<vmem_shared>>
      %dma_wait3A_378 = arith.constant 0 : i32
      %dma_wait3A_379 = tpu.memref_slice %arg6[%add3A_43, %dma_wait3A_378] : memref<10112x128xf32, #tpu.memory_space<vmem_shared>> -> memref<120x128xf32, #tpu.memory_space<vmem_shared>>
      %dma_wait3A_380 = arith.constant 0 : i32
      %dma_wait3A_381 = arith.constant 0 : i32
      %dma_wait3A_382 = tpu.memref_slice %arg11[%dma_wait3A_380, %dma_wait3A_381] : memref<125x128xf32, #tpu.memory_space<vmem>> -> memref<120x128xf32, #tpu.memory_space<vmem>>
      tpu.wait_dma2 semaphore(%run_scoped3A_362 : memref<!tpu.dma_semaphore, #tpu.memory_space<semaphore_mem>>) src(%dma_wait3A_382 : memref<120x128xf32, #tpu.memory_space<vmem>>) dst(%dma_wait3A_379 : memref<120x128xf32, #tpu.memory_space<vmem_shared>>)
      tpu.yield
    }) : () -> ()
    %add3A_44 = arith.constant 240 : i32
    %add3A_45 = arith.addi %mul3A_39, %add3A_44 : i32
    "tpu.region"() ({
      %run_scoped3A_362 = tpu.sem_alloc : memref<!tpu.dma_semaphore, #tpu.memory_space<semaphore_mem>>
      %dma_start3A_363 = arith.constant 0 : i32
      %dma_start3A_364 = arith.constant 0 : i32
      %dma_start3A_365 = tpu.memref_slice %arg11[%dma_start3A_363, %dma_start3A_364] : memref<125x128xf32, #tpu.memory_space<vmem>> -> memref<120x128xf32, #tpu.memory_space<vmem>>
      %dma_start3A_366 = arith.constant 0 : i32
      %dma_start3A_367 = tpu.memref_slice %arg6[%add3A_45, %dma_start3A_366] : memref<10112x128xf32, #tpu.memory_space<vmem_shared>> -> memref<120x128xf32, #tpu.memory_space<vmem_shared>>
      %dma_start3A_368 = arith.constant 0 : i32
      %dma_start3A_369 = tpu.memref_slice %arg6[%add3A_45, %dma_start3A_368] : memref<10112x128xf32, #tpu.memory_space<vmem_shared>> -> memref<120x128xf32, #tpu.memory_space<vmem_shared>>
      %dma_start3A_370 = arith.constant 0 : i32
      %dma_start3A_371 = arith.constant 0 : i32
      %dma_start3A_372 = tpu.memref_slice %arg11[%dma_start3A_370, %dma_start3A_371] : memref<125x128xf32, #tpu.memory_space<vmem>> -> memref<120x128xf32, #tpu.memory_space<vmem>>
      tpu.enqueue_dma source(%dma_start3A_372 : memref<120x128xf32, #tpu.memory_space<vmem>>) target(%dma_start3A_369 : memref<120x128xf32, #tpu.memory_space<vmem_shared>>) target_semaphore(%run_scoped3A_362 : memref<!tpu.dma_semaphore, #tpu.memory_space<semaphore_mem>>)
      %dma_wait3A_373 = arith.constant 0 : i32
      %dma_wait3A_374 = arith.constant 0 : i32
      %dma_wait3A_375 = tpu.memref_slice %arg11[%dma_wait3A_373, %dma_wait3A_374] : memref<125x128xf32, #tpu.memory_space<vmem>> -> memref<120x128xf32, #tpu.memory_space<vmem>>
      %dma_wait3A_376 = arith.constant 0 : i32
      %dma_wait3A_377 = tpu.memref_slice %arg6[%add3A_45, %dma_wait3A_376] : memref<10112x128xf32, #tpu.memory_space<vmem_shared>> -> memref<120x128xf32, #tpu.memory_space<vmem_shared>>
      %dma_wait3A_378 = arith.constant 0 : i32
      %dma_wait3A_379 = tpu.memref_slice %arg6[%add3A_45, %dma_wait3A_378] : memref<10112x128xf32, #tpu.memory_space<vmem_shared>> -> memref<120x128xf32, #tpu.memory_space<vmem_shared>>
      %dma_wait3A_380 = arith.constant 0 : i32
      %dma_wait3A_381 = arith.constant 0 : i32
      %dma_wait3A_382 = tpu.memref_slice %arg11[%dma_wait3A_380, %dma_wait3A_381] : memref<125x128xf32, #tpu.memory_space<vmem>> -> memref<120x128xf32, #tpu.memory_space<vmem>>
      tpu.wait_dma2 semaphore(%run_scoped3A_362 : memref<!tpu.dma_semaphore, #tpu.memory_space<semaphore_mem>>) src(%dma_wait3A_382 : memref<120x128xf32, #tpu.memory_space<vmem>>) dst(%dma_wait3A_379 : memref<120x128xf32, #tpu.memory_space<vmem_shared>>)
      tpu.yield
    }) : () -> ()
    %add3A_46 = arith.constant 360 : i32
    %add3A_47 = arith.addi %mul3A_39, %add3A_46 : i32
    "tpu.region"() ({
      %run_scoped3A_362 = tpu.sem_alloc : memref<!tpu.dma_semaphore, #tpu.memory_space<semaphore_mem>>
      %dma_start3A_363 = arith.constant 0 : i32
      %dma_start3A_364 = arith.constant 0 : i32
      %dma_start3A_365 = tpu.memref_slice %arg11[%dma_start3A_363, %dma_start3A_364] : memref<125x128xf32, #tpu.memory_space<vmem>> -> memref<120x128xf32, #tpu.memory_space<vmem>>
      %dma_start3A_366 = arith.constant 0 : i32
      %dma_start3A_367 = tpu.memref_slice %arg6[%add3A_47, %dma_start3A_366] : memref<10112x128xf32, #tpu.memory_space<vmem_shared>> -> memref<120x128xf32, #tpu.memory_space<vmem_shared>>
      %dma_start3A_368 = arith.constant 0 : i32
      %dma_start3A_369 = tpu.memref_slice %arg6[%add3A_47, %dma_start3A_368] : memref<10112x128xf32, #tpu.memory_space<vmem_shared>> -> memref<120x128xf32, #tpu.memory_space<vmem_shared>>
      %dma_start3A_370 = arith.constant 0 : i32
      %dma_start3A_371 = arith.constant 0 : i32
      %dma_start3A_372 = tpu.memref_slice %arg11[%dma_start3A_370, %dma_start3A_371] : memref<125x128xf32, #tpu.memory_space<vmem>> -> memref<120x128xf32, #tpu.memory_space<vmem>>
      tpu.enqueue_dma source(%dma_start3A_372 : memref<120x128xf32, #tpu.memory_space<vmem>>) target(%dma_start3A_369 : memref<120x128xf32, #tpu.memory_space<vmem_shared>>) target_semaphore(%run_scoped3A_362 : memref<!tpu.dma_semaphore, #tpu.memory_space<semaphore_mem>>)
      %dma_wait3A_373 = arith.constant 0 : i32
      %dma_wait3A_374 = arith.constant 0 : i32
      %dma_wait3A_375 = tpu.memref_slice %arg11[%dma_wait3A_373, %dma_wait3A_374] : memref<125x128xf32, #tpu.memory_space<vmem>> -> memref<120x128xf32, #tpu.memory_space<vmem>>
      %dma_wait3A_376 = arith.constant 0 : i32
      %dma_wait3A_377 = tpu.memref_slice %arg6[%add3A_47, %dma_wait3A_376] : memref<10112x128xf32, #tpu.memory_space<vmem_shared>> -> memref<120x128xf32, #tpu.memory_space<vmem_shared>>
      %dma_wait3A_378 = arith.constant 0 : i32
      %dma_wait3A_379 = tpu.memref_slice %arg6[%add3A_47, %dma_wait3A_378] : memref<10112x128xf32, #tpu.memory_space<vmem_shared>> -> memref<120x128xf32, #tpu.memory_space<vmem_shared>>
      %dma_wait3A_380 = arith.constant 0 : i32
      %dma_wait3A_381 = arith.constant 0 : i32
      %dma_wait3A_382 = tpu.memref_slice %arg11[%dma_wait3A_380, %dma_wait3A_381] : memref<125x128xf32, #tpu.memory_space<vmem>> -> memref<120x128xf32, #tpu.memory_space<vmem>>
      tpu.wait_dma2 semaphore(%run_scoped3A_362 : memref<!tpu.dma_semaphore, #tpu.memory_space<semaphore_mem>>) src(%dma_wait3A_382 : memref<120x128xf32, #tpu.memory_space<vmem>>) dst(%dma_wait3A_379 : memref<120x128xf32, #tpu.memory_space<vmem_shared>>)
      tpu.yield
    }) : () -> ()
    %add3A_48 = arith.constant 480 : i32
    %add3A_49 = arith.addi %mul3A_39, %add3A_48 : i32
    "tpu.region"() ({
      %run_scoped3A_362 = tpu.sem_alloc : memref<!tpu.dma_semaphore, #tpu.memory_space<semaphore_mem>>
      %dma_start3A_363 = arith.constant 0 : i32
      %dma_start3A_364 = arith.constant 0 : i32
      %dma_start3A_365 = tpu.memref_slice %arg11[%dma_start3A_363, %dma_start3A_364] : memref<125x128xf32, #tpu.memory_space<vmem>> -> memref<120x128xf32, #tpu.memory_space<vmem>>
      %dma_start3A_366 = arith.constant 0 : i32
      %dma_start3A_367 = tpu.memref_slice %arg6[%add3A_49, %dma_start3A_366] : memref<10112x128xf32, #tpu.memory_space<vmem_shared>> -> memref<120x128xf32, #tpu.memory_space<vmem_shared>>
      %dma_start3A_368 = arith.constant 0 : i32
      %dma_start3A_369 = tpu.memref_slice %arg6[%add3A_49, %dma_start3A_368] : memref<10112x128xf32, #tpu.memory_space<vmem_shared>> -> memref<120x128xf32, #tpu.memory_space<vmem_shared>>
      %dma_start3A_370 = arith.constant 0 : i32
      %dma_start3A_371 = arith.constant 0 : i32
      %dma_start3A_372 = tpu.memref_slice %arg11[%dma_start3A_370, %dma_start3A_371] : memref<125x128xf32, #tpu.memory_space<vmem>> -> memref<120x128xf32, #tpu.memory_space<vmem>>
      tpu.enqueue_dma source(%dma_start3A_372 : memref<120x128xf32, #tpu.memory_space<vmem>>) target(%dma_start3A_369 : memref<120x128xf32, #tpu.memory_space<vmem_shared>>) target_semaphore(%run_scoped3A_362 : memref<!tpu.dma_semaphore, #tpu.memory_space<semaphore_mem>>)
      %dma_wait3A_373 = arith.constant 0 : i32
      %dma_wait3A_374 = arith.constant 0 : i32
      %dma_wait3A_375 = tpu.memref_slice %arg11[%dma_wait3A_373, %dma_wait3A_374] : memref<125x128xf32, #tpu.memory_space<vmem>> -> memref<120x128xf32, #tpu.memory_space<vmem>>
      %dma_wait3A_376 = arith.constant 0 : i32
      %dma_wait3A_377 = tpu.memref_slice %arg6[%add3A_49, %dma_wait3A_376] : memref<10112x128xf32, #tpu.memory_space<vmem_shared>> -> memref<120x128xf32, #tpu.memory_space<vmem_shared>>
      %dma_wait3A_378 = arith.constant 0 : i32
      %dma_wait3A_379 = tpu.memref_slice %arg6[%add3A_49, %dma_wait3A_378] : memref<10112x128xf32, #tpu.memory_space<vmem_shared>> -> memref<120x128xf32, #tpu.memory_space<vmem_shared>>
      %dma_wait3A_380 = arith.constant 0 : i32
      %dma_wait3A_381 = arith.constant 0 : i32
      %dma_wait3A_382 = tpu.memref_slice %arg11[%dma_wait3A_380, %dma_wait3A_381] : memref<125x128xf32, #tpu.memory_space<vmem>> -> memref<120x128xf32, #tpu.memory_space<vmem>>
      tpu.wait_dma2 semaphore(%run_scoped3A_362 : memref<!tpu.dma_semaphore, #tpu.memory_space<semaphore_mem>>) src(%dma_wait3A_382 : memref<120x128xf32, #tpu.memory_space<vmem>>) dst(%dma_wait3A_379 : memref<120x128xf32, #tpu.memory_space<vmem_shared>>)
      tpu.yield
    }) : () -> ()
    %add3A_50 = arith.constant 600 : i32
    %add3A_51 = arith.addi %mul3A_39, %add3A_50 : i32
    "tpu.region"() ({
      %run_scoped3A_362 = tpu.sem_alloc : memref<!tpu.dma_semaphore, #tpu.memory_space<semaphore_mem>>
      %dma_start3A_363 = arith.constant 0 : i32
      %dma_start3A_364 = arith.constant 0 : i32
      %dma_start3A_365 = tpu.memref_slice %arg11[%dma_start3A_363, %dma_start3A_364] : memref<125x128xf32, #tpu.memory_space<vmem>> -> memref<32x128xf32, #tpu.memory_space<vmem>>
      %dma_start3A_366 = arith.constant 0 : i32
      %dma_start3A_367 = tpu.memref_slice %arg6[%add3A_51, %dma_start3A_366] : memref<10112x128xf32, #tpu.memory_space<vmem_shared>> -> memref<32x128xf32, #tpu.memory_space<vmem_shared>>
      %dma_start3A_368 = arith.constant 0 : i32
      %dma_start3A_369 = tpu.memref_slice %arg6[%add3A_51, %dma_start3A_368] : memref<10112x128xf32, #tpu.memory_space<vmem_shared>> -> memref<32x128xf32, #tpu.memory_space<vmem_shared>>
      %dma_start3A_370 = arith.constant 0 : i32
      %dma_start3A_371 = arith.constant 0 : i32
      %dma_start3A_372 = tpu.memref_slice %arg11[%dma_start3A_370, %dma_start3A_371] : memref<125x128xf32, #tpu.memory_space<vmem>> -> memref<32x128xf32, #tpu.memory_space<vmem>>
      tpu.enqueue_dma source(%dma_start3A_372 : memref<32x128xf32, #tpu.memory_space<vmem>>) target(%dma_start3A_369 : memref<32x128xf32, #tpu.memory_space<vmem_shared>>) target_semaphore(%run_scoped3A_362 : memref<!tpu.dma_semaphore, #tpu.memory_space<semaphore_mem>>)
      %dma_wait3A_373 = arith.constant 0 : i32
      %dma_wait3A_374 = arith.constant 0 : i32
      %dma_wait3A_375 = tpu.memref_slice %arg11[%dma_wait3A_373, %dma_wait3A_374] : memref<125x128xf32, #tpu.memory_space<vmem>> -> memref<32x128xf32, #tpu.memory_space<vmem>>
      %dma_wait3A_376 = arith.constant 0 : i32
      %dma_wait3A_377 = tpu.memref_slice %arg6[%add3A_51, %dma_wait3A_376] : memref<10112x128xf32, #tpu.memory_space<vmem_shared>> -> memref<32x128xf32, #tpu.memory_space<vmem_shared>>
      %dma_wait3A_378 = arith.constant 0 : i32
      %dma_wait3A_379 = tpu.memref_slice %arg6[%add3A_51, %dma_wait3A_378] : memref<10112x128xf32, #tpu.memory_space<vmem_shared>> -> memref<32x128xf32, #tpu.memory_space<vmem_shared>>
      %dma_wait3A_380 = arith.constant 0 : i32
      %dma_wait3A_381 = arith.constant 0 : i32
      %dma_wait3A_382 = tpu.memref_slice %arg11[%dma_wait3A_380, %dma_wait3A_381] : memref<125x128xf32, #tpu.memory_space<vmem>> -> memref<32x128xf32, #tpu.memory_space<vmem>>
      tpu.wait_dma2 semaphore(%run_scoped3A_362 : memref<!tpu.dma_semaphore, #tpu.memory_space<semaphore_mem>>) src(%dma_wait3A_382 : memref<32x128xf32, #tpu.memory_space<vmem>>) dst(%dma_wait3A_379 : memref<32x128xf32, #tpu.memory_space<vmem_shared>>)
      tpu.yield
    }) : () -> ()
    %barrier3A = arith.constant 0 : index
    tpu.barrier barrier_id(%barrier3A)
    %dma_wait3A = arith.constant 0 : i32
    %dma_wait3A_52 = arith.constant 0 : i32
    %dma_wait3A_53 = tpu.memref_slice %arg3[%add3A, %dma_wait3A, %dma_wait3A_52] : memref<32x80x125xi32, #tpu.memory_space<hbm>> -> memref<1x16x125xi32, #tpu.memory_space<hbm>>
    %dma_wait3A_54 = tpu.memref_squeeze %dma_wait3A_53 : memref<1x16x125xi32, #tpu.memory_space<hbm>> -> memref<16x125xi32, #tpu.memory_space<hbm>>
    %dma_wait3A_55 = arith.constant 0 : i32
    %dma_wait3A_56 = arith.constant 0 : i32
    %dma_wait3A_57 = tpu.memref_slice %arg3[%add3A, %dma_wait3A_55, %dma_wait3A_56] : memref<32x80x125xi32, #tpu.memory_space<hbm>> -> memref<1x16x125xi32, #tpu.memory_space<hbm>>
    %dma_wait3A_58 = tpu.memref_squeeze %dma_wait3A_57 : memref<1x16x125xi32, #tpu.memory_space<hbm>> -> memref<16x125xi32, #tpu.memory_space<hbm>>
    tpu.wait_dma2 semaphore(%arg15 : memref<!tpu.dma_semaphore, #tpu.memory_space<semaphore_mem>>) src(%dma_wait3A_58 : memref<16x125xi32, #tpu.memory_space<hbm>>) dst(%arg7 : memref<16x125xi32, #tpu.memory_space<vmem>>)
    %dma_wait3A_59 = arith.constant 0 : i32
    %dma_wait3A_60 = arith.constant 0 : i32
    %dma_wait3A_61 = tpu.memref_slice %arg4[%add3A, %dma_wait3A_59, %dma_wait3A_60] : memref<32x80x125xi32, #tpu.memory_space<hbm>> -> memref<1x16x125xi32, #tpu.memory_space<hbm>>
    %dma_wait3A_62 = tpu.memref_squeeze %dma_wait3A_61 : memref<1x16x125xi32, #tpu.memory_space<hbm>> -> memref<16x125xi32, #tpu.memory_space<hbm>>
    %dma_wait3A_63 = arith.constant 0 : i32
    %dma_wait3A_64 = arith.constant 0 : i32
    %dma_wait3A_65 = tpu.memref_slice %arg4[%add3A, %dma_wait3A_63, %dma_wait3A_64] : memref<32x80x125xi32, #tpu.memory_space<hbm>> -> memref<1x16x125xi32, #tpu.memory_space<hbm>>
    %dma_wait3A_66 = tpu.memref_squeeze %dma_wait3A_65 : memref<1x16x125xi32, #tpu.memory_space<hbm>> -> memref<16x125xi32, #tpu.memory_space<hbm>>
    tpu.wait_dma2 semaphore(%arg15 : memref<!tpu.dma_semaphore, #tpu.memory_space<semaphore_mem>>) src(%dma_wait3A_66 : memref<16x125xi32, #tpu.memory_space<hbm>>) dst(%arg8 : memref<16x125xi32, #tpu.memory_space<vmem>>)
    %dma_start3A_67 = arith.constant 0 : i32
    %dma_start3A_68 = arith.constant 0 : i32
    %dma_start3A_69 = tpu.memref_slice %arg7[%dma_start3A_67, %dma_start3A_68] : memref<16x125xi32, #tpu.memory_space<vmem>> -> memref<1x125xi32, #tpu.memory_space<vmem>>
    %dma_start3A_70 = tpu.memref_squeeze %dma_start3A_69 : memref<1x125xi32, #tpu.memory_space<vmem>> -> memref<125xi32, #tpu.memory_space<vmem>>
    %dma_start3A_71 = arith.constant 0 : i32
    %dma_start3A_72 = arith.constant 0 : i32
    %dma_start3A_73 = tpu.memref_slice %arg2[%dma_start3A_71, %dma_start3A_72] : memref<10000x128xf32, #tpu.memory_space<hbm>> -> memref<10000x128xf32, #tpu.memory_space<hbm>>
    tpu.enqueue_indirect_dma source(%dma_start3A_73 : memref<10000x128xf32, #tpu.memory_space<hbm>>) target(%arg11 : memref<125x128xf32, #tpu.memory_space<vmem>>) offsets(%dma_start3A_70 : memref<125xi32, #tpu.memory_space<vmem>>) semaphore(%arg13 : memref<!tpu.dma_semaphore, #tpu.memory_space<semaphore_mem>>)
    %dma_wait3A_74 = arith.constant 16 : i32
    %dma_wait3A_75 = arith.constant 0 : i32
    %dma_wait3A_76 = tpu.memref_slice %arg3[%add3A, %dma_wait3A_74, %dma_wait3A_75] : memref<32x80x125xi32, #tpu.memory_space<hbm>> -> memref<1x16x125xi32, #tpu.memory_space<hbm>>
    %dma_wait3A_77 = tpu.memref_squeeze %dma_wait3A_76 : memref<1x16x125xi32, #tpu.memory_space<hbm>> -> memref<16x125xi32, #tpu.memory_space<hbm>>
    %dma_wait3A_78 = arith.constant 16 : i32
    %dma_wait3A_79 = arith.constant 0 : i32
    %dma_wait3A_80 = tpu.memref_slice %arg3[%add3A, %dma_wait3A_78, %dma_wait3A_79] : memref<32x80x125xi32, #tpu.memory_space<hbm>> -> memref<1x16x125xi32, #tpu.memory_space<hbm>>
    %dma_wait3A_81 = tpu.memref_squeeze %dma_wait3A_80 : memref<1x16x125xi32, #tpu.memory_space<hbm>> -> memref<16x125xi32, #tpu.memory_space<hbm>>
    tpu.wait_dma2 semaphore(%arg16 : memref<!tpu.dma_semaphore, #tpu.memory_space<semaphore_mem>>) src(%dma_wait3A_81 : memref<16x125xi32, #tpu.memory_space<hbm>>) dst(%arg9 : memref<16x125xi32, #tpu.memory_space<vmem>>)
    %dma_wait3A_82 = arith.constant 16 : i32
    %dma_wait3A_83 = arith.constant 0 : i32
    %dma_wait3A_84 = tpu.memref_slice %arg4[%add3A, %dma_wait3A_82, %dma_wait3A_83] : memref<32x80x125xi32, #tpu.memory_space<hbm>> -> memref<1x16x125xi32, #tpu.memory_space<hbm>>
    %dma_wait3A_85 = tpu.memref_squeeze %dma_wait3A_84 : memref<1x16x125xi32, #tpu.memory_space<hbm>> -> memref<16x125xi32, #tpu.memory_space<hbm>>
    %dma_wait3A_86 = arith.constant 16 : i32
    %dma_wait3A_87 = arith.constant 0 : i32
    %dma_wait3A_88 = tpu.memref_slice %arg4[%add3A, %dma_wait3A_86, %dma_wait3A_87] : memref<32x80x125xi32, #tpu.memory_space<hbm>> -> memref<1x16x125xi32, #tpu.memory_space<hbm>>
    %dma_wait3A_89 = tpu.memref_squeeze %dma_wait3A_88 : memref<1x16x125xi32, #tpu.memory_space<hbm>> -> memref<16x125xi32, #tpu.memory_space<hbm>>
    tpu.wait_dma2 semaphore(%arg16 : memref<!tpu.dma_semaphore, #tpu.memory_space<semaphore_mem>>) src(%dma_wait3A_89 : memref<16x125xi32, #tpu.memory_space<hbm>>) dst(%arg10 : memref<16x125xi32, #tpu.memory_space<vmem>>)
    %scan3A_90 = arith.constant 0 : i32
    %scan3A_91 = arith.constant 0 : i32
    %scan3A_92 = arith.constant 7 : i32
    %scan3A_93 = arith.addi %scan3A_91, %scan3A_92 : i32
    %scan3A_94 = arith.constant 1 : i32
    scf.for %scan3A_362 = %scan3A_91 to %scan3A_93 step %scan3A_94  : i32 {
      %mul3A_363 = arith.constant 2 : i32
      %mul3A_364 = arith.muli %scan3A_362, %mul3A_363 : i32
      %dma_wait3A_365 = arith.constant 0 : i32
      %dma_wait3A_366 = tpu.memref_slice %arg7[%mul3A_364, %dma_wait3A_365] : memref<16x125xi32, #tpu.memory_space<vmem>> -> memref<1x125xi32, #tpu.memory_space<vmem>>
      %dma_wait3A_367 = tpu.memref_squeeze %dma_wait3A_366 : memref<1x125xi32, #tpu.memory_space<vmem>> -> memref<125xi32, #tpu.memory_space<vmem>>
      %dma_wait3A_368 = arith.constant 0 : i32
      %dma_wait3A_369 = arith.constant 0 : i32
      %dma_wait3A_370 = tpu.memref_slice %arg2[%dma_wait3A_368, %dma_wait3A_369] : memref<10000x128xf32, #tpu.memory_space<hbm>> -> memref<10000x128xf32, #tpu.memory_space<hbm>>
      tpu.wait_indirect_dma semaphore(%arg13 : memref<!tpu.dma_semaphore, #tpu.memory_space<semaphore_mem>>) src(%dma_wait3A_370 : memref<10000x128xf32, #tpu.memory_space<hbm>>) dst(%arg11 : memref<125x128xf32, #tpu.memory_space<vmem>>)
      %add3A_371 = arith.constant 1 : i32
      %add3A_372 = arith.addi %mul3A_364, %add3A_371 : i32
      %dma_start3A_373 = arith.constant 0 : i32
      %dma_start3A_374 = tpu.memref_slice %arg7[%add3A_372, %dma_start3A_373] : memref<16x125xi32, #tpu.memory_space<vmem>> -> memref<1x125xi32, #tpu.memory_space<vmem>>
      %dma_start3A_375 = tpu.memref_squeeze %dma_start3A_374 : memref<1x125xi32, #tpu.memory_space<vmem>> -> memref<125xi32, #tpu.memory_space<vmem>>
      %dma_start3A_376 = arith.constant 0 : i32
      %dma_start3A_377 = arith.constant 0 : i32
      %dma_start3A_378 = tpu.memref_slice %arg2[%dma_start3A_376, %dma_start3A_377] : memref<10000x128xf32, #tpu.memory_space<hbm>> -> memref<10000x128xf32, #tpu.memory_space<hbm>>
      tpu.enqueue_indirect_dma source(%dma_start3A_378 : memref<10000x128xf32, #tpu.memory_space<hbm>>) target(%arg12 : memref<125x128xf32, #tpu.memory_space<vmem>>) offsets(%dma_start3A_375 : memref<125xi32, #tpu.memory_space<vmem>>) semaphore(%arg14 : memref<!tpu.dma_semaphore, #tpu.memory_space<semaphore_mem>>)
      "tpu.region"() ({
        %run_scoped3A_395 = tpu.sem_alloc : memref<!tpu.dma_semaphore, #tpu.memory_space<semaphore_mem>>
        %dma_start3A_396 = arith.constant 0 : i32
        %dma_start3A_397 = tpu.memref_slice %arg8[%mul3A_364, %dma_start3A_396] : memref<16x125xi32, #tpu.memory_space<vmem>> -> memref<1x125xi32, #tpu.memory_space<vmem>>
        %dma_start3A_398 = tpu.memref_squeeze %dma_start3A_397 : memref<1x125xi32, #tpu.memory_space<vmem>> -> memref<125xi32, #tpu.memory_space<vmem>>
        %dma_start3A_399 = arith.constant 0 : i32
        %dma_start3A_400 = arith.constant 0 : i32
        %dma_start3A_401 = tpu.memref_slice %arg6[%dma_start3A_399, %dma_start3A_400] : memref<10112x128xf32, #tpu.memory_space<vmem_shared>> -> memref<10112x128xf32, #tpu.memory_space<vmem_shared>>
        tpu.enqueue_indirect_dma source(%arg11 : memref<125x128xf32, #tpu.memory_space<vmem>>) target(%dma_start3A_401 : memref<10112x128xf32, #tpu.memory_space<vmem_shared>>) offsets(%dma_start3A_398 : memref<125xi32, #tpu.memory_space<vmem>>) semaphore(%run_scoped3A_395 : memref<!tpu.dma_semaphore, #tpu.memory_space<semaphore_mem>>) {add = true}
        %dma_wait3A_402 = arith.constant 0 : i32
        %dma_wait3A_403 = tpu.memref_slice %arg8[%mul3A_364, %dma_wait3A_402] : memref<16x125xi32, #tpu.memory_space<vmem>> -> memref<1x125xi32, #tpu.memory_space<vmem>>
        %dma_wait3A_404 = tpu.memref_squeeze %dma_wait3A_403 : memref<1x125xi32, #tpu.memory_space<vmem>> -> memref<125xi32, #tpu.memory_space<vmem>>
        %dma_wait3A_405 = arith.constant 0 : i32
        %dma_wait3A_406 = arith.constant 0 : i32
        %dma_wait3A_407 = tpu.memref_slice %arg6[%dma_wait3A_405, %dma_wait3A_406] : memref<10112x128xf32, #tpu.memory_space<vmem_shared>> -> memref<10112x128xf32, #tpu.memory_space<vmem_shared>>
        tpu.wait_indirect_dma semaphore(%run_scoped3A_395 : memref<!tpu.dma_semaphore, #tpu.memory_space<semaphore_mem>>) src(%arg11 : memref<125x128xf32, #tpu.memory_space<vmem>>) dst(%dma_wait3A_407 : memref<10112x128xf32, #tpu.memory_space<vmem_shared>>)
        tpu.yield
      }) : () -> ()
      %add3A_379 = arith.constant 2 : i32
      %add3A_380 = arith.addi %mul3A_364, %add3A_379 : i32
      %dma_start3A_381 = arith.constant 0 : i32
      %dma_start3A_382 = tpu.memref_slice %arg7[%add3A_380, %dma_start3A_381] : memref<16x125xi32, #tpu.memory_space<vmem>> -> memref<1x125xi32, #tpu.memory_space<vmem>>
      %dma_start3A_383 = tpu.memref_squeeze %dma_start3A_382 : memref<1x125xi32, #tpu.memory_space<vmem>> -> memref<125xi32, #tpu.memory_space<vmem>>
      %dma_start3A_384 = arith.constant 0 : i32
      %dma_start3A_385 = arith.constant 0 : i32
      %dma_start3A_386 = tpu.memref_slice %arg2[%dma_start3A_384, %dma_start3A_385] : memref<10000x128xf32, #tpu.memory_space<hbm>> -> memref<10000x128xf32, #tpu.memory_space<hbm>>
      tpu.enqueue_indirect_dma source(%dma_start3A_386 : memref<10000x128xf32, #tpu.memory_space<hbm>>) target(%arg11 : memref<125x128xf32, #tpu.memory_space<vmem>>) offsets(%dma_start3A_383 : memref<125xi32, #tpu.memory_space<vmem>>) semaphore(%arg13 : memref<!tpu.dma_semaphore, #tpu.memory_space<semaphore_mem>>)
      %dma_wait3A_387 = arith.constant 0 : i32
      %dma_wait3A_388 = tpu.memref_slice %arg7[%add3A_372, %dma_wait3A_387] : memref<16x125xi32, #tpu.memory_space<vmem>> -> memref<1x125xi32, #tpu.memory_space<vmem>>
      %dma_wait3A_389 = tpu.memref_squeeze %dma_wait3A_388 : memref<1x125xi32, #tpu.memory_space<vmem>> -> memref<125xi32, #tpu.memory_space<vmem>>
      %dma_wait3A_390 = arith.constant 0 : i32
      %dma_wait3A_391 = arith.constant 0 : i32
      %dma_wait3A_392 = tpu.memref_slice %arg2[%dma_wait3A_390, %dma_wait3A_391] : memref<10000x128xf32, #tpu.memory_space<hbm>> -> memref<10000x128xf32, #tpu.memory_space<hbm>>
      tpu.wait_indirect_dma semaphore(%arg14 : memref<!tpu.dma_semaphore, #tpu.memory_space<semaphore_mem>>) src(%dma_wait3A_392 : memref<10000x128xf32, #tpu.memory_space<hbm>>) dst(%arg12 : memref<125x128xf32, #tpu.memory_space<vmem>>)
      %add3A_393 = arith.constant 1 : i32
      %add3A_394 = arith.addi %mul3A_364, %add3A_393 : i32
      "tpu.region"() ({
        %run_scoped3A_395 = tpu.sem_alloc : memref<!tpu.dma_semaphore, #tpu.memory_space<semaphore_mem>>
        %dma_start3A_396 = arith.constant 0 : i32
        %dma_start3A_397 = tpu.memref_slice %arg8[%add3A_394, %dma_start3A_396] : memref<16x125xi32, #tpu.memory_space<vmem>> -> memref<1x125xi32, #tpu.memory_space<vmem>>
        %dma_start3A_398 = tpu.memref_squeeze %dma_start3A_397 : memref<1x125xi32, #tpu.memory_space<vmem>> -> memref<125xi32, #tpu.memory_space<vmem>>
        %dma_start3A_399 = arith.constant 0 : i32
        %dma_start3A_400 = arith.constant 0 : i32
        %dma_start3A_401 = tpu.memref_slice %arg6[%dma_start3A_399, %dma_start3A_400] : memref<10112x128xf32, #tpu.memory_space<vmem_shared>> -> memref<10112x128xf32, #tpu.memory_space<vmem_shared>>
        tpu.enqueue_indirect_dma source(%arg12 : memref<125x128xf32, #tpu.memory_space<vmem>>) target(%dma_start3A_401 : memref<10112x128xf32, #tpu.memory_space<vmem_shared>>) offsets(%dma_start3A_398 : memref<125xi32, #tpu.memory_space<vmem>>) semaphore(%run_scoped3A_395 : memref<!tpu.dma_semaphore, #tpu.memory_space<semaphore_mem>>) {add = true}
        %dma_wait3A_402 = arith.constant 0 : i32
        %dma_wait3A_403 = tpu.memref_slice %arg8[%add3A_394, %dma_wait3A_402] : memref<16x125xi32, #tpu.memory_space<vmem>> -> memref<1x125xi32, #tpu.memory_space<vmem>>
        %dma_wait3A_404 = tpu.memref_squeeze %dma_wait3A_403 : memref<1x125xi32, #tpu.memory_space<vmem>> -> memref<125xi32, #tpu.memory_space<vmem>>
        %dma_wait3A_405 = arith.constant 0 : i32
        %dma_wait3A_406 = arith.constant 0 : i32
        %dma_wait3A_407 = tpu.memref_slice %arg6[%dma_wait3A_405, %dma_wait3A_406] : memref<10112x128xf32, #tpu.memory_space<vmem_shared>> -> memref<10112x128xf32, #tpu.memory_space<vmem_shared>>
        tpu.wait_indirect_dma semaphore(%run_scoped3A_395 : memref<!tpu.dma_semaphore, #tpu.memory_space<semaphore_mem>>) src(%arg12 : memref<125x128xf32, #tpu.memory_space<vmem>>) dst(%dma_wait3A_407 : memref<10112x128xf32, #tpu.memory_space<vmem_shared>>)
        tpu.yield
      }) : () -> ()
    }
    %scan3A_95 = arith.constant 7 : i32
    %dma_wait3A_96 = arith.constant 14 : i32
    %dma_wait3A_97 = arith.constant 0 : i32
    %dma_wait3A_98 = tpu.memref_slice %arg7[%dma_wait3A_96, %dma_wait3A_97] : memref<16x125xi32, #tpu.memory_space<vmem>> -> memref<1x125xi32, #tpu.memory_space<vmem>>
    %dma_wait3A_99 = tpu.memref_squeeze %dma_wait3A_98 : memref<1x125xi32, #tpu.memory_space<vmem>> -> memref<125xi32, #tpu.memory_space<vmem>>
    %dma_wait3A_100 = arith.constant 0 : i32
    %dma_wait3A_101 = arith.constant 0 : i32
    %dma_wait3A_102 = tpu.memref_slice %arg2[%dma_wait3A_100, %dma_wait3A_101] : memref<10000x128xf32, #tpu.memory_space<hbm>> -> memref<10000x128xf32, #tpu.memory_space<hbm>>
    tpu.wait_indirect_dma semaphore(%arg13 : memref<!tpu.dma_semaphore, #tpu.memory_space<semaphore_mem>>) src(%dma_wait3A_102 : memref<10000x128xf32, #tpu.memory_space<hbm>>) dst(%arg11 : memref<125x128xf32, #tpu.memory_space<vmem>>)
    %dma_start3A_103 = arith.constant 15 : i32
    %dma_start3A_104 = arith.constant 0 : i32
    %dma_start3A_105 = tpu.memref_slice %arg7[%dma_start3A_103, %dma_start3A_104] : memref<16x125xi32, #tpu.memory_space<vmem>> -> memref<1x125xi32, #tpu.memory_space<vmem>>
    %dma_start3A_106 = tpu.memref_squeeze %dma_start3A_105 : memref<1x125xi32, #tpu.memory_space<vmem>> -> memref<125xi32, #tpu.memory_space<vmem>>
    %dma_start3A_107 = arith.constant 0 : i32
    %dma_start3A_108 = arith.constant 0 : i32
    %dma_start3A_109 = tpu.memref_slice %arg2[%dma_start3A_107, %dma_start3A_108] : memref<10000x128xf32, #tpu.memory_space<hbm>> -> memref<10000x128xf32, #tpu.memory_space<hbm>>
    tpu.enqueue_indirect_dma source(%dma_start3A_109 : memref<10000x128xf32, #tpu.memory_space<hbm>>) target(%arg12 : memref<125x128xf32, #tpu.memory_space<vmem>>) offsets(%dma_start3A_106 : memref<125xi32, #tpu.memory_space<vmem>>) semaphore(%arg14 : memref<!tpu.dma_semaphore, #tpu.memory_space<semaphore_mem>>)
    %run_scoped3A = arith.constant 14 : i32
    "tpu.region"() ({
      %run_scoped3A_362 = tpu.sem_alloc : memref<!tpu.dma_semaphore, #tpu.memory_space<semaphore_mem>>
      %dma_start3A_363 = arith.constant 0 : i32
      %dma_start3A_364 = tpu.memref_slice %arg8[%run_scoped3A, %dma_start3A_363] : memref<16x125xi32, #tpu.memory_space<vmem>> -> memref<1x125xi32, #tpu.memory_space<vmem>>
      %dma_start3A_365 = tpu.memref_squeeze %dma_start3A_364 : memref<1x125xi32, #tpu.memory_space<vmem>> -> memref<125xi32, #tpu.memory_space<vmem>>
      %dma_start3A_366 = arith.constant 0 : i32
      %dma_start3A_367 = arith.constant 0 : i32
      %dma_start3A_368 = tpu.memref_slice %arg6[%dma_start3A_366, %dma_start3A_367] : memref<10112x128xf32, #tpu.memory_space<vmem_shared>> -> memref<10112x128xf32, #tpu.memory_space<vmem_shared>>
      tpu.enqueue_indirect_dma source(%arg11 : memref<125x128xf32, #tpu.memory_space<vmem>>) target(%dma_start3A_368 : memref<10112x128xf32, #tpu.memory_space<vmem_shared>>) offsets(%dma_start3A_365 : memref<125xi32, #tpu.memory_space<vmem>>) semaphore(%run_scoped3A_362 : memref<!tpu.dma_semaphore, #tpu.memory_space<semaphore_mem>>) {add = true}
      %dma_wait3A_369 = arith.constant 0 : i32
      %dma_wait3A_370 = tpu.memref_slice %arg8[%run_scoped3A, %dma_wait3A_369] : memref<16x125xi32, #tpu.memory_space<vmem>> -> memref<1x125xi32, #tpu.memory_space<vmem>>
      %dma_wait3A_371 = tpu.memref_squeeze %dma_wait3A_370 : memref<1x125xi32, #tpu.memory_space<vmem>> -> memref<125xi32, #tpu.memory_space<vmem>>
      %dma_wait3A_372 = arith.constant 0 : i32
      %dma_wait3A_373 = arith.constant 0 : i32
      %dma_wait3A_374 = tpu.memref_slice %arg6[%dma_wait3A_372, %dma_wait3A_373] : memref<10112x128xf32, #tpu.memory_space<vmem_shared>> -> memref<10112x128xf32, #tpu.memory_space<vmem_shared>>
      tpu.wait_indirect_dma semaphore(%run_scoped3A_362 : memref<!tpu.dma_semaphore, #tpu.memory_space<semaphore_mem>>) src(%arg11 : memref<125x128xf32, #tpu.memory_space<vmem>>) dst(%dma_wait3A_374 : memref<10112x128xf32, #tpu.memory_space<vmem_shared>>)
      tpu.yield
    }) : () -> ()
    %dma_start3A_110 = arith.constant 0 : i32
    %dma_start3A_111 = arith.constant 0 : i32
    %dma_start3A_112 = tpu.memref_slice %arg9[%dma_start3A_110, %dma_start3A_111] : memref<16x125xi32, #tpu.memory_space<vmem>> -> memref<1x125xi32, #tpu.memory_space<vmem>>
    %dma_start3A_113 = tpu.memref_squeeze %dma_start3A_112 : memref<1x125xi32, #tpu.memory_space<vmem>> -> memref<125xi32, #tpu.memory_space<vmem>>
    %dma_start3A_114 = arith.constant 0 : i32
    %dma_start3A_115 = arith.constant 0 : i32
    %dma_start3A_116 = tpu.memref_slice %arg2[%dma_start3A_114, %dma_start3A_115] : memref<10000x128xf32, #tpu.memory_space<hbm>> -> memref<10000x128xf32, #tpu.memory_space<hbm>>
    tpu.enqueue_indirect_dma source(%dma_start3A_116 : memref<10000x128xf32, #tpu.memory_space<hbm>>) target(%arg11 : memref<125x128xf32, #tpu.memory_space<vmem>>) offsets(%dma_start3A_113 : memref<125xi32, #tpu.memory_space<vmem>>) semaphore(%arg13 : memref<!tpu.dma_semaphore, #tpu.memory_space<semaphore_mem>>)
    %dma_wait3A_117 = arith.constant 15 : i32
    %dma_wait3A_118 = arith.constant 0 : i32
    %dma_wait3A_119 = tpu.memref_slice %arg7[%dma_wait3A_117, %dma_wait3A_118] : memref<16x125xi32, #tpu.memory_space<vmem>> -> memref<1x125xi32, #tpu.memory_space<vmem>>
    %dma_wait3A_120 = tpu.memref_squeeze %dma_wait3A_119 : memref<1x125xi32, #tpu.memory_space<vmem>> -> memref<125xi32, #tpu.memory_space<vmem>>
    %dma_wait3A_121 = arith.constant 0 : i32
    %dma_wait3A_122 = arith.constant 0 : i32
    %dma_wait3A_123 = tpu.memref_slice %arg2[%dma_wait3A_121, %dma_wait3A_122] : memref<10000x128xf32, #tpu.memory_space<hbm>> -> memref<10000x128xf32, #tpu.memory_space<hbm>>
    tpu.wait_indirect_dma semaphore(%arg14 : memref<!tpu.dma_semaphore, #tpu.memory_space<semaphore_mem>>) src(%dma_wait3A_123 : memref<10000x128xf32, #tpu.memory_space<hbm>>) dst(%arg12 : memref<125x128xf32, #tpu.memory_space<vmem>>)
    %run_scoped3A_124 = arith.constant 15 : i32
    "tpu.region"() ({
      %run_scoped3A_362 = tpu.sem_alloc : memref<!tpu.dma_semaphore, #tpu.memory_space<semaphore_mem>>
      %dma_start3A_363 = arith.constant 0 : i32
      %dma_start3A_364 = tpu.memref_slice %arg8[%run_scoped3A_124, %dma_start3A_363] : memref<16x125xi32, #tpu.memory_space<vmem>> -> memref<1x125xi32, #tpu.memory_space<vmem>>
      %dma_start3A_365 = tpu.memref_squeeze %dma_start3A_364 : memref<1x125xi32, #tpu.memory_space<vmem>> -> memref<125xi32, #tpu.memory_space<vmem>>
      %dma_start3A_366 = arith.constant 0 : i32
      %dma_start3A_367 = arith.constant 0 : i32
      %dma_start3A_368 = tpu.memref_slice %arg6[%dma_start3A_366, %dma_start3A_367] : memref<10112x128xf32, #tpu.memory_space<vmem_shared>> -> memref<10112x128xf32, #tpu.memory_space<vmem_shared>>
      tpu.enqueue_indirect_dma source(%arg12 : memref<125x128xf32, #tpu.memory_space<vmem>>) target(%dma_start3A_368 : memref<10112x128xf32, #tpu.memory_space<vmem_shared>>) offsets(%dma_start3A_365 : memref<125xi32, #tpu.memory_space<vmem>>) semaphore(%run_scoped3A_362 : memref<!tpu.dma_semaphore, #tpu.memory_space<semaphore_mem>>) {add = true}
      %dma_wait3A_369 = arith.constant 0 : i32
      %dma_wait3A_370 = tpu.memref_slice %arg8[%run_scoped3A_124, %dma_wait3A_369] : memref<16x125xi32, #tpu.memory_space<vmem>> -> memref<1x125xi32, #tpu.memory_space<vmem>>
      %dma_wait3A_371 = tpu.memref_squeeze %dma_wait3A_370 : memref<1x125xi32, #tpu.memory_space<vmem>> -> memref<125xi32, #tpu.memory_space<vmem>>
      %dma_wait3A_372 = arith.constant 0 : i32
      %dma_wait3A_373 = arith.constant 0 : i32
      %dma_wait3A_374 = tpu.memref_slice %arg6[%dma_wait3A_372, %dma_wait3A_373] : memref<10112x128xf32, #tpu.memory_space<vmem_shared>> -> memref<10112x128xf32, #tpu.memory_space<vmem_shared>>
      tpu.wait_indirect_dma semaphore(%run_scoped3A_362 : memref<!tpu.dma_semaphore, #tpu.memory_space<semaphore_mem>>) src(%arg12 : memref<125x128xf32, #tpu.memory_space<vmem>>) dst(%dma_wait3A_374 : memref<10112x128xf32, #tpu.memory_space<vmem_shared>>)
      tpu.yield
    }) : () -> ()
    %dma_start3A_125 = arith.constant 32 : i32
    %dma_start3A_126 = arith.constant 0 : i32
    %dma_start3A_127 = tpu.memref_slice %arg3[%add3A, %dma_start3A_125, %dma_start3A_126] : memref<32x80x125xi32, #tpu.memory_space<hbm>> -> memref<1x16x125xi32, #tpu.memory_space<hbm>>
    %dma_start3A_128 = tpu.memref_squeeze %dma_start3A_127 : memref<1x16x125xi32, #tpu.memory_space<hbm>> -> memref<16x125xi32, #tpu.memory_space<hbm>>
    %dma_start3A_129 = arith.constant 32 : i32
    %dma_start3A_130 = arith.constant 0 : i32
    %dma_start3A_131 = tpu.memref_slice %arg3[%add3A, %dma_start3A_129, %dma_start3A_130] : memref<32x80x125xi32, #tpu.memory_space<hbm>> -> memref<1x16x125xi32, #tpu.memory_space<hbm>>
    %dma_start3A_132 = tpu.memref_squeeze %dma_start3A_131 : memref<1x16x125xi32, #tpu.memory_space<hbm>> -> memref<16x125xi32, #tpu.memory_space<hbm>>
    tpu.enqueue_dma source(%dma_start3A_132 : memref<16x125xi32, #tpu.memory_space<hbm>>) target(%arg7 : memref<16x125xi32, #tpu.memory_space<vmem>>) target_semaphore(%arg15 : memref<!tpu.dma_semaphore, #tpu.memory_space<semaphore_mem>>)
    %dma_start3A_133 = arith.constant 32 : i32
    %dma_start3A_134 = arith.constant 0 : i32
    %dma_start3A_135 = tpu.memref_slice %arg4[%add3A, %dma_start3A_133, %dma_start3A_134] : memref<32x80x125xi32, #tpu.memory_space<hbm>> -> memref<1x16x125xi32, #tpu.memory_space<hbm>>
    %dma_start3A_136 = tpu.memref_squeeze %dma_start3A_135 : memref<1x16x125xi32, #tpu.memory_space<hbm>> -> memref<16x125xi32, #tpu.memory_space<hbm>>
    %dma_start3A_137 = arith.constant 32 : i32
    %dma_start3A_138 = arith.constant 0 : i32
    %dma_start3A_139 = tpu.memref_slice %arg4[%add3A, %dma_start3A_137, %dma_start3A_138] : memref<32x80x125xi32, #tpu.memory_space<hbm>> -> memref<1x16x125xi32, #tpu.memory_space<hbm>>
    %dma_start3A_140 = tpu.memref_squeeze %dma_start3A_139 : memref<1x16x125xi32, #tpu.memory_space<hbm>> -> memref<16x125xi32, #tpu.memory_space<hbm>>
    tpu.enqueue_dma source(%dma_start3A_140 : memref<16x125xi32, #tpu.memory_space<hbm>>) target(%arg8 : memref<16x125xi32, #tpu.memory_space<vmem>>) target_semaphore(%arg15 : memref<!tpu.dma_semaphore, #tpu.memory_space<semaphore_mem>>)
    %dma_wait3A_141 = arith.constant 32 : i32
    %dma_wait3A_142 = arith.constant 0 : i32
    %dma_wait3A_143 = tpu.memref_slice %arg3[%add3A, %dma_wait3A_141, %dma_wait3A_142] : memref<32x80x125xi32, #tpu.memory_space<hbm>> -> memref<1x16x125xi32, #tpu.memory_space<hbm>>
    %dma_wait3A_144 = tpu.memref_squeeze %dma_wait3A_143 : memref<1x16x125xi32, #tpu.memory_space<hbm>> -> memref<16x125xi32, #tpu.memory_space<hbm>>
    %dma_wait3A_145 = arith.constant 32 : i32
    %dma_wait3A_146 = arith.constant 0 : i32
    %dma_wait3A_147 = tpu.memref_slice %arg3[%add3A, %dma_wait3A_145, %dma_wait3A_146] : memref<32x80x125xi32, #tpu.memory_space<hbm>> -> memref<1x16x125xi32, #tpu.memory_space<hbm>>
    %dma_wait3A_148 = tpu.memref_squeeze %dma_wait3A_147 : memref<1x16x125xi32, #tpu.memory_space<hbm>> -> memref<16x125xi32, #tpu.memory_space<hbm>>
    tpu.wait_dma2 semaphore(%arg15 : memref<!tpu.dma_semaphore, #tpu.memory_space<semaphore_mem>>) src(%dma_wait3A_148 : memref<16x125xi32, #tpu.memory_space<hbm>>) dst(%arg7 : memref<16x125xi32, #tpu.memory_space<vmem>>)
    %dma_wait3A_149 = arith.constant 32 : i32
    %dma_wait3A_150 = arith.constant 0 : i32
    %dma_wait3A_151 = tpu.memref_slice %arg4[%add3A, %dma_wait3A_149, %dma_wait3A_150] : memref<32x80x125xi32, #tpu.memory_space<hbm>> -> memref<1x16x125xi32, #tpu.memory_space<hbm>>
    %dma_wait3A_152 = tpu.memref_squeeze %dma_wait3A_151 : memref<1x16x125xi32, #tpu.memory_space<hbm>> -> memref<16x125xi32, #tpu.memory_space<hbm>>
    %dma_wait3A_153 = arith.constant 32 : i32
    %dma_wait3A_154 = arith.constant 0 : i32
    %dma_wait3A_155 = tpu.memref_slice %arg4[%add3A, %dma_wait3A_153, %dma_wait3A_154] : memref<32x80x125xi32, #tpu.memory_space<hbm>> -> memref<1x16x125xi32, #tpu.memory_space<hbm>>
    %dma_wait3A_156 = tpu.memref_squeeze %dma_wait3A_155 : memref<1x16x125xi32, #tpu.memory_space<hbm>> -> memref<16x125xi32, #tpu.memory_space<hbm>>
    tpu.wait_dma2 semaphore(%arg15 : memref<!tpu.dma_semaphore, #tpu.memory_space<semaphore_mem>>) src(%dma_wait3A_156 : memref<16x125xi32, #tpu.memory_space<hbm>>) dst(%arg8 : memref<16x125xi32, #tpu.memory_space<vmem>>)
    %scan3A_157 = arith.constant 0 : i32
    %scan3A_158 = arith.constant 0 : i32
    %scan3A_159 = arith.constant 7 : i32
    %scan3A_160 = arith.addi %scan3A_158, %scan3A_159 : i32
    %scan3A_161 = arith.constant 1 : i32
    scf.for %scan3A_362 = %scan3A_158 to %scan3A_160 step %scan3A_161  : i32 {
      %mul3A_363 = arith.constant 2 : i32
      %mul3A_364 = arith.muli %scan3A_362, %mul3A_363 : i32
      %dma_wait3A_365 = arith.constant 0 : i32
      %dma_wait3A_366 = tpu.memref_slice %arg9[%mul3A_364, %dma_wait3A_365] : memref<16x125xi32, #tpu.memory_space<vmem>> -> memref<1x125xi32, #tpu.memory_space<vmem>>
      %dma_wait3A_367 = tpu.memref_squeeze %dma_wait3A_366 : memref<1x125xi32, #tpu.memory_space<vmem>> -> memref<125xi32, #tpu.memory_space<vmem>>
      %dma_wait3A_368 = arith.constant 0 : i32
      %dma_wait3A_369 = arith.constant 0 : i32
      %dma_wait3A_370 = tpu.memref_slice %arg2[%dma_wait3A_368, %dma_wait3A_369] : memref<10000x128xf32, #tpu.memory_space<hbm>> -> memref<10000x128xf32, #tpu.memory_space<hbm>>
      tpu.wait_indirect_dma semaphore(%arg13 : memref<!tpu.dma_semaphore, #tpu.memory_space<semaphore_mem>>) src(%dma_wait3A_370 : memref<10000x128xf32, #tpu.memory_space<hbm>>) dst(%arg11 : memref<125x128xf32, #tpu.memory_space<vmem>>)
      %add3A_371 = arith.constant 1 : i32
      %add3A_372 = arith.addi %mul3A_364, %add3A_371 : i32
      %dma_start3A_373 = arith.constant 0 : i32
      %dma_start3A_374 = tpu.memref_slice %arg9[%add3A_372, %dma_start3A_373] : memref<16x125xi32, #tpu.memory_space<vmem>> -> memref<1x125xi32, #tpu.memory_space<vmem>>
      %dma_start3A_375 = tpu.memref_squeeze %dma_start3A_374 : memref<1x125xi32, #tpu.memory_space<vmem>> -> memref<125xi32, #tpu.memory_space<vmem>>
      %dma_start3A_376 = arith.constant 0 : i32
      %dma_start3A_377 = arith.constant 0 : i32
      %dma_start3A_378 = tpu.memref_slice %arg2[%dma_start3A_376, %dma_start3A_377] : memref<10000x128xf32, #tpu.memory_space<hbm>> -> memref<10000x128xf32, #tpu.memory_space<hbm>>
      tpu.enqueue_indirect_dma source(%dma_start3A_378 : memref<10000x128xf32, #tpu.memory_space<hbm>>) target(%arg12 : memref<125x128xf32, #tpu.memory_space<vmem>>) offsets(%dma_start3A_375 : memref<125xi32, #tpu.memory_space<vmem>>) semaphore(%arg14 : memref<!tpu.dma_semaphore, #tpu.memory_space<semaphore_mem>>)
      "tpu.region"() ({
        %run_scoped3A_395 = tpu.sem_alloc : memref<!tpu.dma_semaphore, #tpu.memory_space<semaphore_mem>>
        %dma_start3A_396 = arith.constant 0 : i32
        %dma_start3A_397 = tpu.memref_slice %arg10[%mul3A_364, %dma_start3A_396] : memref<16x125xi32, #tpu.memory_space<vmem>> -> memref<1x125xi32, #tpu.memory_space<vmem>>
        %dma_start3A_398 = tpu.memref_squeeze %dma_start3A_397 : memref<1x125xi32, #tpu.memory_space<vmem>> -> memref<125xi32, #tpu.memory_space<vmem>>
        %dma_start3A_399 = arith.constant 0 : i32
        %dma_start3A_400 = arith.constant 0 : i32
        %dma_start3A_401 = tpu.memref_slice %arg6[%dma_start3A_399, %dma_start3A_400] : memref<10112x128xf32, #tpu.memory_space<vmem_shared>> -> memref<10112x128xf32, #tpu.memory_space<vmem_shared>>
        tpu.enqueue_indirect_dma source(%arg11 : memref<125x128xf32, #tpu.memory_space<vmem>>) target(%dma_start3A_401 : memref<10112x128xf32, #tpu.memory_space<vmem_shared>>) offsets(%dma_start3A_398 : memref<125xi32, #tpu.memory_space<vmem>>) semaphore(%run_scoped3A_395 : memref<!tpu.dma_semaphore, #tpu.memory_space<semaphore_mem>>) {add = true}
        %dma_wait3A_402 = arith.constant 0 : i32
        %dma_wait3A_403 = tpu.memref_slice %arg10[%mul3A_364, %dma_wait3A_402] : memref<16x125xi32, #tpu.memory_space<vmem>> -> memref<1x125xi32, #tpu.memory_space<vmem>>
        %dma_wait3A_404 = tpu.memref_squeeze %dma_wait3A_403 : memref<1x125xi32, #tpu.memory_space<vmem>> -> memref<125xi32, #tpu.memory_space<vmem>>
        %dma_wait3A_405 = arith.constant 0 : i32
        %dma_wait3A_406 = arith.constant 0 : i32
        %dma_wait3A_407 = tpu.memref_slice %arg6[%dma_wait3A_405, %dma_wait3A_406] : memref<10112x128xf32, #tpu.memory_space<vmem_shared>> -> memref<10112x128xf32, #tpu.memory_space<vmem_shared>>
        tpu.wait_indirect_dma semaphore(%run_scoped3A_395 : memref<!tpu.dma_semaphore, #tpu.memory_space<semaphore_mem>>) src(%arg11 : memref<125x128xf32, #tpu.memory_space<vmem>>) dst(%dma_wait3A_407 : memref<10112x128xf32, #tpu.memory_space<vmem_shared>>)
        tpu.yield
      }) : () -> ()
      %add3A_379 = arith.constant 2 : i32
      %add3A_380 = arith.addi %mul3A_364, %add3A_379 : i32
      %dma_start3A_381 = arith.constant 0 : i32
      %dma_start3A_382 = tpu.memref_slice %arg9[%add3A_380, %dma_start3A_381] : memref<16x125xi32, #tpu.memory_space<vmem>> -> memref<1x125xi32, #tpu.memory_space<vmem>>
      %dma_start3A_383 = tpu.memref_squeeze %dma_start3A_382 : memref<1x125xi32, #tpu.memory_space<vmem>> -> memref<125xi32, #tpu.memory_space<vmem>>
      %dma_start3A_384 = arith.constant 0 : i32
      %dma_start3A_385 = arith.constant 0 : i32
      %dma_start3A_386 = tpu.memref_slice %arg2[%dma_start3A_384, %dma_start3A_385] : memref<10000x128xf32, #tpu.memory_space<hbm>> -> memref<10000x128xf32, #tpu.memory_space<hbm>>
      tpu.enqueue_indirect_dma source(%dma_start3A_386 : memref<10000x128xf32, #tpu.memory_space<hbm>>) target(%arg11 : memref<125x128xf32, #tpu.memory_space<vmem>>) offsets(%dma_start3A_383 : memref<125xi32, #tpu.memory_space<vmem>>) semaphore(%arg13 : memref<!tpu.dma_semaphore, #tpu.memory_space<semaphore_mem>>)
      %dma_wait3A_387 = arith.constant 0 : i32
      %dma_wait3A_388 = tpu.memref_slice %arg9[%add3A_372, %dma_wait3A_387] : memref<16x125xi32, #tpu.memory_space<vmem>> -> memref<1x125xi32, #tpu.memory_space<vmem>>
      %dma_wait3A_389 = tpu.memref_squeeze %dma_wait3A_388 : memref<1x125xi32, #tpu.memory_space<vmem>> -> memref<125xi32, #tpu.memory_space<vmem>>
      %dma_wait3A_390 = arith.constant 0 : i32
      %dma_wait3A_391 = arith.constant 0 : i32
      %dma_wait3A_392 = tpu.memref_slice %arg2[%dma_wait3A_390, %dma_wait3A_391] : memref<10000x128xf32, #tpu.memory_space<hbm>> -> memref<10000x128xf32, #tpu.memory_space<hbm>>
      tpu.wait_indirect_dma semaphore(%arg14 : memref<!tpu.dma_semaphore, #tpu.memory_space<semaphore_mem>>) src(%dma_wait3A_392 : memref<10000x128xf32, #tpu.memory_space<hbm>>) dst(%arg12 : memref<125x128xf32, #tpu.memory_space<vmem>>)
      %add3A_393 = arith.constant 1 : i32
      %add3A_394 = arith.addi %mul3A_364, %add3A_393 : i32
      "tpu.region"() ({
        %run_scoped3A_395 = tpu.sem_alloc : memref<!tpu.dma_semaphore, #tpu.memory_space<semaphore_mem>>
        %dma_start3A_396 = arith.constant 0 : i32
        %dma_start3A_397 = tpu.memref_slice %arg10[%add3A_394, %dma_start3A_396] : memref<16x125xi32, #tpu.memory_space<vmem>> -> memref<1x125xi32, #tpu.memory_space<vmem>>
        %dma_start3A_398 = tpu.memref_squeeze %dma_start3A_397 : memref<1x125xi32, #tpu.memory_space<vmem>> -> memref<125xi32, #tpu.memory_space<vmem>>
        %dma_start3A_399 = arith.constant 0 : i32
        %dma_start3A_400 = arith.constant 0 : i32
        %dma_start3A_401 = tpu.memref_slice %arg6[%dma_start3A_399, %dma_start3A_400] : memref<10112x128xf32, #tpu.memory_space<vmem_shared>> -> memref<10112x128xf32, #tpu.memory_space<vmem_shared>>
        tpu.enqueue_indirect_dma source(%arg12 : memref<125x128xf32, #tpu.memory_space<vmem>>) target(%dma_start3A_401 : memref<10112x128xf32, #tpu.memory_space<vmem_shared>>) offsets(%dma_start3A_398 : memref<125xi32, #tpu.memory_space<vmem>>) semaphore(%run_scoped3A_395 : memref<!tpu.dma_semaphore, #tpu.memory_space<semaphore_mem>>) {add = true}
        %dma_wait3A_402 = arith.constant 0 : i32
        %dma_wait3A_403 = tpu.memref_slice %arg10[%add3A_394, %dma_wait3A_402] : memref<16x125xi32, #tpu.memory_space<vmem>> -> memref<1x125xi32, #tpu.memory_space<vmem>>
        %dma_wait3A_404 = tpu.memref_squeeze %dma_wait3A_403 : memref<1x125xi32, #tpu.memory_space<vmem>> -> memref<125xi32, #tpu.memory_space<vmem>>
        %dma_wait3A_405 = arith.constant 0 : i32
        %dma_wait3A_406 = arith.constant 0 : i32
        %dma_wait3A_407 = tpu.memref_slice %arg6[%dma_wait3A_405, %dma_wait3A_406] : memref<10112x128xf32, #tpu.memory_space<vmem_shared>> -> memref<10112x128xf32, #tpu.memory_space<vmem_shared>>
        tpu.wait_indirect_dma semaphore(%run_scoped3A_395 : memref<!tpu.dma_semaphore, #tpu.memory_space<semaphore_mem>>) src(%arg12 : memref<125x128xf32, #tpu.memory_space<vmem>>) dst(%dma_wait3A_407 : memref<10112x128xf32, #tpu.memory_space<vmem_shared>>)
        tpu.yield
      }) : () -> ()
    }
    %scan3A_162 = arith.constant 7 : i32
    %dma_wait3A_163 = arith.constant 14 : i32
    %dma_wait3A_164 = arith.constant 0 : i32
    %dma_wait3A_165 = tpu.memref_slice %arg9[%dma_wait3A_163, %dma_wait3A_164] : memref<16x125xi32, #tpu.memory_space<vmem>> -> memref<1x125xi32, #tpu.memory_space<vmem>>
    %dma_wait3A_166 = tpu.memref_squeeze %dma_wait3A_165 : memref<1x125xi32, #tpu.memory_space<vmem>> -> memref<125xi32, #tpu.memory_space<vmem>>
    %dma_wait3A_167 = arith.constant 0 : i32
    %dma_wait3A_168 = arith.constant 0 : i32
    %dma_wait3A_169 = tpu.memref_slice %arg2[%dma_wait3A_167, %dma_wait3A_168] : memref<10000x128xf32, #tpu.memory_space<hbm>> -> memref<10000x128xf32, #tpu.memory_space<hbm>>
    tpu.wait_indirect_dma semaphore(%arg13 : memref<!tpu.dma_semaphore, #tpu.memory_space<semaphore_mem>>) src(%dma_wait3A_169 : memref<10000x128xf32, #tpu.memory_space<hbm>>) dst(%arg11 : memref<125x128xf32, #tpu.memory_space<vmem>>)
    %dma_start3A_170 = arith.constant 15 : i32
    %dma_start3A_171 = arith.constant 0 : i32
    %dma_start3A_172 = tpu.memref_slice %arg9[%dma_start3A_170, %dma_start3A_171] : memref<16x125xi32, #tpu.memory_space<vmem>> -> memref<1x125xi32, #tpu.memory_space<vmem>>
    %dma_start3A_173 = tpu.memref_squeeze %dma_start3A_172 : memref<1x125xi32, #tpu.memory_space<vmem>> -> memref<125xi32, #tpu.memory_space<vmem>>
    %dma_start3A_174 = arith.constant 0 : i32
    %dma_start3A_175 = arith.constant 0 : i32
    %dma_start3A_176 = tpu.memref_slice %arg2[%dma_start3A_174, %dma_start3A_175] : memref<10000x128xf32, #tpu.memory_space<hbm>> -> memref<10000x128xf32, #tpu.memory_space<hbm>>
    tpu.enqueue_indirect_dma source(%dma_start3A_176 : memref<10000x128xf32, #tpu.memory_space<hbm>>) target(%arg12 : memref<125x128xf32, #tpu.memory_space<vmem>>) offsets(%dma_start3A_173 : memref<125xi32, #tpu.memory_space<vmem>>) semaphore(%arg14 : memref<!tpu.dma_semaphore, #tpu.memory_space<semaphore_mem>>)
    %run_scoped3A_177 = arith.constant 14 : i32
    "tpu.region"() ({
      %run_scoped3A_362 = tpu.sem_alloc : memref<!tpu.dma_semaphore, #tpu.memory_space<semaphore_mem>>
      %dma_start3A_363 = arith.constant 0 : i32
      %dma_start3A_364 = tpu.memref_slice %arg10[%run_scoped3A_177, %dma_start3A_363] : memref<16x125xi32, #tpu.memory_space<vmem>> -> memref<1x125xi32, #tpu.memory_space<vmem>>
      %dma_start3A_365 = tpu.memref_squeeze %dma_start3A_364 : memref<1x125xi32, #tpu.memory_space<vmem>> -> memref<125xi32, #tpu.memory_space<vmem>>
      %dma_start3A_366 = arith.constant 0 : i32
      %dma_start3A_367 = arith.constant 0 : i32
      %dma_start3A_368 = tpu.memref_slice %arg6[%dma_start3A_366, %dma_start3A_367] : memref<10112x128xf32, #tpu.memory_space<vmem_shared>> -> memref<10112x128xf32, #tpu.memory_space<vmem_shared>>
      tpu.enqueue_indirect_dma source(%arg11 : memref<125x128xf32, #tpu.memory_space<vmem>>) target(%dma_start3A_368 : memref<10112x128xf32, #tpu.memory_space<vmem_shared>>) offsets(%dma_start3A_365 : memref<125xi32, #tpu.memory_space<vmem>>) semaphore(%run_scoped3A_362 : memref<!tpu.dma_semaphore, #tpu.memory_space<semaphore_mem>>) {add = true}
      %dma_wait3A_369 = arith.constant 0 : i32
      %dma_wait3A_370 = tpu.memref_slice %arg10[%run_scoped3A_177, %dma_wait3A_369] : memref<16x125xi32, #tpu.memory_space<vmem>> -> memref<1x125xi32, #tpu.memory_space<vmem>>
      %dma_wait3A_371 = tpu.memref_squeeze %dma_wait3A_370 : memref<1x125xi32, #tpu.memory_space<vmem>> -> memref<125xi32, #tpu.memory_space<vmem>>
      %dma_wait3A_372 = arith.constant 0 : i32
      %dma_wait3A_373 = arith.constant 0 : i32
      %dma_wait3A_374 = tpu.memref_slice %arg6[%dma_wait3A_372, %dma_wait3A_373] : memref<10112x128xf32, #tpu.memory_space<vmem_shared>> -> memref<10112x128xf32, #tpu.memory_space<vmem_shared>>
      tpu.wait_indirect_dma semaphore(%run_scoped3A_362 : memref<!tpu.dma_semaphore, #tpu.memory_space<semaphore_mem>>) src(%arg11 : memref<125x128xf32, #tpu.memory_space<vmem>>) dst(%dma_wait3A_374 : memref<10112x128xf32, #tpu.memory_space<vmem_shared>>)
      tpu.yield
    }) : () -> ()
    %dma_start3A_178 = arith.constant 0 : i32
    %dma_start3A_179 = arith.constant 0 : i32
    %dma_start3A_180 = tpu.memref_slice %arg7[%dma_start3A_178, %dma_start3A_179] : memref<16x125xi32, #tpu.memory_space<vmem>> -> memref<1x125xi32, #tpu.memory_space<vmem>>
    %dma_start3A_181 = tpu.memref_squeeze %dma_start3A_180 : memref<1x125xi32, #tpu.memory_space<vmem>> -> memref<125xi32, #tpu.memory_space<vmem>>
    %dma_start3A_182 = arith.constant 0 : i32
    %dma_start3A_183 = arith.constant 0 : i32
    %dma_start3A_184 = tpu.memref_slice %arg2[%dma_start3A_182, %dma_start3A_183] : memref<10000x128xf32, #tpu.memory_space<hbm>> -> memref<10000x128xf32, #tpu.memory_space<hbm>>
    tpu.enqueue_indirect_dma source(%dma_start3A_184 : memref<10000x128xf32, #tpu.memory_space<hbm>>) target(%arg11 : memref<125x128xf32, #tpu.memory_space<vmem>>) offsets(%dma_start3A_181 : memref<125xi32, #tpu.memory_space<vmem>>) semaphore(%arg13 : memref<!tpu.dma_semaphore, #tpu.memory_space<semaphore_mem>>)
    %dma_wait3A_185 = arith.constant 15 : i32
    %dma_wait3A_186 = arith.constant 0 : i32
    %dma_wait3A_187 = tpu.memref_slice %arg9[%dma_wait3A_185, %dma_wait3A_186] : memref<16x125xi32, #tpu.memory_space<vmem>> -> memref<1x125xi32, #tpu.memory_space<vmem>>
    %dma_wait3A_188 = tpu.memref_squeeze %dma_wait3A_187 : memref<1x125xi32, #tpu.memory_space<vmem>> -> memref<125xi32, #tpu.memory_space<vmem>>
    %dma_wait3A_189 = arith.constant 0 : i32
    %dma_wait3A_190 = arith.constant 0 : i32
    %dma_wait3A_191 = tpu.memref_slice %arg2[%dma_wait3A_189, %dma_wait3A_190] : memref<10000x128xf32, #tpu.memory_space<hbm>> -> memref<10000x128xf32, #tpu.memory_space<hbm>>
    tpu.wait_indirect_dma semaphore(%arg14 : memref<!tpu.dma_semaphore, #tpu.memory_space<semaphore_mem>>) src(%dma_wait3A_191 : memref<10000x128xf32, #tpu.memory_space<hbm>>) dst(%arg12 : memref<125x128xf32, #tpu.memory_space<vmem>>)
    %run_scoped3A_192 = arith.constant 15 : i32
    "tpu.region"() ({
      %run_scoped3A_362 = tpu.sem_alloc : memref<!tpu.dma_semaphore, #tpu.memory_space<semaphore_mem>>
      %dma_start3A_363 = arith.constant 0 : i32
      %dma_start3A_364 = tpu.memref_slice %arg10[%run_scoped3A_192, %dma_start3A_363] : memref<16x125xi32, #tpu.memory_space<vmem>> -> memref<1x125xi32, #tpu.memory_space<vmem>>
      %dma_start3A_365 = tpu.memref_squeeze %dma_start3A_364 : memref<1x125xi32, #tpu.memory_space<vmem>> -> memref<125xi32, #tpu.memory_space<vmem>>
      %dma_start3A_366 = arith.constant 0 : i32
      %dma_start3A_367 = arith.constant 0 : i32
      %dma_start3A_368 = tpu.memref_slice %arg6[%dma_start3A_366, %dma_start3A_367] : memref<10112x128xf32, #tpu.memory_space<vmem_shared>> -> memref<10112x128xf32, #tpu.memory_space<vmem_shared>>
      tpu.enqueue_indirect_dma source(%arg12 : memref<125x128xf32, #tpu.memory_space<vmem>>) target(%dma_start3A_368 : memref<10112x128xf32, #tpu.memory_space<vmem_shared>>) offsets(%dma_start3A_365 : memref<125xi32, #tpu.memory_space<vmem>>) semaphore(%run_scoped3A_362 : memref<!tpu.dma_semaphore, #tpu.memory_space<semaphore_mem>>) {add = true}
      %dma_wait3A_369 = arith.constant 0 : i32
      %dma_wait3A_370 = tpu.memref_slice %arg10[%run_scoped3A_192, %dma_wait3A_369] : memref<16x125xi32, #tpu.memory_space<vmem>> -> memref<1x125xi32, #tpu.memory_space<vmem>>
      %dma_wait3A_371 = tpu.memref_squeeze %dma_wait3A_370 : memref<1x125xi32, #tpu.memory_space<vmem>> -> memref<125xi32, #tpu.memory_space<vmem>>
      %dma_wait3A_372 = arith.constant 0 : i32
      %dma_wait3A_373 = arith.constant 0 : i32
      %dma_wait3A_374 = tpu.memref_slice %arg6[%dma_wait3A_372, %dma_wait3A_373] : memref<10112x128xf32, #tpu.memory_space<vmem_shared>> -> memref<10112x128xf32, #tpu.memory_space<vmem_shared>>
      tpu.wait_indirect_dma semaphore(%run_scoped3A_362 : memref<!tpu.dma_semaphore, #tpu.memory_space<semaphore_mem>>) src(%arg12 : memref<125x128xf32, #tpu.memory_space<vmem>>) dst(%dma_wait3A_374 : memref<10112x128xf32, #tpu.memory_space<vmem_shared>>)
      tpu.yield
    }) : () -> ()
    %dma_start3A_193 = arith.constant 48 : i32
    %dma_start3A_194 = arith.constant 0 : i32
    %dma_start3A_195 = tpu.memref_slice %arg3[%add3A, %dma_start3A_193, %dma_start3A_194] : memref<32x80x125xi32, #tpu.memory_space<hbm>> -> memref<1x16x125xi32, #tpu.memory_space<hbm>>
    %dma_start3A_196 = tpu.memref_squeeze %dma_start3A_195 : memref<1x16x125xi32, #tpu.memory_space<hbm>> -> memref<16x125xi32, #tpu.memory_space<hbm>>
    %dma_start3A_197 = arith.constant 48 : i32
    %dma_start3A_198 = arith.constant 0 : i32
    %dma_start3A_199 = tpu.memref_slice %arg3[%add3A, %dma_start3A_197, %dma_start3A_198] : memref<32x80x125xi32, #tpu.memory_space<hbm>> -> memref<1x16x125xi32, #tpu.memory_space<hbm>>
    %dma_start3A_200 = tpu.memref_squeeze %dma_start3A_199 : memref<1x16x125xi32, #tpu.memory_space<hbm>> -> memref<16x125xi32, #tpu.memory_space<hbm>>
    tpu.enqueue_dma source(%dma_start3A_200 : memref<16x125xi32, #tpu.memory_space<hbm>>) target(%arg9 : memref<16x125xi32, #tpu.memory_space<vmem>>) target_semaphore(%arg16 : memref<!tpu.dma_semaphore, #tpu.memory_space<semaphore_mem>>)
    %dma_start3A_201 = arith.constant 48 : i32
    %dma_start3A_202 = arith.constant 0 : i32
    %dma_start3A_203 = tpu.memref_slice %arg4[%add3A, %dma_start3A_201, %dma_start3A_202] : memref<32x80x125xi32, #tpu.memory_space<hbm>> -> memref<1x16x125xi32, #tpu.memory_space<hbm>>
    %dma_start3A_204 = tpu.memref_squeeze %dma_start3A_203 : memref<1x16x125xi32, #tpu.memory_space<hbm>> -> memref<16x125xi32, #tpu.memory_space<hbm>>
    %dma_start3A_205 = arith.constant 48 : i32
    %dma_start3A_206 = arith.constant 0 : i32
    %dma_start3A_207 = tpu.memref_slice %arg4[%add3A, %dma_start3A_205, %dma_start3A_206] : memref<32x80x125xi32, #tpu.memory_space<hbm>> -> memref<1x16x125xi32, #tpu.memory_space<hbm>>
    %dma_start3A_208 = tpu.memref_squeeze %dma_start3A_207 : memref<1x16x125xi32, #tpu.memory_space<hbm>> -> memref<16x125xi32, #tpu.memory_space<hbm>>
    tpu.enqueue_dma source(%dma_start3A_208 : memref<16x125xi32, #tpu.memory_space<hbm>>) target(%arg10 : memref<16x125xi32, #tpu.memory_space<vmem>>) target_semaphore(%arg16 : memref<!tpu.dma_semaphore, #tpu.memory_space<semaphore_mem>>)
    %dma_wait3A_209 = arith.constant 48 : i32
    %dma_wait3A_210 = arith.constant 0 : i32
    %dma_wait3A_211 = tpu.memref_slice %arg3[%add3A, %dma_wait3A_209, %dma_wait3A_210] : memref<32x80x125xi32, #tpu.memory_space<hbm>> -> memref<1x16x125xi32, #tpu.memory_space<hbm>>
    %dma_wait3A_212 = tpu.memref_squeeze %dma_wait3A_211 : memref<1x16x125xi32, #tpu.memory_space<hbm>> -> memref<16x125xi32, #tpu.memory_space<hbm>>
    %dma_wait3A_213 = arith.constant 48 : i32
    %dma_wait3A_214 = arith.constant 0 : i32
    %dma_wait3A_215 = tpu.memref_slice %arg3[%add3A, %dma_wait3A_213, %dma_wait3A_214] : memref<32x80x125xi32, #tpu.memory_space<hbm>> -> memref<1x16x125xi32, #tpu.memory_space<hbm>>
    %dma_wait3A_216 = tpu.memref_squeeze %dma_wait3A_215 : memref<1x16x125xi32, #tpu.memory_space<hbm>> -> memref<16x125xi32, #tpu.memory_space<hbm>>
    tpu.wait_dma2 semaphore(%arg16 : memref<!tpu.dma_semaphore, #tpu.memory_space<semaphore_mem>>) src(%dma_wait3A_216 : memref<16x125xi32, #tpu.memory_space<hbm>>) dst(%arg9 : memref<16x125xi32, #tpu.memory_space<vmem>>)
    %dma_wait3A_217 = arith.constant 48 : i32
    %dma_wait3A_218 = arith.constant 0 : i32
    %dma_wait3A_219 = tpu.memref_slice %arg4[%add3A, %dma_wait3A_217, %dma_wait3A_218] : memref<32x80x125xi32, #tpu.memory_space<hbm>> -> memref<1x16x125xi32, #tpu.memory_space<hbm>>
    %dma_wait3A_220 = tpu.memref_squeeze %dma_wait3A_219 : memref<1x16x125xi32, #tpu.memory_space<hbm>> -> memref<16x125xi32, #tpu.memory_space<hbm>>
    %dma_wait3A_221 = arith.constant 48 : i32
    %dma_wait3A_222 = arith.constant 0 : i32
    %dma_wait3A_223 = tpu.memref_slice %arg4[%add3A, %dma_wait3A_221, %dma_wait3A_222] : memref<32x80x125xi32, #tpu.memory_space<hbm>> -> memref<1x16x125xi32, #tpu.memory_space<hbm>>
    %dma_wait3A_224 = tpu.memref_squeeze %dma_wait3A_223 : memref<1x16x125xi32, #tpu.memory_space<hbm>> -> memref<16x125xi32, #tpu.memory_space<hbm>>
    tpu.wait_dma2 semaphore(%arg16 : memref<!tpu.dma_semaphore, #tpu.memory_space<semaphore_mem>>) src(%dma_wait3A_224 : memref<16x125xi32, #tpu.memory_space<hbm>>) dst(%arg10 : memref<16x125xi32, #tpu.memory_space<vmem>>)
    %scan3A_225 = arith.constant 0 : i32
    %scan3A_226 = arith.constant 0 : i32
    %scan3A_227 = arith.constant 7 : i32
    %scan3A_228 = arith.addi %scan3A_226, %scan3A_227 : i32
    %scan3A_229 = arith.constant 1 : i32
    scf.for %scan3A_362 = %scan3A_226 to %scan3A_228 step %scan3A_229  : i32 {
      %mul3A_363 = arith.constant 2 : i32
      %mul3A_364 = arith.muli %scan3A_362, %mul3A_363 : i32
      %dma_wait3A_365 = arith.constant 0 : i32
      %dma_wait3A_366 = tpu.memref_slice %arg7[%mul3A_364, %dma_wait3A_365] : memref<16x125xi32, #tpu.memory_space<vmem>> -> memref<1x125xi32, #tpu.memory_space<vmem>>
      %dma_wait3A_367 = tpu.memref_squeeze %dma_wait3A_366 : memref<1x125xi32, #tpu.memory_space<vmem>> -> memref<125xi32, #tpu.memory_space<vmem>>
      %dma_wait3A_368 = arith.constant 0 : i32
      %dma_wait3A_369 = arith.constant 0 : i32
      %dma_wait3A_370 = tpu.memref_slice %arg2[%dma_wait3A_368, %dma_wait3A_369] : memref<10000x128xf32, #tpu.memory_space<hbm>> -> memref<10000x128xf32, #tpu.memory_space<hbm>>
      tpu.wait_indirect_dma semaphore(%arg13 : memref<!tpu.dma_semaphore, #tpu.memory_space<semaphore_mem>>) src(%dma_wait3A_370 : memref<10000x128xf32, #tpu.memory_space<hbm>>) dst(%arg11 : memref<125x128xf32, #tpu.memory_space<vmem>>)
      %add3A_371 = arith.constant 1 : i32
      %add3A_372 = arith.addi %mul3A_364, %add3A_371 : i32
      %dma_start3A_373 = arith.constant 0 : i32
      %dma_start3A_374 = tpu.memref_slice %arg7[%add3A_372, %dma_start3A_373] : memref<16x125xi32, #tpu.memory_space<vmem>> -> memref<1x125xi32, #tpu.memory_space<vmem>>
      %dma_start3A_375 = tpu.memref_squeeze %dma_start3A_374 : memref<1x125xi32, #tpu.memory_space<vmem>> -> memref<125xi32, #tpu.memory_space<vmem>>
      %dma_start3A_376 = arith.constant 0 : i32
      %dma_start3A_377 = arith.constant 0 : i32
      %dma_start3A_378 = tpu.memref_slice %arg2[%dma_start3A_376, %dma_start3A_377] : memref<10000x128xf32, #tpu.memory_space<hbm>> -> memref<10000x128xf32, #tpu.memory_space<hbm>>
      tpu.enqueue_indirect_dma source(%dma_start3A_378 : memref<10000x128xf32, #tpu.memory_space<hbm>>) target(%arg12 : memref<125x128xf32, #tpu.memory_space<vmem>>) offsets(%dma_start3A_375 : memref<125xi32, #tpu.memory_space<vmem>>) semaphore(%arg14 : memref<!tpu.dma_semaphore, #tpu.memory_space<semaphore_mem>>)
      "tpu.region"() ({
        %run_scoped3A_395 = tpu.sem_alloc : memref<!tpu.dma_semaphore, #tpu.memory_space<semaphore_mem>>
        %dma_start3A_396 = arith.constant 0 : i32
        %dma_start3A_397 = tpu.memref_slice %arg8[%mul3A_364, %dma_start3A_396] : memref<16x125xi32, #tpu.memory_space<vmem>> -> memref<1x125xi32, #tpu.memory_space<vmem>>
        %dma_start3A_398 = tpu.memref_squeeze %dma_start3A_397 : memref<1x125xi32, #tpu.memory_space<vmem>> -> memref<125xi32, #tpu.memory_space<vmem>>
        %dma_start3A_399 = arith.constant 0 : i32
        %dma_start3A_400 = arith.constant 0 : i32
        %dma_start3A_401 = tpu.memref_slice %arg6[%dma_start3A_399, %dma_start3A_400] : memref<10112x128xf32, #tpu.memory_space<vmem_shared>> -> memref<10112x128xf32, #tpu.memory_space<vmem_shared>>
        tpu.enqueue_indirect_dma source(%arg11 : memref<125x128xf32, #tpu.memory_space<vmem>>) target(%dma_start3A_401 : memref<10112x128xf32, #tpu.memory_space<vmem_shared>>) offsets(%dma_start3A_398 : memref<125xi32, #tpu.memory_space<vmem>>) semaphore(%run_scoped3A_395 : memref<!tpu.dma_semaphore, #tpu.memory_space<semaphore_mem>>) {add = true}
        %dma_wait3A_402 = arith.constant 0 : i32
        %dma_wait3A_403 = tpu.memref_slice %arg8[%mul3A_364, %dma_wait3A_402] : memref<16x125xi32, #tpu.memory_space<vmem>> -> memref<1x125xi32, #tpu.memory_space<vmem>>
        %dma_wait3A_404 = tpu.memref_squeeze %dma_wait3A_403 : memref<1x125xi32, #tpu.memory_space<vmem>> -> memref<125xi32, #tpu.memory_space<vmem>>
        %dma_wait3A_405 = arith.constant 0 : i32
        %dma_wait3A_406 = arith.constant 0 : i32
        %dma_wait3A_407 = tpu.memref_slice %arg6[%dma_wait3A_405, %dma_wait3A_406] : memref<10112x128xf32, #tpu.memory_space<vmem_shared>> -> memref<10112x128xf32, #tpu.memory_space<vmem_shared>>
        tpu.wait_indirect_dma semaphore(%run_scoped3A_395 : memref<!tpu.dma_semaphore, #tpu.memory_space<semaphore_mem>>) src(%arg11 : memref<125x128xf32, #tpu.memory_space<vmem>>) dst(%dma_wait3A_407 : memref<10112x128xf32, #tpu.memory_space<vmem_shared>>)
        tpu.yield
      }) : () -> ()
      %add3A_379 = arith.constant 2 : i32
      %add3A_380 = arith.addi %mul3A_364, %add3A_379 : i32
      %dma_start3A_381 = arith.constant 0 : i32
      %dma_start3A_382 = tpu.memref_slice %arg7[%add3A_380, %dma_start3A_381] : memref<16x125xi32, #tpu.memory_space<vmem>> -> memref<1x125xi32, #tpu.memory_space<vmem>>
      %dma_start3A_383 = tpu.memref_squeeze %dma_start3A_382 : memref<1x125xi32, #tpu.memory_space<vmem>> -> memref<125xi32, #tpu.memory_space<vmem>>
      %dma_start3A_384 = arith.constant 0 : i32
      %dma_start3A_385 = arith.constant 0 : i32
      %dma_start3A_386 = tpu.memref_slice %arg2[%dma_start3A_384, %dma_start3A_385] : memref<10000x128xf32, #tpu.memory_space<hbm>> -> memref<10000x128xf32, #tpu.memory_space<hbm>>
      tpu.enqueue_indirect_dma source(%dma_start3A_386 : memref<10000x128xf32, #tpu.memory_space<hbm>>) target(%arg11 : memref<125x128xf32, #tpu.memory_space<vmem>>) offsets(%dma_start3A_383 : memref<125xi32, #tpu.memory_space<vmem>>) semaphore(%arg13 : memref<!tpu.dma_semaphore, #tpu.memory_space<semaphore_mem>>)
      %dma_wait3A_387 = arith.constant 0 : i32
      %dma_wait3A_388 = tpu.memref_slice %arg7[%add3A_372, %dma_wait3A_387] : memref<16x125xi32, #tpu.memory_space<vmem>> -> memref<1x125xi32, #tpu.memory_space<vmem>>
      %dma_wait3A_389 = tpu.memref_squeeze %dma_wait3A_388 : memref<1x125xi32, #tpu.memory_space<vmem>> -> memref<125xi32, #tpu.memory_space<vmem>>
      %dma_wait3A_390 = arith.constant 0 : i32
      %dma_wait3A_391 = arith.constant 0 : i32
      %dma_wait3A_392 = tpu.memref_slice %arg2[%dma_wait3A_390, %dma_wait3A_391] : memref<10000x128xf32, #tpu.memory_space<hbm>> -> memref<10000x128xf32, #tpu.memory_space<hbm>>
      tpu.wait_indirect_dma semaphore(%arg14 : memref<!tpu.dma_semaphore, #tpu.memory_space<semaphore_mem>>) src(%dma_wait3A_392 : memref<10000x128xf32, #tpu.memory_space<hbm>>) dst(%arg12 : memref<125x128xf32, #tpu.memory_space<vmem>>)
      %add3A_393 = arith.constant 1 : i32
      %add3A_394 = arith.addi %mul3A_364, %add3A_393 : i32
      "tpu.region"() ({
        %run_scoped3A_395 = tpu.sem_alloc : memref<!tpu.dma_semaphore, #tpu.memory_space<semaphore_mem>>
        %dma_start3A_396 = arith.constant 0 : i32
        %dma_start3A_397 = tpu.memref_slice %arg8[%add3A_394, %dma_start3A_396] : memref<16x125xi32, #tpu.memory_space<vmem>> -> memref<1x125xi32, #tpu.memory_space<vmem>>
        %dma_start3A_398 = tpu.memref_squeeze %dma_start3A_397 : memref<1x125xi32, #tpu.memory_space<vmem>> -> memref<125xi32, #tpu.memory_space<vmem>>
        %dma_start3A_399 = arith.constant 0 : i32
        %dma_start3A_400 = arith.constant 0 : i32
        %dma_start3A_401 = tpu.memref_slice %arg6[%dma_start3A_399, %dma_start3A_400] : memref<10112x128xf32, #tpu.memory_space<vmem_shared>> -> memref<10112x128xf32, #tpu.memory_space<vmem_shared>>
        tpu.enqueue_indirect_dma source(%arg12 : memref<125x128xf32, #tpu.memory_space<vmem>>) target(%dma_start3A_401 : memref<10112x128xf32, #tpu.memory_space<vmem_shared>>) offsets(%dma_start3A_398 : memref<125xi32, #tpu.memory_space<vmem>>) semaphore(%run_scoped3A_395 : memref<!tpu.dma_semaphore, #tpu.memory_space<semaphore_mem>>) {add = true}
        %dma_wait3A_402 = arith.constant 0 : i32
        %dma_wait3A_403 = tpu.memref_slice %arg8[%add3A_394, %dma_wait3A_402] : memref<16x125xi32, #tpu.memory_space<vmem>> -> memref<1x125xi32, #tpu.memory_space<vmem>>
        %dma_wait3A_404 = tpu.memref_squeeze %dma_wait3A_403 : memref<1x125xi32, #tpu.memory_space<vmem>> -> memref<125xi32, #tpu.memory_space<vmem>>
        %dma_wait3A_405 = arith.constant 0 : i32
        %dma_wait3A_406 = arith.constant 0 : i32
        %dma_wait3A_407 = tpu.memref_slice %arg6[%dma_wait3A_405, %dma_wait3A_406] : memref<10112x128xf32, #tpu.memory_space<vmem_shared>> -> memref<10112x128xf32, #tpu.memory_space<vmem_shared>>
        tpu.wait_indirect_dma semaphore(%run_scoped3A_395 : memref<!tpu.dma_semaphore, #tpu.memory_space<semaphore_mem>>) src(%arg12 : memref<125x128xf32, #tpu.memory_space<vmem>>) dst(%dma_wait3A_407 : memref<10112x128xf32, #tpu.memory_space<vmem_shared>>)
        tpu.yield
      }) : () -> ()
    }
    %scan3A_230 = arith.constant 7 : i32
    %dma_wait3A_231 = arith.constant 14 : i32
    %dma_wait3A_232 = arith.constant 0 : i32
    %dma_wait3A_233 = tpu.memref_slice %arg7[%dma_wait3A_231, %dma_wait3A_232] : memref<16x125xi32, #tpu.memory_space<vmem>> -> memref<1x125xi32, #tpu.memory_space<vmem>>
    %dma_wait3A_234 = tpu.memref_squeeze %dma_wait3A_233 : memref<1x125xi32, #tpu.memory_space<vmem>> -> memref<125xi32, #tpu.memory_space<vmem>>
    %dma_wait3A_235 = arith.constant 0 : i32
    %dma_wait3A_236 = arith.constant 0 : i32
    %dma_wait3A_237 = tpu.memref_slice %arg2[%dma_wait3A_235, %dma_wait3A_236] : memref<10000x128xf32, #tpu.memory_space<hbm>> -> memref<10000x128xf32, #tpu.memory_space<hbm>>
    tpu.wait_indirect_dma semaphore(%arg13 : memref<!tpu.dma_semaphore, #tpu.memory_space<semaphore_mem>>) src(%dma_wait3A_237 : memref<10000x128xf32, #tpu.memory_space<hbm>>) dst(%arg11 : memref<125x128xf32, #tpu.memory_space<vmem>>)
    %dma_start3A_238 = arith.constant 15 : i32
    %dma_start3A_239 = arith.constant 0 : i32
    %dma_start3A_240 = tpu.memref_slice %arg7[%dma_start3A_238, %dma_start3A_239] : memref<16x125xi32, #tpu.memory_space<vmem>> -> memref<1x125xi32, #tpu.memory_space<vmem>>
    %dma_start3A_241 = tpu.memref_squeeze %dma_start3A_240 : memref<1x125xi32, #tpu.memory_space<vmem>> -> memref<125xi32, #tpu.memory_space<vmem>>
    %dma_start3A_242 = arith.constant 0 : i32
    %dma_start3A_243 = arith.constant 0 : i32
    %dma_start3A_244 = tpu.memref_slice %arg2[%dma_start3A_242, %dma_start3A_243] : memref<10000x128xf32, #tpu.memory_space<hbm>> -> memref<10000x128xf32, #tpu.memory_space<hbm>>
    tpu.enqueue_indirect_dma source(%dma_start3A_244 : memref<10000x128xf32, #tpu.memory_space<hbm>>) target(%arg12 : memref<125x128xf32, #tpu.memory_space<vmem>>) offsets(%dma_start3A_241 : memref<125xi32, #tpu.memory_space<vmem>>) semaphore(%arg14 : memref<!tpu.dma_semaphore, #tpu.memory_space<semaphore_mem>>)
    %run_scoped3A_245 = arith.constant 14 : i32
    "tpu.region"() ({
      %run_scoped3A_362 = tpu.sem_alloc : memref<!tpu.dma_semaphore, #tpu.memory_space<semaphore_mem>>
      %dma_start3A_363 = arith.constant 0 : i32
      %dma_start3A_364 = tpu.memref_slice %arg8[%run_scoped3A_245, %dma_start3A_363] : memref<16x125xi32, #tpu.memory_space<vmem>> -> memref<1x125xi32, #tpu.memory_space<vmem>>
      %dma_start3A_365 = tpu.memref_squeeze %dma_start3A_364 : memref<1x125xi32, #tpu.memory_space<vmem>> -> memref<125xi32, #tpu.memory_space<vmem>>
      %dma_start3A_366 = arith.constant 0 : i32
      %dma_start3A_367 = arith.constant 0 : i32
      %dma_start3A_368 = tpu.memref_slice %arg6[%dma_start3A_366, %dma_start3A_367] : memref<10112x128xf32, #tpu.memory_space<vmem_shared>> -> memref<10112x128xf32, #tpu.memory_space<vmem_shared>>
      tpu.enqueue_indirect_dma source(%arg11 : memref<125x128xf32, #tpu.memory_space<vmem>>) target(%dma_start3A_368 : memref<10112x128xf32, #tpu.memory_space<vmem_shared>>) offsets(%dma_start3A_365 : memref<125xi32, #tpu.memory_space<vmem>>) semaphore(%run_scoped3A_362 : memref<!tpu.dma_semaphore, #tpu.memory_space<semaphore_mem>>) {add = true}
      %dma_wait3A_369 = arith.constant 0 : i32
      %dma_wait3A_370 = tpu.memref_slice %arg8[%run_scoped3A_245, %dma_wait3A_369] : memref<16x125xi32, #tpu.memory_space<vmem>> -> memref<1x125xi32, #tpu.memory_space<vmem>>
      %dma_wait3A_371 = tpu.memref_squeeze %dma_wait3A_370 : memref<1x125xi32, #tpu.memory_space<vmem>> -> memref<125xi32, #tpu.memory_space<vmem>>
      %dma_wait3A_372 = arith.constant 0 : i32
      %dma_wait3A_373 = arith.constant 0 : i32
      %dma_wait3A_374 = tpu.memref_slice %arg6[%dma_wait3A_372, %dma_wait3A_373] : memref<10112x128xf32, #tpu.memory_space<vmem_shared>> -> memref<10112x128xf32, #tpu.memory_space<vmem_shared>>
      tpu.wait_indirect_dma semaphore(%run_scoped3A_362 : memref<!tpu.dma_semaphore, #tpu.memory_space<semaphore_mem>>) src(%arg11 : memref<125x128xf32, #tpu.memory_space<vmem>>) dst(%dma_wait3A_374 : memref<10112x128xf32, #tpu.memory_space<vmem_shared>>)
      tpu.yield
    }) : () -> ()
    %dma_start3A_246 = arith.constant 0 : i32
    %dma_start3A_247 = arith.constant 0 : i32
    %dma_start3A_248 = tpu.memref_slice %arg9[%dma_start3A_246, %dma_start3A_247] : memref<16x125xi32, #tpu.memory_space<vmem>> -> memref<1x125xi32, #tpu.memory_space<vmem>>
    %dma_start3A_249 = tpu.memref_squeeze %dma_start3A_248 : memref<1x125xi32, #tpu.memory_space<vmem>> -> memref<125xi32, #tpu.memory_space<vmem>>
    %dma_start3A_250 = arith.constant 0 : i32
    %dma_start3A_251 = arith.constant 0 : i32
    %dma_start3A_252 = tpu.memref_slice %arg2[%dma_start3A_250, %dma_start3A_251] : memref<10000x128xf32, #tpu.memory_space<hbm>> -> memref<10000x128xf32, #tpu.memory_space<hbm>>
    tpu.enqueue_indirect_dma source(%dma_start3A_252 : memref<10000x128xf32, #tpu.memory_space<hbm>>) target(%arg11 : memref<125x128xf32, #tpu.memory_space<vmem>>) offsets(%dma_start3A_249 : memref<125xi32, #tpu.memory_space<vmem>>) semaphore(%arg13 : memref<!tpu.dma_semaphore, #tpu.memory_space<semaphore_mem>>)
    %dma_wait3A_253 = arith.constant 15 : i32
    %dma_wait3A_254 = arith.constant 0 : i32
    %dma_wait3A_255 = tpu.memref_slice %arg7[%dma_wait3A_253, %dma_wait3A_254] : memref<16x125xi32, #tpu.memory_space<vmem>> -> memref<1x125xi32, #tpu.memory_space<vmem>>
    %dma_wait3A_256 = tpu.memref_squeeze %dma_wait3A_255 : memref<1x125xi32, #tpu.memory_space<vmem>> -> memref<125xi32, #tpu.memory_space<vmem>>
    %dma_wait3A_257 = arith.constant 0 : i32
    %dma_wait3A_258 = arith.constant 0 : i32
    %dma_wait3A_259 = tpu.memref_slice %arg2[%dma_wait3A_257, %dma_wait3A_258] : memref<10000x128xf32, #tpu.memory_space<hbm>> -> memref<10000x128xf32, #tpu.memory_space<hbm>>
    tpu.wait_indirect_dma semaphore(%arg14 : memref<!tpu.dma_semaphore, #tpu.memory_space<semaphore_mem>>) src(%dma_wait3A_259 : memref<10000x128xf32, #tpu.memory_space<hbm>>) dst(%arg12 : memref<125x128xf32, #tpu.memory_space<vmem>>)
    %run_scoped3A_260 = arith.constant 15 : i32
    "tpu.region"() ({
      %run_scoped3A_362 = tpu.sem_alloc : memref<!tpu.dma_semaphore, #tpu.memory_space<semaphore_mem>>
      %dma_start3A_363 = arith.constant 0 : i32
      %dma_start3A_364 = tpu.memref_slice %arg8[%run_scoped3A_260, %dma_start3A_363] : memref<16x125xi32, #tpu.memory_space<vmem>> -> memref<1x125xi32, #tpu.memory_space<vmem>>
      %dma_start3A_365 = tpu.memref_squeeze %dma_start3A_364 : memref<1x125xi32, #tpu.memory_space<vmem>> -> memref<125xi32, #tpu.memory_space<vmem>>
      %dma_start3A_366 = arith.constant 0 : i32
      %dma_start3A_367 = arith.constant 0 : i32
      %dma_start3A_368 = tpu.memref_slice %arg6[%dma_start3A_366, %dma_start3A_367] : memref<10112x128xf32, #tpu.memory_space<vmem_shared>> -> memref<10112x128xf32, #tpu.memory_space<vmem_shared>>
      tpu.enqueue_indirect_dma source(%arg12 : memref<125x128xf32, #tpu.memory_space<vmem>>) target(%dma_start3A_368 : memref<10112x128xf32, #tpu.memory_space<vmem_shared>>) offsets(%dma_start3A_365 : memref<125xi32, #tpu.memory_space<vmem>>) semaphore(%run_scoped3A_362 : memref<!tpu.dma_semaphore, #tpu.memory_space<semaphore_mem>>) {add = true}
      %dma_wait3A_369 = arith.constant 0 : i32
      %dma_wait3A_370 = tpu.memref_slice %arg8[%run_scoped3A_260, %dma_wait3A_369] : memref<16x125xi32, #tpu.memory_space<vmem>> -> memref<1x125xi32, #tpu.memory_space<vmem>>
      %dma_wait3A_371 = tpu.memref_squeeze %dma_wait3A_370 : memref<1x125xi32, #tpu.memory_space<vmem>> -> memref<125xi32, #tpu.memory_space<vmem>>
      %dma_wait3A_372 = arith.constant 0 : i32
      %dma_wait3A_373 = arith.constant 0 : i32
      %dma_wait3A_374 = tpu.memref_slice %arg6[%dma_wait3A_372, %dma_wait3A_373] : memref<10112x128xf32, #tpu.memory_space<vmem_shared>> -> memref<10112x128xf32, #tpu.memory_space<vmem_shared>>
      tpu.wait_indirect_dma semaphore(%run_scoped3A_362 : memref<!tpu.dma_semaphore, #tpu.memory_space<semaphore_mem>>) src(%arg12 : memref<125x128xf32, #tpu.memory_space<vmem>>) dst(%dma_wait3A_374 : memref<10112x128xf32, #tpu.memory_space<vmem_shared>>)
      tpu.yield
    }) : () -> ()
    %dma_start3A_261 = arith.constant 64 : i32
    %dma_start3A_262 = arith.constant 0 : i32
    %dma_start3A_263 = tpu.memref_slice %arg3[%add3A, %dma_start3A_261, %dma_start3A_262] : memref<32x80x125xi32, #tpu.memory_space<hbm>> -> memref<1x16x125xi32, #tpu.memory_space<hbm>>
    %dma_start3A_264 = tpu.memref_squeeze %dma_start3A_263 : memref<1x16x125xi32, #tpu.memory_space<hbm>> -> memref<16x125xi32, #tpu.memory_space<hbm>>
    %dma_start3A_265 = arith.constant 64 : i32
    %dma_start3A_266 = arith.constant 0 : i32
    %dma_start3A_267 = tpu.memref_slice %arg3[%add3A, %dma_start3A_265, %dma_start3A_266] : memref<32x80x125xi32, #tpu.memory_space<hbm>> -> memref<1x16x125xi32, #tpu.memory_space<hbm>>
    %dma_start3A_268 = tpu.memref_squeeze %dma_start3A_267 : memref<1x16x125xi32, #tpu.memory_space<hbm>> -> memref<16x125xi32, #tpu.memory_space<hbm>>
    tpu.enqueue_dma source(%dma_start3A_268 : memref<16x125xi32, #tpu.memory_space<hbm>>) target(%arg7 : memref<16x125xi32, #tpu.memory_space<vmem>>) target_semaphore(%arg15 : memref<!tpu.dma_semaphore, #tpu.memory_space<semaphore_mem>>)
    %dma_start3A_269 = arith.constant 64 : i32
    %dma_start3A_270 = arith.constant 0 : i32
    %dma_start3A_271 = tpu.memref_slice %arg4[%add3A, %dma_start3A_269, %dma_start3A_270] : memref<32x80x125xi32, #tpu.memory_space<hbm>> -> memref<1x16x125xi32, #tpu.memory_space<hbm>>
    %dma_start3A_272 = tpu.memref_squeeze %dma_start3A_271 : memref<1x16x125xi32, #tpu.memory_space<hbm>> -> memref<16x125xi32, #tpu.memory_space<hbm>>
    %dma_start3A_273 = arith.constant 64 : i32
    %dma_start3A_274 = arith.constant 0 : i32
    %dma_start3A_275 = tpu.memref_slice %arg4[%add3A, %dma_start3A_273, %dma_start3A_274] : memref<32x80x125xi32, #tpu.memory_space<hbm>> -> memref<1x16x125xi32, #tpu.memory_space<hbm>>
    %dma_start3A_276 = tpu.memref_squeeze %dma_start3A_275 : memref<1x16x125xi32, #tpu.memory_space<hbm>> -> memref<16x125xi32, #tpu.memory_space<hbm>>
    tpu.enqueue_dma source(%dma_start3A_276 : memref<16x125xi32, #tpu.memory_space<hbm>>) target(%arg8 : memref<16x125xi32, #tpu.memory_space<vmem>>) target_semaphore(%arg15 : memref<!tpu.dma_semaphore, #tpu.memory_space<semaphore_mem>>)
    %dma_wait3A_277 = arith.constant 64 : i32
    %dma_wait3A_278 = arith.constant 0 : i32
    %dma_wait3A_279 = tpu.memref_slice %arg3[%add3A, %dma_wait3A_277, %dma_wait3A_278] : memref<32x80x125xi32, #tpu.memory_space<hbm>> -> memref<1x16x125xi32, #tpu.memory_space<hbm>>
    %dma_wait3A_280 = tpu.memref_squeeze %dma_wait3A_279 : memref<1x16x125xi32, #tpu.memory_space<hbm>> -> memref<16x125xi32, #tpu.memory_space<hbm>>
    %dma_wait3A_281 = arith.constant 64 : i32
    %dma_wait3A_282 = arith.constant 0 : i32
    %dma_wait3A_283 = tpu.memref_slice %arg3[%add3A, %dma_wait3A_281, %dma_wait3A_282] : memref<32x80x125xi32, #tpu.memory_space<hbm>> -> memref<1x16x125xi32, #tpu.memory_space<hbm>>
    %dma_wait3A_284 = tpu.memref_squeeze %dma_wait3A_283 : memref<1x16x125xi32, #tpu.memory_space<hbm>> -> memref<16x125xi32, #tpu.memory_space<hbm>>
    tpu.wait_dma2 semaphore(%arg15 : memref<!tpu.dma_semaphore, #tpu.memory_space<semaphore_mem>>) src(%dma_wait3A_284 : memref<16x125xi32, #tpu.memory_space<hbm>>) dst(%arg7 : memref<16x125xi32, #tpu.memory_space<vmem>>)
    %dma_wait3A_285 = arith.constant 64 : i32
    %dma_wait3A_286 = arith.constant 0 : i32
    %dma_wait3A_287 = tpu.memref_slice %arg4[%add3A, %dma_wait3A_285, %dma_wait3A_286] : memref<32x80x125xi32, #tpu.memory_space<hbm>> -> memref<1x16x125xi32, #tpu.memory_space<hbm>>
    %dma_wait3A_288 = tpu.memref_squeeze %dma_wait3A_287 : memref<1x16x125xi32, #tpu.memory_space<hbm>> -> memref<16x125xi32, #tpu.memory_space<hbm>>
    %dma_wait3A_289 = arith.constant 64 : i32
    %dma_wait3A_290 = arith.constant 0 : i32
    %dma_wait3A_291 = tpu.memref_slice %arg4[%add3A, %dma_wait3A_289, %dma_wait3A_290] : memref<32x80x125xi32, #tpu.memory_space<hbm>> -> memref<1x16x125xi32, #tpu.memory_space<hbm>>
    %dma_wait3A_292 = tpu.memref_squeeze %dma_wait3A_291 : memref<1x16x125xi32, #tpu.memory_space<hbm>> -> memref<16x125xi32, #tpu.memory_space<hbm>>
    tpu.wait_dma2 semaphore(%arg15 : memref<!tpu.dma_semaphore, #tpu.memory_space<semaphore_mem>>) src(%dma_wait3A_292 : memref<16x125xi32, #tpu.memory_space<hbm>>) dst(%arg8 : memref<16x125xi32, #tpu.memory_space<vmem>>)
    %scan3A_293 = arith.constant 0 : i32
    %scan3A_294 = arith.constant 0 : i32
    %scan3A_295 = arith.constant 7 : i32
    %scan3A_296 = arith.addi %scan3A_294, %scan3A_295 : i32
    %scan3A_297 = arith.constant 1 : i32
    scf.for %scan3A_362 = %scan3A_294 to %scan3A_296 step %scan3A_297  : i32 {
      %mul3A_363 = arith.constant 2 : i32
      %mul3A_364 = arith.muli %scan3A_362, %mul3A_363 : i32
      %dma_wait3A_365 = arith.constant 0 : i32
      %dma_wait3A_366 = tpu.memref_slice %arg9[%mul3A_364, %dma_wait3A_365] : memref<16x125xi32, #tpu.memory_space<vmem>> -> memref<1x125xi32, #tpu.memory_space<vmem>>
      %dma_wait3A_367 = tpu.memref_squeeze %dma_wait3A_366 : memref<1x125xi32, #tpu.memory_space<vmem>> -> memref<125xi32, #tpu.memory_space<vmem>>
      %dma_wait3A_368 = arith.constant 0 : i32
      %dma_wait3A_369 = arith.constant 0 : i32
      %dma_wait3A_370 = tpu.memref_slice %arg2[%dma_wait3A_368, %dma_wait3A_369] : memref<10000x128xf32, #tpu.memory_space<hbm>> -> memref<10000x128xf32, #tpu.memory_space<hbm>>
      tpu.wait_indirect_dma semaphore(%arg13 : memref<!tpu.dma_semaphore, #tpu.memory_space<semaphore_mem>>) src(%dma_wait3A_370 : memref<10000x128xf32, #tpu.memory_space<hbm>>) dst(%arg11 : memref<125x128xf32, #tpu.memory_space<vmem>>)
      %add3A_371 = arith.constant 1 : i32
      %add3A_372 = arith.addi %mul3A_364, %add3A_371 : i32
      %dma_start3A_373 = arith.constant 0 : i32
      %dma_start3A_374 = tpu.memref_slice %arg9[%add3A_372, %dma_start3A_373] : memref<16x125xi32, #tpu.memory_space<vmem>> -> memref<1x125xi32, #tpu.memory_space<vmem>>
      %dma_start3A_375 = tpu.memref_squeeze %dma_start3A_374 : memref<1x125xi32, #tpu.memory_space<vmem>> -> memref<125xi32, #tpu.memory_space<vmem>>
      %dma_start3A_376 = arith.constant 0 : i32
      %dma_start3A_377 = arith.constant 0 : i32
      %dma_start3A_378 = tpu.memref_slice %arg2[%dma_start3A_376, %dma_start3A_377] : memref<10000x128xf32, #tpu.memory_space<hbm>> -> memref<10000x128xf32, #tpu.memory_space<hbm>>
      tpu.enqueue_indirect_dma source(%dma_start3A_378 : memref<10000x128xf32, #tpu.memory_space<hbm>>) target(%arg12 : memref<125x128xf32, #tpu.memory_space<vmem>>) offsets(%dma_start3A_375 : memref<125xi32, #tpu.memory_space<vmem>>) semaphore(%arg14 : memref<!tpu.dma_semaphore, #tpu.memory_space<semaphore_mem>>)
      "tpu.region"() ({
        %run_scoped3A_395 = tpu.sem_alloc : memref<!tpu.dma_semaphore, #tpu.memory_space<semaphore_mem>>
        %dma_start3A_396 = arith.constant 0 : i32
        %dma_start3A_397 = tpu.memref_slice %arg10[%mul3A_364, %dma_start3A_396] : memref<16x125xi32, #tpu.memory_space<vmem>> -> memref<1x125xi32, #tpu.memory_space<vmem>>
        %dma_start3A_398 = tpu.memref_squeeze %dma_start3A_397 : memref<1x125xi32, #tpu.memory_space<vmem>> -> memref<125xi32, #tpu.memory_space<vmem>>
        %dma_start3A_399 = arith.constant 0 : i32
        %dma_start3A_400 = arith.constant 0 : i32
        %dma_start3A_401 = tpu.memref_slice %arg6[%dma_start3A_399, %dma_start3A_400] : memref<10112x128xf32, #tpu.memory_space<vmem_shared>> -> memref<10112x128xf32, #tpu.memory_space<vmem_shared>>
        tpu.enqueue_indirect_dma source(%arg11 : memref<125x128xf32, #tpu.memory_space<vmem>>) target(%dma_start3A_401 : memref<10112x128xf32, #tpu.memory_space<vmem_shared>>) offsets(%dma_start3A_398 : memref<125xi32, #tpu.memory_space<vmem>>) semaphore(%run_scoped3A_395 : memref<!tpu.dma_semaphore, #tpu.memory_space<semaphore_mem>>) {add = true}
        %dma_wait3A_402 = arith.constant 0 : i32
        %dma_wait3A_403 = tpu.memref_slice %arg10[%mul3A_364, %dma_wait3A_402] : memref<16x125xi32, #tpu.memory_space<vmem>> -> memref<1x125xi32, #tpu.memory_space<vmem>>
        %dma_wait3A_404 = tpu.memref_squeeze %dma_wait3A_403 : memref<1x125xi32, #tpu.memory_space<vmem>> -> memref<125xi32, #tpu.memory_space<vmem>>
        %dma_wait3A_405 = arith.constant 0 : i32
        %dma_wait3A_406 = arith.constant 0 : i32
        %dma_wait3A_407 = tpu.memref_slice %arg6[%dma_wait3A_405, %dma_wait3A_406] : memref<10112x128xf32, #tpu.memory_space<vmem_shared>> -> memref<10112x128xf32, #tpu.memory_space<vmem_shared>>
        tpu.wait_indirect_dma semaphore(%run_scoped3A_395 : memref<!tpu.dma_semaphore, #tpu.memory_space<semaphore_mem>>) src(%arg11 : memref<125x128xf32, #tpu.memory_space<vmem>>) dst(%dma_wait3A_407 : memref<10112x128xf32, #tpu.memory_space<vmem_shared>>)
        tpu.yield
      }) : () -> ()
      %add3A_379 = arith.constant 2 : i32
      %add3A_380 = arith.addi %mul3A_364, %add3A_379 : i32
      %dma_start3A_381 = arith.constant 0 : i32
      %dma_start3A_382 = tpu.memref_slice %arg9[%add3A_380, %dma_start3A_381] : memref<16x125xi32, #tpu.memory_space<vmem>> -> memref<1x125xi32, #tpu.memory_space<vmem>>
      %dma_start3A_383 = tpu.memref_squeeze %dma_start3A_382 : memref<1x125xi32, #tpu.memory_space<vmem>> -> memref<125xi32, #tpu.memory_space<vmem>>
      %dma_start3A_384 = arith.constant 0 : i32
      %dma_start3A_385 = arith.constant 0 : i32
      %dma_start3A_386 = tpu.memref_slice %arg2[%dma_start3A_384, %dma_start3A_385] : memref<10000x128xf32, #tpu.memory_space<hbm>> -> memref<10000x128xf32, #tpu.memory_space<hbm>>
      tpu.enqueue_indirect_dma source(%dma_start3A_386 : memref<10000x128xf32, #tpu.memory_space<hbm>>) target(%arg11 : memref<125x128xf32, #tpu.memory_space<vmem>>) offsets(%dma_start3A_383 : memref<125xi32, #tpu.memory_space<vmem>>) semaphore(%arg13 : memref<!tpu.dma_semaphore, #tpu.memory_space<semaphore_mem>>)
      %dma_wait3A_387 = arith.constant 0 : i32
      %dma_wait3A_388 = tpu.memref_slice %arg9[%add3A_372, %dma_wait3A_387] : memref<16x125xi32, #tpu.memory_space<vmem>> -> memref<1x125xi32, #tpu.memory_space<vmem>>
      %dma_wait3A_389 = tpu.memref_squeeze %dma_wait3A_388 : memref<1x125xi32, #tpu.memory_space<vmem>> -> memref<125xi32, #tpu.memory_space<vmem>>
      %dma_wait3A_390 = arith.constant 0 : i32
      %dma_wait3A_391 = arith.constant 0 : i32
      %dma_wait3A_392 = tpu.memref_slice %arg2[%dma_wait3A_390, %dma_wait3A_391] : memref<10000x128xf32, #tpu.memory_space<hbm>> -> memref<10000x128xf32, #tpu.memory_space<hbm>>
      tpu.wait_indirect_dma semaphore(%arg14 : memref<!tpu.dma_semaphore, #tpu.memory_space<semaphore_mem>>) src(%dma_wait3A_392 : memref<10000x128xf32, #tpu.memory_space<hbm>>) dst(%arg12 : memref<125x128xf32, #tpu.memory_space<vmem>>)
      %add3A_393 = arith.constant 1 : i32
      %add3A_394 = arith.addi %mul3A_364, %add3A_393 : i32
      "tpu.region"() ({
        %run_scoped3A_395 = tpu.sem_alloc : memref<!tpu.dma_semaphore, #tpu.memory_space<semaphore_mem>>
        %dma_start3A_396 = arith.constant 0 : i32
        %dma_start3A_397 = tpu.memref_slice %arg10[%add3A_394, %dma_start3A_396] : memref<16x125xi32, #tpu.memory_space<vmem>> -> memref<1x125xi32, #tpu.memory_space<vmem>>
        %dma_start3A_398 = tpu.memref_squeeze %dma_start3A_397 : memref<1x125xi32, #tpu.memory_space<vmem>> -> memref<125xi32, #tpu.memory_space<vmem>>
        %dma_start3A_399 = arith.constant 0 : i32
        %dma_start3A_400 = arith.constant 0 : i32
        %dma_start3A_401 = tpu.memref_slice %arg6[%dma_start3A_399, %dma_start3A_400] : memref<10112x128xf32, #tpu.memory_space<vmem_shared>> -> memref<10112x128xf32, #tpu.memory_space<vmem_shared>>
        tpu.enqueue_indirect_dma source(%arg12 : memref<125x128xf32, #tpu.memory_space<vmem>>) target(%dma_start3A_401 : memref<10112x128xf32, #tpu.memory_space<vmem_shared>>) offsets(%dma_start3A_398 : memref<125xi32, #tpu.memory_space<vmem>>) semaphore(%run_scoped3A_395 : memref<!tpu.dma_semaphore, #tpu.memory_space<semaphore_mem>>) {add = true}
        %dma_wait3A_402 = arith.constant 0 : i32
        %dma_wait3A_403 = tpu.memref_slice %arg10[%add3A_394, %dma_wait3A_402] : memref<16x125xi32, #tpu.memory_space<vmem>> -> memref<1x125xi32, #tpu.memory_space<vmem>>
        %dma_wait3A_404 = tpu.memref_squeeze %dma_wait3A_403 : memref<1x125xi32, #tpu.memory_space<vmem>> -> memref<125xi32, #tpu.memory_space<vmem>>
        %dma_wait3A_405 = arith.constant 0 : i32
        %dma_wait3A_406 = arith.constant 0 : i32
        %dma_wait3A_407 = tpu.memref_slice %arg6[%dma_wait3A_405, %dma_wait3A_406] : memref<10112x128xf32, #tpu.memory_space<vmem_shared>> -> memref<10112x128xf32, #tpu.memory_space<vmem_shared>>
        tpu.wait_indirect_dma semaphore(%run_scoped3A_395 : memref<!tpu.dma_semaphore, #tpu.memory_space<semaphore_mem>>) src(%arg12 : memref<125x128xf32, #tpu.memory_space<vmem>>) dst(%dma_wait3A_407 : memref<10112x128xf32, #tpu.memory_space<vmem_shared>>)
        tpu.yield
      }) : () -> ()
    }
    %scan3A_298 = arith.constant 7 : i32
    %dma_wait3A_299 = arith.constant 14 : i32
    %dma_wait3A_300 = arith.constant 0 : i32
    %dma_wait3A_301 = tpu.memref_slice %arg9[%dma_wait3A_299, %dma_wait3A_300] : memref<16x125xi32, #tpu.memory_space<vmem>> -> memref<1x125xi32, #tpu.memory_space<vmem>>
    %dma_wait3A_302 = tpu.memref_squeeze %dma_wait3A_301 : memref<1x125xi32, #tpu.memory_space<vmem>> -> memref<125xi32, #tpu.memory_space<vmem>>
    %dma_wait3A_303 = arith.constant 0 : i32
    %dma_wait3A_304 = arith.constant 0 : i32
    %dma_wait3A_305 = tpu.memref_slice %arg2[%dma_wait3A_303, %dma_wait3A_304] : memref<10000x128xf32, #tpu.memory_space<hbm>> -> memref<10000x128xf32, #tpu.memory_space<hbm>>
    tpu.wait_indirect_dma semaphore(%arg13 : memref<!tpu.dma_semaphore, #tpu.memory_space<semaphore_mem>>) src(%dma_wait3A_305 : memref<10000x128xf32, #tpu.memory_space<hbm>>) dst(%arg11 : memref<125x128xf32, #tpu.memory_space<vmem>>)
    %dma_start3A_306 = arith.constant 15 : i32
    %dma_start3A_307 = arith.constant 0 : i32
    %dma_start3A_308 = tpu.memref_slice %arg9[%dma_start3A_306, %dma_start3A_307] : memref<16x125xi32, #tpu.memory_space<vmem>> -> memref<1x125xi32, #tpu.memory_space<vmem>>
    %dma_start3A_309 = tpu.memref_squeeze %dma_start3A_308 : memref<1x125xi32, #tpu.memory_space<vmem>> -> memref<125xi32, #tpu.memory_space<vmem>>
    %dma_start3A_310 = arith.constant 0 : i32
    %dma_start3A_311 = arith.constant 0 : i32
    %dma_start3A_312 = tpu.memref_slice %arg2[%dma_start3A_310, %dma_start3A_311] : memref<10000x128xf32, #tpu.memory_space<hbm>> -> memref<10000x128xf32, #tpu.memory_space<hbm>>
    tpu.enqueue_indirect_dma source(%dma_start3A_312 : memref<10000x128xf32, #tpu.memory_space<hbm>>) target(%arg12 : memref<125x128xf32, #tpu.memory_space<vmem>>) offsets(%dma_start3A_309 : memref<125xi32, #tpu.memory_space<vmem>>) semaphore(%arg14 : memref<!tpu.dma_semaphore, #tpu.memory_space<semaphore_mem>>)
    %run_scoped3A_313 = arith.constant 14 : i32
    "tpu.region"() ({
      %run_scoped3A_362 = tpu.sem_alloc : memref<!tpu.dma_semaphore, #tpu.memory_space<semaphore_mem>>
      %dma_start3A_363 = arith.constant 0 : i32
      %dma_start3A_364 = tpu.memref_slice %arg10[%run_scoped3A_313, %dma_start3A_363] : memref<16x125xi32, #tpu.memory_space<vmem>> -> memref<1x125xi32, #tpu.memory_space<vmem>>
      %dma_start3A_365 = tpu.memref_squeeze %dma_start3A_364 : memref<1x125xi32, #tpu.memory_space<vmem>> -> memref<125xi32, #tpu.memory_space<vmem>>
      %dma_start3A_366 = arith.constant 0 : i32
      %dma_start3A_367 = arith.constant 0 : i32
      %dma_start3A_368 = tpu.memref_slice %arg6[%dma_start3A_366, %dma_start3A_367] : memref<10112x128xf32, #tpu.memory_space<vmem_shared>> -> memref<10112x128xf32, #tpu.memory_space<vmem_shared>>
      tpu.enqueue_indirect_dma source(%arg11 : memref<125x128xf32, #tpu.memory_space<vmem>>) target(%dma_start3A_368 : memref<10112x128xf32, #tpu.memory_space<vmem_shared>>) offsets(%dma_start3A_365 : memref<125xi32, #tpu.memory_space<vmem>>) semaphore(%run_scoped3A_362 : memref<!tpu.dma_semaphore, #tpu.memory_space<semaphore_mem>>) {add = true}
      %dma_wait3A_369 = arith.constant 0 : i32
      %dma_wait3A_370 = tpu.memref_slice %arg10[%run_scoped3A_313, %dma_wait3A_369] : memref<16x125xi32, #tpu.memory_space<vmem>> -> memref<1x125xi32, #tpu.memory_space<vmem>>
      %dma_wait3A_371 = tpu.memref_squeeze %dma_wait3A_370 : memref<1x125xi32, #tpu.memory_space<vmem>> -> memref<125xi32, #tpu.memory_space<vmem>>
      %dma_wait3A_372 = arith.constant 0 : i32
      %dma_wait3A_373 = arith.constant 0 : i32
      %dma_wait3A_374 = tpu.memref_slice %arg6[%dma_wait3A_372, %dma_wait3A_373] : memref<10112x128xf32, #tpu.memory_space<vmem_shared>> -> memref<10112x128xf32, #tpu.memory_space<vmem_shared>>
      tpu.wait_indirect_dma semaphore(%run_scoped3A_362 : memref<!tpu.dma_semaphore, #tpu.memory_space<semaphore_mem>>) src(%arg11 : memref<125x128xf32, #tpu.memory_space<vmem>>) dst(%dma_wait3A_374 : memref<10112x128xf32, #tpu.memory_space<vmem_shared>>)
      tpu.yield
    }) : () -> ()
    %dma_start3A_314 = arith.constant 0 : i32
    %dma_start3A_315 = arith.constant 0 : i32
    %dma_start3A_316 = tpu.memref_slice %arg7[%dma_start3A_314, %dma_start3A_315] : memref<16x125xi32, #tpu.memory_space<vmem>> -> memref<1x125xi32, #tpu.memory_space<vmem>>
    %dma_start3A_317 = tpu.memref_squeeze %dma_start3A_316 : memref<1x125xi32, #tpu.memory_space<vmem>> -> memref<125xi32, #tpu.memory_space<vmem>>
    %dma_start3A_318 = arith.constant 0 : i32
    %dma_start3A_319 = arith.constant 0 : i32
    %dma_start3A_320 = tpu.memref_slice %arg2[%dma_start3A_318, %dma_start3A_319] : memref<10000x128xf32, #tpu.memory_space<hbm>> -> memref<10000x128xf32, #tpu.memory_space<hbm>>
    tpu.enqueue_indirect_dma source(%dma_start3A_320 : memref<10000x128xf32, #tpu.memory_space<hbm>>) target(%arg11 : memref<125x128xf32, #tpu.memory_space<vmem>>) offsets(%dma_start3A_317 : memref<125xi32, #tpu.memory_space<vmem>>) semaphore(%arg13 : memref<!tpu.dma_semaphore, #tpu.memory_space<semaphore_mem>>)
    %dma_wait3A_321 = arith.constant 15 : i32
    %dma_wait3A_322 = arith.constant 0 : i32
    %dma_wait3A_323 = tpu.memref_slice %arg9[%dma_wait3A_321, %dma_wait3A_322] : memref<16x125xi32, #tpu.memory_space<vmem>> -> memref<1x125xi32, #tpu.memory_space<vmem>>
    %dma_wait3A_324 = tpu.memref_squeeze %dma_wait3A_323 : memref<1x125xi32, #tpu.memory_space<vmem>> -> memref<125xi32, #tpu.memory_space<vmem>>
    %dma_wait3A_325 = arith.constant 0 : i32
    %dma_wait3A_326 = arith.constant 0 : i32
    %dma_wait3A_327 = tpu.memref_slice %arg2[%dma_wait3A_325, %dma_wait3A_326] : memref<10000x128xf32, #tpu.memory_space<hbm>> -> memref<10000x128xf32, #tpu.memory_space<hbm>>
    tpu.wait_indirect_dma semaphore(%arg14 : memref<!tpu.dma_semaphore, #tpu.memory_space<semaphore_mem>>) src(%dma_wait3A_327 : memref<10000x128xf32, #tpu.memory_space<hbm>>) dst(%arg12 : memref<125x128xf32, #tpu.memory_space<vmem>>)
    %run_scoped3A_328 = arith.constant 15 : i32
    "tpu.region"() ({
      %run_scoped3A_362 = tpu.sem_alloc : memref<!tpu.dma_semaphore, #tpu.memory_space<semaphore_mem>>
      %dma_start3A_363 = arith.constant 0 : i32
      %dma_start3A_364 = tpu.memref_slice %arg10[%run_scoped3A_328, %dma_start3A_363] : memref<16x125xi32, #tpu.memory_space<vmem>> -> memref<1x125xi32, #tpu.memory_space<vmem>>
      %dma_start3A_365 = tpu.memref_squeeze %dma_start3A_364 : memref<1x125xi32, #tpu.memory_space<vmem>> -> memref<125xi32, #tpu.memory_space<vmem>>
      %dma_start3A_366 = arith.constant 0 : i32
      %dma_start3A_367 = arith.constant 0 : i32
      %dma_start3A_368 = tpu.memref_slice %arg6[%dma_start3A_366, %dma_start3A_367] : memref<10112x128xf32, #tpu.memory_space<vmem_shared>> -> memref<10112x128xf32, #tpu.memory_space<vmem_shared>>
      tpu.enqueue_indirect_dma source(%arg12 : memref<125x128xf32, #tpu.memory_space<vmem>>) target(%dma_start3A_368 : memref<10112x128xf32, #tpu.memory_space<vmem_shared>>) offsets(%dma_start3A_365 : memref<125xi32, #tpu.memory_space<vmem>>) semaphore(%run_scoped3A_362 : memref<!tpu.dma_semaphore, #tpu.memory_space<semaphore_mem>>) {add = true}
      %dma_wait3A_369 = arith.constant 0 : i32
      %dma_wait3A_370 = tpu.memref_slice %arg10[%run_scoped3A_328, %dma_wait3A_369] : memref<16x125xi32, #tpu.memory_space<vmem>> -> memref<1x125xi32, #tpu.memory_space<vmem>>
      %dma_wait3A_371 = tpu.memref_squeeze %dma_wait3A_370 : memref<1x125xi32, #tpu.memory_space<vmem>> -> memref<125xi32, #tpu.memory_space<vmem>>
      %dma_wait3A_372 = arith.constant 0 : i32
      %dma_wait3A_373 = arith.constant 0 : i32
      %dma_wait3A_374 = tpu.memref_slice %arg6[%dma_wait3A_372, %dma_wait3A_373] : memref<10112x128xf32, #tpu.memory_space<vmem_shared>> -> memref<10112x128xf32, #tpu.memory_space<vmem_shared>>
      tpu.wait_indirect_dma semaphore(%run_scoped3A_362 : memref<!tpu.dma_semaphore, #tpu.memory_space<semaphore_mem>>) src(%arg12 : memref<125x128xf32, #tpu.memory_space<vmem>>) dst(%dma_wait3A_374 : memref<10112x128xf32, #tpu.memory_space<vmem_shared>>)
      tpu.yield
    }) : () -> ()
    %scan3A_329 = arith.constant 0 : i32
    %scan3A_330 = arith.constant 0 : i32
    %scan3A_331 = arith.constant 7 : i32
    %scan3A_332 = arith.addi %scan3A_330, %scan3A_331 : i32
    %scan3A_333 = arith.constant 1 : i32
    scf.for %scan3A_362 = %scan3A_330 to %scan3A_332 step %scan3A_333  : i32 {
      %mul3A_363 = arith.constant 2 : i32
      %mul3A_364 = arith.muli %scan3A_362, %mul3A_363 : i32
      %dma_wait3A_365 = arith.constant 0 : i32
      %dma_wait3A_366 = tpu.memref_slice %arg7[%mul3A_364, %dma_wait3A_365] : memref<16x125xi32, #tpu.memory_space<vmem>> -> memref<1x125xi32, #tpu.memory_space<vmem>>
      %dma_wait3A_367 = tpu.memref_squeeze %dma_wait3A_366 : memref<1x125xi32, #tpu.memory_space<vmem>> -> memref<125xi32, #tpu.memory_space<vmem>>
      %dma_wait3A_368 = arith.constant 0 : i32
      %dma_wait3A_369 = arith.constant 0 : i32
      %dma_wait3A_370 = tpu.memref_slice %arg2[%dma_wait3A_368, %dma_wait3A_369] : memref<10000x128xf32, #tpu.memory_space<hbm>> -> memref<10000x128xf32, #tpu.memory_space<hbm>>
      tpu.wait_indirect_dma semaphore(%arg13 : memref<!tpu.dma_semaphore, #tpu.memory_space<semaphore_mem>>) src(%dma_wait3A_370 : memref<10000x128xf32, #tpu.memory_space<hbm>>) dst(%arg11 : memref<125x128xf32, #tpu.memory_space<vmem>>)
      %add3A_371 = arith.constant 1 : i32
      %add3A_372 = arith.addi %mul3A_364, %add3A_371 : i32
      %dma_start3A_373 = arith.constant 0 : i32
      %dma_start3A_374 = tpu.memref_slice %arg7[%add3A_372, %dma_start3A_373] : memref<16x125xi32, #tpu.memory_space<vmem>> -> memref<1x125xi32, #tpu.memory_space<vmem>>
      %dma_start3A_375 = tpu.memref_squeeze %dma_start3A_374 : memref<1x125xi32, #tpu.memory_space<vmem>> -> memref<125xi32, #tpu.memory_space<vmem>>
      %dma_start3A_376 = arith.constant 0 : i32
      %dma_start3A_377 = arith.constant 0 : i32
      %dma_start3A_378 = tpu.memref_slice %arg2[%dma_start3A_376, %dma_start3A_377] : memref<10000x128xf32, #tpu.memory_space<hbm>> -> memref<10000x128xf32, #tpu.memory_space<hbm>>
      tpu.enqueue_indirect_dma source(%dma_start3A_378 : memref<10000x128xf32, #tpu.memory_space<hbm>>) target(%arg12 : memref<125x128xf32, #tpu.memory_space<vmem>>) offsets(%dma_start3A_375 : memref<125xi32, #tpu.memory_space<vmem>>) semaphore(%arg14 : memref<!tpu.dma_semaphore, #tpu.memory_space<semaphore_mem>>)
      "tpu.region"() ({
        %run_scoped3A_395 = tpu.sem_alloc : memref<!tpu.dma_semaphore, #tpu.memory_space<semaphore_mem>>
        %dma_start3A_396 = arith.constant 0 : i32
        %dma_start3A_397 = tpu.memref_slice %arg8[%mul3A_364, %dma_start3A_396] : memref<16x125xi32, #tpu.memory_space<vmem>> -> memref<1x125xi32, #tpu.memory_space<vmem>>
        %dma_start3A_398 = tpu.memref_squeeze %dma_start3A_397 : memref<1x125xi32, #tpu.memory_space<vmem>> -> memref<125xi32, #tpu.memory_space<vmem>>
        %dma_start3A_399 = arith.constant 0 : i32
        %dma_start3A_400 = arith.constant 0 : i32
        %dma_start3A_401 = tpu.memref_slice %arg6[%dma_start3A_399, %dma_start3A_400] : memref<10112x128xf32, #tpu.memory_space<vmem_shared>> -> memref<10112x128xf32, #tpu.memory_space<vmem_shared>>
        tpu.enqueue_indirect_dma source(%arg11 : memref<125x128xf32, #tpu.memory_space<vmem>>) target(%dma_start3A_401 : memref<10112x128xf32, #tpu.memory_space<vmem_shared>>) offsets(%dma_start3A_398 : memref<125xi32, #tpu.memory_space<vmem>>) semaphore(%run_scoped3A_395 : memref<!tpu.dma_semaphore, #tpu.memory_space<semaphore_mem>>) {add = true}
        %dma_wait3A_402 = arith.constant 0 : i32
        %dma_wait3A_403 = tpu.memref_slice %arg8[%mul3A_364, %dma_wait3A_402] : memref<16x125xi32, #tpu.memory_space<vmem>> -> memref<1x125xi32, #tpu.memory_space<vmem>>
        %dma_wait3A_404 = tpu.memref_squeeze %dma_wait3A_403 : memref<1x125xi32, #tpu.memory_space<vmem>> -> memref<125xi32, #tpu.memory_space<vmem>>
        %dma_wait3A_405 = arith.constant 0 : i32
        %dma_wait3A_406 = arith.constant 0 : i32
        %dma_wait3A_407 = tpu.memref_slice %arg6[%dma_wait3A_405, %dma_wait3A_406] : memref<10112x128xf32, #tpu.memory_space<vmem_shared>> -> memref<10112x128xf32, #tpu.memory_space<vmem_shared>>
        tpu.wait_indirect_dma semaphore(%run_scoped3A_395 : memref<!tpu.dma_semaphore, #tpu.memory_space<semaphore_mem>>) src(%arg11 : memref<125x128xf32, #tpu.memory_space<vmem>>) dst(%dma_wait3A_407 : memref<10112x128xf32, #tpu.memory_space<vmem_shared>>)
        tpu.yield
      }) : () -> ()
      %add3A_379 = arith.constant 2 : i32
      %add3A_380 = arith.addi %mul3A_364, %add3A_379 : i32
      %dma_start3A_381 = arith.constant 0 : i32
      %dma_start3A_382 = tpu.memref_slice %arg7[%add3A_380, %dma_start3A_381] : memref<16x125xi32, #tpu.memory_space<vmem>> -> memref<1x125xi32, #tpu.memory_space<vmem>>
      %dma_start3A_383 = tpu.memref_squeeze %dma_start3A_382 : memref<1x125xi32, #tpu.memory_space<vmem>> -> memref<125xi32, #tpu.memory_space<vmem>>
      %dma_start3A_384 = arith.constant 0 : i32
      %dma_start3A_385 = arith.constant 0 : i32
      %dma_start3A_386 = tpu.memref_slice %arg2[%dma_start3A_384, %dma_start3A_385] : memref<10000x128xf32, #tpu.memory_space<hbm>> -> memref<10000x128xf32, #tpu.memory_space<hbm>>
      tpu.enqueue_indirect_dma source(%dma_start3A_386 : memref<10000x128xf32, #tpu.memory_space<hbm>>) target(%arg11 : memref<125x128xf32, #tpu.memory_space<vmem>>) offsets(%dma_start3A_383 : memref<125xi32, #tpu.memory_space<vmem>>) semaphore(%arg13 : memref<!tpu.dma_semaphore, #tpu.memory_space<semaphore_mem>>)
      %dma_wait3A_387 = arith.constant 0 : i32
      %dma_wait3A_388 = tpu.memref_slice %arg7[%add3A_372, %dma_wait3A_387] : memref<16x125xi32, #tpu.memory_space<vmem>> -> memref<1x125xi32, #tpu.memory_space<vmem>>
      %dma_wait3A_389 = tpu.memref_squeeze %dma_wait3A_388 : memref<1x125xi32, #tpu.memory_space<vmem>> -> memref<125xi32, #tpu.memory_space<vmem>>
      %dma_wait3A_390 = arith.constant 0 : i32
      %dma_wait3A_391 = arith.constant 0 : i32
      %dma_wait3A_392 = tpu.memref_slice %arg2[%dma_wait3A_390, %dma_wait3A_391] : memref<10000x128xf32, #tpu.memory_space<hbm>> -> memref<10000x128xf32, #tpu.memory_space<hbm>>
      tpu.wait_indirect_dma semaphore(%arg14 : memref<!tpu.dma_semaphore, #tpu.memory_space<semaphore_mem>>) src(%dma_wait3A_392 : memref<10000x128xf32, #tpu.memory_space<hbm>>) dst(%arg12 : memref<125x128xf32, #tpu.memory_space<vmem>>)
      %add3A_393 = arith.constant 1 : i32
      %add3A_394 = arith.addi %mul3A_364, %add3A_393 : i32
      "tpu.region"() ({
        %run_scoped3A_395 = tpu.sem_alloc : memref<!tpu.dma_semaphore, #tpu.memory_space<semaphore_mem>>
        %dma_start3A_396 = arith.constant 0 : i32
        %dma_start3A_397 = tpu.memref_slice %arg8[%add3A_394, %dma_start3A_396] : memref<16x125xi32, #tpu.memory_space<vmem>> -> memref<1x125xi32, #tpu.memory_space<vmem>>
        %dma_start3A_398 = tpu.memref_squeeze %dma_start3A_397 : memref<1x125xi32, #tpu.memory_space<vmem>> -> memref<125xi32, #tpu.memory_space<vmem>>
        %dma_start3A_399 = arith.constant 0 : i32
        %dma_start3A_400 = arith.constant 0 : i32
        %dma_start3A_401 = tpu.memref_slice %arg6[%dma_start3A_399, %dma_start3A_400] : memref<10112x128xf32, #tpu.memory_space<vmem_shared>> -> memref<10112x128xf32, #tpu.memory_space<vmem_shared>>
        tpu.enqueue_indirect_dma source(%arg12 : memref<125x128xf32, #tpu.memory_space<vmem>>) target(%dma_start3A_401 : memref<10112x128xf32, #tpu.memory_space<vmem_shared>>) offsets(%dma_start3A_398 : memref<125xi32, #tpu.memory_space<vmem>>) semaphore(%run_scoped3A_395 : memref<!tpu.dma_semaphore, #tpu.memory_space<semaphore_mem>>) {add = true}
        %dma_wait3A_402 = arith.constant 0 : i32
        %dma_wait3A_403 = tpu.memref_slice %arg8[%add3A_394, %dma_wait3A_402] : memref<16x125xi32, #tpu.memory_space<vmem>> -> memref<1x125xi32, #tpu.memory_space<vmem>>
        %dma_wait3A_404 = tpu.memref_squeeze %dma_wait3A_403 : memref<1x125xi32, #tpu.memory_space<vmem>> -> memref<125xi32, #tpu.memory_space<vmem>>
        %dma_wait3A_405 = arith.constant 0 : i32
        %dma_wait3A_406 = arith.constant 0 : i32
        %dma_wait3A_407 = tpu.memref_slice %arg6[%dma_wait3A_405, %dma_wait3A_406] : memref<10112x128xf32, #tpu.memory_space<vmem_shared>> -> memref<10112x128xf32, #tpu.memory_space<vmem_shared>>
        tpu.wait_indirect_dma semaphore(%run_scoped3A_395 : memref<!tpu.dma_semaphore, #tpu.memory_space<semaphore_mem>>) src(%arg12 : memref<125x128xf32, #tpu.memory_space<vmem>>) dst(%dma_wait3A_407 : memref<10112x128xf32, #tpu.memory_space<vmem_shared>>)
        tpu.yield
      }) : () -> ()
    }
    %scan3A_334 = arith.constant 7 : i32
    %dma_wait3A_335 = arith.constant 14 : i32
    %dma_wait3A_336 = arith.constant 0 : i32
    %dma_wait3A_337 = tpu.memref_slice %arg7[%dma_wait3A_335, %dma_wait3A_336] : memref<16x125xi32, #tpu.memory_space<vmem>> -> memref<1x125xi32, #tpu.memory_space<vmem>>
    %dma_wait3A_338 = tpu.memref_squeeze %dma_wait3A_337 : memref<1x125xi32, #tpu.memory_space<vmem>> -> memref<125xi32, #tpu.memory_space<vmem>>
    %dma_wait3A_339 = arith.constant 0 : i32
    %dma_wait3A_340 = arith.constant 0 : i32
    %dma_wait3A_341 = tpu.memref_slice %arg2[%dma_wait3A_339, %dma_wait3A_340] : memref<10000x128xf32, #tpu.memory_space<hbm>> -> memref<10000x128xf32, #tpu.memory_space<hbm>>
    tpu.wait_indirect_dma semaphore(%arg13 : memref<!tpu.dma_semaphore, #tpu.memory_space<semaphore_mem>>) src(%dma_wait3A_341 : memref<10000x128xf32, #tpu.memory_space<hbm>>) dst(%arg11 : memref<125x128xf32, #tpu.memory_space<vmem>>)
    %dma_start3A_342 = arith.constant 15 : i32
    %dma_start3A_343 = arith.constant 0 : i32
    %dma_start3A_344 = tpu.memref_slice %arg7[%dma_start3A_342, %dma_start3A_343] : memref<16x125xi32, #tpu.memory_space<vmem>> -> memref<1x125xi32, #tpu.memory_space<vmem>>
    %dma_start3A_345 = tpu.memref_squeeze %dma_start3A_344 : memref<1x125xi32, #tpu.memory_space<vmem>> -> memref<125xi32, #tpu.memory_space<vmem>>
    %dma_start3A_346 = arith.constant 0 : i32
    %dma_start3A_347 = arith.constant 0 : i32
    %dma_start3A_348 = tpu.memref_slice %arg2[%dma_start3A_346, %dma_start3A_347] : memref<10000x128xf32, #tpu.memory_space<hbm>> -> memref<10000x128xf32, #tpu.memory_space<hbm>>
    tpu.enqueue_indirect_dma source(%dma_start3A_348 : memref<10000x128xf32, #tpu.memory_space<hbm>>) target(%arg12 : memref<125x128xf32, #tpu.memory_space<vmem>>) offsets(%dma_start3A_345 : memref<125xi32, #tpu.memory_space<vmem>>) semaphore(%arg14 : memref<!tpu.dma_semaphore, #tpu.memory_space<semaphore_mem>>)
    %run_scoped3A_349 = arith.constant 14 : i32
    "tpu.region"() ({
      %run_scoped3A_362 = tpu.sem_alloc : memref<!tpu.dma_semaphore, #tpu.memory_space<semaphore_mem>>
      %dma_start3A_363 = arith.constant 0 : i32
      %dma_start3A_364 = tpu.memref_slice %arg8[%run_scoped3A_349, %dma_start3A_363] : memref<16x125xi32, #tpu.memory_space<vmem>> -> memref<1x125xi32, #tpu.memory_space<vmem>>
      %dma_start3A_365 = tpu.memref_squeeze %dma_start3A_364 : memref<1x125xi32, #tpu.memory_space<vmem>> -> memref<125xi32, #tpu.memory_space<vmem>>
      %dma_start3A_366 = arith.constant 0 : i32
      %dma_start3A_367 = arith.constant 0 : i32
      %dma_start3A_368 = tpu.memref_slice %arg6[%dma_start3A_366, %dma_start3A_367] : memref<10112x128xf32, #tpu.memory_space<vmem_shared>> -> memref<10112x128xf32, #tpu.memory_space<vmem_shared>>
      tpu.enqueue_indirect_dma source(%arg11 : memref<125x128xf32, #tpu.memory_space<vmem>>) target(%dma_start3A_368 : memref<10112x128xf32, #tpu.memory_space<vmem_shared>>) offsets(%dma_start3A_365 : memref<125xi32, #tpu.memory_space<vmem>>) semaphore(%run_scoped3A_362 : memref<!tpu.dma_semaphore, #tpu.memory_space<semaphore_mem>>) {add = true}
      %dma_wait3A_369 = arith.constant 0 : i32
      %dma_wait3A_370 = tpu.memref_slice %arg8[%run_scoped3A_349, %dma_wait3A_369] : memref<16x125xi32, #tpu.memory_space<vmem>> -> memref<1x125xi32, #tpu.memory_space<vmem>>
      %dma_wait3A_371 = tpu.memref_squeeze %dma_wait3A_370 : memref<1x125xi32, #tpu.memory_space<vmem>> -> memref<125xi32, #tpu.memory_space<vmem>>
      %dma_wait3A_372 = arith.constant 0 : i32
      %dma_wait3A_373 = arith.constant 0 : i32
      %dma_wait3A_374 = tpu.memref_slice %arg6[%dma_wait3A_372, %dma_wait3A_373] : memref<10112x128xf32, #tpu.memory_space<vmem_shared>> -> memref<10112x128xf32, #tpu.memory_space<vmem_shared>>
      tpu.wait_indirect_dma semaphore(%run_scoped3A_362 : memref<!tpu.dma_semaphore, #tpu.memory_space<semaphore_mem>>) src(%arg11 : memref<125x128xf32, #tpu.memory_space<vmem>>) dst(%dma_wait3A_374 : memref<10112x128xf32, #tpu.memory_space<vmem_shared>>)
      tpu.yield
    }) : () -> ()
    %dma_wait3A_350 = arith.constant 15 : i32
    %dma_wait3A_351 = arith.constant 0 : i32
    %dma_wait3A_352 = tpu.memref_slice %arg7[%dma_wait3A_350, %dma_wait3A_351] : memref<16x125xi32, #tpu.memory_space<vmem>> -> memref<1x125xi32, #tpu.memory_space<vmem>>
    %dma_wait3A_353 = tpu.memref_squeeze %dma_wait3A_352 : memref<1x125xi32, #tpu.memory_space<vmem>> -> memref<125xi32, #tpu.memory_space<vmem>>
    %dma_wait3A_354 = arith.constant 0 : i32
    %dma_wait3A_355 = arith.constant 0 : i32
    %dma_wait3A_356 = tpu.memref_slice %arg2[%dma_wait3A_354, %dma_wait3A_355] : memref<10000x128xf32, #tpu.memory_space<hbm>> -> memref<10000x128xf32, #tpu.memory_space<hbm>>
    tpu.wait_indirect_dma semaphore(%arg14 : memref<!tpu.dma_semaphore, #tpu.memory_space<semaphore_mem>>) src(%dma_wait3A_356 : memref<10000x128xf32, #tpu.memory_space<hbm>>) dst(%arg12 : memref<125x128xf32, #tpu.memory_space<vmem>>)
    %run_scoped3A_357 = arith.constant 15 : i32
    "tpu.region"() ({
      %run_scoped3A_362 = tpu.sem_alloc : memref<!tpu.dma_semaphore, #tpu.memory_space<semaphore_mem>>
      %dma_start3A_363 = arith.constant 0 : i32
      %dma_start3A_364 = tpu.memref_slice %arg8[%run_scoped3A_357, %dma_start3A_363] : memref<16x125xi32, #tpu.memory_space<vmem>> -> memref<1x125xi32, #tpu.memory_space<vmem>>
      %dma_start3A_365 = tpu.memref_squeeze %dma_start3A_364 : memref<1x125xi32, #tpu.memory_space<vmem>> -> memref<125xi32, #tpu.memory_space<vmem>>
      %dma_start3A_366 = arith.constant 0 : i32
      %dma_start3A_367 = arith.constant 0 : i32
      %dma_start3A_368 = tpu.memref_slice %arg6[%dma_start3A_366, %dma_start3A_367] : memref<10112x128xf32, #tpu.memory_space<vmem_shared>> -> memref<10112x128xf32, #tpu.memory_space<vmem_shared>>
      tpu.enqueue_indirect_dma source(%arg12 : memref<125x128xf32, #tpu.memory_space<vmem>>) target(%dma_start3A_368 : memref<10112x128xf32, #tpu.memory_space<vmem_shared>>) offsets(%dma_start3A_365 : memref<125xi32, #tpu.memory_space<vmem>>) semaphore(%run_scoped3A_362 : memref<!tpu.dma_semaphore, #tpu.memory_space<semaphore_mem>>) {add = true}
      %dma_wait3A_369 = arith.constant 0 : i32
      %dma_wait3A_370 = tpu.memref_slice %arg8[%run_scoped3A_357, %dma_wait3A_369] : memref<16x125xi32, #tpu.memory_space<vmem>> -> memref<1x125xi32, #tpu.memory_space<vmem>>
      %dma_wait3A_371 = tpu.memref_squeeze %dma_wait3A_370 : memref<1x125xi32, #tpu.memory_space<vmem>> -> memref<125xi32, #tpu.memory_space<vmem>>
      %dma_wait3A_372 = arith.constant 0 : i32
      %dma_wait3A_373 = arith.constant 0 : i32
      %dma_wait3A_374 = tpu.memref_slice %arg6[%dma_wait3A_372, %dma_wait3A_373] : memref<10112x128xf32, #tpu.memory_space<vmem_shared>> -> memref<10112x128xf32, #tpu.memory_space<vmem_shared>>
      tpu.wait_indirect_dma semaphore(%run_scoped3A_362 : memref<!tpu.dma_semaphore, #tpu.memory_space<semaphore_mem>>) src(%arg12 : memref<125x128xf32, #tpu.memory_space<vmem>>) dst(%dma_wait3A_374 : memref<10112x128xf32, #tpu.memory_space<vmem_shared>>)
      tpu.yield
    }) : () -> ()
    %barrier3A_358 = arith.constant 0 : index
    tpu.barrier barrier_id(%barrier3A_358)
    %mul3A_359 = arith.constant 10112 : i32
    %mul3A_360 = arith.muli %arg0, %mul3A_359 : i32
    %add3A_361 = arith.addi %mul3A_360, %mul3A_39 : i32
    "tpu.region"() ({
      %run_scoped3A_362 = tpu.sem_alloc : memref<!tpu.dma_semaphore, #tpu.memory_space<semaphore_mem>>
      %dma_start3A_363 = arith.constant 0 : i32
      %dma_start3A_364 = tpu.memref_slice %arg5[%add3A_361, %dma_start3A_363] : memref<20224x128xf32, #tpu.memory_space<hbm>> -> memref<632x128xf32, #tpu.memory_space<hbm>>
      %dma_start3A_365 = arith.constant 0 : i32
      %dma_start3A_366 = tpu.memref_slice %arg6[%mul3A_39, %dma_start3A_365] : memref<10112x128xf32, #tpu.memory_space<vmem_shared>> -> memref<632x128xf32, #tpu.memory_space<vmem_shared>>
      tpu.enqueue_dma source(%dma_start3A_366 : memref<632x128xf32, #tpu.memory_space<vmem_shared>>) target(%dma_start3A_364 : memref<632x128xf32, #tpu.memory_space<hbm>>) target_semaphore(%run_scoped3A_362 : memref<!tpu.dma_semaphore, #tpu.memory_space<semaphore_mem>>)
      %dma_wait3A_367 = arith.constant 0 : i32
      %dma_wait3A_368 = tpu.memref_slice %arg5[%add3A_361, %dma_wait3A_367] : memref<20224x128xf32, #tpu.memory_space<hbm>> -> memref<632x128xf32, #tpu.memory_space<hbm>>
      %dma_wait3A_369 = arith.constant 0 : i32
      %dma_wait3A_370 = tpu.memref_slice %arg6[%mul3A_39, %dma_wait3A_369] : memref<10112x128xf32, #tpu.memory_space<vmem_shared>> -> memref<632x128xf32, #tpu.memory_space<vmem_shared>>
      tpu.wait_dma2 semaphore(%run_scoped3A_362 : memref<!tpu.dma_semaphore, #tpu.memory_space<semaphore_mem>>) src(%dma_wait3A_370 : memref<632x128xf32, #tpu.memory_space<vmem_shared>>) dst(%dma_wait3A_368 : memref<632x128xf32, #tpu.memory_space<hbm>>)
      tpu.yield
    }) : () -> ()
    return
  }
}

module attributes {stable_mosaic.version = 14 : i64} {
  func.func @_relu_mm_kernel(%arg0: memref<2x10112x128xf32, #tpu.memory_space<vmem>>, %arg1: memref<128x128xf32, #tpu.memory_space<vmem>>, %arg2: memref<10000x128xf32, #tpu.memory_space<vmem>>) attributes {dimension_semantics = [], scalar_prefetch = 0 : i64, scratch_operands = 0 : i64, tpu.core_type = #tpu.core_type<tc>} {
    %get3A = arith.constant 0 : index
    %get3A_0 = arith.constant 0 : index
    %get3A_1 = arith.constant 0 : index
    %get3A_2 = vector.load %arg0[%get3A, %get3A_0, %get3A_1] : memref<2x10112x128xf32, #tpu.memory_space<vmem>>, vector<1x10000x128xf32>
    %get3A_3 = vector.shape_cast %get3A_2 : vector<1x10000x128xf32> to vector<10000x128xf32>
    %get3A_4 = arith.constant 1 : index
    %get3A_5 = arith.constant 0 : index
    %get3A_6 = arith.constant 0 : index
    %get3A_7 = vector.load %arg0[%get3A_4, %get3A_5, %get3A_6] : memref<2x10112x128xf32, #tpu.memory_space<vmem>>, vector<1x10000x128xf32>
    %get3A_8 = vector.shape_cast %get3A_7 : vector<1x10000x128xf32> to vector<10000x128xf32>
    %add3A = arith.addf %get3A_3, %get3A_8 : vector<10000x128xf32>
    %max3A = arith.constant 0.000000e+00 : f32
    %max3A_9 = vector.broadcast %max3A : f32 to vector<10000x128xf32>
    %max3A_10 = arith.maximumf %add3A, %max3A_9 : vector<10000x128xf32>
    %get3A_11 = arith.constant 0 : index
    %get3A_12 = arith.constant 0 : index
    %get3A_13 = vector.load %arg1[%get3A_11, %get3A_12] : memref<128x128xf32, #tpu.memory_space<vmem>>, vector<128x128xf32>
    %dot_general3A = arith.constant dense<0.000000e+00> : vector<10000x128xf32>
    %dot_general3A_14 = tpu.matmul %max3A_10, %get3A_13, %dot_general3A {dimension_numbers = #tpu.dot_dimension_numbers<[1], [0], [0], [1], [0, 0, 1, 1], [], []>, transpose_lhs_hint = false} : vector<10000x128xf32>, vector<128x128xf32>, vector<10000x128xf32> -> vector<10000x128xf32>
    %swap3A = arith.constant 0 : index
    %swap3A_15 = arith.constant 0 : index
    %swap3A_16 = vector.load %arg2[%swap3A, %swap3A_15] : memref<10000x128xf32, #tpu.memory_space<vmem>>, vector<10000x128xf32>
    tpu.vector_store %arg2[%swap3A, %swap3A_15], %dot_general3A_14 {strides = array<i32>} : memref<10000x128xf32, #tpu.memory_space<vmem>>, vector<10000x128xf32>,
    return
  }
}

module attributes {stable_mosaic.version = 14 : i64} {
  func.func @_mm_kernel(%arg0: memref<10000x128xf32, #tpu.memory_space<vmem>>, %arg1: memref<128x128xf32, #tpu.memory_space<vmem>>, %arg2: memref<10000x128xf32, #tpu.memory_space<vmem>>) attributes {dimension_semantics = [], scalar_prefetch = 0 : i64, scratch_operands = 0 : i64, tpu.core_type = #tpu.core_type<tc>} {
    %get3A = arith.constant 0 : index
    %get3A_0 = arith.constant 0 : index
    %get3A_1 = vector.load %arg0[%get3A, %get3A_0] : memref<10000x128xf32, #tpu.memory_space<vmem>>, vector<10000x128xf32>
    %get3A_2 = arith.constant 0 : index
    %get3A_3 = arith.constant 0 : index
    %get3A_4 = vector.load %arg1[%get3A_2, %get3A_3] : memref<128x128xf32, #tpu.memory_space<vmem>>, vector<128x128xf32>
    %dot_general3A = arith.constant dense<0.000000e+00> : vector<10000x128xf32>
    %dot_general3A_5 = tpu.matmul %get3A_1, %get3A_4, %dot_general3A {dimension_numbers = #tpu.dot_dimension_numbers<[1], [0], [0], [1], [0, 0, 1, 1], [], []>, transpose_lhs_hint = false} : vector<10000x128xf32>, vector<128x128xf32>, vector<10000x128xf32> -> vector<10000x128xf32>
    %swap3A = arith.constant 0 : index
    %swap3A_6 = arith.constant 0 : index
    %swap3A_7 = vector.load %arg2[%swap3A, %swap3A_6] : memref<10000x128xf32, #tpu.memory_space<vmem>>, vector<10000x128xf32>
    tpu.vector_store %arg2[%swap3A, %swap3A_6], %dot_general3A_5 {strides = array<i32>} : memref<10000x128xf32, #tpu.memory_space<vmem>>, vector<10000x128xf32>,
    return
  }
}

module attributes {stable_mosaic.version = 14 : i64} {
  func.func @_add_log_softmax_kernel(%arg0: memref<2x10112x128xf32, #tpu.memory_space<vmem>>, %arg1: memref<10000x128xf32, #tpu.memory_space<vmem>>) attributes {dimension_semantics = [], scalar_prefetch = 0 : i64, scratch_operands = 0 : i64, tpu.core_type = #tpu.core_type<tc>} {
    %get3A = arith.constant 0 : index
    %get3A_0 = arith.constant 0 : index
    %get3A_1 = arith.constant 0 : index
    %get3A_2 = vector.load %arg0[%get3A, %get3A_0, %get3A_1] : memref<2x10112x128xf32, #tpu.memory_space<vmem>>, vector<1x10000x128xf32>
    %get3A_3 = vector.shape_cast %get3A_2 : vector<1x10000x128xf32> to vector<10000x128xf32>
    %get3A_4 = arith.constant 1 : index
    %get3A_5 = arith.constant 0 : index
    %get3A_6 = arith.constant 0 : index
    %get3A_7 = vector.load %arg0[%get3A_4, %get3A_5, %get3A_6] : memref<2x10112x128xf32, #tpu.memory_space<vmem>>, vector<1x10000x128xf32>
    %get3A_8 = vector.shape_cast %get3A_7 : vector<1x10000x128xf32> to vector<10000x128xf32>
    %add3A = arith.addf %get3A_3, %get3A_8 : vector<10000x128xf32>
    %reduce_max3A = arith.constant dense<0xFF800000> : vector<10000xf32>
    %reduce_max3A_9 = vector.multi_reduction <maximumf>, %add3A, %reduce_max3A [1] : vector<10000x128xf32> to vector<10000xf32>
    %broadcast_in_dim3A = vector.shape_cast %reduce_max3A_9 : vector<10000xf32> to vector<10000x1xf32>
    %sub3A = vector.broadcast %broadcast_in_dim3A : vector<10000x1xf32> to vector<10000x128xf32>
    %sub3A_10 = arith.subf %add3A, %sub3A : vector<10000x128xf32>
    %exp3A = math.exp %sub3A_10 : vector<10000x128xf32>
    %reduce_sum3A = arith.constant dense<0.000000e+00> : vector<10000xf32>
    %reduce_sum3A_11 = vector.multi_reduction <add>, %exp3A, %reduce_sum3A [1] : vector<10000x128xf32> to vector<10000xf32>
    %broadcast_in_dim3A_12 = vector.shape_cast %reduce_sum3A_11 : vector<10000xf32> to vector<10000x1xf32>
    %log3A = math.log %broadcast_in_dim3A_12 : vector<10000x1xf32>
    %add3A_13 = arith.addf %log3A, %broadcast_in_dim3A : vector<10000x1xf32>
    %sub3A_14 = vector.broadcast %add3A_13 : vector<10000x1xf32> to vector<10000x128xf32>
    %sub3A_15 = arith.subf %add3A, %sub3A_14 : vector<10000x128xf32>
    %swap3A = arith.constant 0 : index
    %swap3A_16 = arith.constant 0 : index
    %swap3A_17 = vector.load %arg1[%swap3A, %swap3A_16] : memref<10000x128xf32, #tpu.memory_space<vmem>>, vector<10000x128xf32>
    tpu.vector_store %arg1[%swap3A, %swap3A_16], %sub3A_15 {strides = array<i32>} : memref<10000x128xf32, #tpu.memory_space<vmem>>, vector<10000x128xf32>,
    return
  }
}

</mosaic_0001>

<sc_bundles>
// kernel: kernel.10.cloned.1.call-start
scs
__scs_entry_jumppad:
0x0: {  	(pc) =	sbr.rel $0x88, $3  }
0x1: {  	(tag) =	ssettag $0x0;
	lr =	simm.s32 $0x1  }
0x2: {  	[smem:$0x3F9D] =	sst lr;
	_ =	strace $0xD0000000  }
0x3: {  	_ = 	snop  }
0x4: {  	_ = 	snop  }
0x5: {  	_ = 	snop  }
0x6: {  	_ = 	snop  }
0x7: {  	_ = 	snop  }
__scs_overlays_trampoline_lowered:
0x8: {  	[smem:$0x3FAC] =	sst s0  }
0x9: {  	[smem:$0x3FAD] =	sst s1  }
0xa: {  	[smem:$0x3FAE] =	sst s2  }
0xb: {  	[smem:$0x3FAF] =	sst s3  }
0xc: {  	[smem:$0x3FB0] =	sst s4  }
0xd: {  	[smem:$0x3FB1] =	sst s5  }
0xe: {  	[smem:$0x3FB2] =	sst s6  }
0xf: {  	[smem:$0x3FB3] =	sst s7  }
0x10: {  	[smem:$0x3FB4] =	sst s8  }
0x11: {  	[smem:$0x3FB5] =	sst s9;
	s0 =	simm.s32 @!p0 $0x0  }
0x12: {  	s1 =	sld [smem:$0x3F9B];
	s0 =	simm.s32 @p0 $0x1  }
0x13: {  	[smem:$0x3FB6] =	sst s0;
	s0 =	simm.s32 @!p1 $0x0  }
0x14: {  	s2 =	sld [smem:$0x3F9A];
	s0 =	simm.s32 @p1 $0x1  }
0x15: {  	[smem:$0x3FB7] =	sst s0;
	s0 =	simm.s32 @!p2 $0x0  }
0x16: {  	s3 =	sld [smem:$0x3FDB];
	s0 =	simm.s32 @p2 $0x1  }
0x17: {  	s4 =	simm.s32 $0x1BF5;
	[smem:$0x3FB9] =	sst s0  }
0x18: {  	s0 =	sld [smem:$0x3F9C];
	_ =	swait.ge [sflag:s4], $0x0  }
0x19: {  	s7 =	sld [smem:$0x3F9D]  }
0x1a: {  	s8 =	sadd.s32 $0xFFFFE003, lr  }
0x1b: {  	s9 =	sadd.s32 $0xFFFFFEF7, lr;
	s5 =	simm.s32 $0xFFFFFFFF;
	p2 =	slt.u32 s8, $0xFFFFF086  }
0x1c: {  	p1 =	slt.u32 s9, $0xF7A;
	s5 =	simm.s32 @!p2 $0x0  }
0x1d: {  	s5 =	simm.s32 @p1 $0x1;
	p0 =	seq.s32 s7, s2  }
0x1e: {  	s7 =	smul.u32 @!p0 $0xF7A, s2;
	p2 =	seq.s32 @!p0 s5, $0x0  }
0x1f: {  	s9 =	smul.u32 $0xF7A, s1;
	s8 =	simm.s32 @!p0 $0x1BF5;
	p2 =	por !p2, p0  }
0x20: {  	[sflag:s8] =	ssyncset.s32 @!p0 $0xFFFFF086;
	s6 =	sadd.s32 @!p0 s3, s7;
	s7 =	simm.s32 @!p0 $0x108  }
0x21: {  	s3 =	sadd.s32 s3, s9;
	s6 =	sadd.s32 @!p0 $0x88, s6;
	s7 =	simm.s32 @p2 $0x1082  }
0x22: {  	[simem:s7], [sflag:s8] =	dma.local @!p0 [hbm:s6], $0xF7A  }
0x23: {  	s9 =	sor.u32 $0xD0000000, s2;
	s6 =	simm.s32 $0x108;
	_ =	swait.ge @!p0 [sflag:s8], $0x0  }
0x24: {  	s3 =	sadd.s32 $0x88, s3;
	s6 =	simm.s32 @!p1 $0x1082;
	[sflag:s4] =	ssyncset.s32 $0xFFFFF086  }
0x25: {  	[simem:s6], [sflag:s4] =	dma.local [hbm:s3], $0xF7A  }
0x26: {  	[smem:$0x3F9D] =	sst s1;
	(tag) =	ssettag s2;
	_ =	strace s9  }
0x27: {  	s1 =	sld [smem:$0x3FAD]  }
0x28: {  	s2 =	sld [smem:$0x3FAE]  }
0x29: {  	s4 =	sld [smem:$0x3FB0]  }
0x2a: {  	p0 =	seq.s32 s5, $0x0;
	s5 =	sld [smem:$0x3FB1]  }
0x2b: {  	s6 =	sld [smem:$0x3FB2]  }
0x2c: {  	s7 =	sld [smem:$0x3FB3]  }
0x2d: {  	s3 =	simm.s32 $0x108;
	s8 =	sld [smem:$0x3FB4]  }
0x2e: {  	s3 =	simm.s32 @!p0 $0x1082;
	s9 =	sld [smem:$0x3FB5]  }
0x2f: {  	lr =	sadd.s32 s0, s3;
	s0 =	sld [smem:$0x3FAC]  }
0x30: {  	s3 =	sld [smem:$0x3FAF]  }
0x31: {  	[smem:$0x3FB8] =	sst s10  }
0x32: {  	s10 =	sld [smem:$0x3FB6];
	_ =	sdelay $0x3  }
0x33: {  	p0 =	seq.s32 s10, $0x1;
	s10 =	sld [smem:$0x3FB8];
	_ =	sdelay $0x3  }
0x34: {  	[smem:$0x3FB8] =	sst s10  }
0x35: {  	s10 =	sld [smem:$0x3FB7];
	_ =	sdelay $0x3  }
0x36: {  	p1 =	seq.s32 s10, $0x1;
	s10 =	sld [smem:$0x3FB8];
	_ =	sdelay $0x3  }
0x37: {  	[smem:$0x3FB8] =	sst s10  }
0x38: {  	s10 =	sld [smem:$0x3FB9]  }
0x39: {  	_ = 	snop;
	(pc) =	sbr.ind lr, $3  }
0x3a: {  	_ = 	snop  }
0x3b: {  	_ = 	snop  }
0x3c: {  	p2 =	seq.s32 s10, $0x1;
	s10 =	sld [smem:$0x3FB8]  }
0x3d: {  	_ =	shalt  }
0x3e: {  	_ =	shalt  }
0x3f: {  	_ =	shalt  }
0x40: {  	_ =	shalt  }
0x41: {  	_ =	shalt  }
0x42: {  	_ =	shalt  }
0x43: {  	_ =	shalt  }
0x44: {  	_ =	shalt  }
0x45: {  	_ =	shalt  }
0x46: {  	_ =	shalt  }
0x47: {  	_ =	shalt  }
0x48: {  	_ =	shalt  }
0x49: {  	_ =	shalt  }
0x4a: {  	_ =	shalt  }
0x4b: {  	_ =	shalt  }
0x4c: {  	_ =	shalt  }
0x4d: {  	_ =	shalt  }
0x4e: {  	_ =	shalt  }
0x4f: {  	_ =	shalt  }
0x50: {  	_ =	shalt  }
0x51: {  	_ =	shalt  }
0x52: {  	_ =	shalt  }
0x53: {  	_ =	shalt  }
0x54: {  	_ =	shalt  }
0x55: {  	_ =	shalt  }
0x56: {  	_ =	shalt  }
0x57: {  	_ =	shalt  }
0x58: {  	_ =	shalt  }
0x59: {  	_ =	shalt  }
0x5a: {  	_ =	shalt  }
0x5b: {  	_ =	shalt  }
0x5c: {  	_ =	shalt  }
0x5d: {  	_ =	shalt  }
0x5e: {  	_ =	shalt  }
0x5f: {  	_ =	shalt  }
0x60: {  	_ =	shalt  }
0x61: {  	_ =	shalt  }
0x62: {  	_ =	shalt  }
0x63: {  	_ =	shalt  }
0x64: {  	_ =	shalt  }
0x65: {  	_ =	shalt  }
0x66: {  	_ =	shalt  }
0x67: {  	_ =	shalt  }
0x68: {  	_ =	shalt  }
0x69: {  	_ =	shalt  }
0x6a: {  	_ =	shalt  }
0x6b: {  	_ =	shalt  }
0x6c: {  	_ =	shalt  }
0x6d: {  	_ =	shalt  }
0x6e: {  	_ =	shalt  }
0x6f: {  	_ =	shalt  }
0x70: {  	_ =	shalt  }
0x71: {  	_ =	shalt  }
0x72: {  	_ =	shalt  }
0x73: {  	_ =	shalt  }
0x74: {  	_ =	shalt  }
0x75: {  	_ =	shalt  }
0x76: {  	_ =	shalt  }
0x77: {  	_ =	shalt  }
0x78: {  	_ =	shalt  }
0x79: {  	_ =	shalt  }
0x7a: {  	_ =	shalt  }
0x7b: {  	_ =	shalt  }
0x7c: {  	_ =	shalt  }
0x7d: {  	_ =	shalt  }
0x7e: {  	_ =	shalt  }
0x7f: {  	_ =	shalt  }
0x80: {  	_ =	shalt  }
0x81: {  	_ =	shalt  }
0x82: {  	_ =	shalt  }
0x83: {  	_ =	shalt  }
0x84: {  	_ =	shalt  }
0x85: {  	_ =	shalt  }
0x86: {  	_ =	shalt  }
0x87: {  	_ =	shalt  }
.Lfunc_end0:
.L_simem_size_0:
called_computation.1_lowered:
.L_overlay_start_0:
0x88: {  	s2 =	sld [smem:$0x3FD9]  }
0x89: {  	s3 =	sld [smem:$0x3FFE];
	_ =	sdelay $0x1  }
0x8a: {  	s1 =	srdreg.scid  }
0x8b: {  	s0 =	sand.u32 $0x1, s1  }
0x8c: {  	s17 =	sshll.u32 s0, $0xA;
	s2 =	sadd.s32 s3, s2  }
0x8d: {  	s2 =	sadd.s32 s2, s17  }
0x8e: {  	[smem:$0x3FC4] =	sst s2  }
0x8f: {  	_ = 	snop  }
0x90: {  	s2 =	sld [smem:$0x3FD0];
	(tm) =	ssettm $0x1  }
0x91: {  	s18 =	sld [smem:$0x3FFB];
	_ =	sdelay $0x3  }
0x92: {  	_ =	strace s18  }
0x93: {  	s3 =	sld [smem:$0x3FFC];
	_ =	sdelay $0x3  }
0x94: {  	_ =	strace s3  }
0x95: {  	s3 =	sld [smem:$0x3FFD];
	_ =	sdelay $0x3  }
0x96: {  	_ =	strace s3  }
0x97: {  	_ =	strace $0x8FFFFFFF  }
0x98: {  	s19 =	sld [smem:$0x3FDB];
	_ =	sdelay $0x1  }
0x99: {  	s4 =	simm.s32 $_scs_section_size  }
0x9a: {  	s5 =	simm.s32 $_size__tile_overlayer_lowered;
	s6 =	simm.s32 $_tile_overlayer_lowered  }
0x9b: {  	s22 =	simm.s32 $0x1BFF;
	s21 =	sshll.u32 s6, $0x1;
	s3 =	sadd.s32 s4, s19  }
0x9c: {  	s7 =	simm.s32 $0x0;
	s20 =	sshll.u32 s5, $0x1;
	s5 =	sadd.s32 s21, s3  }
0x9d: {  	[timem:s7], [sflag:s22] =	dma.local [hbm:s5], s20  }
0x9e: {  	_ =	swait.ge [sflag:s22], s20  }
0x9f: {  	s4 =	ssub.s32 $0x0, s20;
	[sflag:s22] =	ssyncset.done $0x0  }
0xa0: {  	[sflag:s22] =	ssyncadd.s32 s4;
	_ =	sdelay $0x1  }
0xa1: {  	s23 =	simm.s32 $0x1B8B  }
0xa2: {  	_ =	swait.ge [sflag:s23], $0x1  }
0xa3: {  	[sflag:s23] =	ssyncset.done $0x0  }
0xa4: {  	s25 =	simm.s32 $0x1B8E;
	s24 =	sld [smem:$0x3FFE];
	[sflag:s23] =	ssyncadd.s32 $0xFFFFFFFF  }
0xa5: {  	s26 =	simm.s32 $execute0_lowered;
	[smem:$0x3FD2] =	sst s25  }
0xa6: {  	s5 =	sshll.u32 s26, $0x1;
	_ =	strace $0x80000049;
	[dreg:$0x1] =	wrdreg $0xFFFFFFFF  }
0xa7: {  	s28 =	simm.s32 $_size_execute0_lowered;
	s3 =	sadd.s32 s3, s5;
	[dreg:$0x0] =	wrdreg $0x0  }
0xa8: {  	s5 =	sshll.u32 s28, $0x1;
	[dreg:$0x2] =	wrdreg s3  }
0xa9: {  	[dreg:$0x3] =	wrdreg s5  }
0xaa: {  	[dreg:$0x4] =	wrdreg $0xC0  }
0xab: {  	_ =	task [dreg:s7], $0x5FFFF  }
0xac: {  	[dreg:$0x1] =	wrdreg $0xFFFFFFFF  }
0xad: {  	[dreg:$0x0] =	wrdreg $0x60  }
0xae: {  	[dreg:$0x2] =	wrdreg s2  }
0xaf: {  	[dreg:$0x3] =	wrdreg s24  }
0xb0: {  	[dreg:$0x4] =	wrdreg $0x0  }
0xb1: {  	[dreg:$0x5] =	wrdreg $0x9  }
0xb2: {  	_ =	task.clear_ibuf [dreg:s7], $0x6FFFF;
	_ =	strace $0x90000049  }
0xb3: {  	s29 =	simm.s32 $0x9;
	_ =	strace $0x8000004B  }
0xb4: {  	_ =	swait.ge [sflag:s29], $0x1  }
0xb5: {  	[sflag:s29] =	ssyncadd.s32 $0xFFFFFFFF  }
0xb6: {  	_ =	strace $0x9000004B  }
0xb7: {  	_ =	sfence  }
0xb8: {  	s30 =	sld [smem:$0x0];
	_ =	sdelay $0x2  }
0xb9: {  	s31 =	sshll.u32 s1, $0xD;
	s1 =	sshrl.u32 s1, $0x2  }
0xba: {  	s3 =	sand.u32 $0x4000, s31;
	s1 =	sadd.s32 s1, s30  }
0xbb: {  	s0 =	sor.u32 s3, s0;
	s1 =	sshll.u32 s1, $0x11  }
0xbc: {  	s0 =	sor.u32 s1, s0  }
0xbd: {  	s0 =	sadd.s32 $0x8F2B, s0  }
0xbe: {  	[sflag:s0] =	ssyncadd.remote.s32 $0x1  }
0xbf: {  	_ =	sfence.sel $0xFFFF  }
0xc0: {  	[dreg:$0x0] =	wrdreg $0xFFFFFFFF;
	(pc) =	sbr.abs _section_cstart, $3  }
0xc1: {  	[dreg:$0x1] =	wrdreg $0xFFFFFFFF  }
0xc2: {  	_ =	task.clear_ibuf [dreg:s7], $0x2FFFF;
	_ =	strace $0x9FFFFFFF  }
0xc3: {  	(tm) =	ssettm $0x7FFFFFFF  }
tec
execute0_lowered:
.L_overlay_start_1:
0x0: {  	(tag) =	ssettag $0x1  }
0x1: {  	s1 =	rddreg [dreg:$0x0]  }
0x2: {  	s0 =	rddreg [dreg:$0x1]  }
0x3: {  	s2 =	rddreg [dreg:$0x2];
	s4 =	simm.s32 $0x0  }
0x4: {  	s3 =	srdreg.scid;
	s10 =	stileid.u32;
	s28 =	simm.s32 $0x15C00  }
0x5: {  	s29 =	simm.s32 $0x5;
	s30 =	simm.s32 $0x3;
	s31 =	simm.s32 $0x7D  }
0x6: {  	[smem:$0x7FF] =	sst s4;
	s3 =	sand.u32 $0x1, s3;
	s5 =	smul.u32 $0x2780, s10  }
0x7: {  	s7 =	sadd.s32 $0xAE00, s0;
	s9 =	sadd.s32 $0xE00, s0;
	_ =	strace $0x8000004A  }
0x8: {  	s6 =	sshll.u32 s3, $0x4;
	s8 =	smul.u32 $0x27800, s3;
	s3 =	ssub.s32 $0x2, s3  }
0x9: {  	s6 =	sor.u32 s10, s6;
	s25 =	sshrl.u32 s3, $0x1;
	s10 =	smul.u32 $0x4F000, s10  }
0xa: {  	s6 =	smul.u32 $0x2800, s6;
	s5 =	sadd.s32 s5, s8;
	s3 =	ssub.s32 s3, s25  }
0xb: {  	s0 =	sadd.s32 s5, s0;
	s12 =	sshrl.u32 s10, $0x2;
	s10 =	simm.s32 $0x14C00  }
0xc: {  	s26 =	sshrl.u32 s6, $0x3;
	s8 =	sadd.s32 s12, s2;
	s0 =	sadd.s32 $0x14E00, s0  }
0xd: {  	s12 =	simm.s32 $0x15480;
	s6 =	sadd.s32 s7, s26;
	[dreg:$0x15] =	wrdreg s8  }
0xe: {  	s11 =	sadd.s32 $0x100, s26;
	s13 =	sadd.s32 s9, s26;
	[dreg:$0x13] =	wrdreg s0  }
0xf: {  	s15 =	sadd.s32 $0x3C00, s8;
	s16 =	sadd.s32 $0x7800, s8;
	[dreg:$0x4] =	wrdreg s6  }
0x10: {  	s17 =	sadd.s32 $0xB400, s8;
	s18 =	sadd.s32 $0xF000, s8;
	[dreg:$0x5] =	wrdreg s13  }
0x11: {  	s19 =	sadd.s32 $0x200, s26;
	s20 =	sadd.s32 $0x12C00, s8;
	[dreg:$0x8] =	wrdreg s15  }
0x12: {  	s22 =	sadd.s32 $0x300, s26;
	s5 =	sadd.s32 $0x400, s26;
	[dreg:$0x9] =	wrdreg s16  }
0x13: {  	s26 =	smax.u32 s3, $0x1;
	s8 =	simm.s32 $0x13C00;
	[dreg:$0xa] =	wrdreg s17  }
0x14: {  	s0 =	simm.s32 $0x4;
	s3 =	simm.s32 $0x1;
	[dreg:$0xb] =	wrdreg s18  }
0x15: {  	s14 =	sadd.s32 s7, s11;
	s6 =	sadd.s32 s9, s11;
	[dreg:$0xc] =	wrdreg s20  }
0x16: {  	s21 =	sadd.s32 s7, s19;
	s23 =	sadd.s32 s7, s22;
	[dreg:$0x14] =	wrdreg s26  }
0x17: {  	s24 =	sadd.s32 s9, s22;
	s25 =	sadd.s32 s7, s5;
	[dreg:$0x6] =	wrdreg s14  }
0x18: {  	s5 =	sadd.s32 s9, s5;
	s11 =	simm.s32 $0x14400;
	[dreg:$0x7] =	wrdreg s6  }
0x19: {  	s26 =	simm.s32 $0x15400;
	s13 =	simm.s32 $0x14D80;
	[dreg:$0xd] =	wrdreg s21  }
0x1a: {  	s15 =	simm.s32 $0x14E00;
	s16 =	simm.s32 $0x15580;
	[dreg:$0xf] =	wrdreg s23  }
0x1b: {  	s17 =	simm.s32 $0x14E80;
	s18 =	simm.s32 $0x15600;
	[dreg:$0x10] =	wrdreg s24  }
0x1c: {  	s20 =	simm.s32 $0x15680;
	s22 =	simm.s32 $0x15700;
	[dreg:$0x11] =	wrdreg s25  }
0x1d: {  	s6 =	sadd.s32 s9, s19;
	[dreg:$0x12] =	wrdreg s5;
	s9 =	simm.s32 $0x2  }
0x1e: {  	s5 =	simm.s32 $0x0;
	s14 =	simm.s32 $0x15500;
	s19 =	simm.s32 $0x14F00  }
0x1f: {  	s21 =	simm.s32 $0x14F80;
	s23 =	simm.s32 $0x15000;
	s24 =	simm.s32 $0x15780  }
0x20: {  	v0 =	vimm.f32 $0.0e+00;
	s25 =	simm.s32 $0x15080;
	[dreg:$0xe] =	wrdreg s6;
	s6 =	simm.s32 $0x19C00  }
.LBB2_1:
0x21: {  	s7 =	rddreg [dreg:$0x4]  }
0x22: {  	[tilespmem:s8], [sflag:$0x3] =	stream.linear.gather [hbm4b:s7+s4], $0x800, $0x38;
	[tilespmem:$0x1DC00] =	vst v63  }
0x23: {  	s7 =	rddreg [dreg:$0x5]  }
0x24: {  	[tilespmem:s11], [sflag:$0x3] =	stream.linear.gather [hbm4b:s7+s4], $0x800, $0x38;
	[tilespmem:$0x1DC00] =	vst v63  }
0x25: {  	s7 =	rddreg [dreg:$0x6]  }
0x26: {  	[tilespmem:s10], [sflag:$0x4] =	stream.linear.gather [hbm4b:s7+s4], $0x800, $0x38;
	[tilespmem:$0x1DC00] =	vst v63  }
0x27: {  	s10 =	rddreg [dreg:$0x7]  }
0x28: {  	[tilespmem:s26], [sflag:$0x4] =	stream.linear.gather [hbm4b:s10+s4], $0x800, $0x38;
	[tilespmem:$0x1DC00] =	vst v63  }
0x29: {  	s7 =	simm.s32 $0x0;
	s10 =	simm.s32 $0x200  }
.LBB2_2:
0x2a: {  	p0 =	sne.s32 s10, $0xF800;
	[tilespmem:s7+$0x15C70] =	vst v0  }
0x2b: {  	[tilespmem:s7+$0x15C00] =	vst v0  }
0x2c: {  	[tilespmem:s7+$0x15C10] =	vst v0  }
.Ltmp0:
0x2d: {  	[tilespmem:s7+$0x15C20] =	vst v0;
	(pc) =	sbr.rel @p0 .LBB2_2-.Ltmp0, $4  }
0x2e: {  	[tilespmem:s7+$0x15C30] =	vst v0  }
0x2f: {  	[tilespmem:s7+$0x15C40] =	vst v0  }
0x30: {  	[tilespmem:s7+$0x15C50] =	vst v0  }
0x31: {  	[tilespmem:s7+$0x15C60] =	vst v0;
	s7 =	sshra.s32 s10, $0x2;
	s10 =	sadd.s32 $0x200, s10  }
0x32: {  	[tilespmem:s7+$0x15C70] =	vst v0  }
0x33: {  	[tilespmem:s7+$0x15C00] =	vst v0  }
0x34: {  	[tilespmem:s7+$0x15C10] =	vst v0  }
0x35: {  	[tilespmem:s7+$0x15C20] =	vst v0  }
0x36: {  	[tilespmem:s7+$0x15C30] =	vst v0  }
0x37: {  	[tilespmem:s7+$0x15C40] =	vst v0  }
0x38: {  	[tilespmem:s7+$0x15C50] =	vst v0  }
0x39: {  	[tilespmem:s7+$0x15C60] =	vst v0;
	s10 =	rddreg [dreg:$0x15]  }
0x3a: {  	[spmem:s10] =	stream.linear.scatter [tilespmem:s28], [sflag:$0x5], $0x3C00, $0x38;
	[tilespmem:$0x1DC00] =	vst v63  }
0x3b: {  	_ =	swait.ge [sflag:s29], $0x3C00  }
0x3c: {  	[sflag:s29] =	ssyncset.done $0x0  }
0x3d: {  	s26 =	rddreg [dreg:$0x8];
	[sflag:s29] =	ssyncadd.s32 $0xFFFFC400  }
0x3e: {  	[spmem:s26] =	stream.linear.scatter [tilespmem:s28], [sflag:$0x5], $0x3C00, $0x38;
	[tilespmem:$0x1DC00] =	vst v63  }
0x3f: {  	_ =	swait.ge [sflag:s29], $0x3C00  }
0x40: {  	[sflag:s29] =	ssyncset.done $0x0  }
0x41: {  	s10 =	rddreg [dreg:$0x9];
	[sflag:s29] =	ssyncadd.s32 $0xFFFFC400  }
0x42: {  	[spmem:s10] =	stream.linear.scatter [tilespmem:s28], [sflag:$0x5], $0x3C00, $0x38;
	[tilespmem:$0x1DC00] =	vst v63  }
0x43: {  	_ =	swait.ge [sflag:s29], $0x3C00  }
0x44: {  	[sflag:s29] =	ssyncset.done $0x0  }
0x45: {  	s26 =	rddreg [dreg:$0xa];
	[sflag:s29] =	ssyncadd.s32 $0xFFFFC400  }
0x46: {  	[spmem:s26] =	stream.linear.scatter [tilespmem:s28], [sflag:$0x5], $0x3C00, $0x38;
	[tilespmem:$0x1DC00] =	vst v63  }
0x47: {  	_ =	swait.ge [sflag:s29], $0x3C00  }
0x48: {  	[sflag:s29] =	ssyncset.done $0x0  }
0x49: {  	s10 =	rddreg [dreg:$0xb];
	[sflag:s29] =	ssyncadd.s32 $0xFFFFC400  }
0x4a: {  	[spmem:s10] =	stream.linear.scatter [tilespmem:s28], [sflag:$0x5], $0x3C00, $0x38;
	[tilespmem:$0x1DC00] =	vst v63  }
0x4b: {  	_ =	swait.ge [sflag:s29], $0x3C00  }
0x4c: {  	[sflag:s29] =	ssyncset.done $0x0  }
0x4d: {  	s26 =	rddreg [dreg:$0xc];
	[sflag:s29] =	ssyncadd.s32 $0xFFFFC400  }
0x4e: {  	[spmem:s26] =	stream.linear.scatter [tilespmem:s28], [sflag:$0x5], $0x1000, $0x38;
	[tilespmem:$0x1DC00] =	vst v63  }
0x4f: {  	_ =	swait.ge [sflag:s29], $0x1000  }
0x50: {  	[sflag:s29] =	ssyncset.done $0x0  }
0x51: {  	[sflag:s29] =	ssyncadd.s32 $0xFFFFF000  }
0x52: {  	[bflag:$0x0] =	sbarrier.arrive $0xFFFF  }
0x53: {  	_ =	swait.ge [sflag:s30], $0x800  }
0x54: {  	[sflag:s30] =	ssyncset.done $0x0  }
0x55: {  	[sflag:s30] =	ssyncadd.s32 $0xFFFFF800  }
0x56: {  	_ =	swait.ge [sflag:s30], $0x800  }
0x57: {  	[sflag:s30] =	ssyncset.done $0x0  }
0x58: {  	[sflag:s30] =	ssyncadd.s32 $0xFFFFF800  }
0x59: {  	[tilespmem:s28], [sflag:$0x1] =	stream.indirect.gather [hbm4b:s1+s31], $0x80, s8, s31, $0xb8;
	[tilespmem:$0x1DC00] =	vst v63  }
0x5a: {  	_ =	swait.ge [sflag:s0], $0x800  }
0x5b: {  	[sflag:s0] =	ssyncset.done $0x0  }
0x5c: {  	[sflag:s0] =	ssyncadd.s32 $0xFFFFF800  }
0x5d: {  	_ =	swait.ge [sflag:s0], $0x800  }
0x5e: {  	[sflag:s0] =	ssyncset.done $0x0  }
0x5f: {  	[sflag:s0] =	ssyncadd.s32 $0xFFFFF800  }
0x60: {  	_ =	swait.ge [sflag:s3], $0x3E80  }
0x61: {  	[sflag:s3] =	ssyncset.done $0x0  }
0x62: {  	s10 =	simm.s32 $0x13C80;
	[sflag:s3] =	ssyncadd.s32 $0xFFFFC180  }
0x63: {  	[tilespmem:s6], [sflag:$0x2] =	stream.indirect.gather [hbm4b:s1+s31], $0x80, s10, s31, $0xb8;
	[tilespmem:$0x1DC00] =	vst v63  }
0x64: {  	_ = 	snop  }
0x65: {  	[spmem:s2] =	stream.indirect.scatter.add.f32 [tilespmem:s28], [sflag:$0x5], $0x80, s11, s31, $0xb8;
	[tilespmem:$0x1DC00] =	vst v63  }
0x66: {  	_ =	swait.ge [sflag:s29], $0x3E80  }
0x67: {  	[sflag:s29] =	ssyncset.done $0x0  }
0x68: {  	s26 =	simm.s32 $0x13D00;
	[sflag:s29] =	ssyncadd.s32 $0xFFFFC180  }
0x69: {  	[tilespmem:s28], [sflag:$0x1] =	stream.indirect.gather [hbm4b:s1+s31], $0x80, s26, s31, $0xb8;
	[tilespmem:$0x1DC00] =	vst v63  }
0x6a: {  	_ =	swait.ge [sflag:s9], $0x3E80  }
0x6b: {  	[sflag:s9] =	ssyncset.done $0x0  }
0x6c: {  	s10 =	simm.s32 $0x14480;
	[sflag:s9] =	ssyncadd.s32 $0xFFFFC180  }
0x6d: {  	[spmem:s2] =	stream.indirect.scatter.add.f32 [tilespmem:s6], [sflag:$0x5], $0x80, s10, s31, $0xb8;
	[tilespmem:$0x1DC00] =	vst v63  }
0x6e: {  	_ =	swait.ge [sflag:s29], $0x3E80  }
0x6f: {  	[sflag:s29] =	ssyncset.done $0x0  }
0x70: {  	[sflag:s29] =	ssyncadd.s32 $0xFFFFC180  }
0x71: {  	_ =	swait.ge [sflag:s3], $0x3E80  }
0x72: {  	[sflag:s3] =	ssyncset.done $0x0  }
0x73: {  	s11 =	simm.s32 $0x13D80;
	[sflag:s3] =	ssyncadd.s32 $0xFFFFC180  }
0x74: {  	[tilespmem:s6], [sflag:$0x2] =	stream.indirect.gather [hbm4b:s1+s31], $0x80, s11, s31, $0xb8;
	[tilespmem:$0x1DC00] =	vst v63  }
0x75: {  	s26 =	simm.s32 $0x14500  }
0x76: {  	[spmem:s2] =	stream.indirect.scatter.add.f32 [tilespmem:s28], [sflag:$0x5], $0x80, s26, s31, $0xb8;
	[tilespmem:$0x1DC00] =	vst v63  }
0x77: {  	_ =	swait.ge [sflag:s29], $0x3E80  }
0x78: {  	[sflag:s29] =	ssyncset.done $0x0  }
0x79: {  	s10 =	simm.s32 $0x13E00;
	[sflag:s29] =	ssyncadd.s32 $0xFFFFC180  }
0x7a: {  	[tilespmem:s28], [sflag:$0x1] =	stream.indirect.gather [hbm4b:s1+s31], $0x80, s10, s31, $0xb8;
	[tilespmem:$0x1DC00] =	vst v63  }
0x7b: {  	_ =	swait.ge [sflag:s9], $0x3E80  }
0x7c: {  	[sflag:s9] =	ssyncset.done $0x0  }
0x7d: {  	s11 =	simm.s32 $0x14580;
	[sflag:s9] =	ssyncadd.s32 $0xFFFFC180  }
0x7e: {  	[spmem:s2] =	stream.indirect.scatter.add.f32 [tilespmem:s6], [sflag:$0x5], $0x80, s11, s31, $0xb8;
	[tilespmem:$0x1DC00] =	vst v63  }
0x7f: {  	_ =	swait.ge [sflag:s29], $0x3E80  }
0x80: {  	[sflag:s29] =	ssyncset.done $0x0  }
0x81: {  	[sflag:s29] =	ssyncadd.s32 $0xFFFFC180  }
0x82: {  	_ =	swait.ge [sflag:s3], $0x3E80  }
0x83: {  	[sflag:s3] =	ssyncset.done $0x0  }
0x84: {  	s26 =	simm.s32 $0x13E80;
	[sflag:s3] =	ssyncadd.s32 $0xFFFFC180  }
0x85: {  	[tilespmem:s6], [sflag:$0x2] =	stream.indirect.gather [hbm4b:s1+s31], $0x80, s26, s31, $0xb8;
	[tilespmem:$0x1DC00] =	vst v63  }
0x86: {  	s10 =	simm.s32 $0x14600  }
0x87: {  	[spmem:s2] =	stream.indirect.scatter.add.f32 [tilespmem:s28], [sflag:$0x5], $0x80, s10, s31, $0xb8;
	[tilespmem:$0x1DC00] =	vst v63  }
0x88: {  	_ =	swait.ge [sflag:s29], $0x3E80  }
0x89: {  	[sflag:s29] =	ssyncset.done $0x0  }
0x8a: {  	s11 =	simm.s32 $0x13F00;
	[sflag:s29] =	ssyncadd.s32 $0xFFFFC180  }
0x8b: {  	[tilespmem:s28], [sflag:$0x1] =	stream.indirect.gather [hbm4b:s1+s31], $0x80, s11, s31, $0xb8;
	[tilespmem:$0x1DC00] =	vst v63  }
0x8c: {  	_ =	swait.ge [sflag:s9], $0x3E80  }
0x8d: {  	[sflag:s9] =	ssyncset.done $0x0  }
0x8e: {  	s26 =	simm.s32 $0x14680;
	[sflag:s9] =	ssyncadd.s32 $0xFFFFC180  }
0x8f: {  	[spmem:s2] =	stream.indirect.scatter.add.f32 [tilespmem:s6], [sflag:$0x5], $0x80, s26, s31, $0xb8;
	[tilespmem:$0x1DC00] =	vst v63  }
0x90: {  	_ =	swait.ge [sflag:s29], $0x3E80  }
0x91: {  	[sflag:s29] =	ssyncset.done $0x0  }
0x92: {  	[sflag:s29] =	ssyncadd.s32 $0xFFFFC180  }
0x93: {  	_ =	swait.ge [sflag:s3], $0x3E80  }
0x94: {  	[sflag:s3] =	ssyncset.done $0x0  }
0x95: {  	s10 =	simm.s32 $0x13F80;
	[sflag:s3] =	ssyncadd.s32 $0xFFFFC180  }
0x96: {  	[tilespmem:s6], [sflag:$0x2] =	stream.indirect.gather [hbm4b:s1+s31], $0x80, s10, s31, $0xb8;
	[tilespmem:$0x1DC00] =	vst v63  }
0x97: {  	s11 =	simm.s32 $0x14700  }
0x98: {  	[spmem:s2] =	stream.indirect.scatter.add.f32 [tilespmem:s28], [sflag:$0x5], $0x80, s11, s31, $0xb8;
	[tilespmem:$0x1DC00] =	vst v63  }
0x99: {  	_ =	swait.ge [sflag:s29], $0x3E80  }
0x9a: {  	[sflag:s29] =	ssyncset.done $0x0  }
0x9b: {  	s26 =	simm.s32 $0x14000;
	[sflag:s29] =	ssyncadd.s32 $0xFFFFC180  }
0x9c: {  	[tilespmem:s28], [sflag:$0x1] =	stream.indirect.gather [hbm4b:s1+s31], $0x80, s26, s31, $0xb8;
	[tilespmem:$0x1DC00] =	vst v63  }
0x9d: {  	_ =	swait.ge [sflag:s9], $0x3E80  }
0x9e: {  	[sflag:s9] =	ssyncset.done $0x0  }
0x9f: {  	s10 =	simm.s32 $0x14780;
	[sflag:s9] =	ssyncadd.s32 $0xFFFFC180  }
0xa0: {  	[spmem:s2] =	stream.indirect.scatter.add.f32 [tilespmem:s6], [sflag:$0x5], $0x80, s10, s31, $0xb8;
	[tilespmem:$0x1DC00] =	vst v63  }
0xa1: {  	_ =	swait.ge [sflag:s29], $0x3E80  }
0xa2: {  	[sflag:s29] =	ssyncset.done $0x0  }
0xa3: {  	[sflag:s29] =	ssyncadd.s32 $0xFFFFC180  }
0xa4: {  	_ =	swait.ge [sflag:s3], $0x3E80  }
0xa5: {  	[sflag:s3] =	ssyncset.done $0x0  }
0xa6: {  	s11 =	simm.s32 $0x14080;
	[sflag:s3] =	ssyncadd.s32 $0xFFFFC180  }
0xa7: {  	[tilespmem:s6], [sflag:$0x2] =	stream.indirect.gather [hbm4b:s1+s31], $0x80, s11, s31, $0xb8;
	[tilespmem:$0x1DC00] =	vst v63  }
0xa8: {  	s26 =	simm.s32 $0x14800  }
0xa9: {  	[spmem:s2] =	stream.indirect.scatter.add.f32 [tilespmem:s28], [sflag:$0x5], $0x80, s26, s31, $0xb8;
	[tilespmem:$0x1DC00] =	vst v63  }
0xaa: {  	_ =	swait.ge [sflag:s29], $0x3E80  }
0xab: {  	[sflag:s29] =	ssyncset.done $0x0  }
0xac: {  	s10 =	simm.s32 $0x14100;
	[sflag:s29] =	ssyncadd.s32 $0xFFFFC180  }
0xad: {  	[tilespmem:s28], [sflag:$0x1] =	stream.indirect.gather [hbm4b:s1+s31], $0x80, s10, s31, $0xb8;
	[tilespmem:$0x1DC00] =	vst v63  }
0xae: {  	_ =	swait.ge [sflag:s9], $0x3E80  }
0xaf: {  	[sflag:s9] =	ssyncset.done $0x0  }
0xb0: {  	s11 =	simm.s32 $0x14880;
	[sflag:s9] =	ssyncadd.s32 $0xFFFFC180  }
0xb1: {  	[spmem:s2] =	stream.indirect.scatter.add.f32 [tilespmem:s6], [sflag:$0x5], $0x80, s11, s31, $0xb8;
	[tilespmem:$0x1DC00] =	vst v63  }
0xb2: {  	_ =	swait.ge [sflag:s29], $0x3E80  }
0xb3: {  	[sflag:s29] =	ssyncset.done $0x0  }
0xb4: {  	[sflag:s29] =	ssyncadd.s32 $0xFFFFC180  }
0xb5: {  	_ =	swait.ge [sflag:s3], $0x3E80  }
0xb6: {  	[sflag:s3] =	ssyncset.done $0x0  }
0xb7: {  	s26 =	simm.s32 $0x14180;
	[sflag:s3] =	ssyncadd.s32 $0xFFFFC180  }
0xb8: {  	[tilespmem:s6], [sflag:$0x2] =	stream.indirect.gather [hbm4b:s1+s31], $0x80, s26, s31, $0xb8;
	[tilespmem:$0x1DC00] =	vst v63  }
0xb9: {  	s10 =	simm.s32 $0x14900  }
0xba: {  	[spmem:s2] =	stream.indirect.scatter.add.f32 [tilespmem:s28], [sflag:$0x5], $0x80, s10, s31, $0xb8;
	[tilespmem:$0x1DC00] =	vst v63  }
0xbb: {  	_ =	swait.ge [sflag:s29], $0x3E80  }
0xbc: {  	[sflag:s29] =	ssyncset.done $0x0  }
0xbd: {  	s11 =	simm.s32 $0x14200;
	[sflag:s29] =	ssyncadd.s32 $0xFFFFC180  }
0xbe: {  	[tilespmem:s28], [sflag:$0x1] =	stream.indirect.gather [hbm4b:s1+s31], $0x80, s11, s31, $0xb8;
	[tilespmem:$0x1DC00] =	vst v63  }
0xbf: {  	_ =	swait.ge [sflag:s9], $0x3E80  }
0xc0: {  	[sflag:s9] =	ssyncset.done $0x0  }
0xc1: {  	s26 =	simm.s32 $0x14980;
	[sflag:s9] =	ssyncadd.s32 $0xFFFFC180  }
0xc2: {  	[spmem:s2] =	stream.indirect.scatter.add.f32 [tilespmem:s6], [sflag:$0x5], $0x80, s26, s31, $0xb8;
	[tilespmem:$0x1DC00] =	vst v63  }
0xc3: {  	_ =	swait.ge [sflag:s29], $0x3E80  }
0xc4: {  	[sflag:s29] =	ssyncset.done $0x0  }
0xc5: {  	[sflag:s29] =	ssyncadd.s32 $0xFFFFC180  }
0xc6: {  	_ =	swait.ge [sflag:s3], $0x3E80  }
0xc7: {  	[sflag:s3] =	ssyncset.done $0x0  }
0xc8: {  	s10 =	simm.s32 $0x14280;
	[sflag:s3] =	ssyncadd.s32 $0xFFFFC180  }
0xc9: {  	[tilespmem:s6], [sflag:$0x2] =	stream.indirect.gather [hbm4b:s1+s31], $0x80, s10, s31, $0xb8;
	[tilespmem:$0x1DC00] =	vst v63  }
0xca: {  	s11 =	simm.s32 $0x14A00  }
0xcb: {  	[spmem:s2] =	stream.indirect.scatter.add.f32 [tilespmem:s28], [sflag:$0x5], $0x80, s11, s31, $0xb8;
	[tilespmem:$0x1DC00] =	vst v63  }
0xcc: {  	_ =	swait.ge [sflag:s29], $0x3E80  }
0xcd: {  	[sflag:s29] =	ssyncset.done $0x0  }
0xce: {  	s26 =	simm.s32 $0x14300;
	[sflag:s29] =	ssyncadd.s32 $0xFFFFC180  }
0xcf: {  	[tilespmem:s28], [sflag:$0x1] =	stream.indirect.gather [hbm4b:s1+s31], $0x80, s26, s31, $0xb8;
	[tilespmem:$0x1DC00] =	vst v63  }
0xd0: {  	_ =	swait.ge [sflag:s9], $0x3E80  }
0xd1: {  	[sflag:s9] =	ssyncset.done $0x0  }
0xd2: {  	s10 =	simm.s32 $0x14A80;
	[sflag:s9] =	ssyncadd.s32 $0xFFFFC180  }
0xd3: {  	[spmem:s2] =	stream.indirect.scatter.add.f32 [tilespmem:s6], [sflag:$0x5], $0x80, s10, s31, $0xb8;
	[tilespmem:$0x1DC00] =	vst v63  }
0xd4: {  	_ =	swait.ge [sflag:s29], $0x3E80  }
0xd5: {  	[sflag:s29] =	ssyncset.done $0x0  }
0xd6: {  	[sflag:s29] =	ssyncadd.s32 $0xFFFFC180  }
0xd7: {  	_ =	swait.ge [sflag:s3], $0x3E80  }
0xd8: {  	[sflag:s3] =	ssyncset.done $0x0  }
0xd9: {  	s11 =	simm.s32 $0x14380;
	[sflag:s3] =	ssyncadd.s32 $0xFFFFC180  }
0xda: {  	[tilespmem:s6], [sflag:$0x2] =	stream.indirect.gather [hbm4b:s1+s31], $0x80, s11, s31, $0xb8;
	[tilespmem:$0x1DC00] =	vst v63  }
0xdb: {  	s26 =	simm.s32 $0x14B00  }
0xdc: {  	[spmem:s2] =	stream.indirect.scatter.add.f32 [tilespmem:s28], [sflag:$0x5], $0x80, s26, s31, $0xb8;
	[tilespmem:$0x1DC00] =	vst v63  }
0xdd: {  	_ =	swait.ge [sflag:s29], $0x3E80  }
0xde: {  	[sflag:s29] =	ssyncset.done $0x0  }
0xdf: {  	s26 =	simm.s32 $0x14C00;
	[sflag:s29] =	ssyncadd.s32 $0xFFFFC180  }
0xe0: {  	[tilespmem:s28], [sflag:$0x1] =	stream.indirect.gather [hbm4b:s1+s31], $0x80, s26, s31, $0xb8;
	[tilespmem:$0x1DC00] =	vst v63  }
0xe1: {  	_ =	swait.ge [sflag:s9], $0x3E80  }
0xe2: {  	[sflag:s9] =	ssyncset.done $0x0  }
0xe3: {  	s10 =	simm.s32 $0x14B80;
	[sflag:s9] =	ssyncadd.s32 $0xFFFFC180  }
0xe4: {  	[spmem:s2] =	stream.indirect.scatter.add.f32 [tilespmem:s6], [sflag:$0x5], $0x80, s10, s31, $0xb8;
	[tilespmem:$0x1DC00] =	vst v63  }
0xe5: {  	_ =	swait.ge [sflag:s29], $0x3E80  }
0xe6: {  	[sflag:s29] =	ssyncset.done $0x0  }
0xe7: {  	s11 =	rddreg [dreg:$0xd];
	[sflag:s29] =	ssyncadd.s32 $0xFFFFC180  }
0xe8: {  	[tilespmem:s8], [sflag:$0x3] =	stream.linear.gather [hbm4b:s11+s4], $0x800, $0x38;
	[tilespmem:$0x1DC00] =	vst v63  }
0xe9: {  	s10 =	rddreg [dreg:$0xe];
	s11 =	simm.s32 $0x14400  }
0xea: {  	[tilespmem:s11], [sflag:$0x3] =	stream.linear.gather [hbm4b:s10+s4], $0x800, $0x38;
	[tilespmem:$0x1DC00] =	vst v63  }
0xeb: {  	_ =	swait.ge [sflag:s30], $0x800  }
0xec: {  	[sflag:s30] =	ssyncset.done $0x0  }
0xed: {  	[sflag:s30] =	ssyncadd.s32 $0xFFFFF800  }
0xee: {  	_ =	swait.ge [sflag:s30], $0x800  }
0xef: {  	[sflag:s30] =	ssyncset.done $0x0  }
0xf0: {  	[sflag:s30] =	ssyncadd.s32 $0xFFFFF800  }
0xf1: {  	_ =	swait.ge [sflag:s3], $0x3E80  }
0xf2: {  	[sflag:s3] =	ssyncset.done $0x0  }
0xf3: {  	s8 =	simm.s32 $0x14C80;
	[sflag:s3] =	ssyncadd.s32 $0xFFFFC180  }
0xf4: {  	[tilespmem:s6], [sflag:$0x2] =	stream.indirect.gather [hbm4b:s1+s31], $0x80, s8, s31, $0xb8;
	[tilespmem:$0x1DC00] =	vst v63  }
0xf5: {  	s8 =	simm.s32 $0x15400  }
0xf6: {  	[spmem:s2] =	stream.indirect.scatter.add.f32 [tilespmem:s28], [sflag:$0x5], $0x80, s8, s31, $0xb8;
	[tilespmem:$0x1DC00] =	vst v63  }
0xf7: {  	_ =	swait.ge [sflag:s29], $0x3E80  }
0xf8: {  	[sflag:s29] =	ssyncset.done $0x0  }
0xf9: {  	s11 =	simm.s32 $0x14D00;
	[sflag:s29] =	ssyncadd.s32 $0xFFFFC180  }
0xfa: {  	[tilespmem:s28], [sflag:$0x1] =	stream.indirect.gather [hbm4b:s1+s31], $0x80, s11, s31, $0xb8;
	[tilespmem:$0x1DC00] =	vst v63  }
0xfb: {  	_ =	swait.ge [sflag:s9], $0x3E80  }
0xfc: {  	[sflag:s9] =	ssyncset.done $0x0  }
0xfd: {  	[sflag:s9] =	ssyncadd.s32 $0xFFFFC180  }
0xfe: {  	[spmem:s2] =	stream.indirect.scatter.add.f32 [tilespmem:s6], [sflag:$0x5], $0x80, s12, s31, $0xb8;
	[tilespmem:$0x1DC00] =	vst v63  }
0xff: {  	_ =	swait.ge [sflag:s29], $0x3E80  }
0x100: {  	[sflag:s29] =	ssyncset.done $0x0  }
0x101: {  	[sflag:s29] =	ssyncadd.s32 $0xFFFFC180  }
0x102: {  	_ =	swait.ge [sflag:s3], $0x3E80  }
0x103: {  	[sflag:s3] =	ssyncset.done $0x0  }
0x104: {  	[sflag:s3] =	ssyncadd.s32 $0xFFFFC180  }
0x105: {  	[tilespmem:s6], [sflag:$0x2] =	stream.indirect.gather [hbm4b:s1+s31], $0x80, s13, s31, $0xb8;
	[tilespmem:$0x1DC00] =	vst v63  }
0x106: {  	_ = 	snop  }
0x107: {  	[spmem:s2] =	stream.indirect.scatter.add.f32 [tilespmem:s28], [sflag:$0x5], $0x80, s14, s31, $0xb8;
	[tilespmem:$0x1DC00] =	vst v63  }
0x108: {  	_ =	swait.ge [sflag:s29], $0x3E80  }
0x109: {  	[sflag:s29] =	ssyncset.done $0x0  }
0x10a: {  	[sflag:s29] =	ssyncadd.s32 $0xFFFFC180  }
0x10b: {  	[tilespmem:s28], [sflag:$0x1] =	stream.indirect.gather [hbm4b:s1+s31], $0x80, s15, s31, $0xb8;
	[tilespmem:$0x1DC00] =	vst v63  }
0x10c: {  	_ =	swait.ge [sflag:s9], $0x3E80  }
0x10d: {  	[sflag:s9] =	ssyncset.done $0x0  }
0x10e: {  	[sflag:s9] =	ssyncadd.s32 $0xFFFFC180  }
0x10f: {  	[spmem:s2] =	stream.indirect.scatter.add.f32 [tilespmem:s6], [sflag:$0x5], $0x80, s16, s31, $0xb8;
	[tilespmem:$0x1DC00] =	vst v63  }
0x110: {  	_ =	swait.ge [sflag:s29], $0x3E80  }
0x111: {  	[sflag:s29] =	ssyncset.done $0x0  }
0x112: {  	[sflag:s29] =	ssyncadd.s32 $0xFFFFC180  }
0x113: {  	_ =	swait.ge [sflag:s3], $0x3E80  }
0x114: {  	[sflag:s3] =	ssyncset.done $0x0  }
0x115: {  	[sflag:s3] =	ssyncadd.s32 $0xFFFFC180  }
0x116: {  	[tilespmem:s6], [sflag:$0x2] =	stream.indirect.gather [hbm4b:s1+s31], $0x80, s17, s31, $0xb8;
	[tilespmem:$0x1DC00] =	vst v63  }
0x117: {  	_ = 	snop  }
0x118: {  	[spmem:s2] =	stream.indirect.scatter.add.f32 [tilespmem:s28], [sflag:$0x5], $0x80, s18, s31, $0xb8;
	[tilespmem:$0x1DC00] =	vst v63  }
0x119: {  	_ =	swait.ge [sflag:s29], $0x3E80  }
0x11a: {  	[sflag:s29] =	ssyncset.done $0x0  }
0x11b: {  	[sflag:s29] =	ssyncadd.s32 $0xFFFFC180  }
0x11c: {  	[tilespmem:s28], [sflag:$0x1] =	stream.indirect.gather [hbm4b:s1+s31], $0x80, s19, s31, $0xb8;
	[tilespmem:$0x1DC00] =	vst v63  }
0x11d: {  	_ =	swait.ge [sflag:s9], $0x3E80  }
0x11e: {  	[sflag:s9] =	ssyncset.done $0x0  }
0x11f: {  	[sflag:s9] =	ssyncadd.s32 $0xFFFFC180  }
0x120: {  	[spmem:s2] =	stream.indirect.scatter.add.f32 [tilespmem:s6], [sflag:$0x5], $0x80, s20, s31, $0xb8;
	[tilespmem:$0x1DC00] =	vst v63  }
0x121: {  	_ =	swait.ge [sflag:s29], $0x3E80  }
0x122: {  	[sflag:s29] =	ssyncset.done $0x0  }
0x123: {  	[sflag:s29] =	ssyncadd.s32 $0xFFFFC180  }
0x124: {  	_ =	swait.ge [sflag:s3], $0x3E80  }
0x125: {  	[sflag:s3] =	ssyncset.done $0x0  }
0x126: {  	[sflag:s3] =	ssyncadd.s32 $0xFFFFC180  }
0x127: {  	[tilespmem:s6], [sflag:$0x2] =	stream.indirect.gather [hbm4b:s1+s31], $0x80, s21, s31, $0xb8;
	[tilespmem:$0x1DC00] =	vst v63  }
0x128: {  	_ = 	snop  }
0x129: {  	[spmem:s2] =	stream.indirect.scatter.add.f32 [tilespmem:s28], [sflag:$0x5], $0x80, s22, s31, $0xb8;
	[tilespmem:$0x1DC00] =	vst v63  }
0x12a: {  	_ =	swait.ge [sflag:s29], $0x3E80  }
0x12b: {  	[sflag:s29] =	ssyncset.done $0x0  }
0x12c: {  	[sflag:s29] =	ssyncadd.s32 $0xFFFFC180  }
0x12d: {  	[tilespmem:s28], [sflag:$0x1] =	stream.indirect.gather [hbm4b:s1+s31], $0x80, s23, s31, $0xb8;
	[tilespmem:$0x1DC00] =	vst v63  }
0x12e: {  	_ =	swait.ge [sflag:s9], $0x3E80  }
0x12f: {  	[sflag:s9] =	ssyncset.done $0x0  }
0x130: {  	[sflag:s9] =	ssyncadd.s32 $0xFFFFC180  }
0x131: {  	[spmem:s2] =	stream.indirect.scatter.add.f32 [tilespmem:s6], [sflag:$0x5], $0x80, s24, s31, $0xb8;
	[tilespmem:$0x1DC00] =	vst v63  }
0x132: {  	_ =	swait.ge [sflag:s29], $0x3E80  }
0x133: {  	[sflag:s29] =	ssyncset.done $0x0  }
0x134: {  	[sflag:s29] =	ssyncadd.s32 $0xFFFFC180  }
0x135: {  	_ =	swait.ge [sflag:s3], $0x3E80  }
0x136: {  	[sflag:s3] =	ssyncset.done $0x0  }
0x137: {  	[sflag:s3] =	ssyncadd.s32 $0xFFFFC180  }
0x138: {  	[tilespmem:s6], [sflag:$0x2] =	stream.indirect.gather [hbm4b:s1+s31], $0x80, s25, s31, $0xb8;
	[tilespmem:$0x1DC00] =	vst v63  }
0x139: {  	s10 =	simm.s32 $0x15800  }
0x13a: {  	[spmem:s2] =	stream.indirect.scatter.add.f32 [tilespmem:s28], [sflag:$0x5], $0x80, s10, s31, $0xb8;
	[tilespmem:$0x1DC00] =	vst v63  }
0x13b: {  	_ =	swait.ge [sflag:s29], $0x3E80  }
0x13c: {  	[sflag:s29] =	ssyncset.done $0x0  }
0x13d: {  	s10 =	simm.s32 $0x15100;
	[sflag:s29] =	ssyncadd.s32 $0xFFFFC180  }
0x13e: {  	[tilespmem:s28], [sflag:$0x1] =	stream.indirect.gather [hbm4b:s1+s31], $0x80, s10, s31, $0xb8;
	[tilespmem:$0x1DC00] =	vst v63  }
0x13f: {  	_ =	swait.ge [sflag:s9], $0x3E80  }
0x140: {  	[sflag:s9] =	ssyncset.done $0x0  }
0x141: {  	s10 =	simm.s32 $0x15880;
	[sflag:s9] =	ssyncadd.s32 $0xFFFFC180  }
0x142: {  	[spmem:s2] =	stream.indirect.scatter.add.f32 [tilespmem:s6], [sflag:$0x5], $0x80, s10, s31, $0xb8;
	[tilespmem:$0x1DC00] =	vst v63  }
0x143: {  	_ =	swait.ge [sflag:s29], $0x3E80  }
0x144: {  	[sflag:s29] =	ssyncset.done $0x0  }
0x145: {  	[sflag:s29] =	ssyncadd.s32 $0xFFFFC180  }
0x146: {  	_ =	swait.ge [sflag:s3], $0x3E80  }
0x147: {  	[sflag:s3] =	ssyncset.done $0x0  }
0x148: {  	s10 =	simm.s32 $0x15180;
	[sflag:s3] =	ssyncadd.s32 $0xFFFFC180  }
0x149: {  	[tilespmem:s6], [sflag:$0x2] =	stream.indirect.gather [hbm4b:s1+s31], $0x80, s10, s31, $0xb8;
	[tilespmem:$0x1DC00] =	vst v63  }
0x14a: {  	s10 =	simm.s32 $0x15900  }
0x14b: {  	[spmem:s2] =	stream.indirect.scatter.add.f32 [tilespmem:s28], [sflag:$0x5], $0x80, s10, s31, $0xb8;
	[tilespmem:$0x1DC00] =	vst v63  }
0x14c: {  	_ =	swait.ge [sflag:s29], $0x3E80  }
0x14d: {  	[sflag:s29] =	ssyncset.done $0x0  }
0x14e: {  	s10 =	simm.s32 $0x15200;
	[sflag:s29] =	ssyncadd.s32 $0xFFFFC180  }
0x14f: {  	[tilespmem:s28], [sflag:$0x1] =	stream.indirect.gather [hbm4b:s1+s31], $0x80, s10, s31, $0xb8;
	[tilespmem:$0x1DC00] =	vst v63  }
0x150: {  	_ =	swait.ge [sflag:s9], $0x3E80  }
0x151: {  	[sflag:s9] =	ssyncset.done $0x0  }
0x152: {  	s10 =	simm.s32 $0x15980;
	[sflag:s9] =	ssyncadd.s32 $0xFFFFC180  }
0x153: {  	[spmem:s2] =	stream.indirect.scatter.add.f32 [tilespmem:s6], [sflag:$0x5], $0x80, s10, s31, $0xb8;
	[tilespmem:$0x1DC00] =	vst v63  }
0x154: {  	_ =	swait.ge [sflag:s29], $0x3E80  }
0x155: {  	[sflag:s29] =	ssyncset.done $0x0  }
0x156: {  	[sflag:s29] =	ssyncadd.s32 $0xFFFFC180  }
0x157: {  	_ =	swait.ge [sflag:s3], $0x3E80  }
0x158: {  	[sflag:s3] =	ssyncset.done $0x0  }
0x159: {  	s10 =	simm.s32 $0x15280;
	[sflag:s3] =	ssyncadd.s32 $0xFFFFC180  }
0x15a: {  	[tilespmem:s6], [sflag:$0x2] =	stream.indirect.gather [hbm4b:s1+s31], $0x80, s10, s31, $0xb8;
	[tilespmem:$0x1DC00] =	vst v63  }
0x15b: {  	s10 =	simm.s32 $0x15A00  }
0x15c: {  	[spmem:s2] =	stream.indirect.scatter.add.f32 [tilespmem:s28], [sflag:$0x5], $0x80, s10, s31, $0xb8;
	[tilespmem:$0x1DC00] =	vst v63  }
0x15d: {  	_ =	swait.ge [sflag:s29], $0x3E80  }
0x15e: {  	[sflag:s29] =	ssyncset.done $0x0  }
0x15f: {  	s10 =	simm.s32 $0x15300;
	[sflag:s29] =	ssyncadd.s32 $0xFFFFC180  }
0x160: {  	[tilespmem:s28], [sflag:$0x1] =	stream.indirect.gather [hbm4b:s1+s31], $0x80, s10, s31, $0xb8;
	[tilespmem:$0x1DC00] =	vst v63  }
0x161: {  	_ =	swait.ge [sflag:s9], $0x3E80  }
0x162: {  	[sflag:s9] =	ssyncset.done $0x0  }
0x163: {  	s10 =	simm.s32 $0x15A80;
	[sflag:s9] =	ssyncadd.s32 $0xFFFFC180  }
0x164: {  	[spmem:s2] =	stream.indirect.scatter.add.f32 [tilespmem:s6], [sflag:$0x5], $0x80, s10, s31, $0xb8;
	[tilespmem:$0x1DC00] =	vst v63  }
0x165: {  	_ =	swait.ge [sflag:s29], $0x3E80  }
0x166: {  	[sflag:s29] =	ssyncset.done $0x0  }
0x167: {  	[sflag:s29] =	ssyncadd.s32 $0xFFFFC180  }
0x168: {  	_ =	swait.ge [sflag:s3], $0x3E80  }
0x169: {  	[sflag:s3] =	ssyncset.done $0x0  }
0x16a: {  	s10 =	simm.s32 $0x15380;
	[sflag:s3] =	ssyncadd.s32 $0xFFFFC180  }
0x16b: {  	[tilespmem:s6], [sflag:$0x2] =	stream.indirect.gather [hbm4b:s1+s31], $0x80, s10, s31, $0xb8;
	[tilespmem:$0x1DC00] =	vst v63  }
0x16c: {  	s10 =	simm.s32 $0x15B00  }
0x16d: {  	[spmem:s2] =	stream.indirect.scatter.add.f32 [tilespmem:s28], [sflag:$0x5], $0x80, s10, s31, $0xb8;
	[tilespmem:$0x1DC00] =	vst v63  }
0x16e: {  	_ =	swait.ge [sflag:s29], $0x3E80  }
0x16f: {  	[sflag:s29] =	ssyncset.done $0x0  }
0x170: {  	s7 =	simm.s32 $0x13C00;
	[sflag:s29] =	ssyncadd.s32 $0xFFFFC180  }
0x171: {  	[tilespmem:s28], [sflag:$0x1] =	stream.indirect.gather [hbm4b:s1+s31], $0x80, s7, s31, $0xb8;
	[tilespmem:$0x1DC00] =	vst v63  }
0x172: {  	_ =	swait.ge [sflag:s9], $0x3E80  }
0x173: {  	[sflag:s9] =	ssyncset.done $0x0  }
0x174: {  	s10 =	simm.s32 $0x15B80;
	[sflag:s9] =	ssyncadd.s32 $0xFFFFC180  }
0x175: {  	[spmem:s2] =	stream.indirect.scatter.add.f32 [tilespmem:s6], [sflag:$0x5], $0x80, s10, s31, $0xb8;
	[tilespmem:$0x1DC00] =	vst v63  }
0x176: {  	_ =	swait.ge [sflag:s29], $0x3E80  }
0x177: {  	[sflag:s29] =	ssyncset.done $0x0  }
0x178: {  	s10 =	rddreg [dreg:$0xf];
	[sflag:s29] =	ssyncadd.s32 $0xFFFFC180  }
0x179: {  	[tilespmem:s26], [sflag:$0x4] =	stream.linear.gather [hbm4b:s10+s4], $0x800, $0x38;
	[tilespmem:$0x1DC00] =	vst v63  }
0x17a: {  	s10 =	rddreg [dreg:$0x10]  }
0x17b: {  	[tilespmem:s8], [sflag:$0x4] =	stream.linear.gather [hbm4b:s10+s4], $0x800, $0x38;
	[tilespmem:$0x1DC00] =	vst v63  }
0x17c: {  	_ =	swait.ge [sflag:s0], $0x800  }
0x17d: {  	[sflag:s0] =	ssyncset.done $0x0  }
0x17e: {  	[sflag:s0] =	ssyncadd.s32 $0xFFFFF800  }
0x17f: {  	_ =	swait.ge [sflag:s0], $0x800  }
0x180: {  	[sflag:s0] =	ssyncset.done $0x0  }
0x181: {  	[sflag:s0] =	ssyncadd.s32 $0xFFFFF800  }
0x182: {  	_ =	swait.ge [sflag:s3], $0x3E80  }
0x183: {  	[sflag:s3] =	ssyncset.done $0x0  }
0x184: {  	s10 =	simm.s32 $0x13C80;
	[sflag:s3] =	ssyncadd.s32 $0xFFFFC180  }
0x185: {  	[tilespmem:s6], [sflag:$0x2] =	stream.indirect.gather [hbm4b:s1+s31], $0x80, s10, s31, $0xb8;
	[tilespmem:$0x1DC00] =	vst v63  }
0x186: {  	s10 =	simm.s32 $0x14400  }
0x187: {  	[spmem:s2] =	stream.indirect.scatter.add.f32 [tilespmem:s28], [sflag:$0x5], $0x80, s10, s31, $0xb8;
	[tilespmem:$0x1DC00] =	vst v63  }
0x188: {  	_ =	swait.ge [sflag:s29], $0x3E80  }
0x189: {  	[sflag:s29] =	ssyncset.done $0x0  }
0x18a: {  	s10 =	simm.s32 $0x13D00;
	[sflag:s29] =	ssyncadd.s32 $0xFFFFC180  }
0x18b: {  	[tilespmem:s28], [sflag:$0x1] =	stream.indirect.gather [hbm4b:s1+s31], $0x80, s10, s31, $0xb8;
	[tilespmem:$0x1DC00] =	vst v63  }
0x18c: {  	_ =	swait.ge [sflag:s9], $0x3E80  }
0x18d: {  	[sflag:s9] =	ssyncset.done $0x0  }
0x18e: {  	s10 =	simm.s32 $0x14480;
	[sflag:s9] =	ssyncadd.s32 $0xFFFFC180  }
0x18f: {  	[spmem:s2] =	stream.indirect.scatter.add.f32 [tilespmem:s6], [sflag:$0x5], $0x80, s10, s31, $0xb8;
	[tilespmem:$0x1DC00] =	vst v63  }
0x190: {  	_ =	swait.ge [sflag:s29], $0x3E80  }
0x191: {  	[sflag:s29] =	ssyncset.done $0x0  }
0x192: {  	[sflag:s29] =	ssyncadd.s32 $0xFFFFC180  }
0x193: {  	_ =	swait.ge [sflag:s3], $0x3E80  }
0x194: {  	[sflag:s3] =	ssyncset.done $0x0  }
0x195: {  	s10 =	simm.s32 $0x13D80;
	[sflag:s3] =	ssyncadd.s32 $0xFFFFC180  }
0x196: {  	[tilespmem:s6], [sflag:$0x2] =	stream.indirect.gather [hbm4b:s1+s31], $0x80, s10, s31, $0xb8;
	[tilespmem:$0x1DC00] =	vst v63  }
0x197: {  	s10 =	simm.s32 $0x14500  }
0x198: {  	[spmem:s2] =	stream.indirect.scatter.add.f32 [tilespmem:s28], [sflag:$0x5], $0x80, s10, s31, $0xb8;
	[tilespmem:$0x1DC00] =	vst v63  }
0x199: {  	_ =	swait.ge [sflag:s29], $0x3E80  }
0x19a: {  	[sflag:s29] =	ssyncset.done $0x0  }
0x19b: {  	s10 =	simm.s32 $0x13E00;
	[sflag:s29] =	ssyncadd.s32 $0xFFFFC180  }
0x19c: {  	[tilespmem:s28], [sflag:$0x1] =	stream.indirect.gather [hbm4b:s1+s31], $0x80, s10, s31, $0xb8;
	[tilespmem:$0x1DC00] =	vst v63  }
0x19d: {  	_ =	swait.ge [sflag:s9], $0x3E80  }
0x19e: {  	[sflag:s9] =	ssyncset.done $0x0  }
0x19f: {  	s10 =	simm.s32 $0x14580;
	[sflag:s9] =	ssyncadd.s32 $0xFFFFC180  }
0x1a0: {  	[spmem:s2] =	stream.indirect.scatter.add.f32 [tilespmem:s6], [sflag:$0x5], $0x80, s10, s31, $0xb8;
	[tilespmem:$0x1DC00] =	vst v63  }
0x1a1: {  	_ =	swait.ge [sflag:s29], $0x3E80  }
0x1a2: {  	[sflag:s29] =	ssyncset.done $0x0  }
0x1a3: {  	[sflag:s29] =	ssyncadd.s32 $0xFFFFC180  }
0x1a4: {  	_ =	swait.ge [sflag:s3], $0x3E80  }
0x1a5: {  	[sflag:s3] =	ssyncset.done $0x0  }
0x1a6: {  	s10 =	simm.s32 $0x13E80;
	[sflag:s3] =	ssyncadd.s32 $0xFFFFC180  }
0x1a7: {  	[tilespmem:s6], [sflag:$0x2] =	stream.indirect.gather [hbm4b:s1+s31], $0x80, s10, s31, $0xb8;
	[tilespmem:$0x1DC00] =	vst v63  }
0x1a8: {  	s10 =	simm.s32 $0x14600  }
0x1a9: {  	[spmem:s2] =	stream.indirect.scatter.add.f32 [tilespmem:s28], [sflag:$0x5], $0x80, s10, s31, $0xb8;
	[tilespmem:$0x1DC00] =	vst v63  }
0x1aa: {  	_ =	swait.ge [sflag:s29], $0x3E80  }
0x1ab: {  	[sflag:s29] =	ssyncset.done $0x0  }
0x1ac: {  	s10 =	simm.s32 $0x13F00;
	[sflag:s29] =	ssyncadd.s32 $0xFFFFC180  }
0x1ad: {  	[tilespmem:s28], [sflag:$0x1] =	stream.indirect.gather [hbm4b:s1+s31], $0x80, s10, s31, $0xb8;
	[tilespmem:$0x1DC00] =	vst v63  }
0x1ae: {  	_ =	swait.ge [sflag:s9], $0x3E80  }
0x1af: {  	[sflag:s9] =	ssyncset.done $0x0  }
0x1b0: {  	s10 =	simm.s32 $0x14680;
	[sflag:s9] =	ssyncadd.s32 $0xFFFFC180  }
0x1b1: {  	[spmem:s2] =	stream.indirect.scatter.add.f32 [tilespmem:s6], [sflag:$0x5], $0x80, s10, s31, $0xb8;
	[tilespmem:$0x1DC00] =	vst v63  }
0x1b2: {  	_ =	swait.ge [sflag:s29], $0x3E80  }
0x1b3: {  	[sflag:s29] =	ssyncset.done $0x0  }
0x1b4: {  	[sflag:s29] =	ssyncadd.s32 $0xFFFFC180  }
0x1b5: {  	_ =	swait.ge [sflag:s3], $0x3E80  }
0x1b6: {  	[sflag:s3] =	ssyncset.done $0x0  }
0x1b7: {  	s10 =	simm.s32 $0x13F80;
	[sflag:s3] =	ssyncadd.s32 $0xFFFFC180  }
0x1b8: {  	[tilespmem:s6], [sflag:$0x2] =	stream.indirect.gather [hbm4b:s1+s31], $0x80, s10, s31, $0xb8;
	[tilespmem:$0x1DC00] =	vst v63  }
0x1b9: {  	s10 =	simm.s32 $0x14700  }
0x1ba: {  	[spmem:s2] =	stream.indirect.scatter.add.f32 [tilespmem:s28], [sflag:$0x5], $0x80, s10, s31, $0xb8;
	[tilespmem:$0x1DC00] =	vst v63  }
0x1bb: {  	_ =	swait.ge [sflag:s29], $0x3E80  }
0x1bc: {  	[sflag:s29] =	ssyncset.done $0x0  }
0x1bd: {  	s10 =	simm.s32 $0x14000;
	[sflag:s29] =	ssyncadd.s32 $0xFFFFC180  }
0x1be: {  	[tilespmem:s28], [sflag:$0x1] =	stream.indirect.gather [hbm4b:s1+s31], $0x80, s10, s31, $0xb8;
	[tilespmem:$0x1DC00] =	vst v63  }
0x1bf: {  	_ =	swait.ge [sflag:s9], $0x3E80  }
0x1c0: {  	[sflag:s9] =	ssyncset.done $0x0  }
0x1c1: {  	s10 =	simm.s32 $0x14780;
	[sflag:s9] =	ssyncadd.s32 $0xFFFFC180  }
0x1c2: {  	[spmem:s2] =	stream.indirect.scatter.add.f32 [tilespmem:s6], [sflag:$0x5], $0x80, s10, s31, $0xb8;
	[tilespmem:$0x1DC00] =	vst v63  }
0x1c3: {  	_ =	swait.ge [sflag:s29], $0x3E80  }
0x1c4: {  	[sflag:s29] =	ssyncset.done $0x0  }
0x1c5: {  	[sflag:s29] =	ssyncadd.s32 $0xFFFFC180  }
0x1c6: {  	_ =	swait.ge [sflag:s3], $0x3E80  }
0x1c7: {  	[sflag:s3] =	ssyncset.done $0x0  }
0x1c8: {  	s10 =	simm.s32 $0x14080;
	[sflag:s3] =	ssyncadd.s32 $0xFFFFC180  }
0x1c9: {  	[tilespmem:s6], [sflag:$0x2] =	stream.indirect.gather [hbm4b:s1+s31], $0x80, s10, s31, $0xb8;
	[tilespmem:$0x1DC00] =	vst v63  }
0x1ca: {  	s10 =	simm.s32 $0x14800  }
0x1cb: {  	[spmem:s2] =	stream.indirect.scatter.add.f32 [tilespmem:s28], [sflag:$0x5], $0x80, s10, s31, $0xb8;
	[tilespmem:$0x1DC00] =	vst v63  }
0x1cc: {  	_ =	swait.ge [sflag:s29], $0x3E80  }
0x1cd: {  	[sflag:s29] =	ssyncset.done $0x0  }
0x1ce: {  	s10 =	simm.s32 $0x14100;
	[sflag:s29] =	ssyncadd.s32 $0xFFFFC180  }
0x1cf: {  	[tilespmem:s28], [sflag:$0x1] =	stream.indirect.gather [hbm4b:s1+s31], $0x80, s10, s31, $0xb8;
	[tilespmem:$0x1DC00] =	vst v63  }
0x1d0: {  	_ =	swait.ge [sflag:s9], $0x3E80  }
0x1d1: {  	[sflag:s9] =	ssyncset.done $0x0  }
0x1d2: {  	s10 =	simm.s32 $0x14880;
	[sflag:s9] =	ssyncadd.s32 $0xFFFFC180  }
0x1d3: {  	[spmem:s2] =	stream.indirect.scatter.add.f32 [tilespmem:s6], [sflag:$0x5], $0x80, s10, s31, $0xb8;
	[tilespmem:$0x1DC00] =	vst v63  }
0x1d4: {  	_ =	swait.ge [sflag:s29], $0x3E80  }
0x1d5: {  	[sflag:s29] =	ssyncset.done $0x0  }
0x1d6: {  	[sflag:s29] =	ssyncadd.s32 $0xFFFFC180  }
0x1d7: {  	_ =	swait.ge [sflag:s3], $0x3E80  }
0x1d8: {  	[sflag:s3] =	ssyncset.done $0x0  }
0x1d9: {  	s10 =	simm.s32 $0x14180;
	[sflag:s3] =	ssyncadd.s32 $0xFFFFC180  }
0x1da: {  	[tilespmem:s6], [sflag:$0x2] =	stream.indirect.gather [hbm4b:s1+s31], $0x80, s10, s31, $0xb8;
	[tilespmem:$0x1DC00] =	vst v63  }
0x1db: {  	s10 =	simm.s32 $0x14900  }
0x1dc: {  	[spmem:s2] =	stream.indirect.scatter.add.f32 [tilespmem:s28], [sflag:$0x5], $0x80, s10, s31, $0xb8;
	[tilespmem:$0x1DC00] =	vst v63  }
0x1dd: {  	_ =	swait.ge [sflag:s29], $0x3E80  }
0x1de: {  	[sflag:s29] =	ssyncset.done $0x0  }
0x1df: {  	s10 =	simm.s32 $0x14200;
	[sflag:s29] =	ssyncadd.s32 $0xFFFFC180  }
0x1e0: {  	[tilespmem:s28], [sflag:$0x1] =	stream.indirect.gather [hbm4b:s1+s31], $0x80, s10, s31, $0xb8;
	[tilespmem:$0x1DC00] =	vst v63  }
0x1e1: {  	_ =	swait.ge [sflag:s9], $0x3E80  }
0x1e2: {  	[sflag:s9] =	ssyncset.done $0x0  }
0x1e3: {  	s10 =	simm.s32 $0x14980;
	[sflag:s9] =	ssyncadd.s32 $0xFFFFC180  }
0x1e4: {  	[spmem:s2] =	stream.indirect.scatter.add.f32 [tilespmem:s6], [sflag:$0x5], $0x80, s10, s31, $0xb8;
	[tilespmem:$0x1DC00] =	vst v63  }
0x1e5: {  	_ =	swait.ge [sflag:s29], $0x3E80  }
0x1e6: {  	[sflag:s29] =	ssyncset.done $0x0  }
0x1e7: {  	[sflag:s29] =	ssyncadd.s32 $0xFFFFC180  }
0x1e8: {  	_ =	swait.ge [sflag:s3], $0x3E80  }
0x1e9: {  	[sflag:s3] =	ssyncset.done $0x0  }
0x1ea: {  	s10 =	simm.s32 $0x14280;
	[sflag:s3] =	ssyncadd.s32 $0xFFFFC180  }
0x1eb: {  	[tilespmem:s6], [sflag:$0x2] =	stream.indirect.gather [hbm4b:s1+s31], $0x80, s10, s31, $0xb8;
	[tilespmem:$0x1DC00] =	vst v63  }
0x1ec: {  	s10 =	simm.s32 $0x14A00  }
0x1ed: {  	[spmem:s2] =	stream.indirect.scatter.add.f32 [tilespmem:s28], [sflag:$0x5], $0x80, s10, s31, $0xb8;
	[tilespmem:$0x1DC00] =	vst v63  }
0x1ee: {  	_ =	swait.ge [sflag:s29], $0x3E80  }
0x1ef: {  	[sflag:s29] =	ssyncset.done $0x0  }
0x1f0: {  	s10 =	simm.s32 $0x14300;
	[sflag:s29] =	ssyncadd.s32 $0xFFFFC180  }
0x1f1: {  	[tilespmem:s28], [sflag:$0x1] =	stream.indirect.gather [hbm4b:s1+s31], $0x80, s10, s31, $0xb8;
	[tilespmem:$0x1DC00] =	vst v63  }
0x1f2: {  	_ =	swait.ge [sflag:s9], $0x3E80  }
0x1f3: {  	[sflag:s9] =	ssyncset.done $0x0  }
0x1f4: {  	s10 =	simm.s32 $0x14A80;
	[sflag:s9] =	ssyncadd.s32 $0xFFFFC180  }
0x1f5: {  	[spmem:s2] =	stream.indirect.scatter.add.f32 [tilespmem:s6], [sflag:$0x5], $0x80, s10, s31, $0xb8;
	[tilespmem:$0x1DC00] =	vst v63  }
0x1f6: {  	_ =	swait.ge [sflag:s29], $0x3E80  }
0x1f7: {  	[sflag:s29] =	ssyncset.done $0x0  }
0x1f8: {  	[sflag:s29] =	ssyncadd.s32 $0xFFFFC180  }
0x1f9: {  	_ =	swait.ge [sflag:s3], $0x3E80  }
0x1fa: {  	[sflag:s3] =	ssyncset.done $0x0  }
0x1fb: {  	s10 =	simm.s32 $0x14380;
	[sflag:s3] =	ssyncadd.s32 $0xFFFFC180  }
0x1fc: {  	[tilespmem:s6], [sflag:$0x2] =	stream.indirect.gather [hbm4b:s1+s31], $0x80, s10, s31, $0xb8;
	[tilespmem:$0x1DC00] =	vst v63  }
0x1fd: {  	s10 =	simm.s32 $0x14B00  }
0x1fe: {  	[spmem:s2] =	stream.indirect.scatter.add.f32 [tilespmem:s28], [sflag:$0x5], $0x80, s10, s31, $0xb8;
	[tilespmem:$0x1DC00] =	vst v63  }
0x1ff: {  	_ =	swait.ge [sflag:s29], $0x3E80  }
0x200: {  	[sflag:s29] =	ssyncset.done $0x0  }
0x201: {  	[sflag:s29] =	ssyncadd.s32 $0xFFFFC180  }
0x202: {  	[tilespmem:s28], [sflag:$0x1] =	stream.indirect.gather [hbm4b:s1+s31], $0x80, s26, s31, $0xb8;
	[tilespmem:$0x1DC00] =	vst v63  }
0x203: {  	_ =	swait.ge [sflag:s9], $0x3E80  }
0x204: {  	[sflag:s9] =	ssyncset.done $0x0  }
0x205: {  	s10 =	simm.s32 $0x14B80;
	[sflag:s9] =	ssyncadd.s32 $0xFFFFC180  }
0x206: {  	[spmem:s2] =	stream.indirect.scatter.add.f32 [tilespmem:s6], [sflag:$0x5], $0x80, s10, s31, $0xb8;
	[tilespmem:$0x1DC00] =	vst v63  }
0x207: {  	_ =	swait.ge [sflag:s29], $0x3E80  }
0x208: {  	[sflag:s29] =	ssyncset.done $0x0  }
0x209: {  	s8 =	simm.s32 $0x13C00;
	s10 =	rddreg [dreg:$0x11];
	[sflag:s29] =	ssyncadd.s32 $0xFFFFC180  }
0x20a: {  	[tilespmem:s8], [sflag:$0x3] =	stream.linear.gather [hbm4b:s10+s4], $0x800, $0x38;
	[tilespmem:$0x1DC00] =	vst v63  }
0x20b: {  	s7 =	rddreg [dreg:$0x12];
	s10 =	simm.s32 $0x14400  }
0x20c: {  	[tilespmem:s10], [sflag:$0x3] =	stream.linear.gather [hbm4b:s7+s4], $0x800, $0x38;
	[tilespmem:$0x1DC00] =	vst v63  }
0x20d: {  	_ =	swait.ge [sflag:s30], $0x800  }
0x20e: {  	[sflag:s30] =	ssyncset.done $0x0  }
0x20f: {  	[sflag:s30] =	ssyncadd.s32 $0xFFFFF800  }
0x210: {  	_ =	swait.ge [sflag:s30], $0x800  }
0x211: {  	[sflag:s30] =	ssyncset.done $0x0  }
0x212: {  	[sflag:s30] =	ssyncadd.s32 $0xFFFFF800  }
0x213: {  	_ =	swait.ge [sflag:s3], $0x3E80  }
0x214: {  	[sflag:s3] =	ssyncset.done $0x0  }
0x215: {  	s10 =	simm.s32 $0x14C80;
	[sflag:s3] =	ssyncadd.s32 $0xFFFFC180  }
0x216: {  	[tilespmem:s6], [sflag:$0x2] =	stream.indirect.gather [hbm4b:s1+s31], $0x80, s10, s31, $0xb8;
	[tilespmem:$0x1DC00] =	vst v63  }
0x217: {  	s26 =	simm.s32 $0x15400  }
0x218: {  	[spmem:s2] =	stream.indirect.scatter.add.f32 [tilespmem:s28], [sflag:$0x5], $0x80, s26, s31, $0xb8;
	[tilespmem:$0x1DC00] =	vst v63  }
0x219: {  	_ =	swait.ge [sflag:s29], $0x3E80  }
0x21a: {  	[sflag:s29] =	ssyncset.done $0x0  }
0x21b: {  	[sflag:s29] =	ssyncadd.s32 $0xFFFFC180  }
0x21c: {  	[tilespmem:s28], [sflag:$0x1] =	stream.indirect.gather [hbm4b:s1+s31], $0x80, s11, s31, $0xb8;
	[tilespmem:$0x1DC00] =	vst v63  }
0x21d: {  	_ =	swait.ge [sflag:s9], $0x3E80  }
0x21e: {  	[sflag:s9] =	ssyncset.done $0x0  }
0x21f: {  	[sflag:s9] =	ssyncadd.s32 $0xFFFFC180  }
0x220: {  	[spmem:s2] =	stream.indirect.scatter.add.f32 [tilespmem:s6], [sflag:$0x5], $0x80, s12, s31, $0xb8;
	[tilespmem:$0x1DC00] =	vst v63  }
0x221: {  	_ =	swait.ge [sflag:s29], $0x3E80  }
0x222: {  	[sflag:s29] =	ssyncset.done $0x0  }
0x223: {  	[sflag:s29] =	ssyncadd.s32 $0xFFFFC180  }
0x224: {  	_ =	swait.ge [sflag:s3], $0x3E80  }
0x225: {  	[sflag:s3] =	ssyncset.done $0x0  }
0x226: {  	[sflag:s3] =	ssyncadd.s32 $0xFFFFC180  }
0x227: {  	[tilespmem:s6], [sflag:$0x2] =	stream.indirect.gather [hbm4b:s1+s31], $0x80, s13, s31, $0xb8;
	[tilespmem:$0x1DC00] =	vst v63  }
0x228: {  	_ = 	snop  }
0x229: {  	[spmem:s2] =	stream.indirect.scatter.add.f32 [tilespmem:s28], [sflag:$0x5], $0x80, s14, s31, $0xb8;
	[tilespmem:$0x1DC00] =	vst v63  }
0x22a: {  	_ =	swait.ge [sflag:s29], $0x3E80  }
0x22b: {  	[sflag:s29] =	ssyncset.done $0x0  }
0x22c: {  	[sflag:s29] =	ssyncadd.s32 $0xFFFFC180  }
0x22d: {  	[tilespmem:s28], [sflag:$0x1] =	stream.indirect.gather [hbm4b:s1+s31], $0x80, s15, s31, $0xb8;
	[tilespmem:$0x1DC00] =	vst v63  }
0x22e: {  	_ =	swait.ge [sflag:s9], $0x3E80  }
0x22f: {  	[sflag:s9] =	ssyncset.done $0x0  }
0x230: {  	[sflag:s9] =	ssyncadd.s32 $0xFFFFC180  }
0x231: {  	[spmem:s2] =	stream.indirect.scatter.add.f32 [tilespmem:s6], [sflag:$0x5], $0x80, s16, s31, $0xb8;
	[tilespmem:$0x1DC00] =	vst v63  }
0x232: {  	_ =	swait.ge [sflag:s29], $0x3E80  }
0x233: {  	[sflag:s29] =	ssyncset.done $0x0  }
0x234: {  	[sflag:s29] =	ssyncadd.s32 $0xFFFFC180  }
0x235: {  	_ =	swait.ge [sflag:s3], $0x3E80  }
0x236: {  	[sflag:s3] =	ssyncset.done $0x0  }
0x237: {  	[sflag:s3] =	ssyncadd.s32 $0xFFFFC180  }
0x238: {  	[tilespmem:s6], [sflag:$0x2] =	stream.indirect.gather [hbm4b:s1+s31], $0x80, s17, s31, $0xb8;
	[tilespmem:$0x1DC00] =	vst v63  }
0x239: {  	_ = 	snop  }
0x23a: {  	[spmem:s2] =	stream.indirect.scatter.add.f32 [tilespmem:s28], [sflag:$0x5], $0x80, s18, s31, $0xb8;
	[tilespmem:$0x1DC00] =	vst v63  }
0x23b: {  	_ =	swait.ge [sflag:s29], $0x3E80  }
0x23c: {  	[sflag:s29] =	ssyncset.done $0x0  }
0x23d: {  	[sflag:s29] =	ssyncadd.s32 $0xFFFFC180  }
0x23e: {  	[tilespmem:s28], [sflag:$0x1] =	stream.indirect.gather [hbm4b:s1+s31], $0x80, s19, s31, $0xb8;
	[tilespmem:$0x1DC00] =	vst v63  }
0x23f: {  	_ =	swait.ge [sflag:s9], $0x3E80  }
0x240: {  	[sflag:s9] =	ssyncset.done $0x0  }
0x241: {  	[sflag:s9] =	ssyncadd.s32 $0xFFFFC180  }
0x242: {  	[spmem:s2] =	stream.indirect.scatter.add.f32 [tilespmem:s6], [sflag:$0x5], $0x80, s20, s31, $0xb8;
	[tilespmem:$0x1DC00] =	vst v63  }
0x243: {  	_ =	swait.ge [sflag:s29], $0x3E80  }
0x244: {  	[sflag:s29] =	ssyncset.done $0x0  }
0x245: {  	[sflag:s29] =	ssyncadd.s32 $0xFFFFC180  }
0x246: {  	_ =	swait.ge [sflag:s3], $0x3E80  }
0x247: {  	[sflag:s3] =	ssyncset.done $0x0  }
0x248: {  	[sflag:s3] =	ssyncadd.s32 $0xFFFFC180  }
0x249: {  	[tilespmem:s6], [sflag:$0x2] =	stream.indirect.gather [hbm4b:s1+s31], $0x80, s21, s31, $0xb8;
	[tilespmem:$0x1DC00] =	vst v63  }
0x24a: {  	_ = 	snop  }
0x24b: {  	[spmem:s2] =	stream.indirect.scatter.add.f32 [tilespmem:s28], [sflag:$0x5], $0x80, s22, s31, $0xb8;
	[tilespmem:$0x1DC00] =	vst v63  }
0x24c: {  	_ =	swait.ge [sflag:s29], $0x3E80  }
0x24d: {  	[sflag:s29] =	ssyncset.done $0x0  }
0x24e: {  	[sflag:s29] =	ssyncadd.s32 $0xFFFFC180  }
0x24f: {  	[tilespmem:s28], [sflag:$0x1] =	stream.indirect.gather [hbm4b:s1+s31], $0x80, s23, s31, $0xb8;
	[tilespmem:$0x1DC00] =	vst v63  }
0x250: {  	_ =	swait.ge [sflag:s9], $0x3E80  }
0x251: {  	[sflag:s9] =	ssyncset.done $0x0  }
0x252: {  	[sflag:s9] =	ssyncadd.s32 $0xFFFFC180  }
0x253: {  	[spmem:s2] =	stream.indirect.scatter.add.f32 [tilespmem:s6], [sflag:$0x5], $0x80, s24, s31, $0xb8;
	[tilespmem:$0x1DC00] =	vst v63  }
0x254: {  	_ =	swait.ge [sflag:s29], $0x3E80  }
0x255: {  	[sflag:s29] =	ssyncset.done $0x0  }
0x256: {  	[sflag:s29] =	ssyncadd.s32 $0xFFFFC180  }
0x257: {  	_ =	swait.ge [sflag:s3], $0x3E80  }
0x258: {  	[sflag:s3] =	ssyncset.done $0x0  }
0x259: {  	[sflag:s3] =	ssyncadd.s32 $0xFFFFC180  }
0x25a: {  	[tilespmem:s6], [sflag:$0x2] =	stream.indirect.gather [hbm4b:s1+s31], $0x80, s25, s31, $0xb8;
	[tilespmem:$0x1DC00] =	vst v63  }
0x25b: {  	s11 =	simm.s32 $0x15800  }
0x25c: {  	[spmem:s2] =	stream.indirect.scatter.add.f32 [tilespmem:s28], [sflag:$0x5], $0x80, s11, s31, $0xb8;
	[tilespmem:$0x1DC00] =	vst v63  }
0x25d: {  	_ =	swait.ge [sflag:s29], $0x3E80  }
0x25e: {  	[sflag:s29] =	ssyncset.done $0x0  }
0x25f: {  	s10 =	simm.s32 $0x15100;
	[sflag:s29] =	ssyncadd.s32 $0xFFFFC180  }
0x260: {  	[tilespmem:s28], [sflag:$0x1] =	stream.indirect.gather [hbm4b:s1+s31], $0x80, s10, s31, $0xb8;
	[tilespmem:$0x1DC00] =	vst v63  }
0x261: {  	_ =	swait.ge [sflag:s9], $0x3E80  }
0x262: {  	[sflag:s9] =	ssyncset.done $0x0  }
0x263: {  	s11 =	simm.s32 $0x15880;
	[sflag:s9] =	ssyncadd.s32 $0xFFFFC180  }
0x264: {  	[spmem:s2] =	stream.indirect.scatter.add.f32 [tilespmem:s6], [sflag:$0x5], $0x80, s11, s31, $0xb8;
	[tilespmem:$0x1DC00] =	vst v63  }
0x265: {  	_ =	swait.ge [sflag:s29], $0x3E80  }
0x266: {  	[sflag:s29] =	ssyncset.done $0x0  }
0x267: {  	[sflag:s29] =	ssyncadd.s32 $0xFFFFC180  }
0x268: {  	_ =	swait.ge [sflag:s3], $0x3E80  }
0x269: {  	[sflag:s3] =	ssyncset.done $0x0  }
0x26a: {  	s10 =	simm.s32 $0x15180;
	[sflag:s3] =	ssyncadd.s32 $0xFFFFC180  }
0x26b: {  	[tilespmem:s6], [sflag:$0x2] =	stream.indirect.gather [hbm4b:s1+s31], $0x80, s10, s31, $0xb8;
	[tilespmem:$0x1DC00] =	vst v63  }
0x26c: {  	s11 =	simm.s32 $0x15900  }
0x26d: {  	[spmem:s2] =	stream.indirect.scatter.add.f32 [tilespmem:s28], [sflag:$0x5], $0x80, s11, s31, $0xb8;
	[tilespmem:$0x1DC00] =	vst v63  }
0x26e: {  	_ =	swait.ge [sflag:s29], $0x3E80  }
0x26f: {  	[sflag:s29] =	ssyncset.done $0x0  }
0x270: {  	s10 =	simm.s32 $0x15200;
	[sflag:s29] =	ssyncadd.s32 $0xFFFFC180  }
0x271: {  	[tilespmem:s28], [sflag:$0x1] =	stream.indirect.gather [hbm4b:s1+s31], $0x80, s10, s31, $0xb8;
	[tilespmem:$0x1DC00] =	vst v63  }
0x272: {  	_ =	swait.ge [sflag:s9], $0x3E80  }
0x273: {  	[sflag:s9] =	ssyncset.done $0x0  }
0x274: {  	s11 =	simm.s32 $0x15980;
	[sflag:s9] =	ssyncadd.s32 $0xFFFFC180  }
0x275: {  	[spmem:s2] =	stream.indirect.scatter.add.f32 [tilespmem:s6], [sflag:$0x5], $0x80, s11, s31, $0xb8;
	[tilespmem:$0x1DC00] =	vst v63  }
0x276: {  	_ =	swait.ge [sflag:s29], $0x3E80  }
0x277: {  	[sflag:s29] =	ssyncset.done $0x0  }
0x278: {  	[sflag:s29] =	ssyncadd.s32 $0xFFFFC180  }
0x279: {  	_ =	swait.ge [sflag:s3], $0x3E80  }
0x27a: {  	[sflag:s3] =	ssyncset.done $0x0  }
0x27b: {  	s10 =	simm.s32 $0x15280;
	[sflag:s3] =	ssyncadd.s32 $0xFFFFC180  }
0x27c: {  	[tilespmem:s6], [sflag:$0x2] =	stream.indirect.gather [hbm4b:s1+s31], $0x80, s10, s31, $0xb8;
	[tilespmem:$0x1DC00] =	vst v63  }
0x27d: {  	s11 =	simm.s32 $0x15A00  }
0x27e: {  	[spmem:s2] =	stream.indirect.scatter.add.f32 [tilespmem:s28], [sflag:$0x5], $0x80, s11, s31, $0xb8;
	[tilespmem:$0x1DC00] =	vst v63  }
0x27f: {  	_ =	swait.ge [sflag:s29], $0x3E80  }
0x280: {  	[sflag:s29] =	ssyncset.done $0x0  }
0x281: {  	s10 =	simm.s32 $0x15300;
	[sflag:s29] =	ssyncadd.s32 $0xFFFFC180  }
0x282: {  	[tilespmem:s28], [sflag:$0x1] =	stream.indirect.gather [hbm4b:s1+s31], $0x80, s10, s31, $0xb8;
	[tilespmem:$0x1DC00] =	vst v63  }
0x283: {  	_ =	swait.ge [sflag:s9], $0x3E80  }
0x284: {  	[sflag:s9] =	ssyncset.done $0x0  }
0x285: {  	s11 =	simm.s32 $0x15A80;
	[sflag:s9] =	ssyncadd.s32 $0xFFFFC180  }
0x286: {  	[spmem:s2] =	stream.indirect.scatter.add.f32 [tilespmem:s6], [sflag:$0x5], $0x80, s11, s31, $0xb8;
	[tilespmem:$0x1DC00] =	vst v63  }
0x287: {  	_ =	swait.ge [sflag:s29], $0x3E80  }
0x288: {  	[sflag:s29] =	ssyncset.done $0x0  }
0x289: {  	[sflag:s29] =	ssyncadd.s32 $0xFFFFC180  }
0x28a: {  	_ =	swait.ge [sflag:s3], $0x3E80  }
0x28b: {  	[sflag:s3] =	ssyncset.done $0x0  }
0x28c: {  	s10 =	simm.s32 $0x15380;
	[sflag:s3] =	ssyncadd.s32 $0xFFFFC180  }
0x28d: {  	[tilespmem:s6], [sflag:$0x2] =	stream.indirect.gather [hbm4b:s1+s31], $0x80, s10, s31, $0xb8;
	[tilespmem:$0x1DC00] =	vst v63  }
0x28e: {  	s11 =	simm.s32 $0x15B00  }
0x28f: {  	[spmem:s2] =	stream.indirect.scatter.add.f32 [tilespmem:s28], [sflag:$0x5], $0x80, s11, s31, $0xb8;
	[tilespmem:$0x1DC00] =	vst v63  }
0x290: {  	_ =	swait.ge [sflag:s29], $0x3E80  }
0x291: {  	[sflag:s29] =	ssyncset.done $0x0  }
0x292: {  	[sflag:s29] =	ssyncadd.s32 $0xFFFFC180  }
0x293: {  	[tilespmem:s28], [sflag:$0x1] =	stream.indirect.gather [hbm4b:s1+s31], $0x80, s8, s31, $0xb8;
	[tilespmem:$0x1DC00] =	vst v63  }
0x294: {  	_ =	swait.ge [sflag:s9], $0x3E80  }
0x295: {  	[sflag:s9] =	ssyncset.done $0x0  }
0x296: {  	s10 =	simm.s32 $0x15B80;
	[sflag:s9] =	ssyncadd.s32 $0xFFFFC180  }
0x297: {  	[spmem:s2] =	stream.indirect.scatter.add.f32 [tilespmem:s6], [sflag:$0x5], $0x80, s10, s31, $0xb8;
	[tilespmem:$0x1DC00] =	vst v63  }
0x298: {  	_ =	swait.ge [sflag:s29], $0x3E80  }
0x299: {  	[sflag:s29] =	ssyncset.done $0x0  }
0x29a: {  	[sflag:s29] =	ssyncadd.s32 $0xFFFFC180  }
0x29b: {  	_ =	swait.ge [sflag:s3], $0x3E80  }
0x29c: {  	[sflag:s3] =	ssyncset.done $0x0  }
0x29d: {  	s11 =	simm.s32 $0x13C80;
	[sflag:s3] =	ssyncadd.s32 $0xFFFFC180  }
0x29e: {  	[tilespmem:s6], [sflag:$0x2] =	stream.indirect.gather [hbm4b:s1+s31], $0x80, s11, s31, $0xb8;
	[tilespmem:$0x1DC00] =	vst v63  }
0x29f: {  	s10 =	simm.s32 $0x14400  }
0x2a0: {  	[spmem:s2] =	stream.indirect.scatter.add.f32 [tilespmem:s28], [sflag:$0x5], $0x80, s10, s31, $0xb8;
	[tilespmem:$0x1DC00] =	vst v63  }
0x2a1: {  	_ =	swait.ge [sflag:s29], $0x3E80  }
0x2a2: {  	[sflag:s29] =	ssyncset.done $0x0  }
0x2a3: {  	s11 =	simm.s32 $0x13D00;
	[sflag:s29] =	ssyncadd.s32 $0xFFFFC180  }
0x2a4: {  	[tilespmem:s28], [sflag:$0x1] =	stream.indirect.gather [hbm4b:s1+s31], $0x80, s11, s31, $0xb8;
	[tilespmem:$0x1DC00] =	vst v63  }
0x2a5: {  	_ =	swait.ge [sflag:s9], $0x3E80  }
0x2a6: {  	[sflag:s9] =	ssyncset.done $0x0  }
0x2a7: {  	s10 =	simm.s32 $0x14480;
	[sflag:s9] =	ssyncadd.s32 $0xFFFFC180  }
0x2a8: {  	[spmem:s2] =	stream.indirect.scatter.add.f32 [tilespmem:s6], [sflag:$0x5], $0x80, s10, s31, $0xb8;
	[tilespmem:$0x1DC00] =	vst v63  }
0x2a9: {  	_ =	swait.ge [sflag:s29], $0x3E80  }
0x2aa: {  	[sflag:s29] =	ssyncset.done $0x0  }
0x2ab: {  	[sflag:s29] =	ssyncadd.s32 $0xFFFFC180  }
0x2ac: {  	_ =	swait.ge [sflag:s3], $0x3E80  }
0x2ad: {  	[sflag:s3] =	ssyncset.done $0x0  }
0x2ae: {  	s11 =	simm.s32 $0x13D80;
	[sflag:s3] =	ssyncadd.s32 $0xFFFFC180  }
0x2af: {  	[tilespmem:s6], [sflag:$0x2] =	stream.indirect.gather [hbm4b:s1+s31], $0x80, s11, s31, $0xb8;
	[tilespmem:$0x1DC00] =	vst v63  }
0x2b0: {  	s10 =	simm.s32 $0x14500  }
0x2b1: {  	[spmem:s2] =	stream.indirect.scatter.add.f32 [tilespmem:s28], [sflag:$0x5], $0x80, s10, s31, $0xb8;
	[tilespmem:$0x1DC00] =	vst v63  }
0x2b2: {  	_ =	swait.ge [sflag:s29], $0x3E80  }
0x2b3: {  	[sflag:s29] =	ssyncset.done $0x0  }
0x2b4: {  	s11 =	simm.s32 $0x13E00;
	[sflag:s29] =	ssyncadd.s32 $0xFFFFC180  }
0x2b5: {  	[tilespmem:s28], [sflag:$0x1] =	stream.indirect.gather [hbm4b:s1+s31], $0x80, s11, s31, $0xb8;
	[tilespmem:$0x1DC00] =	vst v63  }
0x2b6: {  	_ =	swait.ge [sflag:s9], $0x3E80  }
0x2b7: {  	[sflag:s9] =	ssyncset.done $0x0  }
0x2b8: {  	s10 =	simm.s32 $0x14580;
	[sflag:s9] =	ssyncadd.s32 $0xFFFFC180  }
0x2b9: {  	[spmem:s2] =	stream.indirect.scatter.add.f32 [tilespmem:s6], [sflag:$0x5], $0x80, s10, s31, $0xb8;
	[tilespmem:$0x1DC00] =	vst v63  }
0x2ba: {  	_ =	swait.ge [sflag:s29], $0x3E80  }
0x2bb: {  	[sflag:s29] =	ssyncset.done $0x0  }
0x2bc: {  	[sflag:s29] =	ssyncadd.s32 $0xFFFFC180  }
0x2bd: {  	_ =	swait.ge [sflag:s3], $0x3E80  }
0x2be: {  	[sflag:s3] =	ssyncset.done $0x0  }
0x2bf: {  	s11 =	simm.s32 $0x13E80;
	[sflag:s3] =	ssyncadd.s32 $0xFFFFC180  }
0x2c0: {  	[tilespmem:s6], [sflag:$0x2] =	stream.indirect.gather [hbm4b:s1+s31], $0x80, s11, s31, $0xb8;
	[tilespmem:$0x1DC00] =	vst v63  }
0x2c1: {  	s10 =	simm.s32 $0x14600  }
0x2c2: {  	[spmem:s2] =	stream.indirect.scatter.add.f32 [tilespmem:s28], [sflag:$0x5], $0x80, s10, s31, $0xb8;
	[tilespmem:$0x1DC00] =	vst v63  }
0x2c3: {  	_ =	swait.ge [sflag:s29], $0x3E80  }
0x2c4: {  	[sflag:s29] =	ssyncset.done $0x0  }
0x2c5: {  	s11 =	simm.s32 $0x13F00;
	[sflag:s29] =	ssyncadd.s32 $0xFFFFC180  }
0x2c6: {  	[tilespmem:s28], [sflag:$0x1] =	stream.indirect.gather [hbm4b:s1+s31], $0x80, s11, s31, $0xb8;
	[tilespmem:$0x1DC00] =	vst v63  }
0x2c7: {  	_ =	swait.ge [sflag:s9], $0x3E80  }
0x2c8: {  	[sflag:s9] =	ssyncset.done $0x0  }
0x2c9: {  	s10 =	simm.s32 $0x14680;
	[sflag:s9] =	ssyncadd.s32 $0xFFFFC180  }
0x2ca: {  	[spmem:s2] =	stream.indirect.scatter.add.f32 [tilespmem:s6], [sflag:$0x5], $0x80, s10, s31, $0xb8;
	[tilespmem:$0x1DC00] =	vst v63  }
0x2cb: {  	_ =	swait.ge [sflag:s29], $0x3E80  }
0x2cc: {  	[sflag:s29] =	ssyncset.done $0x0  }
0x2cd: {  	[sflag:s29] =	ssyncadd.s32 $0xFFFFC180  }
0x2ce: {  	_ =	swait.ge [sflag:s3], $0x3E80  }
0x2cf: {  	[sflag:s3] =	ssyncset.done $0x0  }
0x2d0: {  	s11 =	simm.s32 $0x13F80;
	[sflag:s3] =	ssyncadd.s32 $0xFFFFC180  }
0x2d1: {  	[tilespmem:s6], [sflag:$0x2] =	stream.indirect.gather [hbm4b:s1+s31], $0x80, s11, s31, $0xb8;
	[tilespmem:$0x1DC00] =	vst v63  }
0x2d2: {  	s10 =	simm.s32 $0x14700  }
0x2d3: {  	[spmem:s2] =	stream.indirect.scatter.add.f32 [tilespmem:s28], [sflag:$0x5], $0x80, s10, s31, $0xb8;
	[tilespmem:$0x1DC00] =	vst v63  }
0x2d4: {  	_ =	swait.ge [sflag:s29], $0x3E80  }
0x2d5: {  	[sflag:s29] =	ssyncset.done $0x0  }
0x2d6: {  	s11 =	simm.s32 $0x14000;
	[sflag:s29] =	ssyncadd.s32 $0xFFFFC180  }
0x2d7: {  	[tilespmem:s28], [sflag:$0x1] =	stream.indirect.gather [hbm4b:s1+s31], $0x80, s11, s31, $0xb8;
	[tilespmem:$0x1DC00] =	vst v63  }
0x2d8: {  	_ =	swait.ge [sflag:s9], $0x3E80  }
0x2d9: {  	[sflag:s9] =	ssyncset.done $0x0  }
0x2da: {  	s10 =	simm.s32 $0x14780;
	[sflag:s9] =	ssyncadd.s32 $0xFFFFC180  }
0x2db: {  	[spmem:s2] =	stream.indirect.scatter.add.f32 [tilespmem:s6], [sflag:$0x5], $0x80, s10, s31, $0xb8;
	[tilespmem:$0x1DC00] =	vst v63  }
0x2dc: {  	_ =	swait.ge [sflag:s29], $0x3E80  }
0x2dd: {  	[sflag:s29] =	ssyncset.done $0x0  }
0x2de: {  	[sflag:s29] =	ssyncadd.s32 $0xFFFFC180  }
0x2df: {  	_ =	swait.ge [sflag:s3], $0x3E80  }
0x2e0: {  	[sflag:s3] =	ssyncset.done $0x0  }
0x2e1: {  	s11 =	simm.s32 $0x14080;
	[sflag:s3] =	ssyncadd.s32 $0xFFFFC180  }
0x2e2: {  	[tilespmem:s6], [sflag:$0x2] =	stream.indirect.gather [hbm4b:s1+s31], $0x80, s11, s31, $0xb8;
	[tilespmem:$0x1DC00] =	vst v63  }
0x2e3: {  	s10 =	simm.s32 $0x14800  }
0x2e4: {  	[spmem:s2] =	stream.indirect.scatter.add.f32 [tilespmem:s28], [sflag:$0x5], $0x80, s10, s31, $0xb8;
	[tilespmem:$0x1DC00] =	vst v63  }
0x2e5: {  	_ =	swait.ge [sflag:s29], $0x3E80  }
0x2e6: {  	[sflag:s29] =	ssyncset.done $0x0  }
0x2e7: {  	s11 =	simm.s32 $0x14100;
	[sflag:s29] =	ssyncadd.s32 $0xFFFFC180  }
0x2e8: {  	[tilespmem:s28], [sflag:$0x1] =	stream.indirect.gather [hbm4b:s1+s31], $0x80, s11, s31, $0xb8;
	[tilespmem:$0x1DC00] =	vst v63  }
0x2e9: {  	_ =	swait.ge [sflag:s9], $0x3E80  }
0x2ea: {  	[sflag:s9] =	ssyncset.done $0x0  }
0x2eb: {  	s10 =	simm.s32 $0x14880;
	[sflag:s9] =	ssyncadd.s32 $0xFFFFC180  }
0x2ec: {  	[spmem:s2] =	stream.indirect.scatter.add.f32 [tilespmem:s6], [sflag:$0x5], $0x80, s10, s31, $0xb8;
	[tilespmem:$0x1DC00] =	vst v63  }
0x2ed: {  	_ =	swait.ge [sflag:s29], $0x3E80  }
0x2ee: {  	[sflag:s29] =	ssyncset.done $0x0  }
0x2ef: {  	[sflag:s29] =	ssyncadd.s32 $0xFFFFC180  }
0x2f0: {  	_ =	swait.ge [sflag:s3], $0x3E80  }
0x2f1: {  	[sflag:s3] =	ssyncset.done $0x0  }
0x2f2: {  	s11 =	simm.s32 $0x14180;
	[sflag:s3] =	ssyncadd.s32 $0xFFFFC180  }
0x2f3: {  	[tilespmem:s6], [sflag:$0x2] =	stream.indirect.gather [hbm4b:s1+s31], $0x80, s11, s31, $0xb8;
	[tilespmem:$0x1DC00] =	vst v63  }
0x2f4: {  	s10 =	simm.s32 $0x14900  }
0x2f5: {  	[spmem:s2] =	stream.indirect.scatter.add.f32 [tilespmem:s28], [sflag:$0x5], $0x80, s10, s31, $0xb8;
	[tilespmem:$0x1DC00] =	vst v63  }
0x2f6: {  	_ =	swait.ge [sflag:s29], $0x3E80  }
0x2f7: {  	[sflag:s29] =	ssyncset.done $0x0  }
0x2f8: {  	s11 =	simm.s32 $0x14200;
	[sflag:s29] =	ssyncadd.s32 $0xFFFFC180  }
0x2f9: {  	[tilespmem:s28], [sflag:$0x1] =	stream.indirect.gather [hbm4b:s1+s31], $0x80, s11, s31, $0xb8;
	[tilespmem:$0x1DC00] =	vst v63  }
0x2fa: {  	_ =	swait.ge [sflag:s9], $0x3E80  }
0x2fb: {  	[sflag:s9] =	ssyncset.done $0x0  }
0x2fc: {  	s10 =	simm.s32 $0x14980;
	[sflag:s9] =	ssyncadd.s32 $0xFFFFC180  }
0x2fd: {  	[spmem:s2] =	stream.indirect.scatter.add.f32 [tilespmem:s6], [sflag:$0x5], $0x80, s10, s31, $0xb8;
	[tilespmem:$0x1DC00] =	vst v63  }
0x2fe: {  	_ =	swait.ge [sflag:s29], $0x3E80  }
0x2ff: {  	[sflag:s29] =	ssyncset.done $0x0  }
0x300: {  	[sflag:s29] =	ssyncadd.s32 $0xFFFFC180  }
0x301: {  	_ =	swait.ge [sflag:s3], $0x3E80  }
0x302: {  	[sflag:s3] =	ssyncset.done $0x0  }
0x303: {  	s11 =	simm.s32 $0x14280;
	[sflag:s3] =	ssyncadd.s32 $0xFFFFC180  }
0x304: {  	[tilespmem:s6], [sflag:$0x2] =	stream.indirect.gather [hbm4b:s1+s31], $0x80, s11, s31, $0xb8;
	[tilespmem:$0x1DC00] =	vst v63  }
0x305: {  	s10 =	simm.s32 $0x14A00  }
0x306: {  	[spmem:s2] =	stream.indirect.scatter.add.f32 [tilespmem:s28], [sflag:$0x5], $0x80, s10, s31, $0xb8;
	[tilespmem:$0x1DC00] =	vst v63  }
0x307: {  	_ =	swait.ge [sflag:s29], $0x3E80  }
0x308: {  	[sflag:s29] =	ssyncset.done $0x0  }
0x309: {  	s11 =	simm.s32 $0x14300;
	[sflag:s29] =	ssyncadd.s32 $0xFFFFC180  }
0x30a: {  	[tilespmem:s28], [sflag:$0x1] =	stream.indirect.gather [hbm4b:s1+s31], $0x80, s11, s31, $0xb8;
	[tilespmem:$0x1DC00] =	vst v63  }
0x30b: {  	_ =	swait.ge [sflag:s9], $0x3E80  }
0x30c: {  	[sflag:s9] =	ssyncset.done $0x0  }
0x30d: {  	s10 =	simm.s32 $0x14A80;
	[sflag:s9] =	ssyncadd.s32 $0xFFFFC180  }
0x30e: {  	[spmem:s2] =	stream.indirect.scatter.add.f32 [tilespmem:s6], [sflag:$0x5], $0x80, s10, s31, $0xb8;
	[tilespmem:$0x1DC00] =	vst v63  }
0x30f: {  	_ =	swait.ge [sflag:s29], $0x3E80  }
0x310: {  	[sflag:s29] =	ssyncset.done $0x0  }
0x311: {  	[sflag:s29] =	ssyncadd.s32 $0xFFFFC180  }
0x312: {  	_ =	swait.ge [sflag:s3], $0x3E80  }
0x313: {  	[sflag:s3] =	ssyncset.done $0x0  }
0x314: {  	s11 =	simm.s32 $0x14380;
	[sflag:s3] =	ssyncadd.s32 $0xFFFFC180  }
0x315: {  	[tilespmem:s6], [sflag:$0x2] =	stream.indirect.gather [hbm4b:s1+s31], $0x80, s11, s31, $0xb8;
	[tilespmem:$0x1DC00] =	vst v63  }
0x316: {  	s10 =	simm.s32 $0x14B00  }
0x317: {  	[spmem:s2] =	stream.indirect.scatter.add.f32 [tilespmem:s28], [sflag:$0x5], $0x80, s10, s31, $0xb8;
	[tilespmem:$0x1DC00] =	vst v63  }
0x318: {  	_ =	swait.ge [sflag:s29], $0x3E80  }
0x319: {  	[sflag:s29] =	ssyncset.done $0x0  }
0x31a: {  	[sflag:s29] =	ssyncadd.s32 $0xFFFFC180  }
0x31b: {  	_ =	swait.ge [sflag:s9], $0x3E80  }
0x31c: {  	[sflag:s9] =	ssyncset.done $0x0  }
0x31d: {  	s11 =	simm.s32 $0x14B80;
	[sflag:s9] =	ssyncadd.s32 $0xFFFFC180  }
0x31e: {  	[spmem:s2] =	stream.indirect.scatter.add.f32 [tilespmem:s6], [sflag:$0x5], $0x80, s11, s31, $0xb8;
	[tilespmem:$0x1DC00] =	vst v63  }
0x31f: {  	_ =	swait.ge [sflag:s29], $0x3E80  }
0x320: {  	[sflag:s29] =	ssyncset.done $0x0  }
0x321: {  	[sflag:s29] =	ssyncadd.s32 $0xFFFFC180  }
0x322: {  	s10 =	stileid.u32;
	[bflag:$0x0] =	sbarrier.arrive $0xFFFF  }
0x323: {  	s7 =	sshll.u32 s10, $0x6;
	s11 =	rddreg [dreg:$0x15]  }
0x324: {  	s7 =	sor.u32 $0x1C05, s7;
	s10 =	sshrl.u32 s11, $0x3;
	s11 =	rddreg [dreg:$0x13]  }
0x325: {  	[hbm:s11], [sflag:s7] =	dma.local [spmem:s10], $0x2780  }
0x326: {  	_ =	swait.ge [sflag:s29], $0x2780  }
0x327: {  	s5 =	sadd.s32 $0x1, s5;
	s7 =	rddreg [dreg:$0x14]  }
0x328: {  	p0 =	sne.s32 s5, s7  }
.Ltmp1:
0x329: {  	_ = 	snop;
	(pc) =	sbr.rel @p0 .LBB2_1-.Ltmp1, $3  }
0x32a: {  	_ =	sdelay $0x1  }
0x32b: {  	[sflag:s29] =	ssyncset.done $0x0  }
0x32c: {  	s11 =	simm.s32 $0x14400;
	s10 =	simm.s32 $0x14C00;
	[sflag:s29] =	ssyncadd.s32 $0xFFFFD880  }
0x32d: {  	_ =	sfence.sel $0x180000  }
0x32e: {  	[bflag:$0x0] =	sbarrier.arrive $0xFFFF  }
0x32f: {  	_ =	strace $0x9000004A  }
0x330: {  	s0 =	stileid.u32;
	[bflag:$0x2] =	sbarrier.arrive $0xFFFF  }
0x331: {  	p0 =	sne.s32 s0, $0x0;
	s0 =	rddreg [dreg:$0x3]  }
0x332: {  	s0 =	sadd.s32 @!p0 $0x100000, s0  }
0x333: {  	[sflag:s0] =	ssyncadd.tile.s32 @!p0 $0x1;
	_ =	shalt  }
.Lfunc_end2:
_tile_overlayer_lowered:
.L_overlay_start_2:
0x334: {  	(tag) =	ssettag $0x2  }
0x335: {  	s0 =	rddreg [dreg:$0x0];
	s2 =	stileid.u32  }
0x336: {  	s1 =	rddreg [dreg:$0x1];
	p0 =	sne.s32 s2, $0x0  }
0x337: {  	s3 =	rddreg [dreg:$0x2];
	[bflag:$0x3] =	sbarrier.arrive $0xFFFF;
	s2 =	simm.s32 @!p0 $0x1C05  }
0x338: {  	[timem:s3], [sflag:s2] =	dma.local @!p0 [hbm:s0], s1  }
0x339: {  	s0 =	simm.s32 @!p0 $0x5  }
0x33a: {  	_ =	swait.ge @!p0 [sflag:s0], s1  }
0x33b: {  	s1 =	ssub.s32 @!p0 $0x0, s1;
	[sflag:s0] =	ssyncset.done @!p0 $0x0  }
0x33c: {  	[sflag:s0] =	ssyncadd.s32 @!p0 s1  }
0x33d: {  	[bflag:$0x3] =	sbarrier.arrive $0xFFFF  }
0x33e: {  	_ =	shalt  }

// kernel: kernel.7.cloned.1.call-start
scs
__scs_entry_jumppad:
0x0: {  	(pc) =	sbr.rel $0x88, $3  }
0x1: {  	(tag) =	ssettag $0x0;
	lr =	simm.s32 $0x1  }
0x2: {  	[smem:$0x3F9D] =	sst lr;
	_ =	strace $0xD0000000  }
0x3: {  	_ = 	snop  }
0x4: {  	_ = 	snop  }
0x5: {  	_ = 	snop  }
0x6: {  	_ = 	snop  }
0x7: {  	_ = 	snop  }
__scs_overlays_trampoline_lowered:
0x8: {  	[smem:$0x3FAC] =	sst s0  }
0x9: {  	[smem:$0x3FAD] =	sst s1  }
0xa: {  	[smem:$0x3FAE] =	sst s2  }
0xb: {  	[smem:$0x3FAF] =	sst s3  }
0xc: {  	[smem:$0x3FB0] =	sst s4  }
0xd: {  	[smem:$0x3FB1] =	sst s5  }
0xe: {  	[smem:$0x3FB2] =	sst s6  }
0xf: {  	[smem:$0x3FB3] =	sst s7  }
0x10: {  	[smem:$0x3FB4] =	sst s8  }
0x11: {  	[smem:$0x3FB5] =	sst s9;
	s0 =	simm.s32 @!p0 $0x0  }
0x12: {  	s1 =	sld [smem:$0x3F9B];
	s0 =	simm.s32 @p0 $0x1  }
0x13: {  	[smem:$0x3FB6] =	sst s0;
	s0 =	simm.s32 @!p1 $0x0  }
0x14: {  	s2 =	sld [smem:$0x3F9A];
	s0 =	simm.s32 @p1 $0x1  }
0x15: {  	[smem:$0x3FB7] =	sst s0;
	s0 =	simm.s32 @!p2 $0x0  }
0x16: {  	s3 =	sld [smem:$0x3FDB];
	s0 =	simm.s32 @p2 $0x1  }
0x17: {  	s4 =	simm.s32 $0x1BF5;
	[smem:$0x3FB9] =	sst s0  }
0x18: {  	s0 =	sld [smem:$0x3F9C];
	_ =	swait.ge [sflag:s4], $0x0  }
0x19: {  	s7 =	sld [smem:$0x3F9D]  }
0x1a: {  	s8 =	sadd.s32 $0xFFFFE003, lr  }
0x1b: {  	s9 =	sadd.s32 $0xFFFFFEF7, lr;
	s5 =	simm.s32 $0xFFFFFFFF;
	p2 =	slt.u32 s8, $0xFFFFF086  }
0x1c: {  	p1 =	slt.u32 s9, $0xF7A;
	s5 =	simm.s32 @!p2 $0x0  }
0x1d: {  	s5 =	simm.s32 @p1 $0x1;
	p0 =	seq.s32 s7, s2  }
0x1e: {  	s7 =	smul.u32 @!p0 $0xF7A, s2;
	p2 =	seq.s32 @!p0 s5, $0x0  }
0x1f: {  	s9 =	smul.u32 $0xF7A, s1;
	s8 =	simm.s32 @!p0 $0x1BF5;
	p2 =	por !p2, p0  }
0x20: {  	[sflag:s8] =	ssyncset.s32 @!p0 $0xFFFFF086;
	s6 =	sadd.s32 @!p0 s3, s7;
	s7 =	simm.s32 @!p0 $0x108  }
0x21: {  	s3 =	sadd.s32 s3, s9;
	s6 =	sadd.s32 @!p0 $0x88, s6;
	s7 =	simm.s32 @p2 $0x1082  }
0x22: {  	[simem:s7], [sflag:s8] =	dma.local @!p0 [hbm:s6], $0xF7A  }
0x23: {  	s9 =	sor.u32 $0xD0000000, s2;
	s6 =	simm.s32 $0x108;
	_ =	swait.ge @!p0 [sflag:s8], $0x0  }
0x24: {  	s3 =	sadd.s32 $0x88, s3;
	s6 =	simm.s32 @!p1 $0x1082;
	[sflag:s4] =	ssyncset.s32 $0xFFFFF086  }
0x25: {  	[simem:s6], [sflag:s4] =	dma.local [hbm:s3], $0xF7A  }
0x26: {  	[smem:$0x3F9D] =	sst s1;
	(tag) =	ssettag s2;
	_ =	strace s9  }
0x27: {  	s1 =	sld [smem:$0x3FAD]  }
0x28: {  	s2 =	sld [smem:$0x3FAE]  }
0x29: {  	s4 =	sld [smem:$0x3FB0]  }
0x2a: {  	p0 =	seq.s32 s5, $0x0;
	s5 =	sld [smem:$0x3FB1]  }
0x2b: {  	s6 =	sld [smem:$0x3FB2]  }
0x2c: {  	s7 =	sld [smem:$0x3FB3]  }
0x2d: {  	s3 =	simm.s32 $0x108;
	s8 =	sld [smem:$0x3FB4]  }
0x2e: {  	s3 =	simm.s32 @!p0 $0x1082;
	s9 =	sld [smem:$0x3FB5]  }
0x2f: {  	lr =	sadd.s32 s0, s3;
	s0 =	sld [smem:$0x3FAC]  }
0x30: {  	s3 =	sld [smem:$0x3FAF]  }
0x31: {  	[smem:$0x3FB8] =	sst s10  }
0x32: {  	s10 =	sld [smem:$0x3FB6];
	_ =	sdelay $0x3  }
0x33: {  	p0 =	seq.s32 s10, $0x1;
	s10 =	sld [smem:$0x3FB8];
	_ =	sdelay $0x3  }
0x34: {  	[smem:$0x3FB8] =	sst s10  }
0x35: {  	s10 =	sld [smem:$0x3FB7];
	_ =	sdelay $0x3  }
0x36: {  	p1 =	seq.s32 s10, $0x1;
	s10 =	sld [smem:$0x3FB8];
	_ =	sdelay $0x3  }
0x37: {  	[smem:$0x3FB8] =	sst s10  }
0x38: {  	s10 =	sld [smem:$0x3FB9]  }
0x39: {  	_ = 	snop;
	(pc) =	sbr.ind lr, $3  }
0x3a: {  	_ = 	snop  }
0x3b: {  	_ = 	snop  }
0x3c: {  	p2 =	seq.s32 s10, $0x1;
	s10 =	sld [smem:$0x3FB8]  }
0x3d: {  	_ =	shalt  }
0x3e: {  	_ =	shalt  }
0x3f: {  	_ =	shalt  }
0x40: {  	_ =	shalt  }
0x41: {  	_ =	shalt  }
0x42: {  	_ =	shalt  }
0x43: {  	_ =	shalt  }
0x44: {  	_ =	shalt  }
0x45: {  	_ =	shalt  }
0x46: {  	_ =	shalt  }
0x47: {  	_ =	shalt  }
0x48: {  	_ =	shalt  }
0x49: {  	_ =	shalt  }
0x4a: {  	_ =	shalt  }
0x4b: {  	_ =	shalt  }
0x4c: {  	_ =	shalt  }
0x4d: {  	_ =	shalt  }
0x4e: {  	_ =	shalt  }
0x4f: {  	_ =	shalt  }
0x50: {  	_ =	shalt  }
0x51: {  	_ =	shalt  }
0x52: {  	_ =	shalt  }
0x53: {  	_ =	shalt  }
0x54: {  	_ =	shalt  }
0x55: {  	_ =	shalt  }
0x56: {  	_ =	shalt  }
0x57: {  	_ =	shalt  }
0x58: {  	_ =	shalt  }
0x59: {  	_ =	shalt  }
0x5a: {  	_ =	shalt  }
0x5b: {  	_ =	shalt  }
0x5c: {  	_ =	shalt  }
0x5d: {  	_ =	shalt  }
0x5e: {  	_ =	shalt  }
0x5f: {  	_ =	shalt  }
0x60: {  	_ =	shalt  }
0x61: {  	_ =	shalt  }
0x62: {  	_ =	shalt  }
0x63: {  	_ =	shalt  }
0x64: {  	_ =	shalt  }
0x65: {  	_ =	shalt  }
0x66: {  	_ =	shalt  }
0x67: {  	_ =	shalt  }
0x68: {  	_ =	shalt  }
0x69: {  	_ =	shalt  }
0x6a: {  	_ =	shalt  }
0x6b: {  	_ =	shalt  }
0x6c: {  	_ =	shalt  }
0x6d: {  	_ =	shalt  }
0x6e: {  	_ =	shalt  }
0x6f: {  	_ =	shalt  }
0x70: {  	_ =	shalt  }
0x71: {  	_ =	shalt  }
0x72: {  	_ =	shalt  }
0x73: {  	_ =	shalt  }
0x74: {  	_ =	shalt  }
0x75: {  	_ =	shalt  }
0x76: {  	_ =	shalt  }
0x77: {  	_ =	shalt  }
0x78: {  	_ =	shalt  }
0x79: {  	_ =	shalt  }
0x7a: {  	_ =	shalt  }
0x7b: {  	_ =	shalt  }
0x7c: {  	_ =	shalt  }
0x7d: {  	_ =	shalt  }
0x7e: {  	_ =	shalt  }
0x7f: {  	_ =	shalt  }
0x80: {  	_ =	shalt  }
0x81: {  	_ =	shalt  }
0x82: {  	_ =	shalt  }
0x83: {  	_ =	shalt  }
0x84: {  	_ =	shalt  }
0x85: {  	_ =	shalt  }
0x86: {  	_ =	shalt  }
0x87: {  	_ =	shalt  }
.Lfunc_end0:
.L_simem_size_0:
called_computation_lowered:
.L_overlay_start_0:
0x88: {  	s2 =	sld [smem:$0x3FD9]  }
0x89: {  	s3 =	sld [smem:$0x3FFE];
	_ =	sdelay $0x1  }
0x8a: {  	s1 =	srdreg.scid  }
0x8b: {  	s0 =	sand.u32 $0x1, s1  }
0x8c: {  	s17 =	sshll.u32 s0, $0xA;
	s2 =	sadd.s32 s3, s2  }
0x8d: {  	s2 =	sadd.s32 s2, s17  }
0x8e: {  	[smem:$0x3FC4] =	sst s2  }
0x8f: {  	_ = 	snop  }
0x90: {  	s2 =	sld [smem:$0x3FD0];
	(tm) =	ssettm $0x1  }
0x91: {  	s18 =	sld [smem:$0x3FFB];
	_ =	sdelay $0x3  }
0x92: {  	_ =	strace s18  }
0x93: {  	s3 =	sld [smem:$0x3FFC];
	_ =	sdelay $0x3  }
0x94: {  	_ =	strace s3  }
0x95: {  	s3 =	sld [smem:$0x3FFD];
	_ =	sdelay $0x3  }
0x96: {  	_ =	strace s3  }
0x97: {  	_ =	strace $0x8FFFFFFF  }
0x98: {  	s19 =	sld [smem:$0x3FDB];
	_ =	sdelay $0x1  }
0x99: {  	s4 =	simm.s32 $_scs_section_size  }
0x9a: {  	s5 =	simm.s32 $_size__tile_overlayer_lowered;
	s6 =	simm.s32 $_tile_overlayer_lowered  }
0x9b: {  	s22 =	simm.s32 $0x1BFF;
	s21 =	sshll.u32 s6, $0x1;
	s3 =	sadd.s32 s4, s19  }
0x9c: {  	s7 =	simm.s32 $0x0;
	s20 =	sshll.u32 s5, $0x1;
	s5 =	sadd.s32 s21, s3  }
0x9d: {  	[timem:s7], [sflag:s22] =	dma.local [hbm:s5], s20  }
0x9e: {  	_ =	swait.ge [sflag:s22], s20  }
0x9f: {  	s4 =	ssub.s32 $0x0, s20;
	[sflag:s22] =	ssyncset.done $0x0  }
0xa0: {  	[sflag:s22] =	ssyncadd.s32 s4;
	_ =	sdelay $0x1  }
0xa1: {  	s23 =	simm.s32 $0x1B8B  }
0xa2: {  	_ =	swait.ge [sflag:s23], $0x1  }
0xa3: {  	[sflag:s23] =	ssyncset.done $0x0  }
0xa4: {  	s25 =	simm.s32 $0x1B8E;
	s24 =	sld [smem:$0x3FFE];
	[sflag:s23] =	ssyncadd.s32 $0xFFFFFFFF  }
0xa5: {  	s26 =	simm.s32 $execute0_lowered;
	[smem:$0x3FD2] =	sst s25  }
0xa6: {  	s5 =	sshll.u32 s26, $0x1;
	_ =	strace $0x80000046;
	[dreg:$0x1] =	wrdreg $0xFFFFFFFF  }
0xa7: {  	s28 =	simm.s32 $_size_execute0_lowered;
	s3 =	sadd.s32 s3, s5;
	[dreg:$0x0] =	wrdreg $0x0  }
0xa8: {  	s5 =	sshll.u32 s28, $0x1;
	[dreg:$0x2] =	wrdreg s3  }
0xa9: {  	[dreg:$0x3] =	wrdreg s5  }
0xaa: {  	[dreg:$0x4] =	wrdreg $0xC0  }
0xab: {  	_ =	task [dreg:s7], $0x5FFFF  }
0xac: {  	[dreg:$0x1] =	wrdreg $0xFFFFFFFF  }
0xad: {  	[dreg:$0x0] =	wrdreg $0x60  }
0xae: {  	[dreg:$0x2] =	wrdreg s2  }
0xaf: {  	[dreg:$0x3] =	wrdreg s24  }
0xb0: {  	[dreg:$0x4] =	wrdreg $0x0  }
0xb1: {  	[dreg:$0x5] =	wrdreg $0x9  }
0xb2: {  	_ =	task.clear_ibuf [dreg:s7], $0x6FFFF;
	_ =	strace $0x90000046  }
0xb3: {  	s29 =	simm.s32 $0x9;
	_ =	strace $0x80000048  }
0xb4: {  	_ =	swait.ge [sflag:s29], $0x1  }
0xb5: {  	[sflag:s29] =	ssyncadd.s32 $0xFFFFFFFF  }
0xb6: {  	_ =	strace $0x90000048  }
0xb7: {  	_ =	sfence  }
0xb8: {  	s30 =	sld [smem:$0x0];
	_ =	sdelay $0x2  }
0xb9: {  	s31 =	sshll.u32 s1, $0xD;
	s1 =	sshrl.u32 s1, $0x2  }
0xba: {  	s3 =	sand.u32 $0x4000, s31;
	s1 =	sadd.s32 s1, s30  }
0xbb: {  	s0 =	sor.u32 s3, s0;
	s1 =	sshll.u32 s1, $0x11  }
0xbc: {  	s0 =	sor.u32 s1, s0  }
0xbd: {  	s0 =	sadd.s32 $0x8F2B, s0  }
0xbe: {  	[sflag:s0] =	ssyncadd.remote.s32 $0x1  }
0xbf: {  	_ =	sfence.sel $0xFFFF  }
0xc0: {  	[dreg:$0x0] =	wrdreg $0xFFFFFFFF;
	(pc) =	sbr.abs _section_cstart, $3  }
0xc1: {  	[dreg:$0x1] =	wrdreg $0xFFFFFFFF  }
0xc2: {  	_ =	task.clear_ibuf [dreg:s7], $0x2FFFF;
	_ =	strace $0x9FFFFFFF  }
0xc3: {  	(tm) =	ssettm $0x7FFFFFFF  }
tec
execute0_lowered:
.L_overlay_start_1:
0x0: {  	(tag) =	ssettag $0x1  }
0x1: {  	s1 =	rddreg [dreg:$0x0]  }
0x2: {  	s0 =	rddreg [dreg:$0x1]  }
0x3: {  	s2 =	rddreg [dreg:$0x2];
	s4 =	simm.s32 $0x0  }
0x4: {  	s3 =	srdreg.scid;
	s10 =	stileid.u32;
	s28 =	simm.s32 $0x15C00  }
0x5: {  	s29 =	simm.s32 $0x5;
	s30 =	simm.s32 $0x3;
	s31 =	simm.s32 $0x7D  }
0x6: {  	[smem:$0x7FF] =	sst s4;
	s3 =	sand.u32 $0x1, s3;
	s5 =	smul.u32 $0x2780, s10  }
0x7: {  	s7 =	sadd.s32 $0xAE00, s0;
	s9 =	sadd.s32 $0xE00, s0;
	_ =	strace $0x80000047  }
0x8: {  	s6 =	sshll.u32 s3, $0x4;
	s8 =	smul.u32 $0x27800, s3;
	s3 =	ssub.s32 $0x2, s3  }
0x9: {  	s6 =	sor.u32 s10, s6;
	s25 =	sshrl.u32 s3, $0x1;
	s10 =	smul.u32 $0x4F000, s10  }
0xa: {  	s6 =	smul.u32 $0x2800, s6;
	s5 =	sadd.s32 s5, s8;
	s3 =	ssub.s32 s3, s25  }
0xb: {  	s0 =	sadd.s32 s5, s0;
	s12 =	sshrl.u32 s10, $0x2;
	s10 =	simm.s32 $0x14C00  }
0xc: {  	s26 =	sshrl.u32 s6, $0x3;
	s8 =	sadd.s32 s12, s2;
	s0 =	sadd.s32 $0x14E00, s0  }
0xd: {  	s12 =	simm.s32 $0x15480;
	s6 =	sadd.s32 s7, s26;
	[dreg:$0x15] =	wrdreg s8  }
0xe: {  	s11 =	sadd.s32 $0x100, s26;
	s13 =	sadd.s32 s9, s26;
	[dreg:$0x13] =	wrdreg s0  }
0xf: {  	s15 =	sadd.s32 $0x3C00, s8;
	s16 =	sadd.s32 $0x7800, s8;
	[dreg:$0x4] =	wrdreg s6  }
0x10: {  	s17 =	sadd.s32 $0xB400, s8;
	s18 =	sadd.s32 $0xF000, s8;
	[dreg:$0x5] =	wrdreg s13  }
0x11: {  	s19 =	sadd.s32 $0x200, s26;
	s20 =	sadd.s32 $0x12C00, s8;
	[dreg:$0x8] =	wrdreg s15  }
0x12: {  	s22 =	sadd.s32 $0x300, s26;
	s5 =	sadd.s32 $0x400, s26;
	[dreg:$0x9] =	wrdreg s16  }
0x13: {  	s26 =	smax.u32 s3, $0x1;
	s8 =	simm.s32 $0x13C00;
	[dreg:$0xa] =	wrdreg s17  }
0x14: {  	s0 =	simm.s32 $0x4;
	s3 =	simm.s32 $0x1;
	[dreg:$0xb] =	wrdreg s18  }
0x15: {  	s14 =	sadd.s32 s7, s11;
	s6 =	sadd.s32 s9, s11;
	[dreg:$0xc] =	wrdreg s20  }
0x16: {  	s21 =	sadd.s32 s7, s19;
	s23 =	sadd.s32 s7, s22;
	[dreg:$0x14] =	wrdreg s26  }
0x17: {  	s24 =	sadd.s32 s9, s22;
	s25 =	sadd.s32 s7, s5;
	[dreg:$0x6] =	wrdreg s14  }
0x18: {  	s5 =	sadd.s32 s9, s5;
	s11 =	simm.s32 $0x14400;
	[dreg:$0x7] =	wrdreg s6  }
0x19: {  	s26 =	simm.s32 $0x15400;
	s13 =	simm.s32 $0x14D80;
	[dreg:$0xd] =	wrdreg s21  }
0x1a: {  	s15 =	simm.s32 $0x14E00;
	s16 =	simm.s32 $0x15580;
	[dreg:$0xf] =	wrdreg s23  }
0x1b: {  	s17 =	simm.s32 $0x14E80;
	s18 =	simm.s32 $0x15600;
	[dreg:$0x10] =	wrdreg s24  }
0x1c: {  	s20 =	simm.s32 $0x15680;
	s22 =	simm.s32 $0x15700;
	[dreg:$0x11] =	wrdreg s25  }
0x1d: {  	s6 =	sadd.s32 s9, s19;
	[dreg:$0x12] =	wrdreg s5;
	s9 =	simm.s32 $0x2  }
0x1e: {  	s5 =	simm.s32 $0x0;
	s14 =	simm.s32 $0x15500;
	s19 =	simm.s32 $0x14F00  }
0x1f: {  	s21 =	simm.s32 $0x14F80;
	s23 =	simm.s32 $0x15000;
	s24 =	simm.s32 $0x15780  }
0x20: {  	v0 =	vimm.f32 $0.0e+00;
	s25 =	simm.s32 $0x15080;
	[dreg:$0xe] =	wrdreg s6;
	s6 =	simm.s32 $0x19C00  }
.LBB2_1:
0x21: {  	s7 =	rddreg [dreg:$0x4]  }
0x22: {  	[tilespmem:s8], [sflag:$0x3] =	stream.linear.gather [hbm4b:s7+s4], $0x800, $0x38;
	[tilespmem:$0x1DC00] =	vst v63  }
0x23: {  	s7 =	rddreg [dreg:$0x5]  }
0x24: {  	[tilespmem:s11], [sflag:$0x3] =	stream.linear.gather [hbm4b:s7+s4], $0x800, $0x38;
	[tilespmem:$0x1DC00] =	vst v63  }
0x25: {  	s7 =	rddreg [dreg:$0x6]  }
0x26: {  	[tilespmem:s10], [sflag:$0x4] =	stream.linear.gather [hbm4b:s7+s4], $0x800, $0x38;
	[tilespmem:$0x1DC00] =	vst v63  }
0x27: {  	s10 =	rddreg [dreg:$0x7]  }
0x28: {  	[tilespmem:s26], [sflag:$0x4] =	stream.linear.gather [hbm4b:s10+s4], $0x800, $0x38;
	[tilespmem:$0x1DC00] =	vst v63  }
0x29: {  	s7 =	simm.s32 $0x0;
	s10 =	simm.s32 $0x200  }
.LBB2_2:
0x2a: {  	p0 =	sne.s32 s10, $0xF800;
	[tilespmem:s7+$0x15C70] =	vst v0  }
0x2b: {  	[tilespmem:s7+$0x15C00] =	vst v0  }
0x2c: {  	[tilespmem:s7+$0x15C10] =	vst v0  }
.Ltmp0:
0x2d: {  	[tilespmem:s7+$0x15C20] =	vst v0;
	(pc) =	sbr.rel @p0 .LBB2_2-.Ltmp0, $4  }
0x2e: {  	[tilespmem:s7+$0x15C30] =	vst v0  }
0x2f: {  	[tilespmem:s7+$0x15C40] =	vst v0  }
0x30: {  	[tilespmem:s7+$0x15C50] =	vst v0  }
0x31: {  	[tilespmem:s7+$0x15C60] =	vst v0;
	s7 =	sshra.s32 s10, $0x2;
	s10 =	sadd.s32 $0x200, s10  }
0x32: {  	[tilespmem:s7+$0x15C70] =	vst v0  }
0x33: {  	[tilespmem:s7+$0x15C00] =	vst v0  }
0x34: {  	[tilespmem:s7+$0x15C10] =	vst v0  }
0x35: {  	[tilespmem:s7+$0x15C20] =	vst v0  }
0x36: {  	[tilespmem:s7+$0x15C30] =	vst v0  }
0x37: {  	[tilespmem:s7+$0x15C40] =	vst v0  }
0x38: {  	[tilespmem:s7+$0x15C50] =	vst v0  }
0x39: {  	[tilespmem:s7+$0x15C60] =	vst v0;
	s10 =	rddreg [dreg:$0x15]  }
0x3a: {  	[spmem:s10] =	stream.linear.scatter [tilespmem:s28], [sflag:$0x5], $0x3C00, $0x38;
	[tilespmem:$0x1DC00] =	vst v63  }
0x3b: {  	_ =	swait.ge [sflag:s29], $0x3C00  }
0x3c: {  	[sflag:s29] =	ssyncset.done $0x0  }
0x3d: {  	s26 =	rddreg [dreg:$0x8];
	[sflag:s29] =	ssyncadd.s32 $0xFFFFC400  }
0x3e: {  	[spmem:s26] =	stream.linear.scatter [tilespmem:s28], [sflag:$0x5], $0x3C00, $0x38;
	[tilespmem:$0x1DC00] =	vst v63  }
0x3f: {  	_ =	swait.ge [sflag:s29], $0x3C00  }
0x40: {  	[sflag:s29] =	ssyncset.done $0x0  }
0x41: {  	s10 =	rddreg [dreg:$0x9];
	[sflag:s29] =	ssyncadd.s32 $0xFFFFC400  }
0x42: {  	[spmem:s10] =	stream.linear.scatter [tilespmem:s28], [sflag:$0x5], $0x3C00, $0x38;
	[tilespmem:$0x1DC00] =	vst v63  }
0x43: {  	_ =	swait.ge [sflag:s29], $0x3C00  }
0x44: {  	[sflag:s29] =	ssyncset.done $0x0  }
0x45: {  	s26 =	rddreg [dreg:$0xa];
	[sflag:s29] =	ssyncadd.s32 $0xFFFFC400  }
0x46: {  	[spmem:s26] =	stream.linear.scatter [tilespmem:s28], [sflag:$0x5], $0x3C00, $0x38;
	[tilespmem:$0x1DC00] =	vst v63  }
0x47: {  	_ =	swait.ge [sflag:s29], $0x3C00  }
0x48: {  	[sflag:s29] =	ssyncset.done $0x0  }
0x49: {  	s10 =	rddreg [dreg:$0xb];
	[sflag:s29] =	ssyncadd.s32 $0xFFFFC400  }
0x4a: {  	[spmem:s10] =	stream.linear.scatter [tilespmem:s28], [sflag:$0x5], $0x3C00, $0x38;
	[tilespmem:$0x1DC00] =	vst v63  }
0x4b: {  	_ =	swait.ge [sflag:s29], $0x3C00  }
0x4c: {  	[sflag:s29] =	ssyncset.done $0x0  }
0x4d: {  	s26 =	rddreg [dreg:$0xc];
	[sflag:s29] =	ssyncadd.s32 $0xFFFFC400  }
0x4e: {  	[spmem:s26] =	stream.linear.scatter [tilespmem:s28], [sflag:$0x5], $0x1000, $0x38;
	[tilespmem:$0x1DC00] =	vst v63  }
0x4f: {  	_ =	swait.ge [sflag:s29], $0x1000  }
0x50: {  	[sflag:s29] =	ssyncset.done $0x0  }
0x51: {  	[sflag:s29] =	ssyncadd.s32 $0xFFFFF000  }
0x52: {  	[bflag:$0x0] =	sbarrier.arrive $0xFFFF  }
0x53: {  	_ =	swait.ge [sflag:s30], $0x800  }
0x54: {  	[sflag:s30] =	ssyncset.done $0x0  }
0x55: {  	[sflag:s30] =	ssyncadd.s32 $0xFFFFF800  }
0x56: {  	_ =	swait.ge [sflag:s30], $0x800  }
0x57: {  	[sflag:s30] =	ssyncset.done $0x0  }
0x58: {  	[sflag:s30] =	ssyncadd.s32 $0xFFFFF800  }
0x59: {  	[tilespmem:s28], [sflag:$0x1] =	stream.indirect.gather [hbm4b:s1+s31], $0x80, s8, s31, $0xb8;
	[tilespmem:$0x1DC00] =	vst v63  }
0x5a: {  	_ =	swait.ge [sflag:s0], $0x800  }
0x5b: {  	[sflag:s0] =	ssyncset.done $0x0  }
0x5c: {  	[sflag:s0] =	ssyncadd.s32 $0xFFFFF800  }
0x5d: {  	_ =	swait.ge [sflag:s0], $0x800  }
0x5e: {  	[sflag:s0] =	ssyncset.done $0x0  }
0x5f: {  	[sflag:s0] =	ssyncadd.s32 $0xFFFFF800  }
0x60: {  	_ =	swait.ge [sflag:s3], $0x3E80  }
0x61: {  	[sflag:s3] =	ssyncset.done $0x0  }
0x62: {  	s10 =	simm.s32 $0x13C80;
	[sflag:s3] =	ssyncadd.s32 $0xFFFFC180  }
0x63: {  	[tilespmem:s6], [sflag:$0x2] =	stream.indirect.gather [hbm4b:s1+s31], $0x80, s10, s31, $0xb8;
	[tilespmem:$0x1DC00] =	vst v63  }
0x64: {  	_ = 	snop  }
0x65: {  	[spmem:s2] =	stream.indirect.scatter.add.f32 [tilespmem:s28], [sflag:$0x5], $0x80, s11, s31, $0xb8;
	[tilespmem:$0x1DC00] =	vst v63  }
0x66: {  	_ =	swait.ge [sflag:s29], $0x3E80  }
0x67: {  	[sflag:s29] =	ssyncset.done $0x0  }
0x68: {  	s26 =	simm.s32 $0x13D00;
	[sflag:s29] =	ssyncadd.s32 $0xFFFFC180  }
0x69: {  	[tilespmem:s28], [sflag:$0x1] =	stream.indirect.gather [hbm4b:s1+s31], $0x80, s26, s31, $0xb8;
	[tilespmem:$0x1DC00] =	vst v63  }
0x6a: {  	_ =	swait.ge [sflag:s9], $0x3E80  }
0x6b: {  	[sflag:s9] =	ssyncset.done $0x0  }
0x6c: {  	s10 =	simm.s32 $0x14480;
	[sflag:s9] =	ssyncadd.s32 $0xFFFFC180  }
0x6d: {  	[spmem:s2] =	stream.indirect.scatter.add.f32 [tilespmem:s6], [sflag:$0x5], $0x80, s10, s31, $0xb8;
	[tilespmem:$0x1DC00] =	vst v63  }
0x6e: {  	_ =	swait.ge [sflag:s29], $0x3E80  }
0x6f: {  	[sflag:s29] =	ssyncset.done $0x0  }
0x70: {  	[sflag:s29] =	ssyncadd.s32 $0xFFFFC180  }
0x71: {  	_ =	swait.ge [sflag:s3], $0x3E80  }
0x72: {  	[sflag:s3] =	ssyncset.done $0x0  }
0x73: {  	s11 =	simm.s32 $0x13D80;
	[sflag:s3] =	ssyncadd.s32 $0xFFFFC180  }
0x74: {  	[tilespmem:s6], [sflag:$0x2] =	stream.indirect.gather [hbm4b:s1+s31], $0x80, s11, s31, $0xb8;
	[tilespmem:$0x1DC00] =	vst v63  }
0x75: {  	s26 =	simm.s32 $0x14500  }
0x76: {  	[spmem:s2] =	stream.indirect.scatter.add.f32 [tilespmem:s28], [sflag:$0x5], $0x80, s26, s31, $0xb8;
	[tilespmem:$0x1DC00] =	vst v63  }
0x77: {  	_ =	swait.ge [sflag:s29], $0x3E80  }
0x78: {  	[sflag:s29] =	ssyncset.done $0x0  }
0x79: {  	s10 =	simm.s32 $0x13E00;
	[sflag:s29] =	ssyncadd.s32 $0xFFFFC180  }
0x7a: {  	[tilespmem:s28], [sflag:$0x1] =	stream.indirect.gather [hbm4b:s1+s31], $0x80, s10, s31, $0xb8;
	[tilespmem:$0x1DC00] =	vst v63  }
0x7b: {  	_ =	swait.ge [sflag:s9], $0x3E80  }
0x7c: {  	[sflag:s9] =	ssyncset.done $0x0  }
0x7d: {  	s11 =	simm.s32 $0x14580;
	[sflag:s9] =	ssyncadd.s32 $0xFFFFC180  }
0x7e: {  	[spmem:s2] =	stream.indirect.scatter.add.f32 [tilespmem:s6], [sflag:$0x5], $0x80, s11, s31, $0xb8;
	[tilespmem:$0x1DC00] =	vst v63  }
0x7f: {  	_ =	swait.ge [sflag:s29], $0x3E80  }
0x80: {  	[sflag:s29] =	ssyncset.done $0x0  }
0x81: {  	[sflag:s29] =	ssyncadd.s32 $0xFFFFC180  }
0x82: {  	_ =	swait.ge [sflag:s3], $0x3E80  }
0x83: {  	[sflag:s3] =	ssyncset.done $0x0  }
0x84: {  	s26 =	simm.s32 $0x13E80;
	[sflag:s3] =	ssyncadd.s32 $0xFFFFC180  }
0x85: {  	[tilespmem:s6], [sflag:$0x2] =	stream.indirect.gather [hbm4b:s1+s31], $0x80, s26, s31, $0xb8;
	[tilespmem:$0x1DC00] =	vst v63  }
0x86: {  	s10 =	simm.s32 $0x14600  }
0x87: {  	[spmem:s2] =	stream.indirect.scatter.add.f32 [tilespmem:s28], [sflag:$0x5], $0x80, s10, s31, $0xb8;
	[tilespmem:$0x1DC00] =	vst v63  }
0x88: {  	_ =	swait.ge [sflag:s29], $0x3E80  }
0x89: {  	[sflag:s29] =	ssyncset.done $0x0  }
0x8a: {  	s11 =	simm.s32 $0x13F00;
	[sflag:s29] =	ssyncadd.s32 $0xFFFFC180  }
0x8b: {  	[tilespmem:s28], [sflag:$0x1] =	stream.indirect.gather [hbm4b:s1+s31], $0x80, s11, s31, $0xb8;
	[tilespmem:$0x1DC00] =	vst v63  }
0x8c: {  	_ =	swait.ge [sflag:s9], $0x3E80  }
0x8d: {  	[sflag:s9] =	ssyncset.done $0x0  }
0x8e: {  	s26 =	simm.s32 $0x14680;
	[sflag:s9] =	ssyncadd.s32 $0xFFFFC180  }
0x8f: {  	[spmem:s2] =	stream.indirect.scatter.add.f32 [tilespmem:s6], [sflag:$0x5], $0x80, s26, s31, $0xb8;
	[tilespmem:$0x1DC00] =	vst v63  }
0x90: {  	_ =	swait.ge [sflag:s29], $0x3E80  }
0x91: {  	[sflag:s29] =	ssyncset.done $0x0  }
0x92: {  	[sflag:s29] =	ssyncadd.s32 $0xFFFFC180  }
0x93: {  	_ =	swait.ge [sflag:s3], $0x3E80  }
0x94: {  	[sflag:s3] =	ssyncset.done $0x0  }
0x95: {  	s10 =	simm.s32 $0x13F80;
	[sflag:s3] =	ssyncadd.s32 $0xFFFFC180  }
0x96: {  	[tilespmem:s6], [sflag:$0x2] =	stream.indirect.gather [hbm4b:s1+s31], $0x80, s10, s31, $0xb8;
	[tilespmem:$0x1DC00] =	vst v63  }
0x97: {  	s11 =	simm.s32 $0x14700  }
0x98: {  	[spmem:s2] =	stream.indirect.scatter.add.f32 [tilespmem:s28], [sflag:$0x5], $0x80, s11, s31, $0xb8;
	[tilespmem:$0x1DC00] =	vst v63  }
0x99: {  	_ =	swait.ge [sflag:s29], $0x3E80  }
0x9a: {  	[sflag:s29] =	ssyncset.done $0x0  }
0x9b: {  	s26 =	simm.s32 $0x14000;
	[sflag:s29] =	ssyncadd.s32 $0xFFFFC180  }
0x9c: {  	[tilespmem:s28], [sflag:$0x1] =	stream.indirect.gather [hbm4b:s1+s31], $0x80, s26, s31, $0xb8;
	[tilespmem:$0x1DC00] =	vst v63  }
0x9d: {  	_ =	swait.ge [sflag:s9], $0x3E80  }
0x9e: {  	[sflag:s9] =	ssyncset.done $0x0  }
0x9f: {  	s10 =	simm.s32 $0x14780;
	[sflag:s9] =	ssyncadd.s32 $0xFFFFC180  }
0xa0: {  	[spmem:s2] =	stream.indirect.scatter.add.f32 [tilespmem:s6], [sflag:$0x5], $0x80, s10, s31, $0xb8;
	[tilespmem:$0x1DC00] =	vst v63  }
0xa1: {  	_ =	swait.ge [sflag:s29], $0x3E80  }
0xa2: {  	[sflag:s29] =	ssyncset.done $0x0  }
0xa3: {  	[sflag:s29] =	ssyncadd.s32 $0xFFFFC180  }
0xa4: {  	_ =	swait.ge [sflag:s3], $0x3E80  }
0xa5: {  	[sflag:s3] =	ssyncset.done $0x0  }
0xa6: {  	s11 =	simm.s32 $0x14080;
	[sflag:s3] =	ssyncadd.s32 $0xFFFFC180  }
0xa7: {  	[tilespmem:s6], [sflag:$0x2] =	stream.indirect.gather [hbm4b:s1+s31], $0x80, s11, s31, $0xb8;
	[tilespmem:$0x1DC00] =	vst v63  }
0xa8: {  	s26 =	simm.s32 $0x14800  }
0xa9: {  	[spmem:s2] =	stream.indirect.scatter.add.f32 [tilespmem:s28], [sflag:$0x5], $0x80, s26, s31, $0xb8;
	[tilespmem:$0x1DC00] =	vst v63  }
0xaa: {  	_ =	swait.ge [sflag:s29], $0x3E80  }
0xab: {  	[sflag:s29] =	ssyncset.done $0x0  }
0xac: {  	s10 =	simm.s32 $0x14100;
	[sflag:s29] =	ssyncadd.s32 $0xFFFFC180  }
0xad: {  	[tilespmem:s28], [sflag:$0x1] =	stream.indirect.gather [hbm4b:s1+s31], $0x80, s10, s31, $0xb8;
	[tilespmem:$0x1DC00] =	vst v63  }
0xae: {  	_ =	swait.ge [sflag:s9], $0x3E80  }
0xaf: {  	[sflag:s9] =	ssyncset.done $0x0  }
0xb0: {  	s11 =	simm.s32 $0x14880;
	[sflag:s9] =	ssyncadd.s32 $0xFFFFC180  }
0xb1: {  	[spmem:s2] =	stream.indirect.scatter.add.f32 [tilespmem:s6], [sflag:$0x5], $0x80, s11, s31, $0xb8;
	[tilespmem:$0x1DC00] =	vst v63  }
0xb2: {  	_ =	swait.ge [sflag:s29], $0x3E80  }
0xb3: {  	[sflag:s29] =	ssyncset.done $0x0  }
0xb4: {  	[sflag:s29] =	ssyncadd.s32 $0xFFFFC180  }
0xb5: {  	_ =	swait.ge [sflag:s3], $0x3E80  }
0xb6: {  	[sflag:s3] =	ssyncset.done $0x0  }
0xb7: {  	s26 =	simm.s32 $0x14180;
	[sflag:s3] =	ssyncadd.s32 $0xFFFFC180  }
0xb8: {  	[tilespmem:s6], [sflag:$0x2] =	stream.indirect.gather [hbm4b:s1+s31], $0x80, s26, s31, $0xb8;
	[tilespmem:$0x1DC00] =	vst v63  }
0xb9: {  	s10 =	simm.s32 $0x14900  }
0xba: {  	[spmem:s2] =	stream.indirect.scatter.add.f32 [tilespmem:s28], [sflag:$0x5], $0x80, s10, s31, $0xb8;
	[tilespmem:$0x1DC00] =	vst v63  }
0xbb: {  	_ =	swait.ge [sflag:s29], $0x3E80  }
0xbc: {  	[sflag:s29] =	ssyncset.done $0x0  }
0xbd: {  	s11 =	simm.s32 $0x14200;
	[sflag:s29] =	ssyncadd.s32 $0xFFFFC180  }
0xbe: {  	[tilespmem:s28], [sflag:$0x1] =	stream.indirect.gather [hbm4b:s1+s31], $0x80, s11, s31, $0xb8;
	[tilespmem:$0x1DC00] =	vst v63  }
0xbf: {  	_ =	swait.ge [sflag:s9], $0x3E80  }
0xc0: {  	[sflag:s9] =	ssyncset.done $0x0  }
0xc1: {  	s26 =	simm.s32 $0x14980;
	[sflag:s9] =	ssyncadd.s32 $0xFFFFC180  }
0xc2: {  	[spmem:s2] =	stream.indirect.scatter.add.f32 [tilespmem:s6], [sflag:$0x5], $0x80, s26, s31, $0xb8;
	[tilespmem:$0x1DC00] =	vst v63  }
0xc3: {  	_ =	swait.ge [sflag:s29], $0x3E80  }
0xc4: {  	[sflag:s29] =	ssyncset.done $0x0  }
0xc5: {  	[sflag:s29] =	ssyncadd.s32 $0xFFFFC180  }
0xc6: {  	_ =	swait.ge [sflag:s3], $0x3E80  }
0xc7: {  	[sflag:s3] =	ssyncset.done $0x0  }
0xc8: {  	s10 =	simm.s32 $0x14280;
	[sflag:s3] =	ssyncadd.s32 $0xFFFFC180  }
0xc9: {  	[tilespmem:s6], [sflag:$0x2] =	stream.indirect.gather [hbm4b:s1+s31], $0x80, s10, s31, $0xb8;
	[tilespmem:$0x1DC00] =	vst v63  }
0xca: {  	s11 =	simm.s32 $0x14A00  }
0xcb: {  	[spmem:s2] =	stream.indirect.scatter.add.f32 [tilespmem:s28], [sflag:$0x5], $0x80, s11, s31, $0xb8;
	[tilespmem:$0x1DC00] =	vst v63  }
0xcc: {  	_ =	swait.ge [sflag:s29], $0x3E80  }
0xcd: {  	[sflag:s29] =	ssyncset.done $0x0  }
0xce: {  	s26 =	simm.s32 $0x14300;
	[sflag:s29] =	ssyncadd.s32 $0xFFFFC180  }
0xcf: {  	[tilespmem:s28], [sflag:$0x1] =	stream.indirect.gather [hbm4b:s1+s31], $0x80, s26, s31, $0xb8;
	[tilespmem:$0x1DC00] =	vst v63  }
0xd0: {  	_ =	swait.ge [sflag:s9], $0x3E80  }
0xd1: {  	[sflag:s9] =	ssyncset.done $0x0  }
0xd2: {  	s10 =	simm.s32 $0x14A80;
	[sflag:s9] =	ssyncadd.s32 $0xFFFFC180  }
0xd3: {  	[spmem:s2] =	stream.indirect.scatter.add.f32 [tilespmem:s6], [sflag:$0x5], $0x80, s10, s31, $0xb8;
	[tilespmem:$0x1DC00] =	vst v63  }
0xd4: {  	_ =	swait.ge [sflag:s29], $0x3E80  }
0xd5: {  	[sflag:s29] =	ssyncset.done $0x0  }
0xd6: {  	[sflag:s29] =	ssyncadd.s32 $0xFFFFC180  }
0xd7: {  	_ =	swait.ge [sflag:s3], $0x3E80  }
0xd8: {  	[sflag:s3] =	ssyncset.done $0x0  }
0xd9: {  	s11 =	simm.s32 $0x14380;
	[sflag:s3] =	ssyncadd.s32 $0xFFFFC180  }
0xda: {  	[tilespmem:s6], [sflag:$0x2] =	stream.indirect.gather [hbm4b:s1+s31], $0x80, s11, s31, $0xb8;
	[tilespmem:$0x1DC00] =	vst v63  }
0xdb: {  	s26 =	simm.s32 $0x14B00  }
0xdc: {  	[spmem:s2] =	stream.indirect.scatter.add.f32 [tilespmem:s28], [sflag:$0x5], $0x80, s26, s31, $0xb8;
	[tilespmem:$0x1DC00] =	vst v63  }
0xdd: {  	_ =	swait.ge [sflag:s29], $0x3E80  }
0xde: {  	[sflag:s29] =	ssyncset.done $0x0  }
0xdf: {  	s26 =	simm.s32 $0x14C00;
	[sflag:s29] =	ssyncadd.s32 $0xFFFFC180  }
0xe0: {  	[tilespmem:s28], [sflag:$0x1] =	stream.indirect.gather [hbm4b:s1+s31], $0x80, s26, s31, $0xb8;
	[tilespmem:$0x1DC00] =	vst v63  }
0xe1: {  	_ =	swait.ge [sflag:s9], $0x3E80  }
0xe2: {  	[sflag:s9] =	ssyncset.done $0x0  }
0xe3: {  	s10 =	simm.s32 $0x14B80;
	[sflag:s9] =	ssyncadd.s32 $0xFFFFC180  }
0xe4: {  	[spmem:s2] =	stream.indirect.scatter.add.f32 [tilespmem:s6], [sflag:$0x5], $0x80, s10, s31, $0xb8;
	[tilespmem:$0x1DC00] =	vst v63  }
0xe5: {  	_ =	swait.ge [sflag:s29], $0x3E80  }
0xe6: {  	[sflag:s29] =	ssyncset.done $0x0  }
0xe7: {  	s11 =	rddreg [dreg:$0xd];
	[sflag:s29] =	ssyncadd.s32 $0xFFFFC180  }
0xe8: {  	[tilespmem:s8], [sflag:$0x3] =	stream.linear.gather [hbm4b:s11+s4], $0x800, $0x38;
	[tilespmem:$0x1DC00] =	vst v63  }
0xe9: {  	s10 =	rddreg [dreg:$0xe];
	s11 =	simm.s32 $0x14400  }
0xea: {  	[tilespmem:s11], [sflag:$0x3] =	stream.linear.gather [hbm4b:s10+s4], $0x800, $0x38;
	[tilespmem:$0x1DC00] =	vst v63  }
0xeb: {  	_ =	swait.ge [sflag:s30], $0x800  }
0xec: {  	[sflag:s30] =	ssyncset.done $0x0  }
0xed: {  	[sflag:s30] =	ssyncadd.s32 $0xFFFFF800  }
0xee: {  	_ =	swait.ge [sflag:s30], $0x800  }
0xef: {  	[sflag:s30] =	ssyncset.done $0x0  }
0xf0: {  	[sflag:s30] =	ssyncadd.s32 $0xFFFFF800  }
0xf1: {  	_ =	swait.ge [sflag:s3], $0x3E80  }
0xf2: {  	[sflag:s3] =	ssyncset.done $0x0  }
0xf3: {  	s8 =	simm.s32 $0x14C80;
	[sflag:s3] =	ssyncadd.s32 $0xFFFFC180  }
0xf4: {  	[tilespmem:s6], [sflag:$0x2] =	stream.indirect.gather [hbm4b:s1+s31], $0x80, s8, s31, $0xb8;
	[tilespmem:$0x1DC00] =	vst v63  }
0xf5: {  	s8 =	simm.s32 $0x15400  }
0xf6: {  	[spmem:s2] =	stream.indirect.scatter.add.f32 [tilespmem:s28], [sflag:$0x5], $0x80, s8, s31, $0xb8;
	[tilespmem:$0x1DC00] =	vst v63  }
0xf7: {  	_ =	swait.ge [sflag:s29], $0x3E80  }
0xf8: {  	[sflag:s29] =	ssyncset.done $0x0  }
0xf9: {  	s11 =	simm.s32 $0x14D00;
	[sflag:s29] =	ssyncadd.s32 $0xFFFFC180  }
0xfa: {  	[tilespmem:s28], [sflag:$0x1] =	stream.indirect.gather [hbm4b:s1+s31], $0x80, s11, s31, $0xb8;
	[tilespmem:$0x1DC00] =	vst v63  }
0xfb: {  	_ =	swait.ge [sflag:s9], $0x3E80  }
0xfc: {  	[sflag:s9] =	ssyncset.done $0x0  }
0xfd: {  	[sflag:s9] =	ssyncadd.s32 $0xFFFFC180  }
0xfe: {  	[spmem:s2] =	stream.indirect.scatter.add.f32 [tilespmem:s6], [sflag:$0x5], $0x80, s12, s31, $0xb8;
	[tilespmem:$0x1DC00] =	vst v63  }
0xff: {  	_ =	swait.ge [sflag:s29], $0x3E80  }
0x100: {  	[sflag:s29] =	ssyncset.done $0x0  }
0x101: {  	[sflag:s29] =	ssyncadd.s32 $0xFFFFC180  }
0x102: {  	_ =	swait.ge [sflag:s3], $0x3E80  }
0x103: {  	[sflag:s3] =	ssyncset.done $0x0  }
0x104: {  	[sflag:s3] =	ssyncadd.s32 $0xFFFFC180  }
0x105: {  	[tilespmem:s6], [sflag:$0x2] =	stream.indirect.gather [hbm4b:s1+s31], $0x80, s13, s31, $0xb8;
	[tilespmem:$0x1DC00] =	vst v63  }
0x106: {  	_ = 	snop  }
0x107: {  	[spmem:s2] =	stream.indirect.scatter.add.f32 [tilespmem:s28], [sflag:$0x5], $0x80, s14, s31, $0xb8;
	[tilespmem:$0x1DC00] =	vst v63  }
0x108: {  	_ =	swait.ge [sflag:s29], $0x3E80  }
0x109: {  	[sflag:s29] =	ssyncset.done $0x0  }
0x10a: {  	[sflag:s29] =	ssyncadd.s32 $0xFFFFC180  }
0x10b: {  	[tilespmem:s28], [sflag:$0x1] =	stream.indirect.gather [hbm4b:s1+s31], $0x80, s15, s31, $0xb8;
	[tilespmem:$0x1DC00] =	vst v63  }
0x10c: {  	_ =	swait.ge [sflag:s9], $0x3E80  }
0x10d: {  	[sflag:s9] =	ssyncset.done $0x0  }
0x10e: {  	[sflag:s9] =	ssyncadd.s32 $0xFFFFC180  }
0x10f: {  	[spmem:s2] =	stream.indirect.scatter.add.f32 [tilespmem:s6], [sflag:$0x5], $0x80, s16, s31, $0xb8;
	[tilespmem:$0x1DC00] =	vst v63  }
0x110: {  	_ =	swait.ge [sflag:s29], $0x3E80  }
0x111: {  	[sflag:s29] =	ssyncset.done $0x0  }
0x112: {  	[sflag:s29] =	ssyncadd.s32 $0xFFFFC180  }
0x113: {  	_ =	swait.ge [sflag:s3], $0x3E80  }
0x114: {  	[sflag:s3] =	ssyncset.done $0x0  }
0x115: {  	[sflag:s3] =	ssyncadd.s32 $0xFFFFC180  }
0x116: {  	[tilespmem:s6], [sflag:$0x2] =	stream.indirect.gather [hbm4b:s1+s31], $0x80, s17, s31, $0xb8;
	[tilespmem:$0x1DC00] =	vst v63  }
0x117: {  	_ = 	snop  }
0x118: {  	[spmem:s2] =	stream.indirect.scatter.add.f32 [tilespmem:s28], [sflag:$0x5], $0x80, s18, s31, $0xb8;
	[tilespmem:$0x1DC00] =	vst v63  }
0x119: {  	_ =	swait.ge [sflag:s29], $0x3E80  }
0x11a: {  	[sflag:s29] =	ssyncset.done $0x0  }
0x11b: {  	[sflag:s29] =	ssyncadd.s32 $0xFFFFC180  }
0x11c: {  	[tilespmem:s28], [sflag:$0x1] =	stream.indirect.gather [hbm4b:s1+s31], $0x80, s19, s31, $0xb8;
	[tilespmem:$0x1DC00] =	vst v63  }
0x11d: {  	_ =	swait.ge [sflag:s9], $0x3E80  }
0x11e: {  	[sflag:s9] =	ssyncset.done $0x0  }
0x11f: {  	[sflag:s9] =	ssyncadd.s32 $0xFFFFC180  }
0x120: {  	[spmem:s2] =	stream.indirect.scatter.add.f32 [tilespmem:s6], [sflag:$0x5], $0x80, s20, s31, $0xb8;
	[tilespmem:$0x1DC00] =	vst v63  }
0x121: {  	_ =	swait.ge [sflag:s29], $0x3E80  }
0x122: {  	[sflag:s29] =	ssyncset.done $0x0  }
0x123: {  	[sflag:s29] =	ssyncadd.s32 $0xFFFFC180  }
0x124: {  	_ =	swait.ge [sflag:s3], $0x3E80  }
0x125: {  	[sflag:s3] =	ssyncset.done $0x0  }
0x126: {  	[sflag:s3] =	ssyncadd.s32 $0xFFFFC180  }
0x127: {  	[tilespmem:s6], [sflag:$0x2] =	stream.indirect.gather [hbm4b:s1+s31], $0x80, s21, s31, $0xb8;
	[tilespmem:$0x1DC00] =	vst v63  }
0x128: {  	_ = 	snop  }
0x129: {  	[spmem:s2] =	stream.indirect.scatter.add.f32 [tilespmem:s28], [sflag:$0x5], $0x80, s22, s31, $0xb8;
	[tilespmem:$0x1DC00] =	vst v63  }
0x12a: {  	_ =	swait.ge [sflag:s29], $0x3E80  }
0x12b: {  	[sflag:s29] =	ssyncset.done $0x0  }
0x12c: {  	[sflag:s29] =	ssyncadd.s32 $0xFFFFC180  }
0x12d: {  	[tilespmem:s28], [sflag:$0x1] =	stream.indirect.gather [hbm4b:s1+s31], $0x80, s23, s31, $0xb8;
	[tilespmem:$0x1DC00] =	vst v63  }
0x12e: {  	_ =	swait.ge [sflag:s9], $0x3E80  }
0x12f: {  	[sflag:s9] =	ssyncset.done $0x0  }
0x130: {  	[sflag:s9] =	ssyncadd.s32 $0xFFFFC180  }
0x131: {  	[spmem:s2] =	stream.indirect.scatter.add.f32 [tilespmem:s6], [sflag:$0x5], $0x80, s24, s31, $0xb8;
	[tilespmem:$0x1DC00] =	vst v63  }
0x132: {  	_ =	swait.ge [sflag:s29], $0x3E80  }
0x133: {  	[sflag:s29] =	ssyncset.done $0x0  }
0x134: {  	[sflag:s29] =	ssyncadd.s32 $0xFFFFC180  }
0x135: {  	_ =	swait.ge [sflag:s3], $0x3E80  }
0x136: {  	[sflag:s3] =	ssyncset.done $0x0  }
0x137: {  	[sflag:s3] =	ssyncadd.s32 $0xFFFFC180  }
0x138: {  	[tilespmem:s6], [sflag:$0x2] =	stream.indirect.gather [hbm4b:s1+s31], $0x80, s25, s31, $0xb8;
	[tilespmem:$0x1DC00] =	vst v63  }
0x139: {  	s10 =	simm.s32 $0x15800  }
0x13a: {  	[spmem:s2] =	stream.indirect.scatter.add.f32 [tilespmem:s28], [sflag:$0x5], $0x80, s10, s31, $0xb8;
	[tilespmem:$0x1DC00] =	vst v63  }
0x13b: {  	_ =	swait.ge [sflag:s29], $0x3E80  }
0x13c: {  	[sflag:s29] =	ssyncset.done $0x0  }
0x13d: {  	s10 =	simm.s32 $0x15100;
	[sflag:s29] =	ssyncadd.s32 $0xFFFFC180  }
0x13e: {  	[tilespmem:s28], [sflag:$0x1] =	stream.indirect.gather [hbm4b:s1+s31], $0x80, s10, s31, $0xb8;
	[tilespmem:$0x1DC00] =	vst v63  }
0x13f: {  	_ =	swait.ge [sflag:s9], $0x3E80  }
0x140: {  	[sflag:s9] =	ssyncset.done $0x0  }
0x141: {  	s10 =	simm.s32 $0x15880;
	[sflag:s9] =	ssyncadd.s32 $0xFFFFC180  }
0x142: {  	[spmem:s2] =	stream.indirect.scatter.add.f32 [tilespmem:s6], [sflag:$0x5], $0x80, s10, s31, $0xb8;
	[tilespmem:$0x1DC00] =	vst v63  }
0x143: {  	_ =	swait.ge [sflag:s29], $0x3E80  }
0x144: {  	[sflag:s29] =	ssyncset.done $0x0  }
0x145: {  	[sflag:s29] =	ssyncadd.s32 $0xFFFFC180  }
0x146: {  	_ =	swait.ge [sflag:s3], $0x3E80  }
0x147: {  	[sflag:s3] =	ssyncset.done $0x0  }
0x148: {  	s10 =	simm.s32 $0x15180;
	[sflag:s3] =	ssyncadd.s32 $0xFFFFC180  }
0x149: {  	[tilespmem:s6], [sflag:$0x2] =	stream.indirect.gather [hbm4b:s1+s31], $0x80, s10, s31, $0xb8;
	[tilespmem:$0x1DC00] =	vst v63  }
0x14a: {  	s10 =	simm.s32 $0x15900  }
0x14b: {  	[spmem:s2] =	stream.indirect.scatter.add.f32 [tilespmem:s28], [sflag:$0x5], $0x80, s10, s31, $0xb8;
	[tilespmem:$0x1DC00] =	vst v63  }
0x14c: {  	_ =	swait.ge [sflag:s29], $0x3E80  }
0x14d: {  	[sflag:s29] =	ssyncset.done $0x0  }
0x14e: {  	s10 =	simm.s32 $0x15200;
	[sflag:s29] =	ssyncadd.s32 $0xFFFFC180  }
0x14f: {  	[tilespmem:s28], [sflag:$0x1] =	stream.indirect.gather [hbm4b:s1+s31], $0x80, s10, s31, $0xb8;
	[tilespmem:$0x1DC00] =	vst v63  }
0x150: {  	_ =	swait.ge [sflag:s9], $0x3E80  }
0x151: {  	[sflag:s9] =	ssyncset.done $0x0  }
0x152: {  	s10 =	simm.s32 $0x15980;
	[sflag:s9] =	ssyncadd.s32 $0xFFFFC180  }
0x153: {  	[spmem:s2] =	stream.indirect.scatter.add.f32 [tilespmem:s6], [sflag:$0x5], $0x80, s10, s31, $0xb8;
	[tilespmem:$0x1DC00] =	vst v63  }
0x154: {  	_ =	swait.ge [sflag:s29], $0x3E80  }
0x155: {  	[sflag:s29] =	ssyncset.done $0x0  }
0x156: {  	[sflag:s29] =	ssyncadd.s32 $0xFFFFC180  }
0x157: {  	_ =	swait.ge [sflag:s3], $0x3E80  }
0x158: {  	[sflag:s3] =	ssyncset.done $0x0  }
0x159: {  	s10 =	simm.s32 $0x15280;
	[sflag:s3] =	ssyncadd.s32 $0xFFFFC180  }
0x15a: {  	[tilespmem:s6], [sflag:$0x2] =	stream.indirect.gather [hbm4b:s1+s31], $0x80, s10, s31, $0xb8;
	[tilespmem:$0x1DC00] =	vst v63  }
0x15b: {  	s10 =	simm.s32 $0x15A00  }
0x15c: {  	[spmem:s2] =	stream.indirect.scatter.add.f32 [tilespmem:s28], [sflag:$0x5], $0x80, s10, s31, $0xb8;
	[tilespmem:$0x1DC00] =	vst v63  }
0x15d: {  	_ =	swait.ge [sflag:s29], $0x3E80  }
0x15e: {  	[sflag:s29] =	ssyncset.done $0x0  }
0x15f: {  	s10 =	simm.s32 $0x15300;
	[sflag:s29] =	ssyncadd.s32 $0xFFFFC180  }
0x160: {  	[tilespmem:s28], [sflag:$0x1] =	stream.indirect.gather [hbm4b:s1+s31], $0x80, s10, s31, $0xb8;
	[tilespmem:$0x1DC00] =	vst v63  }
0x161: {  	_ =	swait.ge [sflag:s9], $0x3E80  }
0x162: {  	[sflag:s9] =	ssyncset.done $0x0  }
0x163: {  	s10 =	simm.s32 $0x15A80;
	[sflag:s9] =	ssyncadd.s32 $0xFFFFC180  }
0x164: {  	[spmem:s2] =	stream.indirect.scatter.add.f32 [tilespmem:s6], [sflag:$0x5], $0x80, s10, s31, $0xb8;
	[tilespmem:$0x1DC00] =	vst v63  }
0x165: {  	_ =	swait.ge [sflag:s29], $0x3E80  }
0x166: {  	[sflag:s29] =	ssyncset.done $0x0  }
0x167: {  	[sflag:s29] =	ssyncadd.s32 $0xFFFFC180  }
0x168: {  	_ =	swait.ge [sflag:s3], $0x3E80  }
0x169: {  	[sflag:s3] =	ssyncset.done $0x0  }
0x16a: {  	s10 =	simm.s32 $0x15380;
	[sflag:s3] =	ssyncadd.s32 $0xFFFFC180  }
0x16b: {  	[tilespmem:s6], [sflag:$0x2] =	stream.indirect.gather [hbm4b:s1+s31], $0x80, s10, s31, $0xb8;
	[tilespmem:$0x1DC00] =	vst v63  }
0x16c: {  	s10 =	simm.s32 $0x15B00  }
0x16d: {  	[spmem:s2] =	stream.indirect.scatter.add.f32 [tilespmem:s28], [sflag:$0x5], $0x80, s10, s31, $0xb8;
	[tilespmem:$0x1DC00] =	vst v63  }
0x16e: {  	_ =	swait.ge [sflag:s29], $0x3E80  }
0x16f: {  	[sflag:s29] =	ssyncset.done $0x0  }
0x170: {  	s7 =	simm.s32 $0x13C00;
	[sflag:s29] =	ssyncadd.s32 $0xFFFFC180  }
0x171: {  	[tilespmem:s28], [sflag:$0x1] =	stream.indirect.gather [hbm4b:s1+s31], $0x80, s7, s31, $0xb8;
	[tilespmem:$0x1DC00] =	vst v63  }
0x172: {  	_ =	swait.ge [sflag:s9], $0x3E80  }
0x173: {  	[sflag:s9] =	ssyncset.done $0x0  }
0x174: {  	s10 =	simm.s32 $0x15B80;
	[sflag:s9] =	ssyncadd.s32 $0xFFFFC180  }
0x175: {  	[spmem:s2] =	stream.indirect.scatter.add.f32 [tilespmem:s6], [sflag:$0x5], $0x80, s10, s31, $0xb8;
	[tilespmem:$0x1DC00] =	vst v63  }
0x176: {  	_ =	swait.ge [sflag:s29], $0x3E80  }
0x177: {  	[sflag:s29] =	ssyncset.done $0x0  }
0x178: {  	s10 =	rddreg [dreg:$0xf];
	[sflag:s29] =	ssyncadd.s32 $0xFFFFC180  }
0x179: {  	[tilespmem:s26], [sflag:$0x4] =	stream.linear.gather [hbm4b:s10+s4], $0x800, $0x38;
	[tilespmem:$0x1DC00] =	vst v63  }
0x17a: {  	s10 =	rddreg [dreg:$0x10]  }
0x17b: {  	[tilespmem:s8], [sflag:$0x4] =	stream.linear.gather [hbm4b:s10+s4], $0x800, $0x38;
	[tilespmem:$0x1DC00] =	vst v63  }
0x17c: {  	_ =	swait.ge [sflag:s0], $0x800  }
0x17d: {  	[sflag:s0] =	ssyncset.done $0x0  }
0x17e: {  	[sflag:s0] =	ssyncadd.s32 $0xFFFFF800  }
0x17f: {  	_ =	swait.ge [sflag:s0], $0x800  }
0x180: {  	[sflag:s0] =	ssyncset.done $0x0  }
0x181: {  	[sflag:s0] =	ssyncadd.s32 $0xFFFFF800  }
0x182: {  	_ =	swait.ge [sflag:s3], $0x3E80  }
0x183: {  	[sflag:s3] =	ssyncset.done $0x0  }
0x184: {  	s10 =	simm.s32 $0x13C80;
	[sflag:s3] =	ssyncadd.s32 $0xFFFFC180  }
0x185: {  	[tilespmem:s6], [sflag:$0x2] =	stream.indirect.gather [hbm4b:s1+s31], $0x80, s10, s31, $0xb8;
	[tilespmem:$0x1DC00] =	vst v63  }
0x186: {  	s10 =	simm.s32 $0x14400  }
0x187: {  	[spmem:s2] =	stream.indirect.scatter.add.f32 [tilespmem:s28], [sflag:$0x5], $0x80, s10, s31, $0xb8;
	[tilespmem:$0x1DC00] =	vst v63  }
0x188: {  	_ =	swait.ge [sflag:s29], $0x3E80  }
0x189: {  	[sflag:s29] =	ssyncset.done $0x0  }
0x18a: {  	s10 =	simm.s32 $0x13D00;
	[sflag:s29] =	ssyncadd.s32 $0xFFFFC180  }
0x18b: {  	[tilespmem:s28], [sflag:$0x1] =	stream.indirect.gather [hbm4b:s1+s31], $0x80, s10, s31, $0xb8;
	[tilespmem:$0x1DC00] =	vst v63  }
0x18c: {  	_ =	swait.ge [sflag:s9], $0x3E80  }
0x18d: {  	[sflag:s9] =	ssyncset.done $0x0  }
0x18e: {  	s10 =	simm.s32 $0x14480;
	[sflag:s9] =	ssyncadd.s32 $0xFFFFC180  }
0x18f: {  	[spmem:s2] =	stream.indirect.scatter.add.f32 [tilespmem:s6], [sflag:$0x5], $0x80, s10, s31, $0xb8;
	[tilespmem:$0x1DC00] =	vst v63  }
0x190: {  	_ =	swait.ge [sflag:s29], $0x3E80  }
0x191: {  	[sflag:s29] =	ssyncset.done $0x0  }
0x192: {  	[sflag:s29] =	ssyncadd.s32 $0xFFFFC180  }
0x193: {  	_ =	swait.ge [sflag:s3], $0x3E80  }
0x194: {  	[sflag:s3] =	ssyncset.done $0x0  }
0x195: {  	s10 =	simm.s32 $0x13D80;
	[sflag:s3] =	ssyncadd.s32 $0xFFFFC180  }
0x196: {  	[tilespmem:s6], [sflag:$0x2] =	stream.indirect.gather [hbm4b:s1+s31], $0x80, s10, s31, $0xb8;
	[tilespmem:$0x1DC00] =	vst v63  }
0x197: {  	s10 =	simm.s32 $0x14500  }
0x198: {  	[spmem:s2] =	stream.indirect.scatter.add.f32 [tilespmem:s28], [sflag:$0x5], $0x80, s10, s31, $0xb8;
	[tilespmem:$0x1DC00] =	vst v63  }
0x199: {  	_ =	swait.ge [sflag:s29], $0x3E80  }
0x19a: {  	[sflag:s29] =	ssyncset.done $0x0  }
0x19b: {  	s10 =	simm.s32 $0x13E00;
	[sflag:s29] =	ssyncadd.s32 $0xFFFFC180  }
0x19c: {  	[tilespmem:s28], [sflag:$0x1] =	stream.indirect.gather [hbm4b:s1+s31], $0x80, s10, s31, $0xb8;
	[tilespmem:$0x1DC00] =	vst v63  }
0x19d: {  	_ =	swait.ge [sflag:s9], $0x3E80  }
0x19e: {  	[sflag:s9] =	ssyncset.done $0x0  }
0x19f: {  	s10 =	simm.s32 $0x14580;
	[sflag:s9] =	ssyncadd.s32 $0xFFFFC180  }
0x1a0: {  	[spmem:s2] =	stream.indirect.scatter.add.f32 [tilespmem:s6], [sflag:$0x5], $0x80, s10, s31, $0xb8;
	[tilespmem:$0x1DC00] =	vst v63  }
0x1a1: {  	_ =	swait.ge [sflag:s29], $0x3E80  }
0x1a2: {  	[sflag:s29] =	ssyncset.done $0x0  }
0x1a3: {  	[sflag:s29] =	ssyncadd.s32 $0xFFFFC180  }
0x1a4: {  	_ =	swait.ge [sflag:s3], $0x3E80  }
0x1a5: {  	[sflag:s3] =	ssyncset.done $0x0  }
0x1a6: {  	s10 =	simm.s32 $0x13E80;
	[sflag:s3] =	ssyncadd.s32 $0xFFFFC180  }
0x1a7: {  	[tilespmem:s6], [sflag:$0x2] =	stream.indirect.gather [hbm4b:s1+s31], $0x80, s10, s31, $0xb8;
	[tilespmem:$0x1DC00] =	vst v63  }
0x1a8: {  	s10 =	simm.s32 $0x14600  }
0x1a9: {  	[spmem:s2] =	stream.indirect.scatter.add.f32 [tilespmem:s28], [sflag:$0x5], $0x80, s10, s31, $0xb8;
	[tilespmem:$0x1DC00] =	vst v63  }
0x1aa: {  	_ =	swait.ge [sflag:s29], $0x3E80  }
0x1ab: {  	[sflag:s29] =	ssyncset.done $0x0  }
0x1ac: {  	s10 =	simm.s32 $0x13F00;
	[sflag:s29] =	ssyncadd.s32 $0xFFFFC180  }
0x1ad: {  	[tilespmem:s28], [sflag:$0x1] =	stream.indirect.gather [hbm4b:s1+s31], $0x80, s10, s31, $0xb8;
	[tilespmem:$0x1DC00] =	vst v63  }
0x1ae: {  	_ =	swait.ge [sflag:s9], $0x3E80  }
0x1af: {  	[sflag:s9] =	ssyncset.done $0x0  }
0x1b0: {  	s10 =	simm.s32 $0x14680;
	[sflag:s9] =	ssyncadd.s32 $0xFFFFC180  }
0x1b1: {  	[spmem:s2] =	stream.indirect.scatter.add.f32 [tilespmem:s6], [sflag:$0x5], $0x80, s10, s31, $0xb8;
	[tilespmem:$0x1DC00] =	vst v63  }
0x1b2: {  	_ =	swait.ge [sflag:s29], $0x3E80  }
0x1b3: {  	[sflag:s29] =	ssyncset.done $0x0  }
0x1b4: {  	[sflag:s29] =	ssyncadd.s32 $0xFFFFC180  }
0x1b5: {  	_ =	swait.ge [sflag:s3], $0x3E80  }
0x1b6: {  	[sflag:s3] =	ssyncset.done $0x0  }
0x1b7: {  	s10 =	simm.s32 $0x13F80;
	[sflag:s3] =	ssyncadd.s32 $0xFFFFC180  }
0x1b8: {  	[tilespmem:s6], [sflag:$0x2] =	stream.indirect.gather [hbm4b:s1+s31], $0x80, s10, s31, $0xb8;
	[tilespmem:$0x1DC00] =	vst v63  }
0x1b9: {  	s10 =	simm.s32 $0x14700  }
0x1ba: {  	[spmem:s2] =	stream.indirect.scatter.add.f32 [tilespmem:s28], [sflag:$0x5], $0x80, s10, s31, $0xb8;
	[tilespmem:$0x1DC00] =	vst v63  }
0x1bb: {  	_ =	swait.ge [sflag:s29], $0x3E80  }
0x1bc: {  	[sflag:s29] =	ssyncset.done $0x0  }
0x1bd: {  	s10 =	simm.s32 $0x14000;
	[sflag:s29] =	ssyncadd.s32 $0xFFFFC180  }
0x1be: {  	[tilespmem:s28], [sflag:$0x1] =	stream.indirect.gather [hbm4b:s1+s31], $0x80, s10, s31, $0xb8;
	[tilespmem:$0x1DC00] =	vst v63  }
0x1bf: {  	_ =	swait.ge [sflag:s9], $0x3E80  }
0x1c0: {  	[sflag:s9] =	ssyncset.done $0x0  }
0x1c1: {  	s10 =	simm.s32 $0x14780;
	[sflag:s9] =	ssyncadd.s32 $0xFFFFC180  }
0x1c2: {  	[spmem:s2] =	stream.indirect.scatter.add.f32 [tilespmem:s6], [sflag:$0x5], $0x80, s10, s31, $0xb8;
	[tilespmem:$0x1DC00] =	vst v63  }
0x1c3: {  	_ =	swait.ge [sflag:s29], $0x3E80  }
0x1c4: {  	[sflag:s29] =	ssyncset.done $0x0  }
0x1c5: {  	[sflag:s29] =	ssyncadd.s32 $0xFFFFC180  }
0x1c6: {  	_ =	swait.ge [sflag:s3], $0x3E80  }
0x1c7: {  	[sflag:s3] =	ssyncset.done $0x0  }
0x1c8: {  	s10 =	simm.s32 $0x14080;
	[sflag:s3] =	ssyncadd.s32 $0xFFFFC180  }
0x1c9: {  	[tilespmem:s6], [sflag:$0x2] =	stream.indirect.gather [hbm4b:s1+s31], $0x80, s10, s31, $0xb8;
	[tilespmem:$0x1DC00] =	vst v63  }
0x1ca: {  	s10 =	simm.s32 $0x14800  }
0x1cb: {  	[spmem:s2] =	stream.indirect.scatter.add.f32 [tilespmem:s28], [sflag:$0x5], $0x80, s10, s31, $0xb8;
	[tilespmem:$0x1DC00] =	vst v63  }
0x1cc: {  	_ =	swait.ge [sflag:s29], $0x3E80  }
0x1cd: {  	[sflag:s29] =	ssyncset.done $0x0  }
0x1ce: {  	s10 =	simm.s32 $0x14100;
	[sflag:s29] =	ssyncadd.s32 $0xFFFFC180  }
0x1cf: {  	[tilespmem:s28], [sflag:$0x1] =	stream.indirect.gather [hbm4b:s1+s31], $0x80, s10, s31, $0xb8;
	[tilespmem:$0x1DC00] =	vst v63  }
0x1d0: {  	_ =	swait.ge [sflag:s9], $0x3E80  }
0x1d1: {  	[sflag:s9] =	ssyncset.done $0x0  }
0x1d2: {  	s10 =	simm.s32 $0x14880;
	[sflag:s9] =	ssyncadd.s32 $0xFFFFC180  }
0x1d3: {  	[spmem:s2] =	stream.indirect.scatter.add.f32 [tilespmem:s6], [sflag:$0x5], $0x80, s10, s31, $0xb8;
	[tilespmem:$0x1DC00] =	vst v63  }
0x1d4: {  	_ =	swait.ge [sflag:s29], $0x3E80  }
0x1d5: {  	[sflag:s29] =	ssyncset.done $0x0  }
0x1d6: {  	[sflag:s29] =	ssyncadd.s32 $0xFFFFC180  }
0x1d7: {  	_ =	swait.ge [sflag:s3], $0x3E80  }
0x1d8: {  	[sflag:s3] =	ssyncset.done $0x0  }
0x1d9: {  	s10 =	simm.s32 $0x14180;
	[sflag:s3] =	ssyncadd.s32 $0xFFFFC180  }
0x1da: {  	[tilespmem:s6], [sflag:$0x2] =	stream.indirect.gather [hbm4b:s1+s31], $0x80, s10, s31, $0xb8;
	[tilespmem:$0x1DC00] =	vst v63  }
0x1db: {  	s10 =	simm.s32 $0x14900  }
0x1dc: {  	[spmem:s2] =	stream.indirect.scatter.add.f32 [tilespmem:s28], [sflag:$0x5], $0x80, s10, s31, $0xb8;
	[tilespmem:$0x1DC00] =	vst v63  }
0x1dd: {  	_ =	swait.ge [sflag:s29], $0x3E80  }
0x1de: {  	[sflag:s29] =	ssyncset.done $0x0  }
0x1df: {  	s10 =	simm.s32 $0x14200;
	[sflag:s29] =	ssyncadd.s32 $0xFFFFC180  }
0x1e0: {  	[tilespmem:s28], [sflag:$0x1] =	stream.indirect.gather [hbm4b:s1+s31], $0x80, s10, s31, $0xb8;
	[tilespmem:$0x1DC00] =	vst v63  }
0x1e1: {  	_ =	swait.ge [sflag:s9], $0x3E80  }
0x1e2: {  	[sflag:s9] =	ssyncset.done $0x0  }
0x1e3: {  	s10 =	simm.s32 $0x14980;
	[sflag:s9] =	ssyncadd.s32 $0xFFFFC180  }
0x1e4: {  	[spmem:s2] =	stream.indirect.scatter.add.f32 [tilespmem:s6], [sflag:$0x5], $0x80, s10, s31, $0xb8;
	[tilespmem:$0x1DC00] =	vst v63  }
0x1e5: {  	_ =	swait.ge [sflag:s29], $0x3E80  }
0x1e6: {  	[sflag:s29] =	ssyncset.done $0x0  }
0x1e7: {  	[sflag:s29] =	ssyncadd.s32 $0xFFFFC180  }
0x1e8: {  	_ =	swait.ge [sflag:s3], $0x3E80  }
0x1e9: {  	[sflag:s3] =	ssyncset.done $0x0  }
0x1ea: {  	s10 =	simm.s32 $0x14280;
	[sflag:s3] =	ssyncadd.s32 $0xFFFFC180  }
0x1eb: {  	[tilespmem:s6], [sflag:$0x2] =	stream.indirect.gather [hbm4b:s1+s31], $0x80, s10, s31, $0xb8;
	[tilespmem:$0x1DC00] =	vst v63  }
0x1ec: {  	s10 =	simm.s32 $0x14A00  }
0x1ed: {  	[spmem:s2] =	stream.indirect.scatter.add.f32 [tilespmem:s28], [sflag:$0x5], $0x80, s10, s31, $0xb8;
	[tilespmem:$0x1DC00] =	vst v63  }
0x1ee: {  	_ =	swait.ge [sflag:s29], $0x3E80  }
0x1ef: {  	[sflag:s29] =	ssyncset.done $0x0  }
0x1f0: {  	s10 =	simm.s32 $0x14300;
	[sflag:s29] =	ssyncadd.s32 $0xFFFFC180  }
0x1f1: {  	[tilespmem:s28], [sflag:$0x1] =	stream.indirect.gather [hbm4b:s1+s31], $0x80, s10, s31, $0xb8;
	[tilespmem:$0x1DC00] =	vst v63  }
0x1f2: {  	_ =	swait.ge [sflag:s9], $0x3E80  }
0x1f3: {  	[sflag:s9] =	ssyncset.done $0x0  }
0x1f4: {  	s10 =	simm.s32 $0x14A80;
	[sflag:s9] =	ssyncadd.s32 $0xFFFFC180  }
0x1f5: {  	[spmem:s2] =	stream.indirect.scatter.add.f32 [tilespmem:s6], [sflag:$0x5], $0x80, s10, s31, $0xb8;
	[tilespmem:$0x1DC00] =	vst v63  }
0x1f6: {  	_ =	swait.ge [sflag:s29], $0x3E80  }
0x1f7: {  	[sflag:s29] =	ssyncset.done $0x0  }
0x1f8: {  	[sflag:s29] =	ssyncadd.s32 $0xFFFFC180  }
0x1f9: {  	_ =	swait.ge [sflag:s3], $0x3E80  }
0x1fa: {  	[sflag:s3] =	ssyncset.done $0x0  }
0x1fb: {  	s10 =	simm.s32 $0x14380;
	[sflag:s3] =	ssyncadd.s32 $0xFFFFC180  }
0x1fc: {  	[tilespmem:s6], [sflag:$0x2] =	stream.indirect.gather [hbm4b:s1+s31], $0x80, s10, s31, $0xb8;
	[tilespmem:$0x1DC00] =	vst v63  }
0x1fd: {  	s10 =	simm.s32 $0x14B00  }
0x1fe: {  	[spmem:s2] =	stream.indirect.scatter.add.f32 [tilespmem:s28], [sflag:$0x5], $0x80, s10, s31, $0xb8;
	[tilespmem:$0x1DC00] =	vst v63  }
0x1ff: {  	_ =	swait.ge [sflag:s29], $0x3E80  }
0x200: {  	[sflag:s29] =	ssyncset.done $0x0  }
0x201: {  	[sflag:s29] =	ssyncadd.s32 $0xFFFFC180  }
0x202: {  	[tilespmem:s28], [sflag:$0x1] =	stream.indirect.gather [hbm4b:s1+s31], $0x80, s26, s31, $0xb8;
	[tilespmem:$0x1DC00] =	vst v63  }
0x203: {  	_ =	swait.ge [sflag:s9], $0x3E80  }
0x204: {  	[sflag:s9] =	ssyncset.done $0x0  }
0x205: {  	s10 =	simm.s32 $0x14B80;
	[sflag:s9] =	ssyncadd.s32 $0xFFFFC180  }
0x206: {  	[spmem:s2] =	stream.indirect.scatter.add.f32 [tilespmem:s6], [sflag:$0x5], $0x80, s10, s31, $0xb8;
	[tilespmem:$0x1DC00] =	vst v63  }
0x207: {  	_ =	swait.ge [sflag:s29], $0x3E80  }
0x208: {  	[sflag:s29] =	ssyncset.done $0x0  }
0x209: {  	s8 =	simm.s32 $0x13C00;
	s10 =	rddreg [dreg:$0x11];
	[sflag:s29] =	ssyncadd.s32 $0xFFFFC180  }
0x20a: {  	[tilespmem:s8], [sflag:$0x3] =	stream.linear.gather [hbm4b:s10+s4], $0x800, $0x38;
	[tilespmem:$0x1DC00] =	vst v63  }
0x20b: {  	s7 =	rddreg [dreg:$0x12];
	s10 =	simm.s32 $0x14400  }
0x20c: {  	[tilespmem:s10], [sflag:$0x3] =	stream.linear.gather [hbm4b:s7+s4], $0x800, $0x38;
	[tilespmem:$0x1DC00] =	vst v63  }
0x20d: {  	_ =	swait.ge [sflag:s30], $0x800  }
0x20e: {  	[sflag:s30] =	ssyncset.done $0x0  }
0x20f: {  	[sflag:s30] =	ssyncadd.s32 $0xFFFFF800  }
0x210: {  	_ =	swait.ge [sflag:s30], $0x800  }
0x211: {  	[sflag:s30] =	ssyncset.done $0x0  }
0x212: {  	[sflag:s30] =	ssyncadd.s32 $0xFFFFF800  }
0x213: {  	_ =	swait.ge [sflag:s3], $0x3E80  }
0x214: {  	[sflag:s3] =	ssyncset.done $0x0  }
0x215: {  	s10 =	simm.s32 $0x14C80;
	[sflag:s3] =	ssyncadd.s32 $0xFFFFC180  }
0x216: {  	[tilespmem:s6], [sflag:$0x2] =	stream.indirect.gather [hbm4b:s1+s31], $0x80, s10, s31, $0xb8;
	[tilespmem:$0x1DC00] =	vst v63  }
0x217: {  	s26 =	simm.s32 $0x15400  }
0x218: {  	[spmem:s2] =	stream.indirect.scatter.add.f32 [tilespmem:s28], [sflag:$0x5], $0x80, s26, s31, $0xb8;
	[tilespmem:$0x1DC00] =	vst v63  }
0x219: {  	_ =	swait.ge [sflag:s29], $0x3E80  }
0x21a: {  	[sflag:s29] =	ssyncset.done $0x0  }
0x21b: {  	[sflag:s29] =	ssyncadd.s32 $0xFFFFC180  }
0x21c: {  	[tilespmem:s28], [sflag:$0x1] =	stream.indirect.gather [hbm4b:s1+s31], $0x80, s11, s31, $0xb8;
	[tilespmem:$0x1DC00] =	vst v63  }
0x21d: {  	_ =	swait.ge [sflag:s9], $0x3E80  }
0x21e: {  	[sflag:s9] =	ssyncset.done $0x0  }
0x21f: {  	[sflag:s9] =	ssyncadd.s32 $0xFFFFC180  }
0x220: {  	[spmem:s2] =	stream.indirect.scatter.add.f32 [tilespmem:s6], [sflag:$0x5], $0x80, s12, s31, $0xb8;
	[tilespmem:$0x1DC00] =	vst v63  }
0x221: {  	_ =	swait.ge [sflag:s29], $0x3E80  }
0x222: {  	[sflag:s29] =	ssyncset.done $0x0  }
0x223: {  	[sflag:s29] =	ssyncadd.s32 $0xFFFFC180  }
0x224: {  	_ =	swait.ge [sflag:s3], $0x3E80  }
0x225: {  	[sflag:s3] =	ssyncset.done $0x0  }
0x226: {  	[sflag:s3] =	ssyncadd.s32 $0xFFFFC180  }
0x227: {  	[tilespmem:s6], [sflag:$0x2] =	stream.indirect.gather [hbm4b:s1+s31], $0x80, s13, s31, $0xb8;
	[tilespmem:$0x1DC00] =	vst v63  }
0x228: {  	_ = 	snop  }
0x229: {  	[spmem:s2] =	stream.indirect.scatter.add.f32 [tilespmem:s28], [sflag:$0x5], $0x80, s14, s31, $0xb8;
	[tilespmem:$0x1DC00] =	vst v63  }
0x22a: {  	_ =	swait.ge [sflag:s29], $0x3E80  }
0x22b: {  	[sflag:s29] =	ssyncset.done $0x0  }
0x22c: {  	[sflag:s29] =	ssyncadd.s32 $0xFFFFC180  }
0x22d: {  	[tilespmem:s28], [sflag:$0x1] =	stream.indirect.gather [hbm4b:s1+s31], $0x80, s15, s31, $0xb8;
	[tilespmem:$0x1DC00] =	vst v63  }
0x22e: {  	_ =	swait.ge [sflag:s9], $0x3E80  }
0x22f: {  	[sflag:s9] =	ssyncset.done $0x0  }
0x230: {  	[sflag:s9] =	ssyncadd.s32 $0xFFFFC180  }
0x231: {  	[spmem:s2] =	stream.indirect.scatter.add.f32 [tilespmem:s6], [sflag:$0x5], $0x80, s16, s31, $0xb8;
	[tilespmem:$0x1DC00] =	vst v63  }
0x232: {  	_ =	swait.ge [sflag:s29], $0x3E80  }
0x233: {  	[sflag:s29] =	ssyncset.done $0x0  }
0x234: {  	[sflag:s29] =	ssyncadd.s32 $0xFFFFC180  }
0x235: {  	_ =	swait.ge [sflag:s3], $0x3E80  }
0x236: {  	[sflag:s3] =	ssyncset.done $0x0  }
0x237: {  	[sflag:s3] =	ssyncadd.s32 $0xFFFFC180  }
0x238: {  	[tilespmem:s6], [sflag:$0x2] =	stream.indirect.gather [hbm4b:s1+s31], $0x80, s17, s31, $0xb8;
	[tilespmem:$0x1DC00] =	vst v63  }
0x239: {  	_ = 	snop  }
0x23a: {  	[spmem:s2] =	stream.indirect.scatter.add.f32 [tilespmem:s28], [sflag:$0x5], $0x80, s18, s31, $0xb8;
	[tilespmem:$0x1DC00] =	vst v63  }
0x23b: {  	_ =	swait.ge [sflag:s29], $0x3E80  }
0x23c: {  	[sflag:s29] =	ssyncset.done $0x0  }
0x23d: {  	[sflag:s29] =	ssyncadd.s32 $0xFFFFC180  }
0x23e: {  	[tilespmem:s28], [sflag:$0x1] =	stream.indirect.gather [hbm4b:s1+s31], $0x80, s19, s31, $0xb8;
	[tilespmem:$0x1DC00] =	vst v63  }
0x23f: {  	_ =	swait.ge [sflag:s9], $0x3E80  }
0x240: {  	[sflag:s9] =	ssyncset.done $0x0  }
0x241: {  	[sflag:s9] =	ssyncadd.s32 $0xFFFFC180  }
0x242: {  	[spmem:s2] =	stream.indirect.scatter.add.f32 [tilespmem:s6], [sflag:$0x5], $0x80, s20, s31, $0xb8;
	[tilespmem:$0x1DC00] =	vst v63  }
0x243: {  	_ =	swait.ge [sflag:s29], $0x3E80  }
0x244: {  	[sflag:s29] =	ssyncset.done $0x0  }
0x245: {  	[sflag:s29] =	ssyncadd.s32 $0xFFFFC180  }
0x246: {  	_ =	swait.ge [sflag:s3], $0x3E80  }
0x247: {  	[sflag:s3] =	ssyncset.done $0x0  }
0x248: {  	[sflag:s3] =	ssyncadd.s32 $0xFFFFC180  }
0x249: {  	[tilespmem:s6], [sflag:$0x2] =	stream.indirect.gather [hbm4b:s1+s31], $0x80, s21, s31, $0xb8;
	[tilespmem:$0x1DC00] =	vst v63  }
0x24a: {  	_ = 	snop  }
0x24b: {  	[spmem:s2] =	stream.indirect.scatter.add.f32 [tilespmem:s28], [sflag:$0x5], $0x80, s22, s31, $0xb8;
	[tilespmem:$0x1DC00] =	vst v63  }
0x24c: {  	_ =	swait.ge [sflag:s29], $0x3E80  }
0x24d: {  	[sflag:s29] =	ssyncset.done $0x0  }
0x24e: {  	[sflag:s29] =	ssyncadd.s32 $0xFFFFC180  }
0x24f: {  	[tilespmem:s28], [sflag:$0x1] =	stream.indirect.gather [hbm4b:s1+s31], $0x80, s23, s31, $0xb8;
	[tilespmem:$0x1DC00] =	vst v63  }
0x250: {  	_ =	swait.ge [sflag:s9], $0x3E80  }
0x251: {  	[sflag:s9] =	ssyncset.done $0x0  }
0x252: {  	[sflag:s9] =	ssyncadd.s32 $0xFFFFC180  }
0x253: {  	[spmem:s2] =	stream.indirect.scatter.add.f32 [tilespmem:s6], [sflag:$0x5], $0x80, s24, s31, $0xb8;
	[tilespmem:$0x1DC00] =	vst v63  }
0x254: {  	_ =	swait.ge [sflag:s29], $0x3E80  }
0x255: {  	[sflag:s29] =	ssyncset.done $0x0  }
0x256: {  	[sflag:s29] =	ssyncadd.s32 $0xFFFFC180  }
0x257: {  	_ =	swait.ge [sflag:s3], $0x3E80  }
0x258: {  	[sflag:s3] =	ssyncset.done $0x0  }
0x259: {  	[sflag:s3] =	ssyncadd.s32 $0xFFFFC180  }
0x25a: {  	[tilespmem:s6], [sflag:$0x2] =	stream.indirect.gather [hbm4b:s1+s31], $0x80, s25, s31, $0xb8;
	[tilespmem:$0x1DC00] =	vst v63  }
0x25b: {  	s11 =	simm.s32 $0x15800  }
0x25c: {  	[spmem:s2] =	stream.indirect.scatter.add.f32 [tilespmem:s28], [sflag:$0x5], $0x80, s11, s31, $0xb8;
	[tilespmem:$0x1DC00] =	vst v63  }
0x25d: {  	_ =	swait.ge [sflag:s29], $0x3E80  }
0x25e: {  	[sflag:s29] =	ssyncset.done $0x0  }
0x25f: {  	s10 =	simm.s32 $0x15100;
	[sflag:s29] =	ssyncadd.s32 $0xFFFFC180  }
0x260: {  	[tilespmem:s28], [sflag:$0x1] =	stream.indirect.gather [hbm4b:s1+s31], $0x80, s10, s31, $0xb8;
	[tilespmem:$0x1DC00] =	vst v63  }
0x261: {  	_ =	swait.ge [sflag:s9], $0x3E80  }
0x262: {  	[sflag:s9] =	ssyncset.done $0x0  }
0x263: {  	s11 =	simm.s32 $0x15880;
	[sflag:s9] =	ssyncadd.s32 $0xFFFFC180  }
0x264: {  	[spmem:s2] =	stream.indirect.scatter.add.f32 [tilespmem:s6], [sflag:$0x5], $0x80, s11, s31, $0xb8;
	[tilespmem:$0x1DC00] =	vst v63  }
0x265: {  	_ =	swait.ge [sflag:s29], $0x3E80  }
0x266: {  	[sflag:s29] =	ssyncset.done $0x0  }
0x267: {  	[sflag:s29] =	ssyncadd.s32 $0xFFFFC180  }
0x268: {  	_ =	swait.ge [sflag:s3], $0x3E80  }
0x269: {  	[sflag:s3] =	ssyncset.done $0x0  }
0x26a: {  	s10 =	simm.s32 $0x15180;
	[sflag:s3] =	ssyncadd.s32 $0xFFFFC180  }
0x26b: {  	[tilespmem:s6], [sflag:$0x2] =	stream.indirect.gather [hbm4b:s1+s31], $0x80, s10, s31, $0xb8;
	[tilespmem:$0x1DC00] =	vst v63  }
0x26c: {  	s11 =	simm.s32 $0x15900  }
0x26d: {  	[spmem:s2] =	stream.indirect.scatter.add.f32 [tilespmem:s28], [sflag:$0x5], $0x80, s11, s31, $0xb8;
	[tilespmem:$0x1DC00] =	vst v63  }
0x26e: {  	_ =	swait.ge [sflag:s29], $0x3E80  }
0x26f: {  	[sflag:s29] =	ssyncset.done $0x0  }
0x270: {  	s10 =	simm.s32 $0x15200;
	[sflag:s29] =	ssyncadd.s32 $0xFFFFC180  }
0x271: {  	[tilespmem:s28], [sflag:$0x1] =	stream.indirect.gather [hbm4b:s1+s31], $0x80, s10, s31, $0xb8;
	[tilespmem:$0x1DC00] =	vst v63  }
0x272: {  	_ =	swait.ge [sflag:s9], $0x3E80  }
0x273: {  	[sflag:s9] =	ssyncset.done $0x0  }
0x274: {  	s11 =	simm.s32 $0x15980;
	[sflag:s9] =	ssyncadd.s32 $0xFFFFC180  }
0x275: {  	[spmem:s2] =	stream.indirect.scatter.add.f32 [tilespmem:s6], [sflag:$0x5], $0x80, s11, s31, $0xb8;
	[tilespmem:$0x1DC00] =	vst v63  }
0x276: {  	_ =	swait.ge [sflag:s29], $0x3E80  }
0x277: {  	[sflag:s29] =	ssyncset.done $0x0  }
0x278: {  	[sflag:s29] =	ssyncadd.s32 $0xFFFFC180  }
0x279: {  	_ =	swait.ge [sflag:s3], $0x3E80  }
0x27a: {  	[sflag:s3] =	ssyncset.done $0x0  }
0x27b: {  	s10 =	simm.s32 $0x15280;
	[sflag:s3] =	ssyncadd.s32 $0xFFFFC180  }
0x27c: {  	[tilespmem:s6], [sflag:$0x2] =	stream.indirect.gather [hbm4b:s1+s31], $0x80, s10, s31, $0xb8;
	[tilespmem:$0x1DC00] =	vst v63  }
0x27d: {  	s11 =	simm.s32 $0x15A00  }
0x27e: {  	[spmem:s2] =	stream.indirect.scatter.add.f32 [tilespmem:s28], [sflag:$0x5], $0x80, s11, s31, $0xb8;
	[tilespmem:$0x1DC00] =	vst v63  }
0x27f: {  	_ =	swait.ge [sflag:s29], $0x3E80  }
0x280: {  	[sflag:s29] =	ssyncset.done $0x0  }
0x281: {  	s10 =	simm.s32 $0x15300;
	[sflag:s29] =	ssyncadd.s32 $0xFFFFC180  }
0x282: {  	[tilespmem:s28], [sflag:$0x1] =	stream.indirect.gather [hbm4b:s1+s31], $0x80, s10, s31, $0xb8;
	[tilespmem:$0x1DC00] =	vst v63  }
0x283: {  	_ =	swait.ge [sflag:s9], $0x3E80  }
0x284: {  	[sflag:s9] =	ssyncset.done $0x0  }
0x285: {  	s11 =	simm.s32 $0x15A80;
	[sflag:s9] =	ssyncadd.s32 $0xFFFFC180  }
0x286: {  	[spmem:s2] =	stream.indirect.scatter.add.f32 [tilespmem:s6], [sflag:$0x5], $0x80, s11, s31, $0xb8;
	[tilespmem:$0x1DC00] =	vst v63  }
0x287: {  	_ =	swait.ge [sflag:s29], $0x3E80  }
0x288: {  	[sflag:s29] =	ssyncset.done $0x0  }
0x289: {  	[sflag:s29] =	ssyncadd.s32 $0xFFFFC180  }
0x28a: {  	_ =	swait.ge [sflag:s3], $0x3E80  }
0x28b: {  	[sflag:s3] =	ssyncset.done $0x0  }
0x28c: {  	s10 =	simm.s32 $0x15380;
	[sflag:s3] =	ssyncadd.s32 $0xFFFFC180  }
0x28d: {  	[tilespmem:s6], [sflag:$0x2] =	stream.indirect.gather [hbm4b:s1+s31], $0x80, s10, s31, $0xb8;
	[tilespmem:$0x1DC00] =	vst v63  }
0x28e: {  	s11 =	simm.s32 $0x15B00  }
0x28f: {  	[spmem:s2] =	stream.indirect.scatter.add.f32 [tilespmem:s28], [sflag:$0x5], $0x80, s11, s31, $0xb8;
	[tilespmem:$0x1DC00] =	vst v63  }
0x290: {  	_ =	swait.ge [sflag:s29], $0x3E80  }
0x291: {  	[sflag:s29] =	ssyncset.done $0x0  }
0x292: {  	[sflag:s29] =	ssyncadd.s32 $0xFFFFC180  }
0x293: {  	[tilespmem:s28], [sflag:$0x1] =	stream.indirect.gather [hbm4b:s1+s31], $0x80, s8, s31, $0xb8;
	[tilespmem:$0x1DC00] =	vst v63  }
0x294: {  	_ =	swait.ge [sflag:s9], $0x3E80  }
0x295: {  	[sflag:s9] =	ssyncset.done $0x0  }
0x296: {  	s10 =	simm.s32 $0x15B80;
	[sflag:s9] =	ssyncadd.s32 $0xFFFFC180  }
0x297: {  	[spmem:s2] =	stream.indirect.scatter.add.f32 [tilespmem:s6], [sflag:$0x5], $0x80, s10, s31, $0xb8;
	[tilespmem:$0x1DC00] =	vst v63  }
0x298: {  	_ =	swait.ge [sflag:s29], $0x3E80  }
0x299: {  	[sflag:s29] =	ssyncset.done $0x0  }
0x29a: {  	[sflag:s29] =	ssyncadd.s32 $0xFFFFC180  }
0x29b: {  	_ =	swait.ge [sflag:s3], $0x3E80  }
0x29c: {  	[sflag:s3] =	ssyncset.done $0x0  }
0x29d: {  	s11 =	simm.s32 $0x13C80;
	[sflag:s3] =	ssyncadd.s32 $0xFFFFC180  }
0x29e: {  	[tilespmem:s6], [sflag:$0x2] =	stream.indirect.gather [hbm4b:s1+s31], $0x80, s11, s31, $0xb8;
	[tilespmem:$0x1DC00] =	vst v63  }
0x29f: {  	s10 =	simm.s32 $0x14400  }
0x2a0: {  	[spmem:s2] =	stream.indirect.scatter.add.f32 [tilespmem:s28], [sflag:$0x5], $0x80, s10, s31, $0xb8;
	[tilespmem:$0x1DC00] =	vst v63  }
0x2a1: {  	_ =	swait.ge [sflag:s29], $0x3E80  }
0x2a2: {  	[sflag:s29] =	ssyncset.done $0x0  }
0x2a3: {  	s11 =	simm.s32 $0x13D00;
	[sflag:s29] =	ssyncadd.s32 $0xFFFFC180  }
0x2a4: {  	[tilespmem:s28], [sflag:$0x1] =	stream.indirect.gather [hbm4b:s1+s31], $0x80, s11, s31, $0xb8;
	[tilespmem:$0x1DC00] =	vst v63  }
0x2a5: {  	_ =	swait.ge [sflag:s9], $0x3E80  }
0x2a6: {  	[sflag:s9] =	ssyncset.done $0x0  }
0x2a7: {  	s10 =	simm.s32 $0x14480;
	[sflag:s9] =	ssyncadd.s32 $0xFFFFC180  }
0x2a8: {  	[spmem:s2] =	stream.indirect.scatter.add.f32 [tilespmem:s6], [sflag:$0x5], $0x80, s10, s31, $0xb8;
	[tilespmem:$0x1DC00] =	vst v63  }
0x2a9: {  	_ =	swait.ge [sflag:s29], $0x3E80  }
0x2aa: {  	[sflag:s29] =	ssyncset.done $0x0  }
0x2ab: {  	[sflag:s29] =	ssyncadd.s32 $0xFFFFC180  }
0x2ac: {  	_ =	swait.ge [sflag:s3], $0x3E80  }
0x2ad: {  	[sflag:s3] =	ssyncset.done $0x0  }
0x2ae: {  	s11 =	simm.s32 $0x13D80;
	[sflag:s3] =	ssyncadd.s32 $0xFFFFC180  }
0x2af: {  	[tilespmem:s6], [sflag:$0x2] =	stream.indirect.gather [hbm4b:s1+s31], $0x80, s11, s31, $0xb8;
	[tilespmem:$0x1DC00] =	vst v63  }
0x2b0: {  	s10 =	simm.s32 $0x14500  }
0x2b1: {  	[spmem:s2] =	stream.indirect.scatter.add.f32 [tilespmem:s28], [sflag:$0x5], $0x80, s10, s31, $0xb8;
	[tilespmem:$0x1DC00] =	vst v63  }
0x2b2: {  	_ =	swait.ge [sflag:s29], $0x3E80  }
0x2b3: {  	[sflag:s29] =	ssyncset.done $0x0  }
0x2b4: {  	s11 =	simm.s32 $0x13E00;
	[sflag:s29] =	ssyncadd.s32 $0xFFFFC180  }
0x2b5: {  	[tilespmem:s28], [sflag:$0x1] =	stream.indirect.gather [hbm4b:s1+s31], $0x80, s11, s31, $0xb8;
	[tilespmem:$0x1DC00] =	vst v63  }
0x2b6: {  	_ =	swait.ge [sflag:s9], $0x3E80  }
0x2b7: {  	[sflag:s9] =	ssyncset.done $0x0  }
0x2b8: {  	s10 =	simm.s32 $0x14580;
	[sflag:s9] =	ssyncadd.s32 $0xFFFFC180  }
0x2b9: {  	[spmem:s2] =	stream.indirect.scatter.add.f32 [tilespmem:s6], [sflag:$0x5], $0x80, s10, s31, $0xb8;
	[tilespmem:$0x1DC00] =	vst v63  }
0x2ba: {  	_ =	swait.ge [sflag:s29], $0x3E80  }
0x2bb: {  	[sflag:s29] =	ssyncset.done $0x0  }
0x2bc: {  	[sflag:s29] =	ssyncadd.s32 $0xFFFFC180  }
0x2bd: {  	_ =	swait.ge [sflag:s3], $0x3E80  }
0x2be: {  	[sflag:s3] =	ssyncset.done $0x0  }
0x2bf: {  	s11 =	simm.s32 $0x13E80;
	[sflag:s3] =	ssyncadd.s32 $0xFFFFC180  }
0x2c0: {  	[tilespmem:s6], [sflag:$0x2] =	stream.indirect.gather [hbm4b:s1+s31], $0x80, s11, s31, $0xb8;
	[tilespmem:$0x1DC00] =	vst v63  }
0x2c1: {  	s10 =	simm.s32 $0x14600  }
0x2c2: {  	[spmem:s2] =	stream.indirect.scatter.add.f32 [tilespmem:s28], [sflag:$0x5], $0x80, s10, s31, $0xb8;
	[tilespmem:$0x1DC00] =	vst v63  }
0x2c3: {  	_ =	swait.ge [sflag:s29], $0x3E80  }
0x2c4: {  	[sflag:s29] =	ssyncset.done $0x0  }
0x2c5: {  	s11 =	simm.s32 $0x13F00;
	[sflag:s29] =	ssyncadd.s32 $0xFFFFC180  }
0x2c6: {  	[tilespmem:s28], [sflag:$0x1] =	stream.indirect.gather [hbm4b:s1+s31], $0x80, s11, s31, $0xb8;
	[tilespmem:$0x1DC00] =	vst v63  }
0x2c7: {  	_ =	swait.ge [sflag:s9], $0x3E80  }
0x2c8: {  	[sflag:s9] =	ssyncset.done $0x0  }
0x2c9: {  	s10 =	simm.s32 $0x14680;
	[sflag:s9] =	ssyncadd.s32 $0xFFFFC180  }
0x2ca: {  	[spmem:s2] =	stream.indirect.scatter.add.f32 [tilespmem:s6], [sflag:$0x5], $0x80, s10, s31, $0xb8;
	[tilespmem:$0x1DC00] =	vst v63  }
0x2cb: {  	_ =	swait.ge [sflag:s29], $0x3E80  }
0x2cc: {  	[sflag:s29] =	ssyncset.done $0x0  }
0x2cd: {  	[sflag:s29] =	ssyncadd.s32 $0xFFFFC180  }
0x2ce: {  	_ =	swait.ge [sflag:s3], $0x3E80  }
0x2cf: {  	[sflag:s3] =	ssyncset.done $0x0  }
0x2d0: {  	s11 =	simm.s32 $0x13F80;
	[sflag:s3] =	ssyncadd.s32 $0xFFFFC180  }
0x2d1: {  	[tilespmem:s6], [sflag:$0x2] =	stream.indirect.gather [hbm4b:s1+s31], $0x80, s11, s31, $0xb8;
	[tilespmem:$0x1DC00] =	vst v63  }
0x2d2: {  	s10 =	simm.s32 $0x14700  }
0x2d3: {  	[spmem:s2] =	stream.indirect.scatter.add.f32 [tilespmem:s28], [sflag:$0x5], $0x80, s10, s31, $0xb8;
	[tilespmem:$0x1DC00] =	vst v63  }
0x2d4: {  	_ =	swait.ge [sflag:s29], $0x3E80  }
0x2d5: {  	[sflag:s29] =	ssyncset.done $0x0  }
0x2d6: {  	s11 =	simm.s32 $0x14000;
	[sflag:s29] =	ssyncadd.s32 $0xFFFFC180  }
0x2d7: {  	[tilespmem:s28], [sflag:$0x1] =	stream.indirect.gather [hbm4b:s1+s31], $0x80, s11, s31, $0xb8;
	[tilespmem:$0x1DC00] =	vst v63  }
0x2d8: {  	_ =	swait.ge [sflag:s9], $0x3E80  }
0x2d9: {  	[sflag:s9] =	ssyncset.done $0x0  }
0x2da: {  	s10 =	simm.s32 $0x14780;
	[sflag:s9] =	ssyncadd.s32 $0xFFFFC180  }
0x2db: {  	[spmem:s2] =	stream.indirect.scatter.add.f32 [tilespmem:s6], [sflag:$0x5], $0x80, s10, s31, $0xb8;
	[tilespmem:$0x1DC00] =	vst v63  }
0x2dc: {  	_ =	swait.ge [sflag:s29], $0x3E80  }
0x2dd: {  	[sflag:s29] =	ssyncset.done $0x0  }
0x2de: {  	[sflag:s29] =	ssyncadd.s32 $0xFFFFC180  }
0x2df: {  	_ =	swait.ge [sflag:s3], $0x3E80  }
0x2e0: {  	[sflag:s3] =	ssyncset.done $0x0  }
0x2e1: {  	s11 =	simm.s32 $0x14080;
	[sflag:s3] =	ssyncadd.s32 $0xFFFFC180  }
0x2e2: {  	[tilespmem:s6], [sflag:$0x2] =	stream.indirect.gather [hbm4b:s1+s31], $0x80, s11, s31, $0xb8;
	[tilespmem:$0x1DC00] =	vst v63  }
0x2e3: {  	s10 =	simm.s32 $0x14800  }
0x2e4: {  	[spmem:s2] =	stream.indirect.scatter.add.f32 [tilespmem:s28], [sflag:$0x5], $0x80, s10, s31, $0xb8;
	[tilespmem:$0x1DC00] =	vst v63  }
0x2e5: {  	_ =	swait.ge [sflag:s29], $0x3E80  }
0x2e6: {  	[sflag:s29] =	ssyncset.done $0x0  }
0x2e7: {  	s11 =	simm.s32 $0x14100;
	[sflag:s29] =	ssyncadd.s32 $0xFFFFC180  }
0x2e8: {  	[tilespmem:s28], [sflag:$0x1] =	stream.indirect.gather [hbm4b:s1+s31], $0x80, s11, s31, $0xb8;
	[tilespmem:$0x1DC00] =	vst v63  }
0x2e9: {  	_ =	swait.ge [sflag:s9], $0x3E80  }
0x2ea: {  	[sflag:s9] =	ssyncset.done $0x0  }
0x2eb: {  	s10 =	simm.s32 $0x14880;
	[sflag:s9] =	ssyncadd.s32 $0xFFFFC180  }
0x2ec: {  	[spmem:s2] =	stream.indirect.scatter.add.f32 [tilespmem:s6], [sflag:$0x5], $0x80, s10, s31, $0xb8;
	[tilespmem:$0x1DC00] =	vst v63  }
0x2ed: {  	_ =	swait.ge [sflag:s29], $0x3E80  }
0x2ee: {  	[sflag:s29] =	ssyncset.done $0x0  }
0x2ef: {  	[sflag:s29] =	ssyncadd.s32 $0xFFFFC180  }
0x2f0: {  	_ =	swait.ge [sflag:s3], $0x3E80  }
0x2f1: {  	[sflag:s3] =	ssyncset.done $0x0  }
0x2f2: {  	s11 =	simm.s32 $0x14180;
	[sflag:s3] =	ssyncadd.s32 $0xFFFFC180  }
0x2f3: {  	[tilespmem:s6], [sflag:$0x2] =	stream.indirect.gather [hbm4b:s1+s31], $0x80, s11, s31, $0xb8;
	[tilespmem:$0x1DC00] =	vst v63  }
0x2f4: {  	s10 =	simm.s32 $0x14900  }
0x2f5: {  	[spmem:s2] =	stream.indirect.scatter.add.f32 [tilespmem:s28], [sflag:$0x5], $0x80, s10, s31, $0xb8;
	[tilespmem:$0x1DC00] =	vst v63  }
0x2f6: {  	_ =	swait.ge [sflag:s29], $0x3E80  }
0x2f7: {  	[sflag:s29] =	ssyncset.done $0x0  }
0x2f8: {  	s11 =	simm.s32 $0x14200;
	[sflag:s29] =	ssyncadd.s32 $0xFFFFC180  }
0x2f9: {  	[tilespmem:s28], [sflag:$0x1] =	stream.indirect.gather [hbm4b:s1+s31], $0x80, s11, s31, $0xb8;
	[tilespmem:$0x1DC00] =	vst v63  }
0x2fa: {  	_ =	swait.ge [sflag:s9], $0x3E80  }
0x2fb: {  	[sflag:s9] =	ssyncset.done $0x0  }
0x2fc: {  	s10 =	simm.s32 $0x14980;
	[sflag:s9] =	ssyncadd.s32 $0xFFFFC180  }
0x2fd: {  	[spmem:s2] =	stream.indirect.scatter.add.f32 [tilespmem:s6], [sflag:$0x5], $0x80, s10, s31, $0xb8;
	[tilespmem:$0x1DC00] =	vst v63  }
0x2fe: {  	_ =	swait.ge [sflag:s29], $0x3E80  }
0x2ff: {  	[sflag:s29] =	ssyncset.done $0x0  }
0x300: {  	[sflag:s29] =	ssyncadd.s32 $0xFFFFC180  }
0x301: {  	_ =	swait.ge [sflag:s3], $0x3E80  }
0x302: {  	[sflag:s3] =	ssyncset.done $0x0  }
0x303: {  	s11 =	simm.s32 $0x14280;
	[sflag:s3] =	ssyncadd.s32 $0xFFFFC180  }
0x304: {  	[tilespmem:s6], [sflag:$0x2] =	stream.indirect.gather [hbm4b:s1+s31], $0x80, s11, s31, $0xb8;
	[tilespmem:$0x1DC00] =	vst v63  }
0x305: {  	s10 =	simm.s32 $0x14A00  }
0x306: {  	[spmem:s2] =	stream.indirect.scatter.add.f32 [tilespmem:s28], [sflag:$0x5], $0x80, s10, s31, $0xb8;
	[tilespmem:$0x1DC00] =	vst v63  }
0x307: {  	_ =	swait.ge [sflag:s29], $0x3E80  }
0x308: {  	[sflag:s29] =	ssyncset.done $0x0  }
0x309: {  	s11 =	simm.s32 $0x14300;
	[sflag:s29] =	ssyncadd.s32 $0xFFFFC180  }
0x30a: {  	[tilespmem:s28], [sflag:$0x1] =	stream.indirect.gather [hbm4b:s1+s31], $0x80, s11, s31, $0xb8;
	[tilespmem:$0x1DC00] =	vst v63  }
0x30b: {  	_ =	swait.ge [sflag:s9], $0x3E80  }
0x30c: {  	[sflag:s9] =	ssyncset.done $0x0  }
0x30d: {  	s10 =	simm.s32 $0x14A80;
	[sflag:s9] =	ssyncadd.s32 $0xFFFFC180  }
0x30e: {  	[spmem:s2] =	stream.indirect.scatter.add.f32 [tilespmem:s6], [sflag:$0x5], $0x80, s10, s31, $0xb8;
	[tilespmem:$0x1DC00] =	vst v63  }
0x30f: {  	_ =	swait.ge [sflag:s29], $0x3E80  }
0x310: {  	[sflag:s29] =	ssyncset.done $0x0  }
0x311: {  	[sflag:s29] =	ssyncadd.s32 $0xFFFFC180  }
0x312: {  	_ =	swait.ge [sflag:s3], $0x3E80  }
0x313: {  	[sflag:s3] =	ssyncset.done $0x0  }
0x314: {  	s11 =	simm.s32 $0x14380;
	[sflag:s3] =	ssyncadd.s32 $0xFFFFC180  }
0x315: {  	[tilespmem:s6], [sflag:$0x2] =	stream.indirect.gather [hbm4b:s1+s31], $0x80, s11, s31, $0xb8;
	[tilespmem:$0x1DC00] =	vst v63  }
0x316: {  	s10 =	simm.s32 $0x14B00  }
0x317: {  	[spmem:s2] =	stream.indirect.scatter.add.f32 [tilespmem:s28], [sflag:$0x5], $0x80, s10, s31, $0xb8;
	[tilespmem:$0x1DC00] =	vst v63  }
0x318: {  	_ =	swait.ge [sflag:s29], $0x3E80  }
0x319: {  	[sflag:s29] =	ssyncset.done $0x0  }
0x31a: {  	[sflag:s29] =	ssyncadd.s32 $0xFFFFC180  }
0x31b: {  	_ =	swait.ge [sflag:s9], $0x3E80  }
0x31c: {  	[sflag:s9] =	ssyncset.done $0x0  }
0x31d: {  	s11 =	simm.s32 $0x14B80;
	[sflag:s9] =	ssyncadd.s32 $0xFFFFC180  }
0x31e: {  	[spmem:s2] =	stream.indirect.scatter.add.f32 [tilespmem:s6], [sflag:$0x5], $0x80, s11, s31, $0xb8;
	[tilespmem:$0x1DC00] =	vst v63  }
0x31f: {  	_ =	swait.ge [sflag:s29], $0x3E80  }
0x320: {  	[sflag:s29] =	ssyncset.done $0x0  }
0x321: {  	[sflag:s29] =	ssyncadd.s32 $0xFFFFC180  }
0x322: {  	s10 =	stileid.u32;
	[bflag:$0x0] =	sbarrier.arrive $0xFFFF  }
0x323: {  	s7 =	sshll.u32 s10, $0x6;
	s11 =	rddreg [dreg:$0x15]  }
0x324: {  	s7 =	sor.u32 $0x1C05, s7;
	s10 =	sshrl.u32 s11, $0x3;
	s11 =	rddreg [dreg:$0x13]  }
0x325: {  	[hbm:s11], [sflag:s7] =	dma.local [spmem:s10], $0x2780  }
0x326: {  	_ =	swait.ge [sflag:s29], $0x2780  }
0x327: {  	s5 =	sadd.s32 $0x1, s5;
	s7 =	rddreg [dreg:$0x14]  }
0x328: {  	p0 =	sne.s32 s5, s7  }
.Ltmp1:
0x329: {  	_ = 	snop;
	(pc) =	sbr.rel @p0 .LBB2_1-.Ltmp1, $3  }
0x32a: {  	_ =	sdelay $0x1  }
0x32b: {  	[sflag:s29] =	ssyncset.done $0x0  }
0x32c: {  	s11 =	simm.s32 $0x14400;
	s10 =	simm.s32 $0x14C00;
	[sflag:s29] =	ssyncadd.s32 $0xFFFFD880  }
0x32d: {  	_ =	sfence.sel $0x180000  }
0x32e: {  	[bflag:$0x0] =	sbarrier.arrive $0xFFFF  }
0x32f: {  	_ =	strace $0x90000047  }
0x330: {  	s0 =	stileid.u32;
	[bflag:$0x2] =	sbarrier.arrive $0xFFFF  }
0x331: {  	p0 =	sne.s32 s0, $0x0;
	s0 =	rddreg [dreg:$0x3]  }
0x332: {  	s0 =	sadd.s32 @!p0 $0x100000, s0  }
0x333: {  	[sflag:s0] =	ssyncadd.tile.s32 @!p0 $0x1;
	_ =	shalt  }
.Lfunc_end2:
_tile_overlayer_lowered:
.L_overlay_start_2:
0x334: {  	(tag) =	ssettag $0x2  }
0x335: {  	s0 =	rddreg [dreg:$0x0];
	s2 =	stileid.u32  }
0x336: {  	s1 =	rddreg [dreg:$0x1];
	p0 =	sne.s32 s2, $0x0  }
0x337: {  	s3 =	rddreg [dreg:$0x2];
	[bflag:$0x3] =	sbarrier.arrive $0xFFFF;
	s2 =	simm.s32 @!p0 $0x1C05  }
0x338: {  	[timem:s3], [sflag:s2] =	dma.local @!p0 [hbm:s0], s1  }
0x339: {  	s0 =	simm.s32 @!p0 $0x5  }
0x33a: {  	_ =	swait.ge @!p0 [sflag:s0], s1  }
0x33b: {  	s1 =	ssub.s32 @!p0 $0x0, s1;
	[sflag:s0] =	ssyncset.done @!p0 $0x0  }
0x33c: {  	[sflag:s0] =	ssyncadd.s32 @!p0 s1  }
0x33d: {  	[bflag:$0x3] =	sbarrier.arrive $0xFFFF  }
0x33e: {  	_ =	shalt  }

</sc_bundles>
